<compile_context>
chip_gen: v7x
topology: tpu7x:2x2x1
jax: 0.10.2.dev20260603
libtpu: 0.0.44.dev20260713+nightly
codegen_flags: <defaults>
</compile_context>

<pallas_src>
import functools

import jax
import jax.numpy as jnp
import numpy as np
from jax import lax
from jax.experimental import pallas as pl
from jax.experimental.pallas import tpu as pltpu
from jax.experimental.pallas import tpu_sc as plsc

PENALTY = 0.99
NEG = float(np.finfo(np.float32).min)


def _rot_half(x, d):
    h = d // 2
    return jnp.concatenate([-x[:, h:], x[:, :h]], axis=1)


def _proj_body(h_ref, wq_ref, wk_ref, wv_ref, q_ref, k_ref, v_ref):
    h = h_ref[...]
    dn = (((1,), (1,)), ((), ()))
    q_ref[0] = jax.lax.dot_general(h, wq_ref[0], dn, preferred_element_type=jnp.float32)
    k_ref[0] = jax.lax.dot_general(h, wk_ref[0], dn, preferred_element_type=jnp.float32)
    v_ref[0] = jax.lax.dot_general(h, wv_ref[0], dn, preferred_element_type=jnp.float32)


def _scores_body(q_ref, k_ref, cq_ref, sq_ref, ck_ref, sk_ref, a_ref, *, d, scale):
    q = q_ref[0]
    k = k_ref[0]
    qr = q * cq_ref[...] + _rot_half(q, d) * sq_ref[...]
    kr = k * ck_ref[...] + _rot_half(k, d) * sk_ref[...]
    dn = (((1,), (1,)), ((), ()))
    a_ref[0] = jax.lax.dot_general(qr, kr, dn, preferred_element_type=jnp.float32) * scale


def _evict_body(a_ref, sc_in_ref, e_in_ref, e_ref, score_ref, *,
                s, h, rb, w, w_prev, t0, recent, cache, do_evict):
    tb = pl.program_id(0)
    col = jax.lax.broadcasted_iota(jnp.int32, (h, w), 1)

    @pl.when(tb == 0)
    def _init():
        score_ref[...] = jnp.where(col >= w_prev, 0.0, sc_in_ref[...])
        e_ref[...] = jnp.where(col >= w_prev, s + 1, e_in_ref[...])

    for i in range(rb):
        t = t0 + tb * rb + i
        e = e_ref[...]
        score = score_ref[...]
        active = (col <= t) & (e > t)
        ex = jnp.exp(jnp.where(active, a_ref[:, i, :], NEG))
        z = jnp.sum(ex, axis=1, keepdims=True)
        score = jnp.where(active, PENALTY * score + ex / z, 0.0)
        if do_evict:
            cand = (e > t) & (col <= t - recent)
            sc = jnp.where(cand, score, jnp.inf)
            mn = jnp.min(sc, axis=1, keepdims=True)
            evict = jnp.max(jnp.where(cand & (sc == mn), col, -1),
                            axis=1, keepdims=True)
            do = jnp.logical_and(t >= cache, t < s - 1)
            e_ref[...] = jnp.where(jnp.logical_and(do, col == evict), t + 1, e)
        score_ref[...] = score


def _perm(v, idx):
    dn = lax.GatherDimensionNumbers(offset_dims=(), collapsed_slice_dims=(0,),
                                    start_index_map=(0,))
    return lax.gather(v, idx[:, None], dn, (1,),
                      mode=lax.GatherScatterMode.PROMISE_IN_BOUNDS)


def _allred(v, op, lane):
    for k in (8, 4, 2, 1):
        v = op(v, _perm(v, lax.rem(lane + k, 16)))
    return v


def _sc_evict_body(af_hbm, sf_hbm, e_hbm, wrow, score, eloc,
                   gi0, gi1, gb0, gb1, wsem, gsem, *,
                   s, nheads, heavy, recent, cache, nc):
    f32 = jnp.float32
    i32 = jnp.int32
    NBUF = 4
    PREF = 2
    NH = (heavy + 15) // 16
    NR = (recent + 16) // 16
    wid = lax.axis_index("s") * nc + lax.axis_index("c")
    h = wid

    @pl.when(h < nheads)
    def _body():
        lane = lax.broadcasted_iota(i32, (16,), 0)
        zi = jnp.zeros((16,), i32)
        zf = jnp.zeros((16,), f32)
        INF = jnp.full((16,), np.inf, f32)
        NEG1 = jnp.full((16,), -1, i32)

        SL = 512
        pltpu.sync_copy(sf_hbm.at[pl.ds(h * s, SL)], score.at[pl.ds(0, SL)])

        def init_s(j, c):
            score[pl.ds(SL + 16 * j, 16)] = zf
            return c
        lax.fori_loop(0, (s + 16 - SL) // 16, init_s, 0)

        def init_e(j, c):
            eloc[pl.ds(16 * j, 16)] = zi + (s + 1)
            return c
        lax.fori_loop(0, s // 16, init_e, 0)

        def row_off(t):
            return (h * s + t) * s

        WL = 224

        def wst_of(t):
            return jnp.minimum(((t - recent - 8) // 8) * 8, s - WL)

        def wdma_in(t):
            b = lax.rem(t, NBUF)
            pltpu.make_async_copy(af_hbm.at[pl.ds(row_off(t) + wst_of(t), WL)],
                                  wrow.at[pl.ds(b * 256, WL)], wsem.at[b]).start()

        def wwait_in(t):
            b = lax.rem(t, NBUF)
            pltpu.make_async_copy(af_hbm.at[pl.ds(row_off(t) + wst_of(t), WL)],
                                  wrow.at[pl.ds(b * 256, WL)], wsem.at[b]).wait()

        def gissue(t1, hidx):
            p = lax.rem(t1, 4)
            gbase = (h * s + t1) * s
            for j in range(NH):
                g = gbase + hidx[j]
                if j < 7:
                    gi0[pl.ds(112 * p + 16 * j, 16)] = g
                else:
                    gi1[pl.ds(96 * p + 16 * (j - 7), 16)] = g
            pltpu.make_async_copy(af_hbm.at[gi0.at[pl.ds(112 * p, 112)]],
                                  gb0.at[pl.ds(112 * p, 112)],
                                  gsem.at[2 * p]).start()
            pltpu.make_async_copy(af_hbm.at[gi1.at[pl.ds(96 * p, 96)]],
                                  gb1.at[pl.ds(96 * p, 96)],
                                  gsem.at[2 * p + 1]).start()

        def gwait(t1):
            p = lax.rem(t1, 4)
            pltpu.make_async_copy(af_hbm.at[gi0.at[pl.ds(112 * p, 112)]],
                                  gb0.at[pl.ds(112 * p, 112)],
                                  gsem.at[2 * p]).wait()
            pltpu.make_async_copy(af_hbm.at[gi1.at[pl.ds(96 * p, 96)]],
                                  gb1.at[pl.ds(96 * p, 96)],
                                  gsem.at[2 * p + 1]).wait()

        hidx0 = tuple(16 * j + lane for j in range(NH))
        hsc0 = tuple(score[pl.ds(16 * j, 16)] for j in range(NH))
        wdma_in(cache)
        wdma_in(cache + 1)
        gissue(cache, hidx0)
        gissue(cache + 1, hidx0)
        gissue(cache + 2, hidx0)
        gissue(cache + 3, hidx0)

        def step(t, carry):
            hidx, hsc = carry
            wwait_in(t)
            gwait(t)
            b = lax.rem(t, NBUF)
            p2 = lax.rem(t, 4)

            @pl.when(t + PREF < s - 1)
            def _():
                wdma_in(t + PREF)

            @pl.when(t + 4 < s - 1)
            def _():
                gissue(t + 4, hidx)

            base = t - recent
            wst = wst_of(t)
            off = base - wst
            exr = []
            zv = zf
            for j in range(NR):
                a = wrow[pl.ds(b * 256 + off + 16 * j, 16)]
                if 16 * (j + 1) <= recent + 1:
                    ex = jnp.exp(a)
                else:
                    ex = jnp.where(16 * j + lane < recent + 1, jnp.exp(a), zf)
                exr.append(ex)
                zv = zv + ex
            pg1 = base - 1 - wst
            pga1 = (pg1 // 16) * 16
            patch1 = _perm(wrow[pl.ds(b * 256 + pga1, 16)], zi + (pg1 - pga1))
            pg2 = base - 2 - wst
            pga2 = (pg2 // 16) * 16
            patch2 = _perm(wrow[pl.ds(b * 256 + pga2, 16)], zi + (pg2 - pga2))
            pg3 = base - 3 - wst
            pga3 = (pg3 // 16) * 16
            patch3 = _perm(wrow[pl.ds(b * 256 + pga3, 16)], zi + (pg3 - pga3))
            pg4 = base - 4 - wst
            pga4 = (pg4 // 16) * 16
            patch4 = _perm(wrow[pl.ds(b * 256 + pga4, 16)], zi + (pg4 - pga4))
            gprev1 = zi + (base - 1)
            gprev2 = zi + (base - 2)
            gprev3 = zi + (base - 3)
            gprev4 = zi + (base - 4)
            exh = []
            for j in range(NH):
                if j < 7:
                    ah = gb0[pl.ds(112 * p2 + 16 * j, 16)]
                else:
                    ah = gb1[pl.ds(96 * p2 + 16 * (j - 7), 16)]
                ah = jnp.where(hidx[j] == gprev1, patch1,
                               jnp.where(hidx[j] == gprev2, patch2,
                               jnp.where(hidx[j] == gprev3, patch3,
                               jnp.where(hidx[j] == gprev4, patch4, ah))))
                if 16 * (j + 1) <= heavy:
                    ex = jnp.exp(ah)
                else:
                    ex = jnp.where(16 * j + lane < heavy, jnp.exp(ah), zf)
                exh.append(ex)
                zv = zv + ex
            rz = (zf + 1.0) / _allred(zv, jnp.add, lane)
            gvec = None
            for j in range(NR):
                sl = pl.ds(base + 16 * j, 16)
                old = score[sl]
                if 16 * (j + 1) <= recent + 1:
                    new = PENALTY * old + exr[j] * rz
                else:
                    new = jnp.where(16 * j + lane < recent + 1,
                                    PENALTY * old + exr[j] * rz, old)
                score[sl] = new
                if j == 0:
                    gvec = new
            hsc2 = tuple(PENALTY * hsc[j] + exh[j] * rz for j in range(NH))
            gcand = jnp.where(lane == 0, gvec, INF)
            mv = gcand
            for j in range(NH):
                if 16 * (j + 1) <= heavy:
                    mv = jnp.minimum(mv, hsc2[j])
                else:
                    mv = jnp.minimum(mv, jnp.where(16 * j + lane < heavy,
                                                   hsc2[j], INF))
            mval = _allred(mv, jnp.minimum, lane)
            pv = jnp.where((lane == 0) & (gcand == mval), zi + base, NEG1)
            for j in range(NH):
                if 16 * (j + 1) <= heavy:
                    hit = hsc2[j] == mval
                else:
                    hit = (16 * j + lane < heavy) & (hsc2[j] == mval)
                pv = jnp.maximum(pv, jnp.where(hit, hidx[j], NEG1))
            ev = _allred(pv, jnp.maximum, lane)
            sg = _perm(gvec, lane * 0)
            hidx2 = tuple(jnp.where(hidx[j] == ev, zi + base, hidx[j])
                          for j in range(NH))
            hsc3 = tuple(jnp.where(hidx[j] == ev, sg, hsc2[j])
                         for j in range(NH))
            evs = ev[0]
            al = (evs // 16) * 16
            sl = pl.ds(al, 16)
            eloc[sl] = jnp.where(al + lane == evs, zi + (t + 1), eloc[sl])
            return (hidx2, hsc3)

        lax.fori_loop(cache, s - 1, step, (hidx0, hsc0))
        pltpu.sync_copy(eloc, e_hbm.at[h])


def _attnv_body(a_ref, e_ref, v_ref, o_ref, *, s, h, rb):
    hh = pl.program_id(0)
    rbi = pl.program_id(1)
    a = a_ref[0]
    e_full = e_ref[...]
    hrow = jax.lax.broadcasted_iota(jnp.int32, (h, s), 0)
    e_h = jnp.max(jnp.where(hrow == hh, e_full, 0), axis=0, keepdims=True)
    row = rbi * rb + jax.lax.broadcasted_iota(jnp.int32, (rb, s), 0)
    col = jax.lax.broadcasted_iota(jnp.int32, (rb, s), 1)
    msk = (col <= row) & (row < e_h)
    aa = jnp.where(msk, a, NEG)
    m = jnp.max(aa, axis=1, keepdims=True)
    p = jnp.exp(aa - m)
    p = p / jnp.sum(p, axis=1, keepdims=True)
    dn = (((1,), (0,)), ((), ()))
    o_ref[0] = jax.lax.dot_general(p, v_ref[0], dn, preferred_element_type=jnp.float32)


def _outproj_body(o_ref, wot_ref, y_ref):
    hh = pl.program_id(1)

    @pl.when(hh == 0)
    def _init():
        y_ref[...] = jnp.zeros_like(y_ref)

    dn = (((1,), (0,)), ((), ()))
    y_ref[...] += jax.lax.dot_general(o_ref[0], wot_ref[0], dn, preferred_element_type=jnp.float32)


def _run(hs, Wq, Wk, Wv, Wo, *, s, hid, nheads, d, interpret=False):
    heavy = int(0.1 * s)
    recent = int(0.1 * s)
    cache = heavy + recent
    scale = 1.0 / float(np.sqrt(d).astype(np.float32))
    rb = min(256, s)
    nrb = s // rb
    rb3 = 8
    f32 = jnp.float32

    inv_freq = 1.0 / (10000.0 ** (jnp.arange(0, d, 2, dtype=f32) / d))
    t_ar = jnp.arange(s, dtype=f32)
    freqs = jnp.einsum('i,j->ij', t_ar, inv_freq)
    emb = jnp.concatenate([freqs, freqs], axis=-1)
    cos, sin = jnp.cos(emb), jnp.sin(emb)

    wq3 = Wq.reshape(nheads, d, hid)
    wk3 = Wk.reshape(nheads, d, hid)
    wv3 = Wv.reshape(nheads, d, hid)
    wot3 = Wo.T.reshape(nheads, d, hid)

    q, k, v = pl.pallas_call(
        _proj_body,
        grid=(nheads, nrb),
        in_specs=[
            pl.BlockSpec((rb, hid), lambda hh, i: (i, 0)),
            pl.BlockSpec((1, d, hid), lambda hh, i: (hh, 0, 0)),
            pl.BlockSpec((1, d, hid), lambda hh, i: (hh, 0, 0)),
            pl.BlockSpec((1, d, hid), lambda hh, i: (hh, 0, 0)),
        ],
        out_specs=[
            pl.BlockSpec((1, rb, d), lambda hh, i: (hh, i, 0)),
            pl.BlockSpec((1, rb, d), lambda hh, i: (hh, i, 0)),
            pl.BlockSpec((1, rb, d), lambda hh, i: (hh, i, 0)),
        ],
        out_shape=[jax.ShapeDtypeStruct((nheads, s, d), f32)] * 3,
        interpret=interpret,
    )(hs, wq3, wk3, wv3)

    a = pl.pallas_call(
        functools.partial(_scores_body, d=d, scale=scale),
        grid=(nheads, nrb),
        in_specs=[
            pl.BlockSpec((1, rb, d), lambda hh, i: (hh, i, 0)),
            pl.BlockSpec((1, s, d), lambda hh, i: (hh, 0, 0)),
            pl.BlockSpec((rb, d), lambda hh, i: (i, 0)),
            pl.BlockSpec((rb, d), lambda hh, i: (i, 0)),
            pl.BlockSpec((s, d), lambda hh, i: (0, 0)),
            pl.BlockSpec((s, d), lambda hh, i: (0, 0)),
        ],
        out_specs=pl.BlockSpec((1, rb, s), lambda hh, i: (hh, i, 0)),
        out_shape=jax.ShapeDtypeStruct((nheads, s, s), f32),
        interpret=interpret,
    )(q, k, cos, sin, cos, sin)

    if not interpret and s >= 2048:
        score0 = jnp.zeros((nheads, s), f32)
        e0 = jnp.zeros((nheads, s), jnp.int32)
        cfl = (cache // rb3) * rb3
        _, score_dense = pl.pallas_call(
            functools.partial(_evict_body, s=s, h=nheads, rb=rb3, w=512,
                              w_prev=0, t0=0, recent=recent, cache=cache,
                              do_evict=False),
            grid=(cfl // rb3,),
            in_specs=[
                pl.BlockSpec((nheads, rb3, 512), lambda tb: (0, tb, 0)),
                pl.BlockSpec((nheads, 512), lambda tb: (0, 0)),
                pl.BlockSpec((nheads, 512), lambda tb: (0, 0)),
            ],
            out_specs=[
                pl.BlockSpec((nheads, 512), lambda tb: (0, 0)),
                pl.BlockSpec((nheads, 512), lambda tb: (0, 0)),
            ],
            out_shape=[jax.ShapeDtypeStruct((nheads, s), jnp.int32),
                       jax.ShapeDtypeStruct((nheads, s), f32)],
            interpret=interpret,
        )(a, score0, e0)
        info = plsc.get_sparse_core_info()
        mesh = plsc.VectorSubcoreMesh(core_axis_name="c", subcore_axis_name="s")
        e = pl.kernel(
            functools.partial(_sc_evict_body, s=s, nheads=nheads, heavy=heavy,
                              recent=recent, cache=cache, nc=info.num_cores),
            mesh=mesh,
            out_type=jax.ShapeDtypeStruct((nheads, s), jnp.int32),
            scratch_types=[
                pltpu.VMEM((4 * 256,), f32),
                pltpu.VMEM((s + 16,), f32),
                pltpu.VMEM((s,), jnp.int32),
                pltpu.VMEM((448,), jnp.int32),
                pltpu.VMEM((384,), jnp.int32),
                pltpu.VMEM((448,), f32),
                pltpu.VMEM((384,), f32),
                pltpu.SemaphoreType.DMA((4,)),
                pltpu.SemaphoreType.DMA((8,)),
            ],
        )(a.reshape(-1), score_dense.reshape(-1))
        return _tail(a, e, v, wot3, s=s, hid=hid, nheads=nheads, d=d,
                     rb=rb, nrb=nrb, f32=f32, interpret=interpret)
    cfl = (cache // rb3) * rb3
    if s >= 2048:
        regions = [(0, cfl, 512, 0, False),
                   (cfl, 512, 512, 512, True),
                   (512, 1024, 1024, 512, True),
                   (1024, 1536, 1536, 1024, True),
                   (1536, s, s, 1536, True)]
    else:
        regions = [(0, cfl, s, 0, False), (cfl, s, s, s, True)]
    score_st = jnp.zeros((nheads, s), f32)
    e = jnp.zeros((nheads, s), jnp.int32)
    for (t0, t1, w, w_prev, do_evict) in regions:
        e, score_st = pl.pallas_call(
            functools.partial(_evict_body, s=s, h=nheads, rb=rb3, w=w,
                              w_prev=w_prev, t0=t0, recent=recent, cache=cache,
                              do_evict=do_evict),
            grid=((t1 - t0) // rb3,),
            in_specs=[
                pl.BlockSpec((nheads, rb3, w), lambda tb, t0b=t0 // rb3: (0, t0b + tb, 0)),
                pl.BlockSpec((nheads, w), lambda tb: (0, 0)),
                pl.BlockSpec((nheads, w), lambda tb: (0, 0)),
            ],
            out_specs=[
                pl.BlockSpec((nheads, w), lambda tb: (0, 0)),
                pl.BlockSpec((nheads, w), lambda tb: (0, 0)),
            ],
            out_shape=[jax.ShapeDtypeStruct((nheads, s), jnp.int32),
                       jax.ShapeDtypeStruct((nheads, s), f32)],
            interpret=interpret,
        )(a, score_st, e)
    return _tail(a, e, v, wot3, s=s, hid=hid, nheads=nheads, d=d,
                 rb=rb, nrb=nrb, f32=f32, interpret=interpret)


def _tail(a, e, v, wot3, *, s, hid, nheads, d, rb, nrb, f32, interpret):
    o = pl.pallas_call(
        functools.partial(_attnv_body, s=s, h=nheads, rb=rb),
        grid=(nheads, nrb),
        in_specs=[
            pl.BlockSpec((1, rb, s), lambda hh, i: (hh, i, 0)),
            pl.BlockSpec((nheads, s), lambda hh, i: (0, 0)),
            pl.BlockSpec((1, s, d), lambda hh, i: (hh, 0, 0)),
        ],
        out_specs=pl.BlockSpec((1, rb, d), lambda hh, i: (hh, i, 0)),
        out_shape=jax.ShapeDtypeStruct((nheads, s, d), f32),
        interpret=interpret,
    )(a, e, v)

    y = pl.pallas_call(
        _outproj_body,
        grid=(nrb, nheads),
        in_specs=[
            pl.BlockSpec((1, rb, d), lambda i, hh: (hh, i, 0)),
            pl.BlockSpec((1, d, hid), lambda i, hh: (hh, 0, 0)),
        ],
        out_specs=pl.BlockSpec((rb, hid), lambda i, hh: (i, 0)),
        out_shape=jax.ShapeDtypeStruct((s, hid), f32),
        interpret=interpret,
    )(o, wot3)
    return y


def kernel(hidden_states, attention_mask, position_ids, Wq, Wk, Wv, Wo):
    b, s, hid = hidden_states.shape
    d = 64
    nheads = hid // d
    y = _run(hidden_states[0], Wq, Wk, Wv, Wo, s=s, hid=hid, nheads=nheads, d=d)
    return y.reshape(b, s, hid)

# --- scband reference (transcript-rebuilt; emitter-appended) ---
"""Pipeline reference for scband-llama-attention-heavy-hitter-15358803051032 (READ-ONLY COPY).

The authoritative reference and input builder live on the scoring server;
editing this copy changes nothing except your own understanding.
"""

import jax, jax.numpy as jnp
import numpy as np

BSZ = 1
SEQ = 2048
HIDDEN = 768
HEADS = 12
HEAD_DIM = HIDDEN // HEADS
HEAVY_RATIO = 0.1
RECENT_RATIO = 0.1
PENALTY = 0.99
PENALTY_MODE = True


def rotary_cos_sin(seq_len, head_dim):
    inv_freq = 1.0 / (10000.0 ** (jnp.arange(0, head_dim, 2, dtype=jnp.float32) / head_dim))
    t = jnp.arange(seq_len, dtype=jnp.float32)
    freqs = jnp.einsum('i,j->ij', t, inv_freq)
    emb = jnp.concatenate([freqs, freqs], axis=-1)
    return jnp.cos(emb), jnp.sin(emb)


def rotate_half(x):
    h = x.shape[-1] // 2
    return jnp.concatenate([-x[..., h:], x[..., :h]], axis=-1)


def apply_rotary_pos_emb(q, k, cos, sin, position_ids):
    cos = cos[position_ids][:, None, :, :]
    sin = sin[position_ids][:, None, :, :]
    q_embed = q * cos + rotate_half(q) * sin
    k_embed = k * cos + rotate_half(k) * sin
    return q_embed, k_embed


def local_heavy_hitter_mask(attn_weights, heavy_budget, recent_budget, penalty, penalty_mode):
    B, H, S, _ = attn_weights.shape
    cache_budget = heavy_budget + recent_budget
    neg = jnp.finfo(attn_weights.dtype).min
    bidx = jnp.arange(B)[:, None, None]
    hidx = jnp.arange(H)[None, :, None]
    pos = jnp.arange(S)
    mask_all = jnp.zeros((B, H, S, S), bool).at[:, :, 0, 0].set(True)
    select_score = jnp.zeros((B, H, S), jnp.float32)
    penalty_score = jnp.zeros((B, H, S), jnp.float32)
    penalty_divider = jnp.zeros((B, H, S), jnp.float32)

    def body(t, carry):
        mask_all, select_score, penalty_score, penalty_divider = carry
        cm = mask_all[:, :, t, :]
        tmp = jnp.where(cm, attn_weights[:, :, t, :], neg)
        tmp = jax.nn.softmax(tmp.astype(jnp.float32), axis=-1)
        if penalty_mode:
            select_score = penalty * select_score + tmp
        else:
            penalty_divider = jnp.roll(penalty_divider, 1, axis=-1).at[:, :, 0].set(1.0 / (t + 1))
            penalty_score = penalty_score + tmp
            select_score = (penalty_score * penalty_divider) * select_score + tmp
        select_score = select_score * cm
        li = t - recent_budget

        def heavy_branch(score):
            nxt = jnp.zeros((B, H, S), bool)
            if heavy_budget > 0:
                masked = jnp.where(pos[None, None, :] <= li, score, neg)
                _, idx = jax.lax.top_k(masked, heavy_budget)
                nxt = nxt.at[bidx, hidx, idx].set(True)
            nxt = nxt | ((pos >= li + 1) & (pos <= t + 1))[None, None, :]
            return nxt

        def dense_branch(score):
            return jnp.broadcast_to((pos < t + 2)[None, None, :], (B, H, S))

        nxt = jax.lax.cond(t >= cache_budget, heavy_branch, dense_branch, select_score)
        mask_all = mask_all.at[:, :, t + 1, :].set(nxt)
        return (mask_all, select_score, penalty_score, penalty_divider)

    mask_all, select_score, penalty_score, penalty_divider = jax.lax.fori_loop(
        0, S - 1, body, (mask_all, select_score, penalty_score, penalty_divider))
    return mask_all


def attention_forward(hidden_states, attention_mask, position_ids, Wq, Wk, Wv, Wo):
    bsz, q_len, _ = hidden_states.shape
    q = (hidden_states @ Wq.T).reshape(bsz, q_len, HEADS, HEAD_DIM).transpose(0, 2, 1, 3)
    k = (hidden_states @ Wk.T).reshape(bsz, q_len, HEADS, HEAD_DIM).transpose(0, 2, 1, 3)
    v = (hidden_states @ Wv.T).reshape(bsz, q_len, HEADS, HEAD_DIM).transpose(0, 2, 1, 3)
    cos, sin = rotary_cos_sin(q_len, HEAD_DIM)
    q, k = apply_rotary_pos_emb(q, k, cos, sin, position_ids)
    attn = jnp.einsum('bhqd,bhkd->bhqk', q, k) / np.sqrt(HEAD_DIM).astype(np.float32)
    attn = attn + attention_mask
    attn = jnp.maximum(attn, jnp.finfo(attn.dtype).min)
    heavy_budget = int(HEAVY_RATIO * attn.shape[-1])
    recent_budget = int(RECENT_RATIO * attn.shape[-1])
    mask_bottom = local_heavy_hitter_mask(jax.lax.stop_gradient(attn), heavy_budget, recent_budget, PENALTY, PENALTY_MODE)
    attn = jnp.where(mask_bottom, attn, jnp.min(attention_mask))
    attn = jax.nn.softmax(attn.astype(jnp.float32), axis=-1).astype(q.dtype)
    out = jnp.einsum('bhqk,bhkd->bhqd', attn, v)
    out = out.transpose(0, 2, 1, 3).reshape(bsz, q_len, HIDDEN)
    return out @ Wo.T


def setup_inputs(seed: int = 0) -> dict:
    key = jax.random.key(seed)
    k1, k2, k3, k4, k5 = jax.random.split(key, 5)
    hidden_states = jax.random.normal(k1, (BSZ, SEQ, HIDDEN), jnp.float32)
    neg = jnp.finfo(jnp.float32).min
    causal = jnp.where(jnp.tril(jnp.ones((SEQ, SEQ), bool)), jnp.float32(0.0), neg)
    attention_mask = jnp.broadcast_to(causal[None, None, :, :], (BSZ, 1, SEQ, SEQ)).astype(jnp.float32)
    position_ids = jnp.broadcast_to(jnp.arange(SEQ, dtype=jnp.int32)[None, :], (BSZ, SEQ))
    Wq = 0.02 * jax.random.normal(k2, (HIDDEN, HIDDEN), jnp.float32)
    Wk = 0.02 * jax.random.normal(k3, (HIDDEN, HIDDEN), jnp.float32)
    Wv = 0.02 * jax.random.normal(k4, (HIDDEN, HIDDEN), jnp.float32)
    Wo = 0.02 * jax.random.normal(k5, (HIDDEN, HIDDEN), jnp.float32)
    return {"hidden_states": hidden_states, "attention_mask": attention_mask, "position_ids": position_ids, "Wq": Wq, "Wk": Wk, "Wv": Wv, "Wo": Wo}


def reference(hidden_states, attention_mask, position_ids, Wq, Wk, Wv, Wo):
    return attention_forward(hidden_states, attention_mask, position_ids, Wq, Wk, Wv, Wo)

if __name__ == "__main__":
    import jax
    _d = setup_inputs()
    print(jax.jit(kernel)(*tuple(_d.values())))

</pallas_src>

<mosaic_0001>
#map = affine_map<(d0, d1) -> (0)>
#map1 = affine_map<(d0, d1) -> (0, 0)>
module attributes {stable_mosaic.version = 14 : i64} {
  func.func @_sc_evict_body(%arg0: i32, %arg1: i32, %arg2: memref<50331648xf32, #tpu.memory_space<hbm>>, %arg3: memref<24576xf32, #tpu.memory_space<hbm>>, %arg4: memref<12x2048xi32, #tpu.memory_space<hbm>>, %arg5: memref<1024xf32, #tpu.memory_space<vmem>>, %arg6: memref<2064xf32, #tpu.memory_space<vmem>>, %arg7: memref<2048xi32, #tpu.memory_space<vmem>>, %arg8: memref<448xi32, #tpu.memory_space<vmem>>, %arg9: memref<384xi32, #tpu.memory_space<vmem>>, %arg10: memref<448xf32, #tpu.memory_space<vmem>>, %arg11: memref<384xf32, #tpu.memory_space<vmem>>, %arg12: memref<4x!tpu.dma_semaphore, #tpu.memory_space<semaphore_mem>>, %arg13: memref<8x!tpu.dma_semaphore, #tpu.memory_space<semaphore_mem>>) attributes {dimension_semantics = [#tpu.dimension_semantics<core_parallel>, #tpu.dimension_semantics<subcore_parallel>], iteration_bounds = array<i64: 2, 16>, scalar_prefetch = 0 : i64, scratch_operands = 9 : i64, tpu.core_type = #tpu.core_type<sc_vector_subcore>, window_params = [{transform_indices = #map}, {transform_indices = #map}, {transform_indices = #map1}]} {
    %mul3A = arith.constant 2 : i32
    %mul3A_0 = arith.muli %arg1, %mul3A : i32
    %add3A = arith.addi %mul3A_0, %arg0 : i32
    %lt3A = arith.constant 12 : i32
    %lt3A_1 = arith.cmpi slt, %add3A, %lt3A : i32
    %convert_element_type3A = arith.extui %lt3A_1 : i1 to i32
    %cond3A = arith.constant 0 : i32
    %cond3A_2 = arith.cmpi ne, %convert_element_type3A, %cond3A : i32
    scf.if %cond3A_2 {
      %iota3A = tpu.iota {dimensions = array<i32: 0>} : vector<16xi32>
      %broadcast_in_dim3A = arith.constant 0 : i32
      %broadcast_in_dim3A_3 = vector.broadcast %broadcast_in_dim3A : i32 to vector<16xi32>
      %broadcast_in_dim3A_4 = arith.constant 0.000000e+00 : f32
      %broadcast_in_dim3A_5 = vector.broadcast %broadcast_in_dim3A_4 : f32 to vector<16xf32>
      %broadcast_in_dim3A_6 = arith.constant 0x7F800000 : f32
      %broadcast_in_dim3A_7 = vector.broadcast %broadcast_in_dim3A_6 : f32 to vector<16xf32>
      %broadcast_in_dim3A_8 = arith.constant -1 : i32
      %broadcast_in_dim3A_9 = vector.broadcast %broadcast_in_dim3A_8 : i32 to vector<16xi32>
      %mul3A_10 = arith.constant 2048 : i32
      %mul3A_11 = arith.muli %add3A, %mul3A_10 : i32
      "tpu.region"() ({
        %run_scoped3A = tpu.sem_alloc : memref<!tpu.dma_semaphore, #tpu.memory_space<semaphore_mem>>
        %dma_start3A_804 = arith.constant 0 : i32
        %dma_start3A_805 = tpu.memref_slice %arg6[%dma_start3A_804] : memref<2064xf32, #tpu.memory_space<vmem>> -> memref<512xf32, #tpu.memory_space<vmem>>
        %dma_start3A_806 = tpu.memref_slice %arg3[%mul3A_11] : memref<24576xf32, #tpu.memory_space<hbm>> -> memref<512xf32, #tpu.memory_space<hbm>>
        %dma_start3A_807 = arith.constant 0 : i32
        %dma_start3A_808 = tpu.memref_slice %arg6[%dma_start3A_807] : memref<2064xf32, #tpu.memory_space<vmem>> -> memref<512xf32, #tpu.memory_space<vmem>>
        %dma_start3A_809 = tpu.memref_slice %arg3[%mul3A_11] : memref<24576xf32, #tpu.memory_space<hbm>> -> memref<512xf32, #tpu.memory_space<hbm>>
        tpu.enqueue_dma source(%dma_start3A_809 : memref<512xf32, #tpu.memory_space<hbm>>) target(%dma_start3A_808 : memref<512xf32, #tpu.memory_space<vmem>>) target_semaphore(%run_scoped3A : memref<!tpu.dma_semaphore, #tpu.memory_space<semaphore_mem>>)
        %dma_wait3A = arith.constant 0 : i32
        %dma_wait3A_810 = tpu.memref_slice %arg6[%dma_wait3A] : memref<2064xf32, #tpu.memory_space<vmem>> -> memref<512xf32, #tpu.memory_space<vmem>>
        %dma_wait3A_811 = tpu.memref_slice %arg3[%mul3A_11] : memref<24576xf32, #tpu.memory_space<hbm>> -> memref<512xf32, #tpu.memory_space<hbm>>
        %dma_wait3A_812 = arith.constant 0 : i32
        %dma_wait3A_813 = tpu.memref_slice %arg6[%dma_wait3A_812] : memref<2064xf32, #tpu.memory_space<vmem>> -> memref<512xf32, #tpu.memory_space<vmem>>
        %dma_wait3A_814 = tpu.memref_slice %arg3[%mul3A_11] : memref<24576xf32, #tpu.memory_space<hbm>> -> memref<512xf32, #tpu.memory_space<hbm>>
        tpu.wait_dma2 semaphore(%run_scoped3A : memref<!tpu.dma_semaphore, #tpu.memory_space<semaphore_mem>>) src(%dma_wait3A_814 : memref<512xf32, #tpu.memory_space<hbm>>) dst(%dma_wait3A_813 : memref<512xf32, #tpu.memory_space<vmem>>)
        tpu.yield
      }) : () -> ()
      %scan3A = arith.constant 0 : i32
      %scan3A_12 = arith.constant 0 : i32
      %scan3A_13 = arith.constant 97 : i32
      %scan3A_14 = arith.addi %scan3A_12, %scan3A_13 : i32
      %scan3A_15 = arith.constant 1 : i32
      scf.for %scan3A_804 = %scan3A_12 to %scan3A_14 step %scan3A_15  : i32 {
        %mul3A_805 = arith.constant 16 : i32
        %mul3A_806 = arith.muli %mul3A_805, %scan3A_804 : i32
        %add3A_807 = arith.constant 512 : i32
        %add3A_808 = arith.addi %add3A_807, %mul3A_806 : i32
        %swap3A_809 = arith.index_cast %add3A_808 : i32 to index
        %swap3A_810 = tpu.vector_load %arg6[%swap3A_809] {strides = array<i32>} : memref<2064xf32, #tpu.memory_space<vmem>>, vector<16xf32>,
        %swap3A_811 = vector.shape_cast %swap3A_810 : vector<16xf32> to vector<16xf32>
        %swap3A_812 = vector.shape_cast %broadcast_in_dim3A_5 : vector<16xf32> to vector<16xf32>
        tpu.vector_store %arg6[%swap3A_809], %swap3A_812 {strides = array<i32>} : memref<2064xf32, #tpu.memory_space<vmem>>, vector<16xf32>,
      }
      %scan3A_16 = arith.constant 97 : i32
      %scan3A_17 = arith.constant 0 : i32
      %scan3A_18 = arith.constant 0 : i32
      %scan3A_19 = arith.constant 128 : i32
      %scan3A_20 = arith.addi %scan3A_18, %scan3A_19 : i32
      %scan3A_21 = arith.constant 1 : i32
      scf.for %scan3A_804 = %scan3A_18 to %scan3A_20 step %scan3A_21  : i32 {
        %add3A_805 = arith.constant 2049 : i32
        %add3A_806 = vector.broadcast %add3A_805 : i32 to vector<16xi32>
        %add3A_807 = arith.addi %broadcast_in_dim3A_3, %add3A_806 : vector<16xi32>
        %mul3A_808 = arith.constant 16 : i32
        %mul3A_809 = arith.muli %mul3A_808, %scan3A_804 : i32
        %swap3A_810 = arith.index_cast %mul3A_809 : i32 to index
        %swap3A_811 = tpu.vector_load %arg7[%swap3A_810] {strides = array<i32>} : memref<2048xi32, #tpu.memory_space<vmem>>, vector<16xi32>,
        %swap3A_812 = vector.shape_cast %swap3A_811 : vector<16xi32> to vector<16xi32>
        %swap3A_813 = vector.shape_cast %add3A_807 : vector<16xi32> to vector<16xi32>
        tpu.vector_store %arg7[%swap3A_810], %swap3A_813 {strides = array<i32>} : memref<2048xi32, #tpu.memory_space<vmem>>, vector<16xi32>,
      }
      %scan3A_22 = arith.constant 128 : i32
      %add3A_23 = arith.constant 0 : i32
      %add3A_24 = vector.broadcast %add3A_23 : i32 to vector<16xi32>
      %add3A_25 = arith.addi %add3A_24, %iota3A : vector<16xi32>
      %add3A_26 = arith.constant 16 : i32
      %add3A_27 = vector.broadcast %add3A_26 : i32 to vector<16xi32>
      %add3A_28 = arith.addi %add3A_27, %iota3A : vector<16xi32>
      %add3A_29 = arith.constant 32 : i32
      %add3A_30 = vector.broadcast %add3A_29 : i32 to vector<16xi32>
      %add3A_31 = arith.addi %add3A_30, %iota3A : vector<16xi32>
      %add3A_32 = arith.constant 48 : i32
      %add3A_33 = vector.broadcast %add3A_32 : i32 to vector<16xi32>
      %add3A_34 = arith.addi %add3A_33, %iota3A : vector<16xi32>
      %add3A_35 = arith.constant 64 : i32
      %add3A_36 = vector.broadcast %add3A_35 : i32 to vector<16xi32>
      %add3A_37 = arith.addi %add3A_36, %iota3A : vector<16xi32>
      %add3A_38 = arith.constant 80 : i32
      %add3A_39 = vector.broadcast %add3A_38 : i32 to vector<16xi32>
      %add3A_40 = arith.addi %add3A_39, %iota3A : vector<16xi32>
      %add3A_41 = arith.constant 96 : i32
      %add3A_42 = vector.broadcast %add3A_41 : i32 to vector<16xi32>
      %add3A_43 = arith.addi %add3A_42, %iota3A : vector<16xi32>
      %add3A_44 = arith.constant 112 : i32
      %add3A_45 = vector.broadcast %add3A_44 : i32 to vector<16xi32>
      %add3A_46 = arith.addi %add3A_45, %iota3A : vector<16xi32>
      %add3A_47 = arith.constant 128 : i32
      %add3A_48 = vector.broadcast %add3A_47 : i32 to vector<16xi32>
      %add3A_49 = arith.addi %add3A_48, %iota3A : vector<16xi32>
      %add3A_50 = arith.constant 144 : i32
      %add3A_51 = vector.broadcast %add3A_50 : i32 to vector<16xi32>
      %add3A_52 = arith.addi %add3A_51, %iota3A : vector<16xi32>
      %add3A_53 = arith.constant 160 : i32
      %add3A_54 = vector.broadcast %add3A_53 : i32 to vector<16xi32>
      %add3A_55 = arith.addi %add3A_54, %iota3A : vector<16xi32>
      %add3A_56 = arith.constant 176 : i32
      %add3A_57 = vector.broadcast %add3A_56 : i32 to vector<16xi32>
      %add3A_58 = arith.addi %add3A_57, %iota3A : vector<16xi32>
      %add3A_59 = arith.constant 192 : i32
      %add3A_60 = vector.broadcast %add3A_59 : i32 to vector<16xi32>
      %add3A_61 = arith.addi %add3A_60, %iota3A : vector<16xi32>
      %get3A = arith.constant 0 : index
      %get3A_62 = tpu.vector_load %arg6[%get3A] {strides = array<i32>} : memref<2064xf32, #tpu.memory_space<vmem>>, vector<16xf32>,
      %get3A_63 = vector.shape_cast %get3A_62 : vector<16xf32> to vector<16xf32>
      %get3A_64 = arith.constant 16 : index
      %get3A_65 = tpu.vector_load %arg6[%get3A_64] {strides = array<i32>} : memref<2064xf32, #tpu.memory_space<vmem>>, vector<16xf32>,
      %get3A_66 = vector.shape_cast %get3A_65 : vector<16xf32> to vector<16xf32>
      %get3A_67 = arith.constant 32 : index
      %get3A_68 = tpu.vector_load %arg6[%get3A_67] {strides = array<i32>} : memref<2064xf32, #tpu.memory_space<vmem>>, vector<16xf32>,
      %get3A_69 = vector.shape_cast %get3A_68 : vector<16xf32> to vector<16xf32>
      %get3A_70 = arith.constant 48 : index
      %get3A_71 = tpu.vector_load %arg6[%get3A_70] {strides = array<i32>} : memref<2064xf32, #tpu.memory_space<vmem>>, vector<16xf32>,
      %get3A_72 = vector.shape_cast %get3A_71 : vector<16xf32> to vector<16xf32>
      %get3A_73 = arith.constant 64 : index
      %get3A_74 = tpu.vector_load %arg6[%get3A_73] {strides = array<i32>} : memref<2064xf32, #tpu.memory_space<vmem>>, vector<16xf32>,
      %get3A_75 = vector.shape_cast %get3A_74 : vector<16xf32> to vector<16xf32>
      %get3A_76 = arith.constant 80 : index
      %get3A_77 = tpu.vector_load %arg6[%get3A_76] {strides = array<i32>} : memref<2064xf32, #tpu.memory_space<vmem>>, vector<16xf32>,
      %get3A_78 = vector.shape_cast %get3A_77 : vector<16xf32> to vector<16xf32>
      %get3A_79 = arith.constant 96 : index
      %get3A_80 = tpu.vector_load %arg6[%get3A_79] {strides = array<i32>} : memref<2064xf32, #tpu.memory_space<vmem>>, vector<16xf32>,
      %get3A_81 = vector.shape_cast %get3A_80 : vector<16xf32> to vector<16xf32>
      %get3A_82 = arith.constant 112 : index
      %get3A_83 = tpu.vector_load %arg6[%get3A_82] {strides = array<i32>} : memref<2064xf32, #tpu.memory_space<vmem>>, vector<16xf32>,
      %get3A_84 = vector.shape_cast %get3A_83 : vector<16xf32> to vector<16xf32>
      %get3A_85 = arith.constant 128 : index
      %get3A_86 = tpu.vector_load %arg6[%get3A_85] {strides = array<i32>} : memref<2064xf32, #tpu.memory_space<vmem>>, vector<16xf32>,
      %get3A_87 = vector.shape_cast %get3A_86 : vector<16xf32> to vector<16xf32>
      %get3A_88 = arith.constant 144 : index
      %get3A_89 = tpu.vector_load %arg6[%get3A_88] {strides = array<i32>} : memref<2064xf32, #tpu.memory_space<vmem>>, vector<16xf32>,
      %get3A_90 = vector.shape_cast %get3A_89 : vector<16xf32> to vector<16xf32>
      %get3A_91 = arith.constant 160 : index
      %get3A_92 = tpu.vector_load %arg6[%get3A_91] {strides = array<i32>} : memref<2064xf32, #tpu.memory_space<vmem>>, vector<16xf32>,
      %get3A_93 = vector.shape_cast %get3A_92 : vector<16xf32> to vector<16xf32>
      %get3A_94 = arith.constant 176 : index
      %get3A_95 = tpu.vector_load %arg6[%get3A_94] {strides = array<i32>} : memref<2064xf32, #tpu.memory_space<vmem>>, vector<16xf32>,
      %get3A_96 = vector.shape_cast %get3A_95 : vector<16xf32> to vector<16xf32>
      %get3A_97 = arith.constant 192 : index
      %get3A_98 = tpu.vector_load %arg6[%get3A_97] {strides = array<i32>} : memref<2064xf32, #tpu.memory_space<vmem>>, vector<16xf32>,
      %get3A_99 = vector.shape_cast %get3A_98 : vector<16xf32> to vector<16xf32>
      %rem3A = arith.constant 408 : i32
      %rem3A_100 = arith.constant 4 : i32
      %rem3A_101 = arith.remsi %rem3A, %rem3A_100 : i32
      %mul3A_102 = arith.constant 2048 : i32
      %mul3A_103 = arith.muli %add3A, %mul3A_102 : i32
      %add3A_104 = arith.constant 408 : i32
      %add3A_105 = arith.addi %mul3A_103, %add3A_104 : i32
      %mul3A_106 = arith.constant 2048 : i32
      %mul3A_107 = arith.muli %add3A_105, %mul3A_106 : i32
      %min3A = arith.constant 192 : i32
      %min3A_108 = arith.constant 1824 : i32
      %min3A_109 = arith.minsi %min3A, %min3A_108 : i32
      %add3A_110 = arith.addi %mul3A_107, %min3A_109 : i32
      %mul3A_111 = arith.constant 256 : i32
      %mul3A_112 = arith.muli %rem3A_101, %mul3A_111 : i32
      %dma_start3A = tpu.memref_slice %arg5[%mul3A_112] : memref<1024xf32, #tpu.memory_space<vmem>> -> memref<224xf32, #tpu.memory_space<vmem>>
      %dma_start3A_113 = tpu.memref_slice %arg2[%add3A_110] : memref<50331648xf32, #tpu.memory_space<hbm>> -> memref<224xf32, #tpu.memory_space<hbm>>
      %dma_start3A_114 = tpu.memref_slice %arg12[%rem3A_101] : memref<4x!tpu.dma_semaphore, #tpu.memory_space<semaphore_mem>> -> memref<1x!tpu.dma_semaphore, #tpu.memory_space<semaphore_mem>>
      %dma_start3A_115 = tpu.memref_squeeze %dma_start3A_114 : memref<1x!tpu.dma_semaphore, #tpu.memory_space<semaphore_mem>> -> memref<!tpu.dma_semaphore, #tpu.memory_space<semaphore_mem>>
      %dma_start3A_116 = tpu.memref_slice %arg5[%mul3A_112] : memref<1024xf32, #tpu.memory_space<vmem>> -> memref<224xf32, #tpu.memory_space<vmem>>
      %dma_start3A_117 = tpu.memref_slice %arg2[%add3A_110] : memref<50331648xf32, #tpu.memory_space<hbm>> -> memref<224xf32, #tpu.memory_space<hbm>>
      tpu.enqueue_dma source(%dma_start3A_117 : memref<224xf32, #tpu.memory_space<hbm>>) target(%dma_start3A_116 : memref<224xf32, #tpu.memory_space<vmem>>) target_semaphore(%dma_start3A_115 : memref<!tpu.dma_semaphore, #tpu.memory_space<semaphore_mem>>)
      %rem3A_118 = arith.constant 409 : i32
      %rem3A_119 = arith.constant 4 : i32
      %rem3A_120 = arith.remsi %rem3A_118, %rem3A_119 : i32
      %mul3A_121 = arith.constant 2048 : i32
      %mul3A_122 = arith.muli %add3A, %mul3A_121 : i32
      %add3A_123 = arith.constant 409 : i32
      %add3A_124 = arith.addi %mul3A_122, %add3A_123 : i32
      %mul3A_125 = arith.constant 2048 : i32
      %mul3A_126 = arith.muli %add3A_124, %mul3A_125 : i32
      %min3A_127 = arith.constant 192 : i32
      %min3A_128 = arith.constant 1824 : i32
      %min3A_129 = arith.minsi %min3A_127, %min3A_128 : i32
      %add3A_130 = arith.addi %mul3A_126, %min3A_129 : i32
      %mul3A_131 = arith.constant 256 : i32
      %mul3A_132 = arith.muli %rem3A_120, %mul3A_131 : i32
      %dma_start3A_133 = tpu.memref_slice %arg5[%mul3A_132] : memref<1024xf32, #tpu.memory_space<vmem>> -> memref<224xf32, #tpu.memory_space<vmem>>
      %dma_start3A_134 = tpu.memref_slice %arg2[%add3A_130] : memref<50331648xf32, #tpu.memory_space<hbm>> -> memref<224xf32, #tpu.memory_space<hbm>>
      %dma_start3A_135 = tpu.memref_slice %arg12[%rem3A_120] : memref<4x!tpu.dma_semaphore, #tpu.memory_space<semaphore_mem>> -> memref<1x!tpu.dma_semaphore, #tpu.memory_space<semaphore_mem>>
      %dma_start3A_136 = tpu.memref_squeeze %dma_start3A_135 : memref<1x!tpu.dma_semaphore, #tpu.memory_space<semaphore_mem>> -> memref<!tpu.dma_semaphore, #tpu.memory_space<semaphore_mem>>
      %dma_start3A_137 = tpu.memref_slice %arg5[%mul3A_132] : memref<1024xf32, #tpu.memory_space<vmem>> -> memref<224xf32, #tpu.memory_space<vmem>>
      %dma_start3A_138 = tpu.memref_slice %arg2[%add3A_130] : memref<50331648xf32, #tpu.memory_space<hbm>> -> memref<224xf32, #tpu.memory_space<hbm>>
      tpu.enqueue_dma source(%dma_start3A_138 : memref<224xf32, #tpu.memory_space<hbm>>) target(%dma_start3A_137 : memref<224xf32, #tpu.memory_space<vmem>>) target_semaphore(%dma_start3A_136 : memref<!tpu.dma_semaphore, #tpu.memory_space<semaphore_mem>>)
      %rem3A_139 = arith.constant 408 : i32
      %rem3A_140 = arith.constant 4 : i32
      %rem3A_141 = arith.remsi %rem3A_139, %rem3A_140 : i32
      %mul3A_142 = arith.constant 2048 : i32
      %mul3A_143 = arith.muli %add3A, %mul3A_142 : i32
      %add3A_144 = arith.constant 408 : i32
      %add3A_145 = arith.addi %mul3A_143, %add3A_144 : i32
      %mul3A_146 = arith.constant 2048 : i32
      %mul3A_147 = arith.muli %add3A_145, %mul3A_146 : i32
      %add3A_148 = vector.broadcast %mul3A_147 : i32 to vector<16xi32>
      %add3A_149 = arith.addi %add3A_148, %add3A_25 : vector<16xi32>
      %mul3A_150 = arith.constant 112 : i32
      %mul3A_151 = arith.muli %mul3A_150, %rem3A_141 : i32
      %add3A_152 = arith.constant 0 : i32
      %add3A_153 = arith.addi %mul3A_151, %add3A_152 : i32
      %swap3A = arith.index_cast %add3A_153 : i32 to index
      %swap3A_154 = tpu.vector_load %arg8[%swap3A] {strides = array<i32>} : memref<448xi32, #tpu.memory_space<vmem>>, vector<16xi32>,
      %swap3A_155 = vector.shape_cast %swap3A_154 : vector<16xi32> to vector<16xi32>
      %swap3A_156 = vector.shape_cast %add3A_149 : vector<16xi32> to vector<16xi32>
      tpu.vector_store %arg8[%swap3A], %swap3A_156 {strides = array<i32>} : memref<448xi32, #tpu.memory_space<vmem>>, vector<16xi32>,
      %add3A_157 = vector.broadcast %mul3A_147 : i32 to vector<16xi32>
      %add3A_158 = arith.addi %add3A_157, %add3A_28 : vector<16xi32>
      %mul3A_159 = arith.constant 112 : i32
      %mul3A_160 = arith.muli %mul3A_159, %rem3A_141 : i32
      %add3A_161 = arith.constant 16 : i32
      %add3A_162 = arith.addi %mul3A_160, %add3A_161 : i32
      %swap3A_163 = arith.index_cast %add3A_162 : i32 to index
      %swap3A_164 = tpu.vector_load %arg8[%swap3A_163] {strides = array<i32>} : memref<448xi32, #tpu.memory_space<vmem>>, vector<16xi32>,
      %swap3A_165 = vector.shape_cast %swap3A_164 : vector<16xi32> to vector<16xi32>
      %swap3A_166 = vector.shape_cast %add3A_158 : vector<16xi32> to vector<16xi32>
      tpu.vector_store %arg8[%swap3A_163], %swap3A_166 {strides = array<i32>} : memref<448xi32, #tpu.memory_space<vmem>>, vector<16xi32>,
      %add3A_167 = vector.broadcast %mul3A_147 : i32 to vector<16xi32>
      %add3A_168 = arith.addi %add3A_167, %add3A_31 : vector<16xi32>
      %mul3A_169 = arith.constant 112 : i32
      %mul3A_170 = arith.muli %mul3A_169, %rem3A_141 : i32
      %add3A_171 = arith.constant 32 : i32
      %add3A_172 = arith.addi %mul3A_170, %add3A_171 : i32
      %swap3A_173 = arith.index_cast %add3A_172 : i32 to index
      %swap3A_174 = tpu.vector_load %arg8[%swap3A_173] {strides = array<i32>} : memref<448xi32, #tpu.memory_space<vmem>>, vector<16xi32>,
      %swap3A_175 = vector.shape_cast %swap3A_174 : vector<16xi32> to vector<16xi32>
      %swap3A_176 = vector.shape_cast %add3A_168 : vector<16xi32> to vector<16xi32>
      tpu.vector_store %arg8[%swap3A_173], %swap3A_176 {strides = array<i32>} : memref<448xi32, #tpu.memory_space<vmem>>, vector<16xi32>,
      %add3A_177 = vector.broadcast %mul3A_147 : i32 to vector<16xi32>
      %add3A_178 = arith.addi %add3A_177, %add3A_34 : vector<16xi32>
      %mul3A_179 = arith.constant 112 : i32
      %mul3A_180 = arith.muli %mul3A_179, %rem3A_141 : i32
      %add3A_181 = arith.constant 48 : i32
      %add3A_182 = arith.addi %mul3A_180, %add3A_181 : i32
      %swap3A_183 = arith.index_cast %add3A_182 : i32 to index
      %swap3A_184 = tpu.vector_load %arg8[%swap3A_183] {strides = array<i32>} : memref<448xi32, #tpu.memory_space<vmem>>, vector<16xi32>,
      %swap3A_185 = vector.shape_cast %swap3A_184 : vector<16xi32> to vector<16xi32>
      %swap3A_186 = vector.shape_cast %add3A_178 : vector<16xi32> to vector<16xi32>
      tpu.vector_store %arg8[%swap3A_183], %swap3A_186 {strides = array<i32>} : memref<448xi32, #tpu.memory_space<vmem>>, vector<16xi32>,
      %add3A_187 = vector.broadcast %mul3A_147 : i32 to vector<16xi32>
      %add3A_188 = arith.addi %add3A_187, %add3A_37 : vector<16xi32>
      %mul3A_189 = arith.constant 112 : i32
      %mul3A_190 = arith.muli %mul3A_189, %rem3A_141 : i32
      %add3A_191 = arith.constant 64 : i32
      %add3A_192 = arith.addi %mul3A_190, %add3A_191 : i32
      %swap3A_193 = arith.index_cast %add3A_192 : i32 to index
      %swap3A_194 = tpu.vector_load %arg8[%swap3A_193] {strides = array<i32>} : memref<448xi32, #tpu.memory_space<vmem>>, vector<16xi32>,
      %swap3A_195 = vector.shape_cast %swap3A_194 : vector<16xi32> to vector<16xi32>
      %swap3A_196 = vector.shape_cast %add3A_188 : vector<16xi32> to vector<16xi32>
      tpu.vector_store %arg8[%swap3A_193], %swap3A_196 {strides = array<i32>} : memref<448xi32, #tpu.memory_space<vmem>>, vector<16xi32>,
      %add3A_197 = vector.broadcast %mul3A_147 : i32 to vector<16xi32>
      %add3A_198 = arith.addi %add3A_197, %add3A_40 : vector<16xi32>
      %mul3A_199 = arith.constant 112 : i32
      %mul3A_200 = arith.muli %mul3A_199, %rem3A_141 : i32
      %add3A_201 = arith.constant 80 : i32
      %add3A_202 = arith.addi %mul3A_200, %add3A_201 : i32
      %swap3A_203 = arith.index_cast %add3A_202 : i32 to index
      %swap3A_204 = tpu.vector_load %arg8[%swap3A_203] {strides = array<i32>} : memref<448xi32, #tpu.memory_space<vmem>>, vector<16xi32>,
      %swap3A_205 = vector.shape_cast %swap3A_204 : vector<16xi32> to vector<16xi32>
      %swap3A_206 = vector.shape_cast %add3A_198 : vector<16xi32> to vector<16xi32>
      tpu.vector_store %arg8[%swap3A_203], %swap3A_206 {strides = array<i32>} : memref<448xi32, #tpu.memory_space<vmem>>, vector<16xi32>,
      %add3A_207 = vector.broadcast %mul3A_147 : i32 to vector<16xi32>
      %add3A_208 = arith.addi %add3A_207, %add3A_43 : vector<16xi32>
      %mul3A_209 = arith.constant 112 : i32
      %mul3A_210 = arith.muli %mul3A_209, %rem3A_141 : i32
      %add3A_211 = arith.constant 96 : i32
      %add3A_212 = arith.addi %mul3A_210, %add3A_211 : i32
      %swap3A_213 = arith.index_cast %add3A_212 : i32 to index
      %swap3A_214 = tpu.vector_load %arg8[%swap3A_213] {strides = array<i32>} : memref<448xi32, #tpu.memory_space<vmem>>, vector<16xi32>,
      %swap3A_215 = vector.shape_cast %swap3A_214 : vector<16xi32> to vector<16xi32>
      %swap3A_216 = vector.shape_cast %add3A_208 : vector<16xi32> to vector<16xi32>
      tpu.vector_store %arg8[%swap3A_213], %swap3A_216 {strides = array<i32>} : memref<448xi32, #tpu.memory_space<vmem>>, vector<16xi32>,
      %add3A_217 = vector.broadcast %mul3A_147 : i32 to vector<16xi32>
      %add3A_218 = arith.addi %add3A_217, %add3A_46 : vector<16xi32>
      %mul3A_219 = arith.constant 96 : i32
      %mul3A_220 = arith.muli %mul3A_219, %rem3A_141 : i32
      %add3A_221 = arith.constant 0 : i32
      %add3A_222 = arith.addi %mul3A_220, %add3A_221 : i32
      %swap3A_223 = arith.index_cast %add3A_222 : i32 to index
      %swap3A_224 = tpu.vector_load %arg9[%swap3A_223] {strides = array<i32>} : memref<384xi32, #tpu.memory_space<vmem>>, vector<16xi32>,
      %swap3A_225 = vector.shape_cast %swap3A_224 : vector<16xi32> to vector<16xi32>
      %swap3A_226 = vector.shape_cast %add3A_218 : vector<16xi32> to vector<16xi32>
      tpu.vector_store %arg9[%swap3A_223], %swap3A_226 {strides = array<i32>} : memref<384xi32, #tpu.memory_space<vmem>>, vector<16xi32>,
      %add3A_227 = vector.broadcast %mul3A_147 : i32 to vector<16xi32>
      %add3A_228 = arith.addi %add3A_227, %add3A_49 : vector<16xi32>
      %mul3A_229 = arith.constant 96 : i32
      %mul3A_230 = arith.muli %mul3A_229, %rem3A_141 : i32
      %add3A_231 = arith.constant 16 : i32
      %add3A_232 = arith.addi %mul3A_230, %add3A_231 : i32
      %swap3A_233 = arith.index_cast %add3A_232 : i32 to index
      %swap3A_234 = tpu.vector_load %arg9[%swap3A_233] {strides = array<i32>} : memref<384xi32, #tpu.memory_space<vmem>>, vector<16xi32>,
      %swap3A_235 = vector.shape_cast %swap3A_234 : vector<16xi32> to vector<16xi32>
      %swap3A_236 = vector.shape_cast %add3A_228 : vector<16xi32> to vector<16xi32>
      tpu.vector_store %arg9[%swap3A_233], %swap3A_236 {strides = array<i32>} : memref<384xi32, #tpu.memory_space<vmem>>, vector<16xi32>,
      %add3A_237 = vector.broadcast %mul3A_147 : i32 to vector<16xi32>
      %add3A_238 = arith.addi %add3A_237, %add3A_52 : vector<16xi32>
      %mul3A_239 = arith.constant 96 : i32
      %mul3A_240 = arith.muli %mul3A_239, %rem3A_141 : i32
      %add3A_241 = arith.constant 32 : i32
      %add3A_242 = arith.addi %mul3A_240, %add3A_241 : i32
      %swap3A_243 = arith.index_cast %add3A_242 : i32 to index
      %swap3A_244 = tpu.vector_load %arg9[%swap3A_243] {strides = array<i32>} : memref<384xi32, #tpu.memory_space<vmem>>, vector<16xi32>,
      %swap3A_245 = vector.shape_cast %swap3A_244 : vector<16xi32> to vector<16xi32>
      %swap3A_246 = vector.shape_cast %add3A_238 : vector<16xi32> to vector<16xi32>
      tpu.vector_store %arg9[%swap3A_243], %swap3A_246 {strides = array<i32>} : memref<384xi32, #tpu.memory_space<vmem>>, vector<16xi32>,
      %add3A_247 = vector.broadcast %mul3A_147 : i32 to vector<16xi32>
      %add3A_248 = arith.addi %add3A_247, %add3A_55 : vector<16xi32>
      %mul3A_249 = arith.constant 96 : i32
      %mul3A_250 = arith.muli %mul3A_249, %rem3A_141 : i32
      %add3A_251 = arith.constant 48 : i32
      %add3A_252 = arith.addi %mul3A_250, %add3A_251 : i32
      %swap3A_253 = arith.index_cast %add3A_252 : i32 to index
      %swap3A_254 = tpu.vector_load %arg9[%swap3A_253] {strides = array<i32>} : memref<384xi32, #tpu.memory_space<vmem>>, vector<16xi32>,
      %swap3A_255 = vector.shape_cast %swap3A_254 : vector<16xi32> to vector<16xi32>
      %swap3A_256 = vector.shape_cast %add3A_248 : vector<16xi32> to vector<16xi32>
      tpu.vector_store %arg9[%swap3A_253], %swap3A_256 {strides = array<i32>} : memref<384xi32, #tpu.memory_space<vmem>>, vector<16xi32>,
      %add3A_257 = vector.broadcast %mul3A_147 : i32 to vector<16xi32>
      %add3A_258 = arith.addi %add3A_257, %add3A_58 : vector<16xi32>
      %mul3A_259 = arith.constant 96 : i32
      %mul3A_260 = arith.muli %mul3A_259, %rem3A_141 : i32
      %add3A_261 = arith.constant 64 : i32
      %add3A_262 = arith.addi %mul3A_260, %add3A_261 : i32
      %swap3A_263 = arith.index_cast %add3A_262 : i32 to index
      %swap3A_264 = tpu.vector_load %arg9[%swap3A_263] {strides = array<i32>} : memref<384xi32, #tpu.memory_space<vmem>>, vector<16xi32>,
      %swap3A_265 = vector.shape_cast %swap3A_264 : vector<16xi32> to vector<16xi32>
      %swap3A_266 = vector.shape_cast %add3A_258 : vector<16xi32> to vector<16xi32>
      tpu.vector_store %arg9[%swap3A_263], %swap3A_266 {strides = array<i32>} : memref<384xi32, #tpu.memory_space<vmem>>, vector<16xi32>,
      %add3A_267 = vector.broadcast %mul3A_147 : i32 to vector<16xi32>
      %add3A_268 = arith.addi %add3A_267, %add3A_61 : vector<16xi32>
      %mul3A_269 = arith.constant 96 : i32
      %mul3A_270 = arith.muli %mul3A_269, %rem3A_141 : i32
      %add3A_271 = arith.constant 80 : i32
      %add3A_272 = arith.addi %mul3A_270, %add3A_271 : i32
      %swap3A_273 = arith.index_cast %add3A_272 : i32 to index
      %swap3A_274 = tpu.vector_load %arg9[%swap3A_273] {strides = array<i32>} : memref<384xi32, #tpu.memory_space<vmem>>, vector<16xi32>,
      %swap3A_275 = vector.shape_cast %swap3A_274 : vector<16xi32> to vector<16xi32>
      %swap3A_276 = vector.shape_cast %add3A_268 : vector<16xi32> to vector<16xi32>
      tpu.vector_store %arg9[%swap3A_273], %swap3A_276 {strides = array<i32>} : memref<384xi32, #tpu.memory_space<vmem>>, vector<16xi32>,
      %mul3A_277 = arith.constant 112 : i32
      %mul3A_278 = arith.muli %mul3A_277, %rem3A_141 : i32
      %mul3A_279 = arith.constant 112 : i32
      %mul3A_280 = arith.muli %mul3A_279, %rem3A_141 : i32
      %mul3A_281 = arith.constant 2 : i32
      %mul3A_282 = arith.muli %mul3A_281, %rem3A_141 : i32
      %dma_start3A_283 = tpu.memref_slice %arg10[%mul3A_280] : memref<448xf32, #tpu.memory_space<vmem>> -> memref<112xf32, #tpu.memory_space<vmem>>
      %dma_start3A_284 = tpu.memref_slice %arg8[%mul3A_278] : memref<448xi32, #tpu.memory_space<vmem>> -> memref<112xi32, #tpu.memory_space<vmem>>
      %dma_start3A_285 = arith.constant 0 : i32
      %dma_start3A_286 = tpu.memref_slice %arg2[%dma_start3A_285] : memref<50331648xf32, #tpu.memory_space<hbm>> -> memref<50331648xf32, #tpu.memory_space<hbm>>
      %dma_start3A_287 = tpu.memref_slice %arg13[%mul3A_282] : memref<8x!tpu.dma_semaphore, #tpu.memory_space<semaphore_mem>> -> memref<1x!tpu.dma_semaphore, #tpu.memory_space<semaphore_mem>>
      %dma_start3A_288 = tpu.memref_squeeze %dma_start3A_287 : memref<1x!tpu.dma_semaphore, #tpu.memory_space<semaphore_mem>> -> memref<!tpu.dma_semaphore, #tpu.memory_space<semaphore_mem>>
      tpu.enqueue_indirect_dma source(%dma_start3A_286 : memref<50331648xf32, #tpu.memory_space<hbm>>) target(%dma_start3A_283 : memref<112xf32, #tpu.memory_space<vmem>>) offsets(%dma_start3A_284 : memref<112xi32, #tpu.memory_space<vmem>>) semaphore(%dma_start3A_288 : memref<!tpu.dma_semaphore, #tpu.memory_space<semaphore_mem>>)
      %mul3A_289 = arith.constant 96 : i32
      %mul3A_290 = arith.muli %mul3A_289, %rem3A_141 : i32
      %mul3A_291 = arith.constant 96 : i32
      %mul3A_292 = arith.muli %mul3A_291, %rem3A_141 : i32
      %mul3A_293 = arith.constant 2 : i32
      %mul3A_294 = arith.muli %mul3A_293, %rem3A_141 : i32
      %add3A_295 = arith.constant 1 : i32
      %add3A_296 = arith.addi %mul3A_294, %add3A_295 : i32
      %dma_start3A_297 = tpu.memref_slice %arg11[%mul3A_292] : memref<384xf32, #tpu.memory_space<vmem>> -> memref<96xf32, #tpu.memory_space<vmem>>
      %dma_start3A_298 = tpu.memref_slice %arg9[%mul3A_290] : memref<384xi32, #tpu.memory_space<vmem>> -> memref<96xi32, #tpu.memory_space<vmem>>
      %dma_start3A_299 = arith.constant 0 : i32
      %dma_start3A_300 = tpu.memref_slice %arg2[%dma_start3A_299] : memref<50331648xf32, #tpu.memory_space<hbm>> -> memref<50331648xf32, #tpu.memory_space<hbm>>
      %dma_start3A_301 = tpu.memref_slice %arg13[%add3A_296] : memref<8x!tpu.dma_semaphore, #tpu.memory_space<semaphore_mem>> -> memref<1x!tpu.dma_semaphore, #tpu.memory_space<semaphore_mem>>
      %dma_start3A_302 = tpu.memref_squeeze %dma_start3A_301 : memref<1x!tpu.dma_semaphore, #tpu.memory_space<semaphore_mem>> -> memref<!tpu.dma_semaphore, #tpu.memory_space<semaphore_mem>>
      tpu.enqueue_indirect_dma source(%dma_start3A_300 : memref<50331648xf32, #tpu.memory_space<hbm>>) target(%dma_start3A_297 : memref<96xf32, #tpu.memory_space<vmem>>) offsets(%dma_start3A_298 : memref<96xi32, #tpu.memory_space<vmem>>) semaphore(%dma_start3A_302 : memref<!tpu.dma_semaphore, #tpu.memory_space<semaphore_mem>>)
      %rem3A_303 = arith.constant 409 : i32
      %rem3A_304 = arith.constant 4 : i32
      %rem3A_305 = arith.remsi %rem3A_303, %rem3A_304 : i32
      %mul3A_306 = arith.constant 2048 : i32
      %mul3A_307 = arith.muli %add3A, %mul3A_306 : i32
      %add3A_308 = arith.constant 409 : i32
      %add3A_309 = arith.addi %mul3A_307, %add3A_308 : i32
      %mul3A_310 = arith.constant 2048 : i32
      %mul3A_311 = arith.muli %add3A_309, %mul3A_310 : i32
      %add3A_312 = vector.broadcast %mul3A_311 : i32 to vector<16xi32>
      %add3A_313 = arith.addi %add3A_312, %add3A_25 : vector<16xi32>
      %mul3A_314 = arith.constant 112 : i32
      %mul3A_315 = arith.muli %mul3A_314, %rem3A_305 : i32
      %add3A_316 = arith.constant 0 : i32
      %add3A_317 = arith.addi %mul3A_315, %add3A_316 : i32
      %swap3A_318 = arith.index_cast %add3A_317 : i32 to index
      %swap3A_319 = tpu.vector_load %arg8[%swap3A_318] {strides = array<i32>} : memref<448xi32, #tpu.memory_space<vmem>>, vector<16xi32>,
      %swap3A_320 = vector.shape_cast %swap3A_319 : vector<16xi32> to vector<16xi32>
      %swap3A_321 = vector.shape_cast %add3A_313 : vector<16xi32> to vector<16xi32>
      tpu.vector_store %arg8[%swap3A_318], %swap3A_321 {strides = array<i32>} : memref<448xi32, #tpu.memory_space<vmem>>, vector<16xi32>,
      %add3A_322 = vector.broadcast %mul3A_311 : i32 to vector<16xi32>
      %add3A_323 = arith.addi %add3A_322, %add3A_28 : vector<16xi32>
      %mul3A_324 = arith.constant 112 : i32
      %mul3A_325 = arith.muli %mul3A_324, %rem3A_305 : i32
      %add3A_326 = arith.constant 16 : i32
      %add3A_327 = arith.addi %mul3A_325, %add3A_326 : i32
      %swap3A_328 = arith.index_cast %add3A_327 : i32 to index
      %swap3A_329 = tpu.vector_load %arg8[%swap3A_328] {strides = array<i32>} : memref<448xi32, #tpu.memory_space<vmem>>, vector<16xi32>,
      %swap3A_330 = vector.shape_cast %swap3A_329 : vector<16xi32> to vector<16xi32>
      %swap3A_331 = vector.shape_cast %add3A_323 : vector<16xi32> to vector<16xi32>
      tpu.vector_store %arg8[%swap3A_328], %swap3A_331 {strides = array<i32>} : memref<448xi32, #tpu.memory_space<vmem>>, vector<16xi32>,
      %add3A_332 = vector.broadcast %mul3A_311 : i32 to vector<16xi32>
      %add3A_333 = arith.addi %add3A_332, %add3A_31 : vector<16xi32>
      %mul3A_334 = arith.constant 112 : i32
      %mul3A_335 = arith.muli %mul3A_334, %rem3A_305 : i32
      %add3A_336 = arith.constant 32 : i32
      %add3A_337 = arith.addi %mul3A_335, %add3A_336 : i32
      %swap3A_338 = arith.index_cast %add3A_337 : i32 to index
      %swap3A_339 = tpu.vector_load %arg8[%swap3A_338] {strides = array<i32>} : memref<448xi32, #tpu.memory_space<vmem>>, vector<16xi32>,
      %swap3A_340 = vector.shape_cast %swap3A_339 : vector<16xi32> to vector<16xi32>
      %swap3A_341 = vector.shape_cast %add3A_333 : vector<16xi32> to vector<16xi32>
      tpu.vector_store %arg8[%swap3A_338], %swap3A_341 {strides = array<i32>} : memref<448xi32, #tpu.memory_space<vmem>>, vector<16xi32>,
      %add3A_342 = vector.broadcast %mul3A_311 : i32 to vector<16xi32>
      %add3A_343 = arith.addi %add3A_342, %add3A_34 : vector<16xi32>
      %mul3A_344 = arith.constant 112 : i32
      %mul3A_345 = arith.muli %mul3A_344, %rem3A_305 : i32
      %add3A_346 = arith.constant 48 : i32
      %add3A_347 = arith.addi %mul3A_345, %add3A_346 : i32
      %swap3A_348 = arith.index_cast %add3A_347 : i32 to index
      %swap3A_349 = tpu.vector_load %arg8[%swap3A_348] {strides = array<i32>} : memref<448xi32, #tpu.memory_space<vmem>>, vector<16xi32>,
      %swap3A_350 = vector.shape_cast %swap3A_349 : vector<16xi32> to vector<16xi32>
      %swap3A_351 = vector.shape_cast %add3A_343 : vector<16xi32> to vector<16xi32>
      tpu.vector_store %arg8[%swap3A_348], %swap3A_351 {strides = array<i32>} : memref<448xi32, #tpu.memory_space<vmem>>, vector<16xi32>,
      %add3A_352 = vector.broadcast %mul3A_311 : i32 to vector<16xi32>
      %add3A_353 = arith.addi %add3A_352, %add3A_37 : vector<16xi32>
      %mul3A_354 = arith.constant 112 : i32
      %mul3A_355 = arith.muli %mul3A_354, %rem3A_305 : i32
      %add3A_356 = arith.constant 64 : i32
      %add3A_357 = arith.addi %mul3A_355, %add3A_356 : i32
      %swap3A_358 = arith.index_cast %add3A_357 : i32 to index
      %swap3A_359 = tpu.vector_load %arg8[%swap3A_358] {strides = array<i32>} : memref<448xi32, #tpu.memory_space<vmem>>, vector<16xi32>,
      %swap3A_360 = vector.shape_cast %swap3A_359 : vector<16xi32> to vector<16xi32>
      %swap3A_361 = vector.shape_cast %add3A_353 : vector<16xi32> to vector<16xi32>
      tpu.vector_store %arg8[%swap3A_358], %swap3A_361 {strides = array<i32>} : memref<448xi32, #tpu.memory_space<vmem>>, vector<16xi32>,
      %add3A_362 = vector.broadcast %mul3A_311 : i32 to vector<16xi32>
      %add3A_363 = arith.addi %add3A_362, %add3A_40 : vector<16xi32>
      %mul3A_364 = arith.constant 112 : i32
      %mul3A_365 = arith.muli %mul3A_364, %rem3A_305 : i32
      %add3A_366 = arith.constant 80 : i32
      %add3A_367 = arith.addi %mul3A_365, %add3A_366 : i32
      %swap3A_368 = arith.index_cast %add3A_367 : i32 to index
      %swap3A_369 = tpu.vector_load %arg8[%swap3A_368] {strides = array<i32>} : memref<448xi32, #tpu.memory_space<vmem>>, vector<16xi32>,
      %swap3A_370 = vector.shape_cast %swap3A_369 : vector<16xi32> to vector<16xi32>
      %swap3A_371 = vector.shape_cast %add3A_363 : vector<16xi32> to vector<16xi32>
      tpu.vector_store %arg8[%swap3A_368], %swap3A_371 {strides = array<i32>} : memref<448xi32, #tpu.memory_space<vmem>>, vector<16xi32>,
      %add3A_372 = vector.broadcast %mul3A_311 : i32 to vector<16xi32>
      %add3A_373 = arith.addi %add3A_372, %add3A_43 : vector<16xi32>
      %mul3A_374 = arith.constant 112 : i32
      %mul3A_375 = arith.muli %mul3A_374, %rem3A_305 : i32
      %add3A_376 = arith.constant 96 : i32
      %add3A_377 = arith.addi %mul3A_375, %add3A_376 : i32
      %swap3A_378 = arith.index_cast %add3A_377 : i32 to index
      %swap3A_379 = tpu.vector_load %arg8[%swap3A_378] {strides = array<i32>} : memref<448xi32, #tpu.memory_space<vmem>>, vector<16xi32>,
      %swap3A_380 = vector.shape_cast %swap3A_379 : vector<16xi32> to vector<16xi32>
      %swap3A_381 = vector.shape_cast %add3A_373 : vector<16xi32> to vector<16xi32>
      tpu.vector_store %arg8[%swap3A_378], %swap3A_381 {strides = array<i32>} : memref<448xi32, #tpu.memory_space<vmem>>, vector<16xi32>,
      %add3A_382 = vector.broadcast %mul3A_311 : i32 to vector<16xi32>
      %add3A_383 = arith.addi %add3A_382, %add3A_46 : vector<16xi32>
      %mul3A_384 = arith.constant 96 : i32
      %mul3A_385 = arith.muli %mul3A_384, %rem3A_305 : i32
      %add3A_386 = arith.constant 0 : i32
      %add3A_387 = arith.addi %mul3A_385, %add3A_386 : i32
      %swap3A_388 = arith.index_cast %add3A_387 : i32 to index
      %swap3A_389 = tpu.vector_load %arg9[%swap3A_388] {strides = array<i32>} : memref<384xi32, #tpu.memory_space<vmem>>, vector<16xi32>,
      %swap3A_390 = vector.shape_cast %swap3A_389 : vector<16xi32> to vector<16xi32>
      %swap3A_391 = vector.shape_cast %add3A_383 : vector<16xi32> to vector<16xi32>
      tpu.vector_store %arg9[%swap3A_388], %swap3A_391 {strides = array<i32>} : memref<384xi32, #tpu.memory_space<vmem>>, vector<16xi32>,
      %add3A_392 = vector.broadcast %mul3A_311 : i32 to vector<16xi32>
      %add3A_393 = arith.addi %add3A_392, %add3A_49 : vector<16xi32>
      %mul3A_394 = arith.constant 96 : i32
      %mul3A_395 = arith.muli %mul3A_394, %rem3A_305 : i32
      %add3A_396 = arith.constant 16 : i32
      %add3A_397 = arith.addi %mul3A_395, %add3A_396 : i32
      %swap3A_398 = arith.index_cast %add3A_397 : i32 to index
      %swap3A_399 = tpu.vector_load %arg9[%swap3A_398] {strides = array<i32>} : memref<384xi32, #tpu.memory_space<vmem>>, vector<16xi32>,
      %swap3A_400 = vector.shape_cast %swap3A_399 : vector<16xi32> to vector<16xi32>
      %swap3A_401 = vector.shape_cast %add3A_393 : vector<16xi32> to vector<16xi32>
      tpu.vector_store %arg9[%swap3A_398], %swap3A_401 {strides = array<i32>} : memref<384xi32, #tpu.memory_space<vmem>>, vector<16xi32>,
      %add3A_402 = vector.broadcast %mul3A_311 : i32 to vector<16xi32>
      %add3A_403 = arith.addi %add3A_402, %add3A_52 : vector<16xi32>
      %mul3A_404 = arith.constant 96 : i32
      %mul3A_405 = arith.muli %mul3A_404, %rem3A_305 : i32
      %add3A_406 = arith.constant 32 : i32
      %add3A_407 = arith.addi %mul3A_405, %add3A_406 : i32
      %swap3A_408 = arith.index_cast %add3A_407 : i32 to index
      %swap3A_409 = tpu.vector_load %arg9[%swap3A_408] {strides = array<i32>} : memref<384xi32, #tpu.memory_space<vmem>>, vector<16xi32>,
      %swap3A_410 = vector.shape_cast %swap3A_409 : vector<16xi32> to vector<16xi32>
      %swap3A_411 = vector.shape_cast %add3A_403 : vector<16xi32> to vector<16xi32>
      tpu.vector_store %arg9[%swap3A_408], %swap3A_411 {strides = array<i32>} : memref<384xi32, #tpu.memory_space<vmem>>, vector<16xi32>,
      %add3A_412 = vector.broadcast %mul3A_311 : i32 to vector<16xi32>
      %add3A_413 = arith.addi %add3A_412, %add3A_55 : vector<16xi32>
      %mul3A_414 = arith.constant 96 : i32
      %mul3A_415 = arith.muli %mul3A_414, %rem3A_305 : i32
      %add3A_416 = arith.constant 48 : i32
      %add3A_417 = arith.addi %mul3A_415, %add3A_416 : i32
      %swap3A_418 = arith.index_cast %add3A_417 : i32 to index
      %swap3A_419 = tpu.vector_load %arg9[%swap3A_418] {strides = array<i32>} : memref<384xi32, #tpu.memory_space<vmem>>, vector<16xi32>,
      %swap3A_420 = vector.shape_cast %swap3A_419 : vector<16xi32> to vector<16xi32>
      %swap3A_421 = vector.shape_cast %add3A_413 : vector<16xi32> to vector<16xi32>
      tpu.vector_store %arg9[%swap3A_418], %swap3A_421 {strides = array<i32>} : memref<384xi32, #tpu.memory_space<vmem>>, vector<16xi32>,
      %add3A_422 = vector.broadcast %mul3A_311 : i32 to vector<16xi32>
      %add3A_423 = arith.addi %add3A_422, %add3A_58 : vector<16xi32>
      %mul3A_424 = arith.constant 96 : i32
      %mul3A_425 = arith.muli %mul3A_424, %rem3A_305 : i32
      %add3A_426 = arith.constant 64 : i32
      %add3A_427 = arith.addi %mul3A_425, %add3A_426 : i32
      %swap3A_428 = arith.index_cast %add3A_427 : i32 to index
      %swap3A_429 = tpu.vector_load %arg9[%swap3A_428] {strides = array<i32>} : memref<384xi32, #tpu.memory_space<vmem>>, vector<16xi32>,
      %swap3A_430 = vector.shape_cast %swap3A_429 : vector<16xi32> to vector<16xi32>
      %swap3A_431 = vector.shape_cast %add3A_423 : vector<16xi32> to vector<16xi32>
      tpu.vector_store %arg9[%swap3A_428], %swap3A_431 {strides = array<i32>} : memref<384xi32, #tpu.memory_space<vmem>>, vector<16xi32>,
      %add3A_432 = vector.broadcast %mul3A_311 : i32 to vector<16xi32>
      %add3A_433 = arith.addi %add3A_432, %add3A_61 : vector<16xi32>
      %mul3A_434 = arith.constant 96 : i32
      %mul3A_435 = arith.muli %mul3A_434, %rem3A_305 : i32
      %add3A_436 = arith.constant 80 : i32
      %add3A_437 = arith.addi %mul3A_435, %add3A_436 : i32
      %swap3A_438 = arith.index_cast %add3A_437 : i32 to index
      %swap3A_439 = tpu.vector_load %arg9[%swap3A_438] {strides = array<i32>} : memref<384xi32, #tpu.memory_space<vmem>>, vector<16xi32>,
      %swap3A_440 = vector.shape_cast %swap3A_439 : vector<16xi32> to vector<16xi32>
      %swap3A_441 = vector.shape_cast %add3A_433 : vector<16xi32> to vector<16xi32>
      tpu.vector_store %arg9[%swap3A_438], %swap3A_441 {strides = array<i32>} : memref<384xi32, #tpu.memory_space<vmem>>, vector<16xi32>,
      %mul3A_442 = arith.constant 112 : i32
      %mul3A_443 = arith.muli %mul3A_442, %rem3A_305 : i32
      %mul3A_444 = arith.constant 112 : i32
      %mul3A_445 = arith.muli %mul3A_444, %rem3A_305 : i32
      %mul3A_446 = arith.constant 2 : i32
      %mul3A_447 = arith.muli %mul3A_446, %rem3A_305 : i32
      %dma_start3A_448 = tpu.memref_slice %arg10[%mul3A_445] : memref<448xf32, #tpu.memory_space<vmem>> -> memref<112xf32, #tpu.memory_space<vmem>>
      %dma_start3A_449 = tpu.memref_slice %arg8[%mul3A_443] : memref<448xi32, #tpu.memory_space<vmem>> -> memref<112xi32, #tpu.memory_space<vmem>>
      %dma_start3A_450 = arith.constant 0 : i32
      %dma_start3A_451 = tpu.memref_slice %arg2[%dma_start3A_450] : memref<50331648xf32, #tpu.memory_space<hbm>> -> memref<50331648xf32, #tpu.memory_space<hbm>>
      %dma_start3A_452 = tpu.memref_slice %arg13[%mul3A_447] : memref<8x!tpu.dma_semaphore, #tpu.memory_space<semaphore_mem>> -> memref<1x!tpu.dma_semaphore, #tpu.memory_space<semaphore_mem>>
      %dma_start3A_453 = tpu.memref_squeeze %dma_start3A_452 : memref<1x!tpu.dma_semaphore, #tpu.memory_space<semaphore_mem>> -> memref<!tpu.dma_semaphore, #tpu.memory_space<semaphore_mem>>
      tpu.enqueue_indirect_dma source(%dma_start3A_451 : memref<50331648xf32, #tpu.memory_space<hbm>>) target(%dma_start3A_448 : memref<112xf32, #tpu.memory_space<vmem>>) offsets(%dma_start3A_449 : memref<112xi32, #tpu.memory_space<vmem>>) semaphore(%dma_start3A_453 : memref<!tpu.dma_semaphore, #tpu.memory_space<semaphore_mem>>)
      %mul3A_454 = arith.constant 96 : i32
      %mul3A_455 = arith.muli %mul3A_454, %rem3A_305 : i32
      %mul3A_456 = arith.constant 96 : i32
      %mul3A_457 = arith.muli %mul3A_456, %rem3A_305 : i32
      %mul3A_458 = arith.constant 2 : i32
      %mul3A_459 = arith.muli %mul3A_458, %rem3A_305 : i32
      %add3A_460 = arith.constant 1 : i32
      %add3A_461 = arith.addi %mul3A_459, %add3A_460 : i32
      %dma_start3A_462 = tpu.memref_slice %arg11[%mul3A_457] : memref<384xf32, #tpu.memory_space<vmem>> -> memref<96xf32, #tpu.memory_space<vmem>>
      %dma_start3A_463 = tpu.memref_slice %arg9[%mul3A_455] : memref<384xi32, #tpu.memory_space<vmem>> -> memref<96xi32, #tpu.memory_space<vmem>>
      %dma_start3A_464 = arith.constant 0 : i32
      %dma_start3A_465 = tpu.memref_slice %arg2[%dma_start3A_464] : memref<50331648xf32, #tpu.memory_space<hbm>> -> memref<50331648xf32, #tpu.memory_space<hbm>>
      %dma_start3A_466 = tpu.memref_slice %arg13[%add3A_461] : memref<8x!tpu.dma_semaphore, #tpu.memory_space<semaphore_mem>> -> memref<1x!tpu.dma_semaphore, #tpu.memory_space<semaphore_mem>>
      %dma_start3A_467 = tpu.memref_squeeze %dma_start3A_466 : memref<1x!tpu.dma_semaphore, #tpu.memory_space<semaphore_mem>> -> memref<!tpu.dma_semaphore, #tpu.memory_space<semaphore_mem>>
      tpu.enqueue_indirect_dma source(%dma_start3A_465 : memref<50331648xf32, #tpu.memory_space<hbm>>) target(%dma_start3A_462 : memref<96xf32, #tpu.memory_space<vmem>>) offsets(%dma_start3A_463 : memref<96xi32, #tpu.memory_space<vmem>>) semaphore(%dma_start3A_467 : memref<!tpu.dma_semaphore, #tpu.memory_space<semaphore_mem>>)
      %rem3A_468 = arith.constant 410 : i32
      %rem3A_469 = arith.constant 4 : i32
      %rem3A_470 = arith.remsi %rem3A_468, %rem3A_469 : i32
      %mul3A_471 = arith.constant 2048 : i32
      %mul3A_472 = arith.muli %add3A, %mul3A_471 : i32
      %add3A_473 = arith.constant 410 : i32
      %add3A_474 = arith.addi %mul3A_472, %add3A_473 : i32
      %mul3A_475 = arith.constant 2048 : i32
      %mul3A_476 = arith.muli %add3A_474, %mul3A_475 : i32
      %add3A_477 = vector.broadcast %mul3A_476 : i32 to vector<16xi32>
      %add3A_478 = arith.addi %add3A_477, %add3A_25 : vector<16xi32>
      %mul3A_479 = arith.constant 112 : i32
      %mul3A_480 = arith.muli %mul3A_479, %rem3A_470 : i32
      %add3A_481 = arith.constant 0 : i32
      %add3A_482 = arith.addi %mul3A_480, %add3A_481 : i32
      %swap3A_483 = arith.index_cast %add3A_482 : i32 to index
      %swap3A_484 = tpu.vector_load %arg8[%swap3A_483] {strides = array<i32>} : memref<448xi32, #tpu.memory_space<vmem>>, vector<16xi32>,
      %swap3A_485 = vector.shape_cast %swap3A_484 : vector<16xi32> to vector<16xi32>
      %swap3A_486 = vector.shape_cast %add3A_478 : vector<16xi32> to vector<16xi32>
      tpu.vector_store %arg8[%swap3A_483], %swap3A_486 {strides = array<i32>} : memref<448xi32, #tpu.memory_space<vmem>>, vector<16xi32>,
      %add3A_487 = vector.broadcast %mul3A_476 : i32 to vector<16xi32>
      %add3A_488 = arith.addi %add3A_487, %add3A_28 : vector<16xi32>
      %mul3A_489 = arith.constant 112 : i32
      %mul3A_490 = arith.muli %mul3A_489, %rem3A_470 : i32
      %add3A_491 = arith.constant 16 : i32
      %add3A_492 = arith.addi %mul3A_490, %add3A_491 : i32
      %swap3A_493 = arith.index_cast %add3A_492 : i32 to index
      %swap3A_494 = tpu.vector_load %arg8[%swap3A_493] {strides = array<i32>} : memref<448xi32, #tpu.memory_space<vmem>>, vector<16xi32>,
      %swap3A_495 = vector.shape_cast %swap3A_494 : vector<16xi32> to vector<16xi32>
      %swap3A_496 = vector.shape_cast %add3A_488 : vector<16xi32> to vector<16xi32>
      tpu.vector_store %arg8[%swap3A_493], %swap3A_496 {strides = array<i32>} : memref<448xi32, #tpu.memory_space<vmem>>, vector<16xi32>,
      %add3A_497 = vector.broadcast %mul3A_476 : i32 to vector<16xi32>
      %add3A_498 = arith.addi %add3A_497, %add3A_31 : vector<16xi32>
      %mul3A_499 = arith.constant 112 : i32
      %mul3A_500 = arith.muli %mul3A_499, %rem3A_470 : i32
      %add3A_501 = arith.constant 32 : i32
      %add3A_502 = arith.addi %mul3A_500, %add3A_501 : i32
      %swap3A_503 = arith.index_cast %add3A_502 : i32 to index
      %swap3A_504 = tpu.vector_load %arg8[%swap3A_503] {strides = array<i32>} : memref<448xi32, #tpu.memory_space<vmem>>, vector<16xi32>,
      %swap3A_505 = vector.shape_cast %swap3A_504 : vector<16xi32> to vector<16xi32>
      %swap3A_506 = vector.shape_cast %add3A_498 : vector<16xi32> to vector<16xi32>
      tpu.vector_store %arg8[%swap3A_503], %swap3A_506 {strides = array<i32>} : memref<448xi32, #tpu.memory_space<vmem>>, vector<16xi32>,
      %add3A_507 = vector.broadcast %mul3A_476 : i32 to vector<16xi32>
      %add3A_508 = arith.addi %add3A_507, %add3A_34 : vector<16xi32>
      %mul3A_509 = arith.constant 112 : i32
      %mul3A_510 = arith.muli %mul3A_509, %rem3A_470 : i32
      %add3A_511 = arith.constant 48 : i32
      %add3A_512 = arith.addi %mul3A_510, %add3A_511 : i32
      %swap3A_513 = arith.index_cast %add3A_512 : i32 to index
      %swap3A_514 = tpu.vector_load %arg8[%swap3A_513] {strides = array<i32>} : memref<448xi32, #tpu.memory_space<vmem>>, vector<16xi32>,
      %swap3A_515 = vector.shape_cast %swap3A_514 : vector<16xi32> to vector<16xi32>
      %swap3A_516 = vector.shape_cast %add3A_508 : vector<16xi32> to vector<16xi32>
      tpu.vector_store %arg8[%swap3A_513], %swap3A_516 {strides = array<i32>} : memref<448xi32, #tpu.memory_space<vmem>>, vector<16xi32>,
      %add3A_517 = vector.broadcast %mul3A_476 : i32 to vector<16xi32>
      %add3A_518 = arith.addi %add3A_517, %add3A_37 : vector<16xi32>
      %mul3A_519 = arith.constant 112 : i32
      %mul3A_520 = arith.muli %mul3A_519, %rem3A_470 : i32
      %add3A_521 = arith.constant 64 : i32
      %add3A_522 = arith.addi %mul3A_520, %add3A_521 : i32
      %swap3A_523 = arith.index_cast %add3A_522 : i32 to index
      %swap3A_524 = tpu.vector_load %arg8[%swap3A_523] {strides = array<i32>} : memref<448xi32, #tpu.memory_space<vmem>>, vector<16xi32>,
      %swap3A_525 = vector.shape_cast %swap3A_524 : vector<16xi32> to vector<16xi32>
      %swap3A_526 = vector.shape_cast %add3A_518 : vector<16xi32> to vector<16xi32>
      tpu.vector_store %arg8[%swap3A_523], %swap3A_526 {strides = array<i32>} : memref<448xi32, #tpu.memory_space<vmem>>, vector<16xi32>,
      %add3A_527 = vector.broadcast %mul3A_476 : i32 to vector<16xi32>
      %add3A_528 = arith.addi %add3A_527, %add3A_40 : vector<16xi32>
      %mul3A_529 = arith.constant 112 : i32
      %mul3A_530 = arith.muli %mul3A_529, %rem3A_470 : i32
      %add3A_531 = arith.constant 80 : i32
      %add3A_532 = arith.addi %mul3A_530, %add3A_531 : i32
      %swap3A_533 = arith.index_cast %add3A_532 : i32 to index
      %swap3A_534 = tpu.vector_load %arg8[%swap3A_533] {strides = array<i32>} : memref<448xi32, #tpu.memory_space<vmem>>, vector<16xi32>,
      %swap3A_535 = vector.shape_cast %swap3A_534 : vector<16xi32> to vector<16xi32>
      %swap3A_536 = vector.shape_cast %add3A_528 : vector<16xi32> to vector<16xi32>
      tpu.vector_store %arg8[%swap3A_533], %swap3A_536 {strides = array<i32>} : memref<448xi32, #tpu.memory_space<vmem>>, vector<16xi32>,
      %add3A_537 = vector.broadcast %mul3A_476 : i32 to vector<16xi32>
      %add3A_538 = arith.addi %add3A_537, %add3A_43 : vector<16xi32>
      %mul3A_539 = arith.constant 112 : i32
      %mul3A_540 = arith.muli %mul3A_539, %rem3A_470 : i32
      %add3A_541 = arith.constant 96 : i32
      %add3A_542 = arith.addi %mul3A_540, %add3A_541 : i32
      %swap3A_543 = arith.index_cast %add3A_542 : i32 to index
      %swap3A_544 = tpu.vector_load %arg8[%swap3A_543] {strides = array<i32>} : memref<448xi32, #tpu.memory_space<vmem>>, vector<16xi32>,
      %swap3A_545 = vector.shape_cast %swap3A_544 : vector<16xi32> to vector<16xi32>
      %swap3A_546 = vector.shape_cast %add3A_538 : vector<16xi32> to vector<16xi32>
      tpu.vector_store %arg8[%swap3A_543], %swap3A_546 {strides = array<i32>} : memref<448xi32, #tpu.memory_space<vmem>>, vector<16xi32>,
      %add3A_547 = vector.broadcast %mul3A_476 : i32 to vector<16xi32>
      %add3A_548 = arith.addi %add3A_547, %add3A_46 : vector<16xi32>
      %mul3A_549 = arith.constant 96 : i32
      %mul3A_550 = arith.muli %mul3A_549, %rem3A_470 : i32
      %add3A_551 = arith.constant 0 : i32
      %add3A_552 = arith.addi %mul3A_550, %add3A_551 : i32
      %swap3A_553 = arith.index_cast %add3A_552 : i32 to index
      %swap3A_554 = tpu.vector_load %arg9[%swap3A_553] {strides = array<i32>} : memref<384xi32, #tpu.memory_space<vmem>>, vector<16xi32>,
      %swap3A_555 = vector.shape_cast %swap3A_554 : vector<16xi32> to vector<16xi32>
      %swap3A_556 = vector.shape_cast %add3A_548 : vector<16xi32> to vector<16xi32>
      tpu.vector_store %arg9[%swap3A_553], %swap3A_556 {strides = array<i32>} : memref<384xi32, #tpu.memory_space<vmem>>, vector<16xi32>,
      %add3A_557 = vector.broadcast %mul3A_476 : i32 to vector<16xi32>
      %add3A_558 = arith.addi %add3A_557, %add3A_49 : vector<16xi32>
      %mul3A_559 = arith.constant 96 : i32
      %mul3A_560 = arith.muli %mul3A_559, %rem3A_470 : i32
      %add3A_561 = arith.constant 16 : i32
      %add3A_562 = arith.addi %mul3A_560, %add3A_561 : i32
      %swap3A_563 = arith.index_cast %add3A_562 : i32 to index
      %swap3A_564 = tpu.vector_load %arg9[%swap3A_563] {strides = array<i32>} : memref<384xi32, #tpu.memory_space<vmem>>, vector<16xi32>,
      %swap3A_565 = vector.shape_cast %swap3A_564 : vector<16xi32> to vector<16xi32>
      %swap3A_566 = vector.shape_cast %add3A_558 : vector<16xi32> to vector<16xi32>
      tpu.vector_store %arg9[%swap3A_563], %swap3A_566 {strides = array<i32>} : memref<384xi32, #tpu.memory_space<vmem>>, vector<16xi32>,
      %add3A_567 = vector.broadcast %mul3A_476 : i32 to vector<16xi32>
      %add3A_568 = arith.addi %add3A_567, %add3A_52 : vector<16xi32>
      %mul3A_569 = arith.constant 96 : i32
      %mul3A_570 = arith.muli %mul3A_569, %rem3A_470 : i32
      %add3A_571 = arith.constant 32 : i32
      %add3A_572 = arith.addi %mul3A_570, %add3A_571 : i32
      %swap3A_573 = arith.index_cast %add3A_572 : i32 to index
      %swap3A_574 = tpu.vector_load %arg9[%swap3A_573] {strides = array<i32>} : memref<384xi32, #tpu.memory_space<vmem>>, vector<16xi32>,
      %swap3A_575 = vector.shape_cast %swap3A_574 : vector<16xi32> to vector<16xi32>
      %swap3A_576 = vector.shape_cast %add3A_568 : vector<16xi32> to vector<16xi32>
      tpu.vector_store %arg9[%swap3A_573], %swap3A_576 {strides = array<i32>} : memref<384xi32, #tpu.memory_space<vmem>>, vector<16xi32>,
      %add3A_577 = vector.broadcast %mul3A_476 : i32 to vector<16xi32>
      %add3A_578 = arith.addi %add3A_577, %add3A_55 : vector<16xi32>
      %mul3A_579 = arith.constant 96 : i32
      %mul3A_580 = arith.muli %mul3A_579, %rem3A_470 : i32
      %add3A_581 = arith.constant 48 : i32
      %add3A_582 = arith.addi %mul3A_580, %add3A_581 : i32
      %swap3A_583 = arith.index_cast %add3A_582 : i32 to index
      %swap3A_584 = tpu.vector_load %arg9[%swap3A_583] {strides = array<i32>} : memref<384xi32, #tpu.memory_space<vmem>>, vector<16xi32>,
      %swap3A_585 = vector.shape_cast %swap3A_584 : vector<16xi32> to vector<16xi32>
      %swap3A_586 = vector.shape_cast %add3A_578 : vector<16xi32> to vector<16xi32>
      tpu.vector_store %arg9[%swap3A_583], %swap3A_586 {strides = array<i32>} : memref<384xi32, #tpu.memory_space<vmem>>, vector<16xi32>,
      %add3A_587 = vector.broadcast %mul3A_476 : i32 to vector<16xi32>
      %add3A_588 = arith.addi %add3A_587, %add3A_58 : vector<16xi32>
      %mul3A_589 = arith.constant 96 : i32
      %mul3A_590 = arith.muli %mul3A_589, %rem3A_470 : i32
      %add3A_591 = arith.constant 64 : i32
      %add3A_592 = arith.addi %mul3A_590, %add3A_591 : i32
      %swap3A_593 = arith.index_cast %add3A_592 : i32 to index
      %swap3A_594 = tpu.vector_load %arg9[%swap3A_593] {strides = array<i32>} : memref<384xi32, #tpu.memory_space<vmem>>, vector<16xi32>,
      %swap3A_595 = vector.shape_cast %swap3A_594 : vector<16xi32> to vector<16xi32>
      %swap3A_596 = vector.shape_cast %add3A_588 : vector<16xi32> to vector<16xi32>
      tpu.vector_store %arg9[%swap3A_593], %swap3A_596 {strides = array<i32>} : memref<384xi32, #tpu.memory_space<vmem>>, vector<16xi32>,
      %add3A_597 = vector.broadcast %mul3A_476 : i32 to vector<16xi32>
      %add3A_598 = arith.addi %add3A_597, %add3A_61 : vector<16xi32>
      %mul3A_599 = arith.constant 96 : i32
      %mul3A_600 = arith.muli %mul3A_599, %rem3A_470 : i32
      %add3A_601 = arith.constant 80 : i32
      %add3A_602 = arith.addi %mul3A_600, %add3A_601 : i32
      %swap3A_603 = arith.index_cast %add3A_602 : i32 to index
      %swap3A_604 = tpu.vector_load %arg9[%swap3A_603] {strides = array<i32>} : memref<384xi32, #tpu.memory_space<vmem>>, vector<16xi32>,
      %swap3A_605 = vector.shape_cast %swap3A_604 : vector<16xi32> to vector<16xi32>
      %swap3A_606 = vector.shape_cast %add3A_598 : vector<16xi32> to vector<16xi32>
      tpu.vector_store %arg9[%swap3A_603], %swap3A_606 {strides = array<i32>} : memref<384xi32, #tpu.memory_space<vmem>>, vector<16xi32>,
      %mul3A_607 = arith.constant 112 : i32
      %mul3A_608 = arith.muli %mul3A_607, %rem3A_470 : i32
      %mul3A_609 = arith.constant 112 : i32
      %mul3A_610 = arith.muli %mul3A_609, %rem3A_470 : i32
      %mul3A_611 = arith.constant 2 : i32
      %mul3A_612 = arith.muli %mul3A_611, %rem3A_470 : i32
      %dma_start3A_613 = tpu.memref_slice %arg10[%mul3A_610] : memref<448xf32, #tpu.memory_space<vmem>> -> memref<112xf32, #tpu.memory_space<vmem>>
      %dma_start3A_614 = tpu.memref_slice %arg8[%mul3A_608] : memref<448xi32, #tpu.memory_space<vmem>> -> memref<112xi32, #tpu.memory_space<vmem>>
      %dma_start3A_615 = arith.constant 0 : i32
      %dma_start3A_616 = tpu.memref_slice %arg2[%dma_start3A_615] : memref<50331648xf32, #tpu.memory_space<hbm>> -> memref<50331648xf32, #tpu.memory_space<hbm>>
      %dma_start3A_617 = tpu.memref_slice %arg13[%mul3A_612] : memref<8x!tpu.dma_semaphore, #tpu.memory_space<semaphore_mem>> -> memref<1x!tpu.dma_semaphore, #tpu.memory_space<semaphore_mem>>
      %dma_start3A_618 = tpu.memref_squeeze %dma_start3A_617 : memref<1x!tpu.dma_semaphore, #tpu.memory_space<semaphore_mem>> -> memref<!tpu.dma_semaphore, #tpu.memory_space<semaphore_mem>>
      tpu.enqueue_indirect_dma source(%dma_start3A_616 : memref<50331648xf32, #tpu.memory_space<hbm>>) target(%dma_start3A_613 : memref<112xf32, #tpu.memory_space<vmem>>) offsets(%dma_start3A_614 : memref<112xi32, #tpu.memory_space<vmem>>) semaphore(%dma_start3A_618 : memref<!tpu.dma_semaphore, #tpu.memory_space<semaphore_mem>>)
      %mul3A_619 = arith.constant 96 : i32
      %mul3A_620 = arith.muli %mul3A_619, %rem3A_470 : i32
      %mul3A_621 = arith.constant 96 : i32
      %mul3A_622 = arith.muli %mul3A_621, %rem3A_470 : i32
      %mul3A_623 = arith.constant 2 : i32
      %mul3A_624 = arith.muli %mul3A_623, %rem3A_470 : i32
      %add3A_625 = arith.constant 1 : i32
      %add3A_626 = arith.addi %mul3A_624, %add3A_625 : i32
      %dma_start3A_627 = tpu.memref_slice %arg11[%mul3A_622] : memref<384xf32, #tpu.memory_space<vmem>> -> memref<96xf32, #tpu.memory_space<vmem>>
      %dma_start3A_628 = tpu.memref_slice %arg9[%mul3A_620] : memref<384xi32, #tpu.memory_space<vmem>> -> memref<96xi32, #tpu.memory_space<vmem>>
      %dma_start3A_629 = arith.constant 0 : i32
      %dma_start3A_630 = tpu.memref_slice %arg2[%dma_start3A_629] : memref<50331648xf32, #tpu.memory_space<hbm>> -> memref<50331648xf32, #tpu.memory_space<hbm>>
      %dma_start3A_631 = tpu.memref_slice %arg13[%add3A_626] : memref<8x!tpu.dma_semaphore, #tpu.memory_space<semaphore_mem>> -> memref<1x!tpu.dma_semaphore, #tpu.memory_space<semaphore_mem>>
      %dma_start3A_632 = tpu.memref_squeeze %dma_start3A_631 : memref<1x!tpu.dma_semaphore, #tpu.memory_space<semaphore_mem>> -> memref<!tpu.dma_semaphore, #tpu.memory_space<semaphore_mem>>
      tpu.enqueue_indirect_dma source(%dma_start3A_630 : memref<50331648xf32, #tpu.memory_space<hbm>>) target(%dma_start3A_627 : memref<96xf32, #tpu.memory_space<vmem>>) offsets(%dma_start3A_628 : memref<96xi32, #tpu.memory_space<vmem>>) semaphore(%dma_start3A_632 : memref<!tpu.dma_semaphore, #tpu.memory_space<semaphore_mem>>)
      %rem3A_633 = arith.constant 411 : i32
      %rem3A_634 = arith.constant 4 : i32
      %rem3A_635 = arith.remsi %rem3A_633, %rem3A_634 : i32
      %mul3A_636 = arith.constant 2048 : i32
      %mul3A_637 = arith.muli %add3A, %mul3A_636 : i32
      %add3A_638 = arith.constant 411 : i32
      %add3A_639 = arith.addi %mul3A_637, %add3A_638 : i32
      %mul3A_640 = arith.constant 2048 : i32
      %mul3A_641 = arith.muli %add3A_639, %mul3A_640 : i32
      %add3A_642 = vector.broadcast %mul3A_641 : i32 to vector<16xi32>
      %add3A_643 = arith.addi %add3A_642, %add3A_25 : vector<16xi32>
      %mul3A_644 = arith.constant 112 : i32
      %mul3A_645 = arith.muli %mul3A_644, %rem3A_635 : i32
      %add3A_646 = arith.constant 0 : i32
      %add3A_647 = arith.addi %mul3A_645, %add3A_646 : i32
      %swap3A_648 = arith.index_cast %add3A_647 : i32 to index
      %swap3A_649 = tpu.vector_load %arg8[%swap3A_648] {strides = array<i32>} : memref<448xi32, #tpu.memory_space<vmem>>, vector<16xi32>,
      %swap3A_650 = vector.shape_cast %swap3A_649 : vector<16xi32> to vector<16xi32>
      %swap3A_651 = vector.shape_cast %add3A_643 : vector<16xi32> to vector<16xi32>
      tpu.vector_store %arg8[%swap3A_648], %swap3A_651 {strides = array<i32>} : memref<448xi32, #tpu.memory_space<vmem>>, vector<16xi32>,
      %add3A_652 = vector.broadcast %mul3A_641 : i32 to vector<16xi32>
      %add3A_653 = arith.addi %add3A_652, %add3A_28 : vector<16xi32>
      %mul3A_654 = arith.constant 112 : i32
      %mul3A_655 = arith.muli %mul3A_654, %rem3A_635 : i32
      %add3A_656 = arith.constant 16 : i32
      %add3A_657 = arith.addi %mul3A_655, %add3A_656 : i32
      %swap3A_658 = arith.index_cast %add3A_657 : i32 to index
      %swap3A_659 = tpu.vector_load %arg8[%swap3A_658] {strides = array<i32>} : memref<448xi32, #tpu.memory_space<vmem>>, vector<16xi32>,
      %swap3A_660 = vector.shape_cast %swap3A_659 : vector<16xi32> to vector<16xi32>
      %swap3A_661 = vector.shape_cast %add3A_653 : vector<16xi32> to vector<16xi32>
      tpu.vector_store %arg8[%swap3A_658], %swap3A_661 {strides = array<i32>} : memref<448xi32, #tpu.memory_space<vmem>>, vector<16xi32>,
      %add3A_662 = vector.broadcast %mul3A_641 : i32 to vector<16xi32>
      %add3A_663 = arith.addi %add3A_662, %add3A_31 : vector<16xi32>
      %mul3A_664 = arith.constant 112 : i32
      %mul3A_665 = arith.muli %mul3A_664, %rem3A_635 : i32
      %add3A_666 = arith.constant 32 : i32
      %add3A_667 = arith.addi %mul3A_665, %add3A_666 : i32
      %swap3A_668 = arith.index_cast %add3A_667 : i32 to index
      %swap3A_669 = tpu.vector_load %arg8[%swap3A_668] {strides = array<i32>} : memref<448xi32, #tpu.memory_space<vmem>>, vector<16xi32>,
      %swap3A_670 = vector.shape_cast %swap3A_669 : vector<16xi32> to vector<16xi32>
      %swap3A_671 = vector.shape_cast %add3A_663 : vector<16xi32> to vector<16xi32>
      tpu.vector_store %arg8[%swap3A_668], %swap3A_671 {strides = array<i32>} : memref<448xi32, #tpu.memory_space<vmem>>, vector<16xi32>,
      %add3A_672 = vector.broadcast %mul3A_641 : i32 to vector<16xi32>
      %add3A_673 = arith.addi %add3A_672, %add3A_34 : vector<16xi32>
      %mul3A_674 = arith.constant 112 : i32
      %mul3A_675 = arith.muli %mul3A_674, %rem3A_635 : i32
      %add3A_676 = arith.constant 48 : i32
      %add3A_677 = arith.addi %mul3A_675, %add3A_676 : i32
      %swap3A_678 = arith.index_cast %add3A_677 : i32 to index
      %swap3A_679 = tpu.vector_load %arg8[%swap3A_678] {strides = array<i32>} : memref<448xi32, #tpu.memory_space<vmem>>, vector<16xi32>,
      %swap3A_680 = vector.shape_cast %swap3A_679 : vector<16xi32> to vector<16xi32>
      %swap3A_681 = vector.shape_cast %add3A_673 : vector<16xi32> to vector<16xi32>
      tpu.vector_store %arg8[%swap3A_678], %swap3A_681 {strides = array<i32>} : memref<448xi32, #tpu.memory_space<vmem>>, vector<16xi32>,
      %add3A_682 = vector.broadcast %mul3A_641 : i32 to vector<16xi32>
      %add3A_683 = arith.addi %add3A_682, %add3A_37 : vector<16xi32>
      %mul3A_684 = arith.constant 112 : i32
      %mul3A_685 = arith.muli %mul3A_684, %rem3A_635 : i32
      %add3A_686 = arith.constant 64 : i32
      %add3A_687 = arith.addi %mul3A_685, %add3A_686 : i32
      %swap3A_688 = arith.index_cast %add3A_687 : i32 to index
      %swap3A_689 = tpu.vector_load %arg8[%swap3A_688] {strides = array<i32>} : memref<448xi32, #tpu.memory_space<vmem>>, vector<16xi32>,
      %swap3A_690 = vector.shape_cast %swap3A_689 : vector<16xi32> to vector<16xi32>
      %swap3A_691 = vector.shape_cast %add3A_683 : vector<16xi32> to vector<16xi32>
      tpu.vector_store %arg8[%swap3A_688], %swap3A_691 {strides = array<i32>} : memref<448xi32, #tpu.memory_space<vmem>>, vector<16xi32>,
      %add3A_692 = vector.broadcast %mul3A_641 : i32 to vector<16xi32>
      %add3A_693 = arith.addi %add3A_692, %add3A_40 : vector<16xi32>
      %mul3A_694 = arith.constant 112 : i32
      %mul3A_695 = arith.muli %mul3A_694, %rem3A_635 : i32
      %add3A_696 = arith.constant 80 : i32
      %add3A_697 = arith.addi %mul3A_695, %add3A_696 : i32
      %swap3A_698 = arith.index_cast %add3A_697 : i32 to index
      %swap3A_699 = tpu.vector_load %arg8[%swap3A_698] {strides = array<i32>} : memref<448xi32, #tpu.memory_space<vmem>>, vector<16xi32>,
      %swap3A_700 = vector.shape_cast %swap3A_699 : vector<16xi32> to vector<16xi32>
      %swap3A_701 = vector.shape_cast %add3A_693 : vector<16xi32> to vector<16xi32>
      tpu.vector_store %arg8[%swap3A_698], %swap3A_701 {strides = array<i32>} : memref<448xi32, #tpu.memory_space<vmem>>, vector<16xi32>,
      %add3A_702 = vector.broadcast %mul3A_641 : i32 to vector<16xi32>
      %add3A_703 = arith.addi %add3A_702, %add3A_43 : vector<16xi32>
      %mul3A_704 = arith.constant 112 : i32
      %mul3A_705 = arith.muli %mul3A_704, %rem3A_635 : i32
      %add3A_706 = arith.constant 96 : i32
      %add3A_707 = arith.addi %mul3A_705, %add3A_706 : i32
      %swap3A_708 = arith.index_cast %add3A_707 : i32 to index
      %swap3A_709 = tpu.vector_load %arg8[%swap3A_708] {strides = array<i32>} : memref<448xi32, #tpu.memory_space<vmem>>, vector<16xi32>,
      %swap3A_710 = vector.shape_cast %swap3A_709 : vector<16xi32> to vector<16xi32>
      %swap3A_711 = vector.shape_cast %add3A_703 : vector<16xi32> to vector<16xi32>
      tpu.vector_store %arg8[%swap3A_708], %swap3A_711 {strides = array<i32>} : memref<448xi32, #tpu.memory_space<vmem>>, vector<16xi32>,
      %add3A_712 = vector.broadcast %mul3A_641 : i32 to vector<16xi32>
      %add3A_713 = arith.addi %add3A_712, %add3A_46 : vector<16xi32>
      %mul3A_714 = arith.constant 96 : i32
      %mul3A_715 = arith.muli %mul3A_714, %rem3A_635 : i32
      %add3A_716 = arith.constant 0 : i32
      %add3A_717 = arith.addi %mul3A_715, %add3A_716 : i32
      %swap3A_718 = arith.index_cast %add3A_717 : i32 to index
      %swap3A_719 = tpu.vector_load %arg9[%swap3A_718] {strides = array<i32>} : memref<384xi32, #tpu.memory_space<vmem>>, vector<16xi32>,
      %swap3A_720 = vector.shape_cast %swap3A_719 : vector<16xi32> to vector<16xi32>
      %swap3A_721 = vector.shape_cast %add3A_713 : vector<16xi32> to vector<16xi32>
      tpu.vector_store %arg9[%swap3A_718], %swap3A_721 {strides = array<i32>} : memref<384xi32, #tpu.memory_space<vmem>>, vector<16xi32>,
      %add3A_722 = vector.broadcast %mul3A_641 : i32 to vector<16xi32>
      %add3A_723 = arith.addi %add3A_722, %add3A_49 : vector<16xi32>
      %mul3A_724 = arith.constant 96 : i32
      %mul3A_725 = arith.muli %mul3A_724, %rem3A_635 : i32
      %add3A_726 = arith.constant 16 : i32
      %add3A_727 = arith.addi %mul3A_725, %add3A_726 : i32
      %swap3A_728 = arith.index_cast %add3A_727 : i32 to index
      %swap3A_729 = tpu.vector_load %arg9[%swap3A_728] {strides = array<i32>} : memref<384xi32, #tpu.memory_space<vmem>>, vector<16xi32>,
      %swap3A_730 = vector.shape_cast %swap3A_729 : vector<16xi32> to vector<16xi32>
      %swap3A_731 = vector.shape_cast %add3A_723 : vector<16xi32> to vector<16xi32>
      tpu.vector_store %arg9[%swap3A_728], %swap3A_731 {strides = array<i32>} : memref<384xi32, #tpu.memory_space<vmem>>, vector<16xi32>,
      %add3A_732 = vector.broadcast %mul3A_641 : i32 to vector<16xi32>
      %add3A_733 = arith.addi %add3A_732, %add3A_52 : vector<16xi32>
      %mul3A_734 = arith.constant 96 : i32
      %mul3A_735 = arith.muli %mul3A_734, %rem3A_635 : i32
      %add3A_736 = arith.constant 32 : i32
      %add3A_737 = arith.addi %mul3A_735, %add3A_736 : i32
      %swap3A_738 = arith.index_cast %add3A_737 : i32 to index
      %swap3A_739 = tpu.vector_load %arg9[%swap3A_738] {strides = array<i32>} : memref<384xi32, #tpu.memory_space<vmem>>, vector<16xi32>,
      %swap3A_740 = vector.shape_cast %swap3A_739 : vector<16xi32> to vector<16xi32>
      %swap3A_741 = vector.shape_cast %add3A_733 : vector<16xi32> to vector<16xi32>
      tpu.vector_store %arg9[%swap3A_738], %swap3A_741 {strides = array<i32>} : memref<384xi32, #tpu.memory_space<vmem>>, vector<16xi32>,
      %add3A_742 = vector.broadcast %mul3A_641 : i32 to vector<16xi32>
      %add3A_743 = arith.addi %add3A_742, %add3A_55 : vector<16xi32>
      %mul3A_744 = arith.constant 96 : i32
      %mul3A_745 = arith.muli %mul3A_744, %rem3A_635 : i32
      %add3A_746 = arith.constant 48 : i32
      %add3A_747 = arith.addi %mul3A_745, %add3A_746 : i32
      %swap3A_748 = arith.index_cast %add3A_747 : i32 to index
      %swap3A_749 = tpu.vector_load %arg9[%swap3A_748] {strides = array<i32>} : memref<384xi32, #tpu.memory_space<vmem>>, vector<16xi32>,
      %swap3A_750 = vector.shape_cast %swap3A_749 : vector<16xi32> to vector<16xi32>
      %swap3A_751 = vector.shape_cast %add3A_743 : vector<16xi32> to vector<16xi32>
      tpu.vector_store %arg9[%swap3A_748], %swap3A_751 {strides = array<i32>} : memref<384xi32, #tpu.memory_space<vmem>>, vector<16xi32>,
      %add3A_752 = vector.broadcast %mul3A_641 : i32 to vector<16xi32>
      %add3A_753 = arith.addi %add3A_752, %add3A_58 : vector<16xi32>
      %mul3A_754 = arith.constant 96 : i32
      %mul3A_755 = arith.muli %mul3A_754, %rem3A_635 : i32
      %add3A_756 = arith.constant 64 : i32
      %add3A_757 = arith.addi %mul3A_755, %add3A_756 : i32
      %swap3A_758 = arith.index_cast %add3A_757 : i32 to index
      %swap3A_759 = tpu.vector_load %arg9[%swap3A_758] {strides = array<i32>} : memref<384xi32, #tpu.memory_space<vmem>>, vector<16xi32>,
      %swap3A_760 = vector.shape_cast %swap3A_759 : vector<16xi32> to vector<16xi32>
      %swap3A_761 = vector.shape_cast %add3A_753 : vector<16xi32> to vector<16xi32>
      tpu.vector_store %arg9[%swap3A_758], %swap3A_761 {strides = array<i32>} : memref<384xi32, #tpu.memory_space<vmem>>, vector<16xi32>,
      %add3A_762 = vector.broadcast %mul3A_641 : i32 to vector<16xi32>
      %add3A_763 = arith.addi %add3A_762, %add3A_61 : vector<16xi32>
      %mul3A_764 = arith.constant 96 : i32
      %mul3A_765 = arith.muli %mul3A_764, %rem3A_635 : i32
      %add3A_766 = arith.constant 80 : i32
      %add3A_767 = arith.addi %mul3A_765, %add3A_766 : i32
      %swap3A_768 = arith.index_cast %add3A_767 : i32 to index
      %swap3A_769 = tpu.vector_load %arg9[%swap3A_768] {strides = array<i32>} : memref<384xi32, #tpu.memory_space<vmem>>, vector<16xi32>,
      %swap3A_770 = vector.shape_cast %swap3A_769 : vector<16xi32> to vector<16xi32>
      %swap3A_771 = vector.shape_cast %add3A_763 : vector<16xi32> to vector<16xi32>
      tpu.vector_store %arg9[%swap3A_768], %swap3A_771 {strides = array<i32>} : memref<384xi32, #tpu.memory_space<vmem>>, vector<16xi32>,
      %mul3A_772 = arith.constant 112 : i32
      %mul3A_773 = arith.muli %mul3A_772, %rem3A_635 : i32
      %mul3A_774 = arith.constant 112 : i32
      %mul3A_775 = arith.muli %mul3A_774, %rem3A_635 : i32
      %mul3A_776 = arith.constant 2 : i32
      %mul3A_777 = arith.muli %mul3A_776, %rem3A_635 : i32
      %dma_start3A_778 = tpu.memref_slice %arg10[%mul3A_775] : memref<448xf32, #tpu.memory_space<vmem>> -> memref<112xf32, #tpu.memory_space<vmem>>
      %dma_start3A_779 = tpu.memref_slice %arg8[%mul3A_773] : memref<448xi32, #tpu.memory_space<vmem>> -> memref<112xi32, #tpu.memory_space<vmem>>
      %dma_start3A_780 = arith.constant 0 : i32
      %dma_start3A_781 = tpu.memref_slice %arg2[%dma_start3A_780] : memref<50331648xf32, #tpu.memory_space<hbm>> -> memref<50331648xf32, #tpu.memory_space<hbm>>
      %dma_start3A_782 = tpu.memref_slice %arg13[%mul3A_777] : memref<8x!tpu.dma_semaphore, #tpu.memory_space<semaphore_mem>> -> memref<1x!tpu.dma_semaphore, #tpu.memory_space<semaphore_mem>>
      %dma_start3A_783 = tpu.memref_squeeze %dma_start3A_782 : memref<1x!tpu.dma_semaphore, #tpu.memory_space<semaphore_mem>> -> memref<!tpu.dma_semaphore, #tpu.memory_space<semaphore_mem>>
      tpu.enqueue_indirect_dma source(%dma_start3A_781 : memref<50331648xf32, #tpu.memory_space<hbm>>) target(%dma_start3A_778 : memref<112xf32, #tpu.memory_space<vmem>>) offsets(%dma_start3A_779 : memref<112xi32, #tpu.memory_space<vmem>>) semaphore(%dma_start3A_783 : memref<!tpu.dma_semaphore, #tpu.memory_space<semaphore_mem>>)
      %mul3A_784 = arith.constant 96 : i32
      %mul3A_785 = arith.muli %mul3A_784, %rem3A_635 : i32
      %mul3A_786 = arith.constant 96 : i32
      %mul3A_787 = arith.muli %mul3A_786, %rem3A_635 : i32
      %mul3A_788 = arith.constant 2 : i32
      %mul3A_789 = arith.muli %mul3A_788, %rem3A_635 : i32
      %add3A_790 = arith.constant 1 : i32
      %add3A_791 = arith.addi %mul3A_789, %add3A_790 : i32
      %dma_start3A_792 = tpu.memref_slice %arg11[%mul3A_787] : memref<384xf32, #tpu.memory_space<vmem>> -> memref<96xf32, #tpu.memory_space<vmem>>
      %dma_start3A_793 = tpu.memref_slice %arg9[%mul3A_785] : memref<384xi32, #tpu.memory_space<vmem>> -> memref<96xi32, #tpu.memory_space<vmem>>
      %dma_start3A_794 = arith.constant 0 : i32
      %dma_start3A_795 = tpu.memref_slice %arg2[%dma_start3A_794] : memref<50331648xf32, #tpu.memory_space<hbm>> -> memref<50331648xf32, #tpu.memory_space<hbm>>
      %dma_start3A_796 = tpu.memref_slice %arg13[%add3A_791] : memref<8x!tpu.dma_semaphore, #tpu.memory_space<semaphore_mem>> -> memref<1x!tpu.dma_semaphore, #tpu.memory_space<semaphore_mem>>
      %dma_start3A_797 = tpu.memref_squeeze %dma_start3A_796 : memref<1x!tpu.dma_semaphore, #tpu.memory_space<semaphore_mem>> -> memref<!tpu.dma_semaphore, #tpu.memory_space<semaphore_mem>>
      tpu.enqueue_indirect_dma source(%dma_start3A_795 : memref<50331648xf32, #tpu.memory_space<hbm>>) target(%dma_start3A_792 : memref<96xf32, #tpu.memory_space<vmem>>) offsets(%dma_start3A_793 : memref<96xi32, #tpu.memory_space<vmem>>) semaphore(%dma_start3A_797 : memref<!tpu.dma_semaphore, #tpu.memory_space<semaphore_mem>>)
      %scan3A_798 = arith.constant 408 : i32
      %scan3A_799 = arith.constant 1639 : i32
      %scan3A_800 = arith.addi %scan3A_798, %scan3A_799 : i32
      %scan3A_801 = arith.constant 1 : i32
      %scan3A_802:26 = scf.for %scan3A_804 = %scan3A_798 to %scan3A_800 step %scan3A_801 iter_args(%scan3A_805 = %add3A_25, %scan3A_806 = %add3A_28, %scan3A_807 = %add3A_31, %scan3A_808 = %add3A_34, %scan3A_809 = %add3A_37, %scan3A_810 = %add3A_40, %scan3A_811 = %add3A_43, %scan3A_812 = %add3A_46, %scan3A_813 = %add3A_49, %scan3A_814 = %add3A_52, %scan3A_815 = %add3A_55, %scan3A_816 = %add3A_58, %scan3A_817 = %add3A_61, %scan3A_818 = %get3A_63, %scan3A_819 = %get3A_66, %scan3A_820 = %get3A_69, %scan3A_821 = %get3A_72, %scan3A_822 = %get3A_75, %scan3A_823 = %get3A_78, %scan3A_824 = %get3A_81, %scan3A_825 = %get3A_84, %scan3A_826 = %get3A_87, %scan3A_827 = %get3A_90, %scan3A_828 = %get3A_93, %scan3A_829 = %get3A_96, %scan3A_830 = %get3A_99) -> (vector<16xi32>, vector<16xi32>, vector<16xi32>, vector<16xi32>, vector<16xi32>, vector<16xi32>, vector<16xi32>, vector<16xi32>, vector<16xi32>, vector<16xi32>, vector<16xi32>, vector<16xi32>, vector<16xi32>, vector<16xf32>, vector<16xf32>, vector<16xf32>, vector<16xf32>, vector<16xf32>, vector<16xf32>, vector<16xf32>, vector<16xf32>, vector<16xf32>, vector<16xf32>, vector<16xf32>, vector<16xf32>, vector<16xf32>)  : i32 {
        %rem3A_831 = arith.constant 4 : i32
        %rem3A_832 = arith.remsi %scan3A_804, %rem3A_831 : i32
        %mul3A_833 = arith.constant 2048 : i32
        %mul3A_834 = arith.muli %add3A, %mul3A_833 : i32
        %add3A_835 = arith.addi %mul3A_834, %scan3A_804 : i32
        %mul3A_836 = arith.constant 2048 : i32
        %mul3A_837 = arith.muli %add3A_835, %mul3A_836 : i32
        %sub3A = arith.constant 204 : i32
        %sub3A_838 = arith.subi %scan3A_804, %sub3A : i32
        %sub3A_839 = arith.constant 8 : i32
        %sub3A_840 = arith.subi %sub3A_838, %sub3A_839 : i32
        %jit3A = arith.constant 8 : i32
        %div3A = arith.divsi %sub3A_840, %jit3A : i32
        %sign3A = arith.constant 0 : i32
        %sign3A_841 = arith.cmpi sgt, %sub3A_840, %sign3A : i32
        %sign3A_842 = arith.extui %sign3A_841 : i1 to i32
        %sign3A_843 = arith.constant 0 : i32
        %sign3A_844 = arith.cmpi slt, %sub3A_840, %sign3A_843 : i32
        %sign3A_845 = arith.extui %sign3A_844 : i1 to i32
        %sign3A_846 = arith.subi %sign3A_842, %sign3A_845 : i32
        %sign3A_847 = arith.constant 0 : i32
        %sign3A_848 = arith.cmpi sgt, %jit3A, %sign3A_847 : i32
        %sign3A_849 = arith.extui %sign3A_848 : i1 to i32
        %sign3A_850 = arith.constant 0 : i32
        %sign3A_851 = arith.cmpi slt, %jit3A, %sign3A_850 : i32
        %sign3A_852 = arith.extui %sign3A_851 : i1 to i32
        %sign3A_853 = arith.subi %sign3A_849, %sign3A_852 : i32
        %ne3A = arith.cmpi ne, %sign3A_846, %sign3A_853 : i32
        %rem3A_854 = arith.remsi %sub3A_840, %jit3A : i32
        %ne3A_855 = arith.constant 0 : i32
        %ne3A_856 = arith.cmpi ne, %rem3A_854, %ne3A_855 : i32
        %and3A = arith.andi %ne3A, %ne3A_856 : i1
        %sub3A_857 = arith.constant 1 : i32
        %sub3A_858 = arith.subi %div3A, %sub3A_857 : i32
        %select_n3A = arith.select %and3A, %sub3A_858, %div3A : i32
        %mul3A_859 = arith.constant 8 : i32
        %mul3A_860 = arith.muli %select_n3A, %mul3A_859 : i32
        %min3A_861 = arith.constant 1824 : i32
        %min3A_862 = arith.minsi %mul3A_860, %min3A_861 : i32
        %add3A_863 = arith.addi %mul3A_837, %min3A_862 : i32
        %mul3A_864 = arith.constant 256 : i32
        %mul3A_865 = arith.muli %rem3A_832, %mul3A_864 : i32
        %dma_wait3A = tpu.memref_slice %arg5[%mul3A_865] : memref<1024xf32, #tpu.memory_space<vmem>> -> memref<224xf32, #tpu.memory_space<vmem>>
        %dma_wait3A_866 = tpu.memref_slice %arg2[%add3A_863] : memref<50331648xf32, #tpu.memory_space<hbm>> -> memref<224xf32, #tpu.memory_space<hbm>>
        %dma_wait3A_867 = tpu.memref_slice %arg12[%rem3A_832] : memref<4x!tpu.dma_semaphore, #tpu.memory_space<semaphore_mem>> -> memref<1x!tpu.dma_semaphore, #tpu.memory_space<semaphore_mem>>
        %dma_wait3A_868 = tpu.memref_squeeze %dma_wait3A_867 : memref<1x!tpu.dma_semaphore, #tpu.memory_space<semaphore_mem>> -> memref<!tpu.dma_semaphore, #tpu.memory_space<semaphore_mem>>
        %dma_wait3A_869 = tpu.memref_slice %arg5[%mul3A_865] : memref<1024xf32, #tpu.memory_space<vmem>> -> memref<224xf32, #tpu.memory_space<vmem>>
        %dma_wait3A_870 = tpu.memref_slice %arg2[%add3A_863] : memref<50331648xf32, #tpu.memory_space<hbm>> -> memref<224xf32, #tpu.memory_space<hbm>>
        tpu.wait_dma2 semaphore(%dma_wait3A_868 : memref<!tpu.dma_semaphore, #tpu.memory_space<semaphore_mem>>) src(%dma_wait3A_870 : memref<224xf32, #tpu.memory_space<hbm>>) dst(%dma_wait3A_869 : memref<224xf32, #tpu.memory_space<vmem>>)
        %rem3A_871 = arith.constant 4 : i32
        %rem3A_872 = arith.remsi %scan3A_804, %rem3A_871 : i32
        %mul3A_873 = arith.constant 112 : i32
        %mul3A_874 = arith.muli %mul3A_873, %rem3A_872 : i32
        %mul3A_875 = arith.constant 112 : i32
        %mul3A_876 = arith.muli %mul3A_875, %rem3A_872 : i32
        %mul3A_877 = arith.constant 2 : i32
        %mul3A_878 = arith.muli %mul3A_877, %rem3A_872 : i32
        %dma_wait3A_879 = tpu.memref_slice %arg10[%mul3A_876] : memref<448xf32, #tpu.memory_space<vmem>> -> memref<112xf32, #tpu.memory_space<vmem>>
        %dma_wait3A_880 = tpu.memref_slice %arg8[%mul3A_874] : memref<448xi32, #tpu.memory_space<vmem>> -> memref<112xi32, #tpu.memory_space<vmem>>
        %dma_wait3A_881 = arith.constant 0 : i32
        %dma_wait3A_882 = tpu.memref_slice %arg2[%dma_wait3A_881] : memref<50331648xf32, #tpu.memory_space<hbm>> -> memref<50331648xf32, #tpu.memory_space<hbm>>
        %dma_wait3A_883 = tpu.memref_slice %arg13[%mul3A_878] : memref<8x!tpu.dma_semaphore, #tpu.memory_space<semaphore_mem>> -> memref<1x!tpu.dma_semaphore, #tpu.memory_space<semaphore_mem>>
        %dma_wait3A_884 = tpu.memref_squeeze %dma_wait3A_883 : memref<1x!tpu.dma_semaphore, #tpu.memory_space<semaphore_mem>> -> memref<!tpu.dma_semaphore, #tpu.memory_space<semaphore_mem>>
        tpu.wait_indirect_dma semaphore(%dma_wait3A_884 : memref<!tpu.dma_semaphore, #tpu.memory_space<semaphore_mem>>) src(%dma_wait3A_882 : memref<50331648xf32, #tpu.memory_space<hbm>>) dst(%dma_wait3A_879 : memref<112xf32, #tpu.memory_space<vmem>>)
        %mul3A_885 = arith.constant 96 : i32
        %mul3A_886 = arith.muli %mul3A_885, %rem3A_872 : i32
        %mul3A_887 = arith.constant 96 : i32
        %mul3A_888 = arith.muli %mul3A_887, %rem3A_872 : i32
        %mul3A_889 = arith.constant 2 : i32
        %mul3A_890 = arith.muli %mul3A_889, %rem3A_872 : i32
        %add3A_891 = arith.constant 1 : i32
        %add3A_892 = arith.addi %mul3A_890, %add3A_891 : i32
        %dma_wait3A_893 = tpu.memref_slice %arg11[%mul3A_888] : memref<384xf32, #tpu.memory_space<vmem>> -> memref<96xf32, #tpu.memory_space<vmem>>
        %dma_wait3A_894 = tpu.memref_slice %arg9[%mul3A_886] : memref<384xi32, #tpu.memory_space<vmem>> -> memref<96xi32, #tpu.memory_space<vmem>>
        %dma_wait3A_895 = arith.constant 0 : i32
        %dma_wait3A_896 = tpu.memref_slice %arg2[%dma_wait3A_895] : memref<50331648xf32, #tpu.memory_space<hbm>> -> memref<50331648xf32, #tpu.memory_space<hbm>>
        %dma_wait3A_897 = tpu.memref_slice %arg13[%add3A_892] : memref<8x!tpu.dma_semaphore, #tpu.memory_space<semaphore_mem>> -> memref<1x!tpu.dma_semaphore, #tpu.memory_space<semaphore_mem>>
        %dma_wait3A_898 = tpu.memref_squeeze %dma_wait3A_897 : memref<1x!tpu.dma_semaphore, #tpu.memory_space<semaphore_mem>> -> memref<!tpu.dma_semaphore, #tpu.memory_space<semaphore_mem>>
        tpu.wait_indirect_dma semaphore(%dma_wait3A_898 : memref<!tpu.dma_semaphore, #tpu.memory_space<semaphore_mem>>) src(%dma_wait3A_896 : memref<50331648xf32, #tpu.memory_space<hbm>>) dst(%dma_wait3A_893 : memref<96xf32, #tpu.memory_space<vmem>>)
        %rem3A_899 = arith.constant 4 : i32
        %rem3A_900 = arith.remsi %scan3A_804, %rem3A_899 : i32
        %rem3A_901 = arith.constant 4 : i32
        %rem3A_902 = arith.remsi %scan3A_804, %rem3A_901 : i32
        %add3A_903 = arith.constant 2 : i32
        %add3A_904 = arith.addi %scan3A_804, %add3A_903 : i32
        %lt3A_905 = arith.constant 2047 : i32
        %lt3A_906 = arith.cmpi slt, %add3A_904, %lt3A_905 : i32
        %convert_element_type3A_907 = arith.extui %lt3A_906 : i1 to i32
        %cond3A_908 = arith.constant 0 : i32
        %cond3A_909 = arith.cmpi ne, %convert_element_type3A_907, %cond3A_908 : i32
        scf.if %cond3A_909 {
          %add3A_2075 = arith.constant 2 : i32
          %add3A_2076 = arith.addi %scan3A_804, %add3A_2075 : i32
          %rem3A_2077 = arith.constant 4 : i32
          %rem3A_2078 = arith.remsi %add3A_2076, %rem3A_2077 : i32
          %mul3A_2079 = arith.constant 2048 : i32
          %mul3A_2080 = arith.muli %add3A, %mul3A_2079 : i32
          %add3A_2081 = arith.addi %mul3A_2080, %add3A_2076 : i32
          %mul3A_2082 = arith.constant 2048 : i32
          %mul3A_2083 = arith.muli %add3A_2081, %mul3A_2082 : i32
          %sub3A_2084 = arith.constant 204 : i32
          %sub3A_2085 = arith.subi %add3A_2076, %sub3A_2084 : i32
          %sub3A_2086 = arith.constant 8 : i32
          %sub3A_2087 = arith.subi %sub3A_2085, %sub3A_2086 : i32
          %jit3A_2088 = arith.constant 8 : i32
          %div3A_2089 = arith.divsi %sub3A_2087, %jit3A_2088 : i32
          %sign3A_2090 = arith.constant 0 : i32
          %sign3A_2091 = arith.cmpi sgt, %sub3A_2087, %sign3A_2090 : i32
          %sign3A_2092 = arith.extui %sign3A_2091 : i1 to i32
          %sign3A_2093 = arith.constant 0 : i32
          %sign3A_2094 = arith.cmpi slt, %sub3A_2087, %sign3A_2093 : i32
          %sign3A_2095 = arith.extui %sign3A_2094 : i1 to i32
          %sign3A_2096 = arith.subi %sign3A_2092, %sign3A_2095 : i32
          %sign3A_2097 = arith.constant 0 : i32
          %sign3A_2098 = arith.cmpi sgt, %jit3A_2088, %sign3A_2097 : i32
          %sign3A_2099 = arith.extui %sign3A_2098 : i1 to i32
          %sign3A_2100 = arith.constant 0 : i32
          %sign3A_2101 = arith.cmpi slt, %jit3A_2088, %sign3A_2100 : i32
          %sign3A_2102 = arith.extui %sign3A_2101 : i1 to i32
          %sign3A_2103 = arith.subi %sign3A_2099, %sign3A_2102 : i32
          %ne3A_2104 = arith.cmpi ne, %sign3A_2096, %sign3A_2103 : i32
          %rem3A_2105 = arith.remsi %sub3A_2087, %jit3A_2088 : i32
          %ne3A_2106 = arith.constant 0 : i32
          %ne3A_2107 = arith.cmpi ne, %rem3A_2105, %ne3A_2106 : i32
          %and3A_2108 = arith.andi %ne3A_2104, %ne3A_2107 : i1
          %sub3A_2109 = arith.constant 1 : i32
          %sub3A_2110 = arith.subi %div3A_2089, %sub3A_2109 : i32
          %select_n3A_2111 = arith.select %and3A_2108, %sub3A_2110, %div3A_2089 : i32
          %mul3A_2112 = arith.constant 8 : i32
          %mul3A_2113 = arith.muli %select_n3A_2111, %mul3A_2112 : i32
          %min3A_2114 = arith.constant 1824 : i32
          %min3A_2115 = arith.minsi %mul3A_2113, %min3A_2114 : i32
          %add3A_2116 = arith.addi %mul3A_2083, %min3A_2115 : i32
          %mul3A_2117 = arith.constant 256 : i32
          %mul3A_2118 = arith.muli %rem3A_2078, %mul3A_2117 : i32
          %dma_start3A_2119 = tpu.memref_slice %arg5[%mul3A_2118] : memref<1024xf32, #tpu.memory_space<vmem>> -> memref<224xf32, #tpu.memory_space<vmem>>
          %dma_start3A_2120 = tpu.memref_slice %arg2[%add3A_2116] : memref<50331648xf32, #tpu.memory_space<hbm>> -> memref<224xf32, #tpu.memory_space<hbm>>
          %dma_start3A_2121 = tpu.memref_slice %arg12[%rem3A_2078] : memref<4x!tpu.dma_semaphore, #tpu.memory_space<semaphore_mem>> -> memref<1x!tpu.dma_semaphore, #tpu.memory_space<semaphore_mem>>
          %dma_start3A_2122 = tpu.memref_squeeze %dma_start3A_2121 : memref<1x!tpu.dma_semaphore, #tpu.memory_space<semaphore_mem>> -> memref<!tpu.dma_semaphore, #tpu.memory_space<semaphore_mem>>
          %dma_start3A_2123 = tpu.memref_slice %arg5[%mul3A_2118] : memref<1024xf32, #tpu.memory_space<vmem>> -> memref<224xf32, #tpu.memory_space<vmem>>
          %dma_start3A_2124 = tpu.memref_slice %arg2[%add3A_2116] : memref<50331648xf32, #tpu.memory_space<hbm>> -> memref<224xf32, #tpu.memory_space<hbm>>
          tpu.enqueue_dma source(%dma_start3A_2124 : memref<224xf32, #tpu.memory_space<hbm>>) target(%dma_start3A_2123 : memref<224xf32, #tpu.memory_space<vmem>>) target_semaphore(%dma_start3A_2122 : memref<!tpu.dma_semaphore, #tpu.memory_space<semaphore_mem>>)
        } else {
        }
        %add3A_910 = arith.constant 4 : i32
        %add3A_911 = arith.addi %scan3A_804, %add3A_910 : i32
        %lt3A_912 = arith.constant 2047 : i32
        %lt3A_913 = arith.cmpi slt, %add3A_911, %lt3A_912 : i32
        %convert_element_type3A_914 = arith.extui %lt3A_913 : i1 to i32
        %cond3A_915 = arith.constant 0 : i32
        %cond3A_916 = arith.cmpi ne, %convert_element_type3A_914, %cond3A_915 : i32
        scf.if %cond3A_916 {
          %add3A_2075 = arith.constant 4 : i32
          %add3A_2076 = arith.addi %scan3A_804, %add3A_2075 : i32
          %rem3A_2077 = arith.constant 4 : i32
          %rem3A_2078 = arith.remsi %add3A_2076, %rem3A_2077 : i32
          %mul3A_2079 = arith.constant 2048 : i32
          %mul3A_2080 = arith.muli %add3A, %mul3A_2079 : i32
          %add3A_2081 = arith.addi %mul3A_2080, %add3A_2076 : i32
          %mul3A_2082 = arith.constant 2048 : i32
          %mul3A_2083 = arith.muli %add3A_2081, %mul3A_2082 : i32
          %add3A_2084 = vector.broadcast %mul3A_2083 : i32 to vector<16xi32>
          %add3A_2085 = arith.addi %add3A_2084, %scan3A_805 : vector<16xi32>
          %mul3A_2086 = arith.constant 112 : i32
          %mul3A_2087 = arith.muli %mul3A_2086, %rem3A_2078 : i32
          %add3A_2088 = arith.constant 0 : i32
          %add3A_2089 = arith.addi %mul3A_2087, %add3A_2088 : i32
          %swap3A_2090 = arith.index_cast %add3A_2089 : i32 to index
          %swap3A_2091 = tpu.vector_load %arg8[%swap3A_2090] {strides = array<i32>} : memref<448xi32, #tpu.memory_space<vmem>>, vector<16xi32>,
          %swap3A_2092 = vector.shape_cast %swap3A_2091 : vector<16xi32> to vector<16xi32>
          %swap3A_2093 = vector.shape_cast %add3A_2085 : vector<16xi32> to vector<16xi32>
          tpu.vector_store %arg8[%swap3A_2090], %swap3A_2093 {strides = array<i32>} : memref<448xi32, #tpu.memory_space<vmem>>, vector<16xi32>,
          %add3A_2094 = vector.broadcast %mul3A_2083 : i32 to vector<16xi32>
          %add3A_2095 = arith.addi %add3A_2094, %scan3A_806 : vector<16xi32>
          %mul3A_2096 = arith.constant 112 : i32
          %mul3A_2097 = arith.muli %mul3A_2096, %rem3A_2078 : i32
          %add3A_2098 = arith.constant 16 : i32
          %add3A_2099 = arith.addi %mul3A_2097, %add3A_2098 : i32
          %swap3A_2100 = arith.index_cast %add3A_2099 : i32 to index
          %swap3A_2101 = tpu.vector_load %arg8[%swap3A_2100] {strides = array<i32>} : memref<448xi32, #tpu.memory_space<vmem>>, vector<16xi32>,
          %swap3A_2102 = vector.shape_cast %swap3A_2101 : vector<16xi32> to vector<16xi32>
          %swap3A_2103 = vector.shape_cast %add3A_2095 : vector<16xi32> to vector<16xi32>
          tpu.vector_store %arg8[%swap3A_2100], %swap3A_2103 {strides = array<i32>} : memref<448xi32, #tpu.memory_space<vmem>>, vector<16xi32>,
          %add3A_2104 = vector.broadcast %mul3A_2083 : i32 to vector<16xi32>
          %add3A_2105 = arith.addi %add3A_2104, %scan3A_807 : vector<16xi32>
          %mul3A_2106 = arith.constant 112 : i32
          %mul3A_2107 = arith.muli %mul3A_2106, %rem3A_2078 : i32
          %add3A_2108 = arith.constant 32 : i32
          %add3A_2109 = arith.addi %mul3A_2107, %add3A_2108 : i32
          %swap3A_2110 = arith.index_cast %add3A_2109 : i32 to index
          %swap3A_2111 = tpu.vector_load %arg8[%swap3A_2110] {strides = array<i32>} : memref<448xi32, #tpu.memory_space<vmem>>, vector<16xi32>,
          %swap3A_2112 = vector.shape_cast %swap3A_2111 : vector<16xi32> to vector<16xi32>
          %swap3A_2113 = vector.shape_cast %add3A_2105 : vector<16xi32> to vector<16xi32>
          tpu.vector_store %arg8[%swap3A_2110], %swap3A_2113 {strides = array<i32>} : memref<448xi32, #tpu.memory_space<vmem>>, vector<16xi32>,
          %add3A_2114 = vector.broadcast %mul3A_2083 : i32 to vector<16xi32>
          %add3A_2115 = arith.addi %add3A_2114, %scan3A_808 : vector<16xi32>
          %mul3A_2116 = arith.constant 112 : i32
          %mul3A_2117 = arith.muli %mul3A_2116, %rem3A_2078 : i32
          %add3A_2118 = arith.constant 48 : i32
          %add3A_2119 = arith.addi %mul3A_2117, %add3A_2118 : i32
          %swap3A_2120 = arith.index_cast %add3A_2119 : i32 to index
          %swap3A_2121 = tpu.vector_load %arg8[%swap3A_2120] {strides = array<i32>} : memref<448xi32, #tpu.memory_space<vmem>>, vector<16xi32>,
          %swap3A_2122 = vector.shape_cast %swap3A_2121 : vector<16xi32> to vector<16xi32>
          %swap3A_2123 = vector.shape_cast %add3A_2115 : vector<16xi32> to vector<16xi32>
          tpu.vector_store %arg8[%swap3A_2120], %swap3A_2123 {strides = array<i32>} : memref<448xi32, #tpu.memory_space<vmem>>, vector<16xi32>,
          %add3A_2124 = vector.broadcast %mul3A_2083 : i32 to vector<16xi32>
          %add3A_2125 = arith.addi %add3A_2124, %scan3A_809 : vector<16xi32>
          %mul3A_2126 = arith.constant 112 : i32
          %mul3A_2127 = arith.muli %mul3A_2126, %rem3A_2078 : i32
          %add3A_2128 = arith.constant 64 : i32
          %add3A_2129 = arith.addi %mul3A_2127, %add3A_2128 : i32
          %swap3A_2130 = arith.index_cast %add3A_2129 : i32 to index
          %swap3A_2131 = tpu.vector_load %arg8[%swap3A_2130] {strides = array<i32>} : memref<448xi32, #tpu.memory_space<vmem>>, vector<16xi32>,
          %swap3A_2132 = vector.shape_cast %swap3A_2131 : vector<16xi32> to vector<16xi32>
          %swap3A_2133 = vector.shape_cast %add3A_2125 : vector<16xi32> to vector<16xi32>
          tpu.vector_store %arg8[%swap3A_2130], %swap3A_2133 {strides = array<i32>} : memref<448xi32, #tpu.memory_space<vmem>>, vector<16xi32>,
          %add3A_2134 = vector.broadcast %mul3A_2083 : i32 to vector<16xi32>
          %add3A_2135 = arith.addi %add3A_2134, %scan3A_810 : vector<16xi32>
          %mul3A_2136 = arith.constant 112 : i32
          %mul3A_2137 = arith.muli %mul3A_2136, %rem3A_2078 : i32
          %add3A_2138 = arith.constant 80 : i32
          %add3A_2139 = arith.addi %mul3A_2137, %add3A_2138 : i32
          %swap3A_2140 = arith.index_cast %add3A_2139 : i32 to index
          %swap3A_2141 = tpu.vector_load %arg8[%swap3A_2140] {strides = array<i32>} : memref<448xi32, #tpu.memory_space<vmem>>, vector<16xi32>,
          %swap3A_2142 = vector.shape_cast %swap3A_2141 : vector<16xi32> to vector<16xi32>
          %swap3A_2143 = vector.shape_cast %add3A_2135 : vector<16xi32> to vector<16xi32>
          tpu.vector_store %arg8[%swap3A_2140], %swap3A_2143 {strides = array<i32>} : memref<448xi32, #tpu.memory_space<vmem>>, vector<16xi32>,
          %add3A_2144 = vector.broadcast %mul3A_2083 : i32 to vector<16xi32>
          %add3A_2145 = arith.addi %add3A_2144, %scan3A_811 : vector<16xi32>
          %mul3A_2146 = arith.constant 112 : i32
          %mul3A_2147 = arith.muli %mul3A_2146, %rem3A_2078 : i32
          %add3A_2148 = arith.constant 96 : i32
          %add3A_2149 = arith.addi %mul3A_2147, %add3A_2148 : i32
          %swap3A_2150 = arith.index_cast %add3A_2149 : i32 to index
          %swap3A_2151 = tpu.vector_load %arg8[%swap3A_2150] {strides = array<i32>} : memref<448xi32, #tpu.memory_space<vmem>>, vector<16xi32>,
          %swap3A_2152 = vector.shape_cast %swap3A_2151 : vector<16xi32> to vector<16xi32>
          %swap3A_2153 = vector.shape_cast %add3A_2145 : vector<16xi32> to vector<16xi32>
          tpu.vector_store %arg8[%swap3A_2150], %swap3A_2153 {strides = array<i32>} : memref<448xi32, #tpu.memory_space<vmem>>, vector<16xi32>,
          %add3A_2154 = vector.broadcast %mul3A_2083 : i32 to vector<16xi32>
          %add3A_2155 = arith.addi %add3A_2154, %scan3A_812 : vector<16xi32>
          %mul3A_2156 = arith.constant 96 : i32
          %mul3A_2157 = arith.muli %mul3A_2156, %rem3A_2078 : i32
          %add3A_2158 = arith.constant 0 : i32
          %add3A_2159 = arith.addi %mul3A_2157, %add3A_2158 : i32
          %swap3A_2160 = arith.index_cast %add3A_2159 : i32 to index
          %swap3A_2161 = tpu.vector_load %arg9[%swap3A_2160] {strides = array<i32>} : memref<384xi32, #tpu.memory_space<vmem>>, vector<16xi32>,
          %swap3A_2162 = vector.shape_cast %swap3A_2161 : vector<16xi32> to vector<16xi32>
          %swap3A_2163 = vector.shape_cast %add3A_2155 : vector<16xi32> to vector<16xi32>
          tpu.vector_store %arg9[%swap3A_2160], %swap3A_2163 {strides = array<i32>} : memref<384xi32, #tpu.memory_space<vmem>>, vector<16xi32>,
          %add3A_2164 = vector.broadcast %mul3A_2083 : i32 to vector<16xi32>
          %add3A_2165 = arith.addi %add3A_2164, %scan3A_813 : vector<16xi32>
          %mul3A_2166 = arith.constant 96 : i32
          %mul3A_2167 = arith.muli %mul3A_2166, %rem3A_2078 : i32
          %add3A_2168 = arith.constant 16 : i32
          %add3A_2169 = arith.addi %mul3A_2167, %add3A_2168 : i32
          %swap3A_2170 = arith.index_cast %add3A_2169 : i32 to index
          %swap3A_2171 = tpu.vector_load %arg9[%swap3A_2170] {strides = array<i32>} : memref<384xi32, #tpu.memory_space<vmem>>, vector<16xi32>,
          %swap3A_2172 = vector.shape_cast %swap3A_2171 : vector<16xi32> to vector<16xi32>
          %swap3A_2173 = vector.shape_cast %add3A_2165 : vector<16xi32> to vector<16xi32>
          tpu.vector_store %arg9[%swap3A_2170], %swap3A_2173 {strides = array<i32>} : memref<384xi32, #tpu.memory_space<vmem>>, vector<16xi32>,
          %add3A_2174 = vector.broadcast %mul3A_2083 : i32 to vector<16xi32>
          %add3A_2175 = arith.addi %add3A_2174, %scan3A_814 : vector<16xi32>
          %mul3A_2176 = arith.constant 96 : i32
          %mul3A_2177 = arith.muli %mul3A_2176, %rem3A_2078 : i32
          %add3A_2178 = arith.constant 32 : i32
          %add3A_2179 = arith.addi %mul3A_2177, %add3A_2178 : i32
          %swap3A_2180 = arith.index_cast %add3A_2179 : i32 to index
          %swap3A_2181 = tpu.vector_load %arg9[%swap3A_2180] {strides = array<i32>} : memref<384xi32, #tpu.memory_space<vmem>>, vector<16xi32>,
          %swap3A_2182 = vector.shape_cast %swap3A_2181 : vector<16xi32> to vector<16xi32>
          %swap3A_2183 = vector.shape_cast %add3A_2175 : vector<16xi32> to vector<16xi32>
          tpu.vector_store %arg9[%swap3A_2180], %swap3A_2183 {strides = array<i32>} : memref<384xi32, #tpu.memory_space<vmem>>, vector<16xi32>,
          %add3A_2184 = vector.broadcast %mul3A_2083 : i32 to vector<16xi32>
          %add3A_2185 = arith.addi %add3A_2184, %scan3A_815 : vector<16xi32>
          %mul3A_2186 = arith.constant 96 : i32
          %mul3A_2187 = arith.muli %mul3A_2186, %rem3A_2078 : i32
          %add3A_2188 = arith.constant 48 : i32
          %add3A_2189 = arith.addi %mul3A_2187, %add3A_2188 : i32
          %swap3A_2190 = arith.index_cast %add3A_2189 : i32 to index
          %swap3A_2191 = tpu.vector_load %arg9[%swap3A_2190] {strides = array<i32>} : memref<384xi32, #tpu.memory_space<vmem>>, vector<16xi32>,
          %swap3A_2192 = vector.shape_cast %swap3A_2191 : vector<16xi32> to vector<16xi32>
          %swap3A_2193 = vector.shape_cast %add3A_2185 : vector<16xi32> to vector<16xi32>
          tpu.vector_store %arg9[%swap3A_2190], %swap3A_2193 {strides = array<i32>} : memref<384xi32, #tpu.memory_space<vmem>>, vector<16xi32>,
          %add3A_2194 = vector.broadcast %mul3A_2083 : i32 to vector<16xi32>
          %add3A_2195 = arith.addi %add3A_2194, %scan3A_816 : vector<16xi32>
          %mul3A_2196 = arith.constant 96 : i32
          %mul3A_2197 = arith.muli %mul3A_2196, %rem3A_2078 : i32
          %add3A_2198 = arith.constant 64 : i32
          %add3A_2199 = arith.addi %mul3A_2197, %add3A_2198 : i32
          %swap3A_2200 = arith.index_cast %add3A_2199 : i32 to index
          %swap3A_2201 = tpu.vector_load %arg9[%swap3A_2200] {strides = array<i32>} : memref<384xi32, #tpu.memory_space<vmem>>, vector<16xi32>,
          %swap3A_2202 = vector.shape_cast %swap3A_2201 : vector<16xi32> to vector<16xi32>
          %swap3A_2203 = vector.shape_cast %add3A_2195 : vector<16xi32> to vector<16xi32>
          tpu.vector_store %arg9[%swap3A_2200], %swap3A_2203 {strides = array<i32>} : memref<384xi32, #tpu.memory_space<vmem>>, vector<16xi32>,
          %add3A_2204 = vector.broadcast %mul3A_2083 : i32 to vector<16xi32>
          %add3A_2205 = arith.addi %add3A_2204, %scan3A_817 : vector<16xi32>
          %mul3A_2206 = arith.constant 96 : i32
          %mul3A_2207 = arith.muli %mul3A_2206, %rem3A_2078 : i32
          %add3A_2208 = arith.constant 80 : i32
          %add3A_2209 = arith.addi %mul3A_2207, %add3A_2208 : i32
          %swap3A_2210 = arith.index_cast %add3A_2209 : i32 to index
          %swap3A_2211 = tpu.vector_load %arg9[%swap3A_2210] {strides = array<i32>} : memref<384xi32, #tpu.memory_space<vmem>>, vector<16xi32>,
          %swap3A_2212 = vector.shape_cast %swap3A_2211 : vector<16xi32> to vector<16xi32>
          %swap3A_2213 = vector.shape_cast %add3A_2205 : vector<16xi32> to vector<16xi32>
          tpu.vector_store %arg9[%swap3A_2210], %swap3A_2213 {strides = array<i32>} : memref<384xi32, #tpu.memory_space<vmem>>, vector<16xi32>,
          %mul3A_2214 = arith.constant 112 : i32
          %mul3A_2215 = arith.muli %mul3A_2214, %rem3A_2078 : i32
          %mul3A_2216 = arith.constant 112 : i32
          %mul3A_2217 = arith.muli %mul3A_2216, %rem3A_2078 : i32
          %mul3A_2218 = arith.constant 2 : i32
          %mul3A_2219 = arith.muli %mul3A_2218, %rem3A_2078 : i32
          %dma_start3A_2220 = tpu.memref_slice %arg10[%mul3A_2217] : memref<448xf32, #tpu.memory_space<vmem>> -> memref<112xf32, #tpu.memory_space<vmem>>
          %dma_start3A_2221 = tpu.memref_slice %arg8[%mul3A_2215] : memref<448xi32, #tpu.memory_space<vmem>> -> memref<112xi32, #tpu.memory_space<vmem>>
          %dma_start3A_2222 = arith.constant 0 : i32
          %dma_start3A_2223 = tpu.memref_slice %arg2[%dma_start3A_2222] : memref<50331648xf32, #tpu.memory_space<hbm>> -> memref<50331648xf32, #tpu.memory_space<hbm>>
          %dma_start3A_2224 = tpu.memref_slice %arg13[%mul3A_2219] : memref<8x!tpu.dma_semaphore, #tpu.memory_space<semaphore_mem>> -> memref<1x!tpu.dma_semaphore, #tpu.memory_space<semaphore_mem>>
          %dma_start3A_2225 = tpu.memref_squeeze %dma_start3A_2224 : memref<1x!tpu.dma_semaphore, #tpu.memory_space<semaphore_mem>> -> memref<!tpu.dma_semaphore, #tpu.memory_space<semaphore_mem>>
          tpu.enqueue_indirect_dma source(%dma_start3A_2223 : memref<50331648xf32, #tpu.memory_space<hbm>>) target(%dma_start3A_2220 : memref<112xf32, #tpu.memory_space<vmem>>) offsets(%dma_start3A_2221 : memref<112xi32, #tpu.memory_space<vmem>>) semaphore(%dma_start3A_2225 : memref<!tpu.dma_semaphore, #tpu.memory_space<semaphore_mem>>)
          %mul3A_2226 = arith.constant 96 : i32
          %mul3A_2227 = arith.muli %mul3A_2226, %rem3A_2078 : i32
          %mul3A_2228 = arith.constant 96 : i32
          %mul3A_2229 = arith.muli %mul3A_2228, %rem3A_2078 : i32
          %mul3A_2230 = arith.constant 2 : i32
          %mul3A_2231 = arith.muli %mul3A_2230, %rem3A_2078 : i32
          %add3A_2232 = arith.constant 1 : i32
          %add3A_2233 = arith.addi %mul3A_2231, %add3A_2232 : i32
          %dma_start3A_2234 = tpu.memref_slice %arg11[%mul3A_2229] : memref<384xf32, #tpu.memory_space<vmem>> -> memref<96xf32, #tpu.memory_space<vmem>>
          %dma_start3A_2235 = tpu.memref_slice %arg9[%mul3A_2227] : memref<384xi32, #tpu.memory_space<vmem>> -> memref<96xi32, #tpu.memory_space<vmem>>
          %dma_start3A_2236 = arith.constant 0 : i32
          %dma_start3A_2237 = tpu.memref_slice %arg2[%dma_start3A_2236] : memref<50331648xf32, #tpu.memory_space<hbm>> -> memref<50331648xf32, #tpu.memory_space<hbm>>
          %dma_start3A_2238 = tpu.memref_slice %arg13[%add3A_2233] : memref<8x!tpu.dma_semaphore, #tpu.memory_space<semaphore_mem>> -> memref<1x!tpu.dma_semaphore, #tpu.memory_space<semaphore_mem>>
          %dma_start3A_2239 = tpu.memref_squeeze %dma_start3A_2238 : memref<1x!tpu.dma_semaphore, #tpu.memory_space<semaphore_mem>> -> memref<!tpu.dma_semaphore, #tpu.memory_space<semaphore_mem>>
          tpu.enqueue_indirect_dma source(%dma_start3A_2237 : memref<50331648xf32, #tpu.memory_space<hbm>>) target(%dma_start3A_2234 : memref<96xf32, #tpu.memory_space<vmem>>) offsets(%dma_start3A_2235 : memref<96xi32, #tpu.memory_space<vmem>>) semaphore(%dma_start3A_2239 : memref<!tpu.dma_semaphore, #tpu.memory_space<semaphore_mem>>)
        } else {
        }
        %sub3A_917 = arith.constant 204 : i32
        %sub3A_918 = arith.subi %scan3A_804, %sub3A_917 : i32
        %sub3A_919 = arith.constant 204 : i32
        %sub3A_920 = arith.subi %scan3A_804, %sub3A_919 : i32
        %sub3A_921 = arith.constant 8 : i32
        %sub3A_922 = arith.subi %sub3A_920, %sub3A_921 : i32
        %jit3A_923 = arith.constant 8 : i32
        %div3A_924 = arith.divsi %sub3A_922, %jit3A_923 : i32
        %sign3A_925 = arith.constant 0 : i32
        %sign3A_926 = arith.cmpi sgt, %sub3A_922, %sign3A_925 : i32
        %sign3A_927 = arith.extui %sign3A_926 : i1 to i32
        %sign3A_928 = arith.constant 0 : i32
        %sign3A_929 = arith.cmpi slt, %sub3A_922, %sign3A_928 : i32
        %sign3A_930 = arith.extui %sign3A_929 : i1 to i32
        %sign3A_931 = arith.subi %sign3A_927, %sign3A_930 : i32
        %sign3A_932 = arith.constant 0 : i32
        %sign3A_933 = arith.cmpi sgt, %jit3A_923, %sign3A_932 : i32
        %sign3A_934 = arith.extui %sign3A_933 : i1 to i32
        %sign3A_935 = arith.constant 0 : i32
        %sign3A_936 = arith.cmpi slt, %jit3A_923, %sign3A_935 : i32
        %sign3A_937 = arith.extui %sign3A_936 : i1 to i32
        %sign3A_938 = arith.subi %sign3A_934, %sign3A_937 : i32
        %ne3A_939 = arith.cmpi ne, %sign3A_931, %sign3A_938 : i32
        %rem3A_940 = arith.remsi %sub3A_922, %jit3A_923 : i32
        %ne3A_941 = arith.constant 0 : i32
        %ne3A_942 = arith.cmpi ne, %rem3A_940, %ne3A_941 : i32
        %and3A_943 = arith.andi %ne3A_939, %ne3A_942 : i1
        %sub3A_944 = arith.constant 1 : i32
        %sub3A_945 = arith.subi %div3A_924, %sub3A_944 : i32
        %select_n3A_946 = arith.select %and3A_943, %sub3A_945, %div3A_924 : i32
        %mul3A_947 = arith.constant 8 : i32
        %mul3A_948 = arith.muli %select_n3A_946, %mul3A_947 : i32
        %min3A_949 = arith.constant 1824 : i32
        %min3A_950 = arith.minsi %mul3A_948, %min3A_949 : i32
        %sub3A_951 = arith.subi %sub3A_918, %min3A_950 : i32
        %mul3A_952 = arith.constant 256 : i32
        %mul3A_953 = arith.muli %rem3A_900, %mul3A_952 : i32
        %add3A_954 = arith.addi %mul3A_953, %sub3A_951 : i32
        %add3A_955 = arith.constant 0 : i32
        %add3A_956 = arith.addi %add3A_954, %add3A_955 : i32
        %get3A_957 = arith.index_cast %add3A_956 : i32 to index
        %get3A_958 = tpu.vector_load %arg5[%get3A_957] {strides = array<i32>} : memref<1024xf32, #tpu.memory_space<vmem>>, vector<16xf32>,
        %get3A_959 = vector.shape_cast %get3A_958 : vector<16xf32> to vector<16xf32>
        %exp3A = math.exp %get3A_959 : vector<16xf32>
        %add3A_960 = arith.addf %broadcast_in_dim3A_5, %exp3A : vector<16xf32>
        %mul3A_961 = arith.constant 256 : i32
        %mul3A_962 = arith.muli %rem3A_900, %mul3A_961 : i32
        %add3A_963 = arith.addi %mul3A_962, %sub3A_951 : i32
        %add3A_964 = arith.constant 16 : i32
        %add3A_965 = arith.addi %add3A_963, %add3A_964 : i32
        %get3A_966 = arith.index_cast %add3A_965 : i32 to index
        %get3A_967 = tpu.vector_load %arg5[%get3A_966] {strides = array<i32>} : memref<1024xf32, #tpu.memory_space<vmem>>, vector<16xf32>,
        %get3A_968 = vector.shape_cast %get3A_967 : vector<16xf32> to vector<16xf32>
        %exp3A_969 = math.exp %get3A_968 : vector<16xf32>
        %add3A_970 = arith.addf %add3A_960, %exp3A_969 : vector<16xf32>
        %mul3A_971 = arith.constant 256 : i32
        %mul3A_972 = arith.muli %rem3A_900, %mul3A_971 : i32
        %add3A_973 = arith.addi %mul3A_972, %sub3A_951 : i32
        %add3A_974 = arith.constant 32 : i32
        %add3A_975 = arith.addi %add3A_973, %add3A_974 : i32
        %get3A_976 = arith.index_cast %add3A_975 : i32 to index
        %get3A_977 = tpu.vector_load %arg5[%get3A_976] {strides = array<i32>} : memref<1024xf32, #tpu.memory_space<vmem>>, vector<16xf32>,
        %get3A_978 = vector.shape_cast %get3A_977 : vector<16xf32> to vector<16xf32>
        %exp3A_979 = math.exp %get3A_978 : vector<16xf32>
        %add3A_980 = arith.addf %add3A_970, %exp3A_979 : vector<16xf32>
        %mul3A_981 = arith.constant 256 : i32
        %mul3A_982 = arith.muli %rem3A_900, %mul3A_981 : i32
        %add3A_983 = arith.addi %mul3A_982, %sub3A_951 : i32
        %add3A_984 = arith.constant 48 : i32
        %add3A_985 = arith.addi %add3A_983, %add3A_984 : i32
        %get3A_986 = arith.index_cast %add3A_985 : i32 to index
        %get3A_987 = tpu.vector_load %arg5[%get3A_986] {strides = array<i32>} : memref<1024xf32, #tpu.memory_space<vmem>>, vector<16xf32>,
        %get3A_988 = vector.shape_cast %get3A_987 : vector<16xf32> to vector<16xf32>
        %exp3A_989 = math.exp %get3A_988 : vector<16xf32>
        %add3A_990 = arith.addf %add3A_980, %exp3A_989 : vector<16xf32>
        %mul3A_991 = arith.constant 256 : i32
        %mul3A_992 = arith.muli %rem3A_900, %mul3A_991 : i32
        %add3A_993 = arith.addi %mul3A_992, %sub3A_951 : i32
        %add3A_994 = arith.constant 64 : i32
        %add3A_995 = arith.addi %add3A_993, %add3A_994 : i32
        %get3A_996 = arith.index_cast %add3A_995 : i32 to index
        %get3A_997 = tpu.vector_load %arg5[%get3A_996] {strides = array<i32>} : memref<1024xf32, #tpu.memory_space<vmem>>, vector<16xf32>,
        %get3A_998 = vector.shape_cast %get3A_997 : vector<16xf32> to vector<16xf32>
        %exp3A_999 = math.exp %get3A_998 : vector<16xf32>
        %add3A_1000 = arith.addf %add3A_990, %exp3A_999 : vector<16xf32>
        %mul3A_1001 = arith.constant 256 : i32
        %mul3A_1002 = arith.muli %rem3A_900, %mul3A_1001 : i32
        %add3A_1003 = arith.addi %mul3A_1002, %sub3A_951 : i32
        %add3A_1004 = arith.constant 80 : i32
        %add3A_1005 = arith.addi %add3A_1003, %add3A_1004 : i32
        %get3A_1006 = arith.index_cast %add3A_1005 : i32 to index
        %get3A_1007 = tpu.vector_load %arg5[%get3A_1006] {strides = array<i32>} : memref<1024xf32, #tpu.memory_space<vmem>>, vector<16xf32>,
        %get3A_1008 = vector.shape_cast %get3A_1007 : vector<16xf32> to vector<16xf32>
        %exp3A_1009 = math.exp %get3A_1008 : vector<16xf32>
        %add3A_1010 = arith.addf %add3A_1000, %exp3A_1009 : vector<16xf32>
        %mul3A_1011 = arith.constant 256 : i32
        %mul3A_1012 = arith.muli %rem3A_900, %mul3A_1011 : i32
        %add3A_1013 = arith.addi %mul3A_1012, %sub3A_951 : i32
        %add3A_1014 = arith.constant 96 : i32
        %add3A_1015 = arith.addi %add3A_1013, %add3A_1014 : i32
        %get3A_1016 = arith.index_cast %add3A_1015 : i32 to index
        %get3A_1017 = tpu.vector_load %arg5[%get3A_1016] {strides = array<i32>} : memref<1024xf32, #tpu.memory_space<vmem>>, vector<16xf32>,
        %get3A_1018 = vector.shape_cast %get3A_1017 : vector<16xf32> to vector<16xf32>
        %exp3A_1019 = math.exp %get3A_1018 : vector<16xf32>
        %add3A_1020 = arith.addf %add3A_1010, %exp3A_1019 : vector<16xf32>
        %mul3A_1021 = arith.constant 256 : i32
        %mul3A_1022 = arith.muli %rem3A_900, %mul3A_1021 : i32
        %add3A_1023 = arith.addi %mul3A_1022, %sub3A_951 : i32
        %add3A_1024 = arith.constant 112 : i32
        %add3A_1025 = arith.addi %add3A_1023, %add3A_1024 : i32
        %get3A_1026 = arith.index_cast %add3A_1025 : i32 to index
        %get3A_1027 = tpu.vector_load %arg5[%get3A_1026] {strides = array<i32>} : memref<1024xf32, #tpu.memory_space<vmem>>, vector<16xf32>,
        %get3A_1028 = vector.shape_cast %get3A_1027 : vector<16xf32> to vector<16xf32>
        %exp3A_1029 = math.exp %get3A_1028 : vector<16xf32>
        %add3A_1030 = arith.addf %add3A_1020, %exp3A_1029 : vector<16xf32>
        %mul3A_1031 = arith.constant 256 : i32
        %mul3A_1032 = arith.muli %rem3A_900, %mul3A_1031 : i32
        %add3A_1033 = arith.addi %mul3A_1032, %sub3A_951 : i32
        %add3A_1034 = arith.constant 128 : i32
        %add3A_1035 = arith.addi %add3A_1033, %add3A_1034 : i32
        %get3A_1036 = arith.index_cast %add3A_1035 : i32 to index
        %get3A_1037 = tpu.vector_load %arg5[%get3A_1036] {strides = array<i32>} : memref<1024xf32, #tpu.memory_space<vmem>>, vector<16xf32>,
        %get3A_1038 = vector.shape_cast %get3A_1037 : vector<16xf32> to vector<16xf32>
        %exp3A_1039 = math.exp %get3A_1038 : vector<16xf32>
        %add3A_1040 = arith.addf %add3A_1030, %exp3A_1039 : vector<16xf32>
        %mul3A_1041 = arith.constant 256 : i32
        %mul3A_1042 = arith.muli %rem3A_900, %mul3A_1041 : i32
        %add3A_1043 = arith.addi %mul3A_1042, %sub3A_951 : i32
        %add3A_1044 = arith.constant 144 : i32
        %add3A_1045 = arith.addi %add3A_1043, %add3A_1044 : i32
        %get3A_1046 = arith.index_cast %add3A_1045 : i32 to index
        %get3A_1047 = tpu.vector_load %arg5[%get3A_1046] {strides = array<i32>} : memref<1024xf32, #tpu.memory_space<vmem>>, vector<16xf32>,
        %get3A_1048 = vector.shape_cast %get3A_1047 : vector<16xf32> to vector<16xf32>
        %exp3A_1049 = math.exp %get3A_1048 : vector<16xf32>
        %add3A_1050 = arith.addf %add3A_1040, %exp3A_1049 : vector<16xf32>
        %mul3A_1051 = arith.constant 256 : i32
        %mul3A_1052 = arith.muli %rem3A_900, %mul3A_1051 : i32
        %add3A_1053 = arith.addi %mul3A_1052, %sub3A_951 : i32
        %add3A_1054 = arith.constant 160 : i32
        %add3A_1055 = arith.addi %add3A_1053, %add3A_1054 : i32
        %get3A_1056 = arith.index_cast %add3A_1055 : i32 to index
        %get3A_1057 = tpu.vector_load %arg5[%get3A_1056] {strides = array<i32>} : memref<1024xf32, #tpu.memory_space<vmem>>, vector<16xf32>,
        %get3A_1058 = vector.shape_cast %get3A_1057 : vector<16xf32> to vector<16xf32>
        %exp3A_1059 = math.exp %get3A_1058 : vector<16xf32>
        %add3A_1060 = arith.addf %add3A_1050, %exp3A_1059 : vector<16xf32>
        %mul3A_1061 = arith.constant 256 : i32
        %mul3A_1062 = arith.muli %rem3A_900, %mul3A_1061 : i32
        %add3A_1063 = arith.addi %mul3A_1062, %sub3A_951 : i32
        %add3A_1064 = arith.constant 176 : i32
        %add3A_1065 = arith.addi %add3A_1063, %add3A_1064 : i32
        %get3A_1066 = arith.index_cast %add3A_1065 : i32 to index
        %get3A_1067 = tpu.vector_load %arg5[%get3A_1066] {strides = array<i32>} : memref<1024xf32, #tpu.memory_space<vmem>>, vector<16xf32>,
        %get3A_1068 = vector.shape_cast %get3A_1067 : vector<16xf32> to vector<16xf32>
        %exp3A_1069 = math.exp %get3A_1068 : vector<16xf32>
        %add3A_1070 = arith.addf %add3A_1060, %exp3A_1069 : vector<16xf32>
        %mul3A_1071 = arith.constant 256 : i32
        %mul3A_1072 = arith.muli %rem3A_900, %mul3A_1071 : i32
        %add3A_1073 = arith.addi %mul3A_1072, %sub3A_951 : i32
        %add3A_1074 = arith.constant 192 : i32
        %add3A_1075 = arith.addi %add3A_1073, %add3A_1074 : i32
        %get3A_1076 = arith.index_cast %add3A_1075 : i32 to index
        %get3A_1077 = tpu.vector_load %arg5[%get3A_1076] {strides = array<i32>} : memref<1024xf32, #tpu.memory_space<vmem>>, vector<16xf32>,
        %get3A_1078 = vector.shape_cast %get3A_1077 : vector<16xf32> to vector<16xf32>
        %add3A_1079 = arith.constant 192 : i32
        %add3A_1080 = vector.broadcast %add3A_1079 : i32 to vector<16xi32>
        %add3A_1081 = arith.addi %add3A_1080, %iota3A : vector<16xi32>
        %lt3A_1082 = arith.constant 205 : i32
        %lt3A_1083 = vector.broadcast %lt3A_1082 : i32 to vector<16xi32>
        %lt3A_1084 = arith.cmpi slt, %add3A_1081, %lt3A_1083 : vector<16xi32>
        %exp3A_1085 = math.exp %get3A_1078 : vector<16xf32>
        %select_n3A_1086 = arith.select %lt3A_1084, %exp3A_1085, %broadcast_in_dim3A_5 : vector<16xi1>, vector<16xf32>
        %add3A_1087 = arith.addf %add3A_1070, %select_n3A_1086 : vector<16xf32>
        %sub3A_1088 = arith.constant 1 : i32
        %sub3A_1089 = arith.subi %sub3A_918, %sub3A_1088 : i32
        %sub3A_1090 = arith.subi %sub3A_1089, %min3A_950 : i32
        %jit3A_1091 = arith.constant 16 : i32
        %div3A_1092 = arith.divsi %sub3A_1090, %jit3A_1091 : i32
        %sign3A_1093 = arith.constant 0 : i32
        %sign3A_1094 = arith.cmpi sgt, %sub3A_1090, %sign3A_1093 : i32
        %sign3A_1095 = arith.extui %sign3A_1094 : i1 to i32
        %sign3A_1096 = arith.constant 0 : i32
        %sign3A_1097 = arith.cmpi slt, %sub3A_1090, %sign3A_1096 : i32
        %sign3A_1098 = arith.extui %sign3A_1097 : i1 to i32
        %sign3A_1099 = arith.subi %sign3A_1095, %sign3A_1098 : i32
        %sign3A_1100 = arith.constant 0 : i32
        %sign3A_1101 = arith.cmpi sgt, %jit3A_1091, %sign3A_1100 : i32
        %sign3A_1102 = arith.extui %sign3A_1101 : i1 to i32
        %sign3A_1103 = arith.constant 0 : i32
        %sign3A_1104 = arith.cmpi slt, %jit3A_1091, %sign3A_1103 : i32
        %sign3A_1105 = arith.extui %sign3A_1104 : i1 to i32
        %sign3A_1106 = arith.subi %sign3A_1102, %sign3A_1105 : i32
        %ne3A_1107 = arith.cmpi ne, %sign3A_1099, %sign3A_1106 : i32
        %rem3A_1108 = arith.remsi %sub3A_1090, %jit3A_1091 : i32
        %ne3A_1109 = arith.constant 0 : i32
        %ne3A_1110 = arith.cmpi ne, %rem3A_1108, %ne3A_1109 : i32
        %and3A_1111 = arith.andi %ne3A_1107, %ne3A_1110 : i1
        %sub3A_1112 = arith.constant 1 : i32
        %sub3A_1113 = arith.subi %div3A_1092, %sub3A_1112 : i32
        %select_n3A_1114 = arith.select %and3A_1111, %sub3A_1113, %div3A_1092 : i32
        %mul3A_1115 = arith.constant 16 : i32
        %mul3A_1116 = arith.muli %select_n3A_1114, %mul3A_1115 : i32
        %mul3A_1117 = arith.constant 256 : i32
        %mul3A_1118 = arith.muli %rem3A_900, %mul3A_1117 : i32
        %add3A_1119 = arith.addi %mul3A_1118, %mul3A_1116 : i32
        %get3A_1120 = arith.index_cast %add3A_1119 : i32 to index
        %get3A_1121 = tpu.vector_load %arg5[%get3A_1120] {strides = array<i32>} : memref<1024xf32, #tpu.memory_space<vmem>>, vector<16xf32>,
        %get3A_1122 = vector.shape_cast %get3A_1121 : vector<16xf32> to vector<16xf32>
        %sub3A_1123 = arith.subi %sub3A_1090, %mul3A_1116 : i32
        %add3A_1124 = vector.broadcast %sub3A_1123 : i32 to vector<16xi32>
        %add3A_1125 = arith.addi %broadcast_in_dim3A_3, %add3A_1124 : vector<16xi32>
        %broadcast_in_dim3A_1126 = vector.shape_cast %add3A_1125 : vector<16xi32> to vector<16x1xi32>
        %gather3A = vector.shape_cast %broadcast_in_dim3A_1126 : vector<16x1xi32> to vector<16xi32>
        %gather3A_1127 = tpu.dynamic_gather %get3A_1122[%gather3A] in [0] : vector<16xf32>, vector<16xi32> -> vector<16xf32>
        %sub3A_1128 = arith.constant 2 : i32
        %sub3A_1129 = arith.subi %sub3A_918, %sub3A_1128 : i32
        %sub3A_1130 = arith.subi %sub3A_1129, %min3A_950 : i32
        %jit3A_1131 = arith.constant 16 : i32
        %div3A_1132 = arith.divsi %sub3A_1130, %jit3A_1131 : i32
        %sign3A_1133 = arith.constant 0 : i32
        %sign3A_1134 = arith.cmpi sgt, %sub3A_1130, %sign3A_1133 : i32
        %sign3A_1135 = arith.extui %sign3A_1134 : i1 to i32
        %sign3A_1136 = arith.constant 0 : i32
        %sign3A_1137 = arith.cmpi slt, %sub3A_1130, %sign3A_1136 : i32
        %sign3A_1138 = arith.extui %sign3A_1137 : i1 to i32
        %sign3A_1139 = arith.subi %sign3A_1135, %sign3A_1138 : i32
        %sign3A_1140 = arith.constant 0 : i32
        %sign3A_1141 = arith.cmpi sgt, %jit3A_1131, %sign3A_1140 : i32
        %sign3A_1142 = arith.extui %sign3A_1141 : i1 to i32
        %sign3A_1143 = arith.constant 0 : i32
        %sign3A_1144 = arith.cmpi slt, %jit3A_1131, %sign3A_1143 : i32
        %sign3A_1145 = arith.extui %sign3A_1144 : i1 to i32
        %sign3A_1146 = arith.subi %sign3A_1142, %sign3A_1145 : i32
        %ne3A_1147 = arith.cmpi ne, %sign3A_1139, %sign3A_1146 : i32
        %rem3A_1148 = arith.remsi %sub3A_1130, %jit3A_1131 : i32
        %ne3A_1149 = arith.constant 0 : i32
        %ne3A_1150 = arith.cmpi ne, %rem3A_1148, %ne3A_1149 : i32
        %and3A_1151 = arith.andi %ne3A_1147, %ne3A_1150 : i1
        %sub3A_1152 = arith.constant 1 : i32
        %sub3A_1153 = arith.subi %div3A_1132, %sub3A_1152 : i32
        %select_n3A_1154 = arith.select %and3A_1151, %sub3A_1153, %div3A_1132 : i32
        %mul3A_1155 = arith.constant 16 : i32
        %mul3A_1156 = arith.muli %select_n3A_1154, %mul3A_1155 : i32
        %mul3A_1157 = arith.constant 256 : i32
        %mul3A_1158 = arith.muli %rem3A_900, %mul3A_1157 : i32
        %add3A_1159 = arith.addi %mul3A_1158, %mul3A_1156 : i32
        %get3A_1160 = arith.index_cast %add3A_1159 : i32 to index
        %get3A_1161 = tpu.vector_load %arg5[%get3A_1160] {strides = array<i32>} : memref<1024xf32, #tpu.memory_space<vmem>>, vector<16xf32>,
        %get3A_1162 = vector.shape_cast %get3A_1161 : vector<16xf32> to vector<16xf32>
        %sub3A_1163 = arith.subi %sub3A_1130, %mul3A_1156 : i32
        %add3A_1164 = vector.broadcast %sub3A_1163 : i32 to vector<16xi32>
        %add3A_1165 = arith.addi %broadcast_in_dim3A_3, %add3A_1164 : vector<16xi32>
        %broadcast_in_dim3A_1166 = vector.shape_cast %add3A_1165 : vector<16xi32> to vector<16x1xi32>
        %gather3A_1167 = vector.shape_cast %broadcast_in_dim3A_1166 : vector<16x1xi32> to vector<16xi32>
        %gather3A_1168 = tpu.dynamic_gather %get3A_1162[%gather3A_1167] in [0] : vector<16xf32>, vector<16xi32> -> vector<16xf32>
        %sub3A_1169 = arith.constant 3 : i32
        %sub3A_1170 = arith.subi %sub3A_918, %sub3A_1169 : i32
        %sub3A_1171 = arith.subi %sub3A_1170, %min3A_950 : i32
        %jit3A_1172 = arith.constant 16 : i32
        %div3A_1173 = arith.divsi %sub3A_1171, %jit3A_1172 : i32
        %sign3A_1174 = arith.constant 0 : i32
        %sign3A_1175 = arith.cmpi sgt, %sub3A_1171, %sign3A_1174 : i32
        %sign3A_1176 = arith.extui %sign3A_1175 : i1 to i32
        %sign3A_1177 = arith.constant 0 : i32
        %sign3A_1178 = arith.cmpi slt, %sub3A_1171, %sign3A_1177 : i32
        %sign3A_1179 = arith.extui %sign3A_1178 : i1 to i32
        %sign3A_1180 = arith.subi %sign3A_1176, %sign3A_1179 : i32
        %sign3A_1181 = arith.constant 0 : i32
        %sign3A_1182 = arith.cmpi sgt, %jit3A_1172, %sign3A_1181 : i32
        %sign3A_1183 = arith.extui %sign3A_1182 : i1 to i32
        %sign3A_1184 = arith.constant 0 : i32
        %sign3A_1185 = arith.cmpi slt, %jit3A_1172, %sign3A_1184 : i32
        %sign3A_1186 = arith.extui %sign3A_1185 : i1 to i32
        %sign3A_1187 = arith.subi %sign3A_1183, %sign3A_1186 : i32
        %ne3A_1188 = arith.cmpi ne, %sign3A_1180, %sign3A_1187 : i32
        %rem3A_1189 = arith.remsi %sub3A_1171, %jit3A_1172 : i32
        %ne3A_1190 = arith.constant 0 : i32
        %ne3A_1191 = arith.cmpi ne, %rem3A_1189, %ne3A_1190 : i32
        %and3A_1192 = arith.andi %ne3A_1188, %ne3A_1191 : i1
        %sub3A_1193 = arith.constant 1 : i32
        %sub3A_1194 = arith.subi %div3A_1173, %sub3A_1193 : i32
        %select_n3A_1195 = arith.select %and3A_1192, %sub3A_1194, %div3A_1173 : i32
        %mul3A_1196 = arith.constant 16 : i32
        %mul3A_1197 = arith.muli %select_n3A_1195, %mul3A_1196 : i32
        %mul3A_1198 = arith.constant 256 : i32
        %mul3A_1199 = arith.muli %rem3A_900, %mul3A_1198 : i32
        %add3A_1200 = arith.addi %mul3A_1199, %mul3A_1197 : i32
        %get3A_1201 = arith.index_cast %add3A_1200 : i32 to index
        %get3A_1202 = tpu.vector_load %arg5[%get3A_1201] {strides = array<i32>} : memref<1024xf32, #tpu.memory_space<vmem>>, vector<16xf32>,
        %get3A_1203 = vector.shape_cast %get3A_1202 : vector<16xf32> to vector<16xf32>
        %sub3A_1204 = arith.subi %sub3A_1171, %mul3A_1197 : i32
        %add3A_1205 = vector.broadcast %sub3A_1204 : i32 to vector<16xi32>
        %add3A_1206 = arith.addi %broadcast_in_dim3A_3, %add3A_1205 : vector<16xi32>
        %broadcast_in_dim3A_1207 = vector.shape_cast %add3A_1206 : vector<16xi32> to vector<16x1xi32>
        %gather3A_1208 = vector.shape_cast %broadcast_in_dim3A_1207 : vector<16x1xi32> to vector<16xi32>
        %gather3A_1209 = tpu.dynamic_gather %get3A_1203[%gather3A_1208] in [0] : vector<16xf32>, vector<16xi32> -> vector<16xf32>
        %sub3A_1210 = arith.constant 4 : i32
        %sub3A_1211 = arith.subi %sub3A_918, %sub3A_1210 : i32
        %sub3A_1212 = arith.subi %sub3A_1211, %min3A_950 : i32
        %jit3A_1213 = arith.constant 16 : i32
        %div3A_1214 = arith.divsi %sub3A_1212, %jit3A_1213 : i32
        %sign3A_1215 = arith.constant 0 : i32
        %sign3A_1216 = arith.cmpi sgt, %sub3A_1212, %sign3A_1215 : i32
        %sign3A_1217 = arith.extui %sign3A_1216 : i1 to i32
        %sign3A_1218 = arith.constant 0 : i32
        %sign3A_1219 = arith.cmpi slt, %sub3A_1212, %sign3A_1218 : i32
        %sign3A_1220 = arith.extui %sign3A_1219 : i1 to i32
        %sign3A_1221 = arith.subi %sign3A_1217, %sign3A_1220 : i32
        %sign3A_1222 = arith.constant 0 : i32
        %sign3A_1223 = arith.cmpi sgt, %jit3A_1213, %sign3A_1222 : i32
        %sign3A_1224 = arith.extui %sign3A_1223 : i1 to i32
        %sign3A_1225 = arith.constant 0 : i32
        %sign3A_1226 = arith.cmpi slt, %jit3A_1213, %sign3A_1225 : i32
        %sign3A_1227 = arith.extui %sign3A_1226 : i1 to i32
        %sign3A_1228 = arith.subi %sign3A_1224, %sign3A_1227 : i32
        %ne3A_1229 = arith.cmpi ne, %sign3A_1221, %sign3A_1228 : i32
        %rem3A_1230 = arith.remsi %sub3A_1212, %jit3A_1213 : i32
        %ne3A_1231 = arith.constant 0 : i32
        %ne3A_1232 = arith.cmpi ne, %rem3A_1230, %ne3A_1231 : i32
        %and3A_1233 = arith.andi %ne3A_1229, %ne3A_1232 : i1
        %sub3A_1234 = arith.constant 1 : i32
        %sub3A_1235 = arith.subi %div3A_1214, %sub3A_1234 : i32
        %select_n3A_1236 = arith.select %and3A_1233, %sub3A_1235, %div3A_1214 : i32
        %mul3A_1237 = arith.constant 16 : i32
        %mul3A_1238 = arith.muli %select_n3A_1236, %mul3A_1237 : i32
        %mul3A_1239 = arith.constant 256 : i32
        %mul3A_1240 = arith.muli %rem3A_900, %mul3A_1239 : i32
        %add3A_1241 = arith.addi %mul3A_1240, %mul3A_1238 : i32
        %get3A_1242 = arith.index_cast %add3A_1241 : i32 to index
        %get3A_1243 = tpu.vector_load %arg5[%get3A_1242] {strides = array<i32>} : memref<1024xf32, #tpu.memory_space<vmem>>, vector<16xf32>,
        %get3A_1244 = vector.shape_cast %get3A_1243 : vector<16xf32> to vector<16xf32>
        %sub3A_1245 = arith.subi %sub3A_1212, %mul3A_1238 : i32
        %add3A_1246 = vector.broadcast %sub3A_1245 : i32 to vector<16xi32>
        %add3A_1247 = arith.addi %broadcast_in_dim3A_3, %add3A_1246 : vector<16xi32>
        %broadcast_in_dim3A_1248 = vector.shape_cast %add3A_1247 : vector<16xi32> to vector<16x1xi32>
        %gather3A_1249 = vector.shape_cast %broadcast_in_dim3A_1248 : vector<16x1xi32> to vector<16xi32>
        %gather3A_1250 = tpu.dynamic_gather %get3A_1244[%gather3A_1249] in [0] : vector<16xf32>, vector<16xi32> -> vector<16xf32>
        %sub3A_1251 = arith.constant 1 : i32
        %sub3A_1252 = arith.subi %sub3A_918, %sub3A_1251 : i32
        %add3A_1253 = vector.broadcast %sub3A_1252 : i32 to vector<16xi32>
        %add3A_1254 = arith.addi %broadcast_in_dim3A_3, %add3A_1253 : vector<16xi32>
        %sub3A_1255 = arith.constant 2 : i32
        %sub3A_1256 = arith.subi %sub3A_918, %sub3A_1255 : i32
        %add3A_1257 = vector.broadcast %sub3A_1256 : i32 to vector<16xi32>
        %add3A_1258 = arith.addi %broadcast_in_dim3A_3, %add3A_1257 : vector<16xi32>
        %sub3A_1259 = arith.constant 3 : i32
        %sub3A_1260 = arith.subi %sub3A_918, %sub3A_1259 : i32
        %add3A_1261 = vector.broadcast %sub3A_1260 : i32 to vector<16xi32>
        %add3A_1262 = arith.addi %broadcast_in_dim3A_3, %add3A_1261 : vector<16xi32>
        %sub3A_1263 = arith.constant 4 : i32
        %sub3A_1264 = arith.subi %sub3A_918, %sub3A_1263 : i32
        %add3A_1265 = vector.broadcast %sub3A_1264 : i32 to vector<16xi32>
        %add3A_1266 = arith.addi %broadcast_in_dim3A_3, %add3A_1265 : vector<16xi32>
        %mul3A_1267 = arith.constant 112 : i32
        %mul3A_1268 = arith.muli %mul3A_1267, %rem3A_902 : i32
        %add3A_1269 = arith.constant 0 : i32
        %add3A_1270 = arith.addi %mul3A_1268, %add3A_1269 : i32
        %get3A_1271 = arith.index_cast %add3A_1270 : i32 to index
        %get3A_1272 = tpu.vector_load %arg10[%get3A_1271] {strides = array<i32>} : memref<448xf32, #tpu.memory_space<vmem>>, vector<16xf32>,
        %get3A_1273 = vector.shape_cast %get3A_1272 : vector<16xf32> to vector<16xf32>
        %eq3A = arith.cmpi eq, %scan3A_805, %add3A_1254 : vector<16xi32>
        %eq3A_1274 = arith.cmpi eq, %scan3A_805, %add3A_1258 : vector<16xi32>
        %eq3A_1275 = arith.cmpi eq, %scan3A_805, %add3A_1262 : vector<16xi32>
        %eq3A_1276 = arith.cmpi eq, %scan3A_805, %add3A_1266 : vector<16xi32>
        %select_n3A_1277 = arith.select %eq3A_1276, %gather3A_1250, %get3A_1273 : vector<16xi1>, vector<16xf32>
        %select_n3A_1278 = arith.select %eq3A_1275, %gather3A_1209, %select_n3A_1277 : vector<16xi1>, vector<16xf32>
        %select_n3A_1279 = arith.select %eq3A_1274, %gather3A_1168, %select_n3A_1278 : vector<16xi1>, vector<16xf32>
        %select_n3A_1280 = arith.select %eq3A, %gather3A_1127, %select_n3A_1279 : vector<16xi1>, vector<16xf32>
        %exp3A_1281 = math.exp %select_n3A_1280 : vector<16xf32>
        %add3A_1282 = arith.addf %add3A_1087, %exp3A_1281 : vector<16xf32>
        %mul3A_1283 = arith.constant 112 : i32
        %mul3A_1284 = arith.muli %mul3A_1283, %rem3A_902 : i32
        %add3A_1285 = arith.constant 16 : i32
        %add3A_1286 = arith.addi %mul3A_1284, %add3A_1285 : i32
        %get3A_1287 = arith.index_cast %add3A_1286 : i32 to index
        %get3A_1288 = tpu.vector_load %arg10[%get3A_1287] {strides = array<i32>} : memref<448xf32, #tpu.memory_space<vmem>>, vector<16xf32>,
        %get3A_1289 = vector.shape_cast %get3A_1288 : vector<16xf32> to vector<16xf32>
        %eq3A_1290 = arith.cmpi eq, %scan3A_806, %add3A_1254 : vector<16xi32>
        %eq3A_1291 = arith.cmpi eq, %scan3A_806, %add3A_1258 : vector<16xi32>
        %eq3A_1292 = arith.cmpi eq, %scan3A_806, %add3A_1262 : vector<16xi32>
        %eq3A_1293 = arith.cmpi eq, %scan3A_806, %add3A_1266 : vector<16xi32>
        %select_n3A_1294 = arith.select %eq3A_1293, %gather3A_1250, %get3A_1289 : vector<16xi1>, vector<16xf32>
        %select_n3A_1295 = arith.select %eq3A_1292, %gather3A_1209, %select_n3A_1294 : vector<16xi1>, vector<16xf32>
        %select_n3A_1296 = arith.select %eq3A_1291, %gather3A_1168, %select_n3A_1295 : vector<16xi1>, vector<16xf32>
        %select_n3A_1297 = arith.select %eq3A_1290, %gather3A_1127, %select_n3A_1296 : vector<16xi1>, vector<16xf32>
        %exp3A_1298 = math.exp %select_n3A_1297 : vector<16xf32>
        %add3A_1299 = arith.addf %add3A_1282, %exp3A_1298 : vector<16xf32>
        %mul3A_1300 = arith.constant 112 : i32
        %mul3A_1301 = arith.muli %mul3A_1300, %rem3A_902 : i32
        %add3A_1302 = arith.constant 32 : i32
        %add3A_1303 = arith.addi %mul3A_1301, %add3A_1302 : i32
        %get3A_1304 = arith.index_cast %add3A_1303 : i32 to index
        %get3A_1305 = tpu.vector_load %arg10[%get3A_1304] {strides = array<i32>} : memref<448xf32, #tpu.memory_space<vmem>>, vector<16xf32>,
        %get3A_1306 = vector.shape_cast %get3A_1305 : vector<16xf32> to vector<16xf32>
        %eq3A_1307 = arith.cmpi eq, %scan3A_807, %add3A_1254 : vector<16xi32>
        %eq3A_1308 = arith.cmpi eq, %scan3A_807, %add3A_1258 : vector<16xi32>
        %eq3A_1309 = arith.cmpi eq, %scan3A_807, %add3A_1262 : vector<16xi32>
        %eq3A_1310 = arith.cmpi eq, %scan3A_807, %add3A_1266 : vector<16xi32>
        %select_n3A_1311 = arith.select %eq3A_1310, %gather3A_1250, %get3A_1306 : vector<16xi1>, vector<16xf32>
        %select_n3A_1312 = arith.select %eq3A_1309, %gather3A_1209, %select_n3A_1311 : vector<16xi1>, vector<16xf32>
        %select_n3A_1313 = arith.select %eq3A_1308, %gather3A_1168, %select_n3A_1312 : vector<16xi1>, vector<16xf32>
        %select_n3A_1314 = arith.select %eq3A_1307, %gather3A_1127, %select_n3A_1313 : vector<16xi1>, vector<16xf32>
        %exp3A_1315 = math.exp %select_n3A_1314 : vector<16xf32>
        %add3A_1316 = arith.addf %add3A_1299, %exp3A_1315 : vector<16xf32>
        %mul3A_1317 = arith.constant 112 : i32
        %mul3A_1318 = arith.muli %mul3A_1317, %rem3A_902 : i32
        %add3A_1319 = arith.constant 48 : i32
        %add3A_1320 = arith.addi %mul3A_1318, %add3A_1319 : i32
        %get3A_1321 = arith.index_cast %add3A_1320 : i32 to index
        %get3A_1322 = tpu.vector_load %arg10[%get3A_1321] {strides = array<i32>} : memref<448xf32, #tpu.memory_space<vmem>>, vector<16xf32>,
        %get3A_1323 = vector.shape_cast %get3A_1322 : vector<16xf32> to vector<16xf32>
        %eq3A_1324 = arith.cmpi eq, %scan3A_808, %add3A_1254 : vector<16xi32>
        %eq3A_1325 = arith.cmpi eq, %scan3A_808, %add3A_1258 : vector<16xi32>
        %eq3A_1326 = arith.cmpi eq, %scan3A_808, %add3A_1262 : vector<16xi32>
        %eq3A_1327 = arith.cmpi eq, %scan3A_808, %add3A_1266 : vector<16xi32>
        %select_n3A_1328 = arith.select %eq3A_1327, %gather3A_1250, %get3A_1323 : vector<16xi1>, vector<16xf32>
        %select_n3A_1329 = arith.select %eq3A_1326, %gather3A_1209, %select_n3A_1328 : vector<16xi1>, vector<16xf32>
        %select_n3A_1330 = arith.select %eq3A_1325, %gather3A_1168, %select_n3A_1329 : vector<16xi1>, vector<16xf32>
        %select_n3A_1331 = arith.select %eq3A_1324, %gather3A_1127, %select_n3A_1330 : vector<16xi1>, vector<16xf32>
        %exp3A_1332 = math.exp %select_n3A_1331 : vector<16xf32>
        %add3A_1333 = arith.addf %add3A_1316, %exp3A_1332 : vector<16xf32>
        %mul3A_1334 = arith.constant 112 : i32
        %mul3A_1335 = arith.muli %mul3A_1334, %rem3A_902 : i32
        %add3A_1336 = arith.constant 64 : i32
        %add3A_1337 = arith.addi %mul3A_1335, %add3A_1336 : i32
        %get3A_1338 = arith.index_cast %add3A_1337 : i32 to index
        %get3A_1339 = tpu.vector_load %arg10[%get3A_1338] {strides = array<i32>} : memref<448xf32, #tpu.memory_space<vmem>>, vector<16xf32>,
        %get3A_1340 = vector.shape_cast %get3A_1339 : vector<16xf32> to vector<16xf32>
        %eq3A_1341 = arith.cmpi eq, %scan3A_809, %add3A_1254 : vector<16xi32>
        %eq3A_1342 = arith.cmpi eq, %scan3A_809, %add3A_1258 : vector<16xi32>
        %eq3A_1343 = arith.cmpi eq, %scan3A_809, %add3A_1262 : vector<16xi32>
        %eq3A_1344 = arith.cmpi eq, %scan3A_809, %add3A_1266 : vector<16xi32>
        %select_n3A_1345 = arith.select %eq3A_1344, %gather3A_1250, %get3A_1340 : vector<16xi1>, vector<16xf32>
        %select_n3A_1346 = arith.select %eq3A_1343, %gather3A_1209, %select_n3A_1345 : vector<16xi1>, vector<16xf32>
        %select_n3A_1347 = arith.select %eq3A_1342, %gather3A_1168, %select_n3A_1346 : vector<16xi1>, vector<16xf32>
        %select_n3A_1348 = arith.select %eq3A_1341, %gather3A_1127, %select_n3A_1347 : vector<16xi1>, vector<16xf32>
        %exp3A_1349 = math.exp %select_n3A_1348 : vector<16xf32>
        %add3A_1350 = arith.addf %add3A_1333, %exp3A_1349 : vector<16xf32>
        %mul3A_1351 = arith.constant 112 : i32
        %mul3A_1352 = arith.muli %mul3A_1351, %rem3A_902 : i32
        %add3A_1353 = arith.constant 80 : i32
        %add3A_1354 = arith.addi %mul3A_1352, %add3A_1353 : i32
        %get3A_1355 = arith.index_cast %add3A_1354 : i32 to index
        %get3A_1356 = tpu.vector_load %arg10[%get3A_1355] {strides = array<i32>} : memref<448xf32, #tpu.memory_space<vmem>>, vector<16xf32>,
        %get3A_1357 = vector.shape_cast %get3A_1356 : vector<16xf32> to vector<16xf32>
        %eq3A_1358 = arith.cmpi eq, %scan3A_810, %add3A_1254 : vector<16xi32>
        %eq3A_1359 = arith.cmpi eq, %scan3A_810, %add3A_1258 : vector<16xi32>
        %eq3A_1360 = arith.cmpi eq, %scan3A_810, %add3A_1262 : vector<16xi32>
        %eq3A_1361 = arith.cmpi eq, %scan3A_810, %add3A_1266 : vector<16xi32>
        %select_n3A_1362 = arith.select %eq3A_1361, %gather3A_1250, %get3A_1357 : vector<16xi1>, vector<16xf32>
        %select_n3A_1363 = arith.select %eq3A_1360, %gather3A_1209, %select_n3A_1362 : vector<16xi1>, vector<16xf32>
        %select_n3A_1364 = arith.select %eq3A_1359, %gather3A_1168, %select_n3A_1363 : vector<16xi1>, vector<16xf32>
        %select_n3A_1365 = arith.select %eq3A_1358, %gather3A_1127, %select_n3A_1364 : vector<16xi1>, vector<16xf32>
        %exp3A_1366 = math.exp %select_n3A_1365 : vector<16xf32>
        %add3A_1367 = arith.addf %add3A_1350, %exp3A_1366 : vector<16xf32>
        %mul3A_1368 = arith.constant 112 : i32
        %mul3A_1369 = arith.muli %mul3A_1368, %rem3A_902 : i32
        %add3A_1370 = arith.constant 96 : i32
        %add3A_1371 = arith.addi %mul3A_1369, %add3A_1370 : i32
        %get3A_1372 = arith.index_cast %add3A_1371 : i32 to index
        %get3A_1373 = tpu.vector_load %arg10[%get3A_1372] {strides = array<i32>} : memref<448xf32, #tpu.memory_space<vmem>>, vector<16xf32>,
        %get3A_1374 = vector.shape_cast %get3A_1373 : vector<16xf32> to vector<16xf32>
        %eq3A_1375 = arith.cmpi eq, %scan3A_811, %add3A_1254 : vector<16xi32>
        %eq3A_1376 = arith.cmpi eq, %scan3A_811, %add3A_1258 : vector<16xi32>
        %eq3A_1377 = arith.cmpi eq, %scan3A_811, %add3A_1262 : vector<16xi32>
        %eq3A_1378 = arith.cmpi eq, %scan3A_811, %add3A_1266 : vector<16xi32>
        %select_n3A_1379 = arith.select %eq3A_1378, %gather3A_1250, %get3A_1374 : vector<16xi1>, vector<16xf32>
        %select_n3A_1380 = arith.select %eq3A_1377, %gather3A_1209, %select_n3A_1379 : vector<16xi1>, vector<16xf32>
        %select_n3A_1381 = arith.select %eq3A_1376, %gather3A_1168, %select_n3A_1380 : vector<16xi1>, vector<16xf32>
        %select_n3A_1382 = arith.select %eq3A_1375, %gather3A_1127, %select_n3A_1381 : vector<16xi1>, vector<16xf32>
        %exp3A_1383 = math.exp %select_n3A_1382 : vector<16xf32>
        %add3A_1384 = arith.addf %add3A_1367, %exp3A_1383 : vector<16xf32>
        %mul3A_1385 = arith.constant 96 : i32
        %mul3A_1386 = arith.muli %mul3A_1385, %rem3A_902 : i32
        %add3A_1387 = arith.constant 0 : i32
        %add3A_1388 = arith.addi %mul3A_1386, %add3A_1387 : i32
        %get3A_1389 = arith.index_cast %add3A_1388 : i32 to index
        %get3A_1390 = tpu.vector_load %arg11[%get3A_1389] {strides = array<i32>} : memref<384xf32, #tpu.memory_space<vmem>>, vector<16xf32>,
        %get3A_1391 = vector.shape_cast %get3A_1390 : vector<16xf32> to vector<16xf32>
        %eq3A_1392 = arith.cmpi eq, %scan3A_812, %add3A_1254 : vector<16xi32>
        %eq3A_1393 = arith.cmpi eq, %scan3A_812, %add3A_1258 : vector<16xi32>
        %eq3A_1394 = arith.cmpi eq, %scan3A_812, %add3A_1262 : vector<16xi32>
        %eq3A_1395 = arith.cmpi eq, %scan3A_812, %add3A_1266 : vector<16xi32>
        %select_n3A_1396 = arith.select %eq3A_1395, %gather3A_1250, %get3A_1391 : vector<16xi1>, vector<16xf32>
        %select_n3A_1397 = arith.select %eq3A_1394, %gather3A_1209, %select_n3A_1396 : vector<16xi1>, vector<16xf32>
        %select_n3A_1398 = arith.select %eq3A_1393, %gather3A_1168, %select_n3A_1397 : vector<16xi1>, vector<16xf32>
        %select_n3A_1399 = arith.select %eq3A_1392, %gather3A_1127, %select_n3A_1398 : vector<16xi1>, vector<16xf32>
        %exp3A_1400 = math.exp %select_n3A_1399 : vector<16xf32>
        %add3A_1401 = arith.addf %add3A_1384, %exp3A_1400 : vector<16xf32>
        %mul3A_1402 = arith.constant 96 : i32
        %mul3A_1403 = arith.muli %mul3A_1402, %rem3A_902 : i32
        %add3A_1404 = arith.constant 16 : i32
        %add3A_1405 = arith.addi %mul3A_1403, %add3A_1404 : i32
        %get3A_1406 = arith.index_cast %add3A_1405 : i32 to index
        %get3A_1407 = tpu.vector_load %arg11[%get3A_1406] {strides = array<i32>} : memref<384xf32, #tpu.memory_space<vmem>>, vector<16xf32>,
        %get3A_1408 = vector.shape_cast %get3A_1407 : vector<16xf32> to vector<16xf32>
        %eq3A_1409 = arith.cmpi eq, %scan3A_813, %add3A_1254 : vector<16xi32>
        %eq3A_1410 = arith.cmpi eq, %scan3A_813, %add3A_1258 : vector<16xi32>
        %eq3A_1411 = arith.cmpi eq, %scan3A_813, %add3A_1262 : vector<16xi32>
        %eq3A_1412 = arith.cmpi eq, %scan3A_813, %add3A_1266 : vector<16xi32>
        %select_n3A_1413 = arith.select %eq3A_1412, %gather3A_1250, %get3A_1408 : vector<16xi1>, vector<16xf32>
        %select_n3A_1414 = arith.select %eq3A_1411, %gather3A_1209, %select_n3A_1413 : vector<16xi1>, vector<16xf32>
        %select_n3A_1415 = arith.select %eq3A_1410, %gather3A_1168, %select_n3A_1414 : vector<16xi1>, vector<16xf32>
        %select_n3A_1416 = arith.select %eq3A_1409, %gather3A_1127, %select_n3A_1415 : vector<16xi1>, vector<16xf32>
        %exp3A_1417 = math.exp %select_n3A_1416 : vector<16xf32>
        %add3A_1418 = arith.addf %add3A_1401, %exp3A_1417 : vector<16xf32>
        %mul3A_1419 = arith.constant 96 : i32
        %mul3A_1420 = arith.muli %mul3A_1419, %rem3A_902 : i32
        %add3A_1421 = arith.constant 32 : i32
        %add3A_1422 = arith.addi %mul3A_1420, %add3A_1421 : i32
        %get3A_1423 = arith.index_cast %add3A_1422 : i32 to index
        %get3A_1424 = tpu.vector_load %arg11[%get3A_1423] {strides = array<i32>} : memref<384xf32, #tpu.memory_space<vmem>>, vector<16xf32>,
        %get3A_1425 = vector.shape_cast %get3A_1424 : vector<16xf32> to vector<16xf32>
        %eq3A_1426 = arith.cmpi eq, %scan3A_814, %add3A_1254 : vector<16xi32>
        %eq3A_1427 = arith.cmpi eq, %scan3A_814, %add3A_1258 : vector<16xi32>
        %eq3A_1428 = arith.cmpi eq, %scan3A_814, %add3A_1262 : vector<16xi32>
        %eq3A_1429 = arith.cmpi eq, %scan3A_814, %add3A_1266 : vector<16xi32>
        %select_n3A_1430 = arith.select %eq3A_1429, %gather3A_1250, %get3A_1425 : vector<16xi1>, vector<16xf32>
        %select_n3A_1431 = arith.select %eq3A_1428, %gather3A_1209, %select_n3A_1430 : vector<16xi1>, vector<16xf32>
        %select_n3A_1432 = arith.select %eq3A_1427, %gather3A_1168, %select_n3A_1431 : vector<16xi1>, vector<16xf32>
        %select_n3A_1433 = arith.select %eq3A_1426, %gather3A_1127, %select_n3A_1432 : vector<16xi1>, vector<16xf32>
        %exp3A_1434 = math.exp %select_n3A_1433 : vector<16xf32>
        %add3A_1435 = arith.addf %add3A_1418, %exp3A_1434 : vector<16xf32>
        %mul3A_1436 = arith.constant 96 : i32
        %mul3A_1437 = arith.muli %mul3A_1436, %rem3A_902 : i32
        %add3A_1438 = arith.constant 48 : i32
        %add3A_1439 = arith.addi %mul3A_1437, %add3A_1438 : i32
        %get3A_1440 = arith.index_cast %add3A_1439 : i32 to index
        %get3A_1441 = tpu.vector_load %arg11[%get3A_1440] {strides = array<i32>} : memref<384xf32, #tpu.memory_space<vmem>>, vector<16xf32>,
        %get3A_1442 = vector.shape_cast %get3A_1441 : vector<16xf32> to vector<16xf32>
        %eq3A_1443 = arith.cmpi eq, %scan3A_815, %add3A_1254 : vector<16xi32>
        %eq3A_1444 = arith.cmpi eq, %scan3A_815, %add3A_1258 : vector<16xi32>
        %eq3A_1445 = arith.cmpi eq, %scan3A_815, %add3A_1262 : vector<16xi32>
        %eq3A_1446 = arith.cmpi eq, %scan3A_815, %add3A_1266 : vector<16xi32>
        %select_n3A_1447 = arith.select %eq3A_1446, %gather3A_1250, %get3A_1442 : vector<16xi1>, vector<16xf32>
        %select_n3A_1448 = arith.select %eq3A_1445, %gather3A_1209, %select_n3A_1447 : vector<16xi1>, vector<16xf32>
        %select_n3A_1449 = arith.select %eq3A_1444, %gather3A_1168, %select_n3A_1448 : vector<16xi1>, vector<16xf32>
        %select_n3A_1450 = arith.select %eq3A_1443, %gather3A_1127, %select_n3A_1449 : vector<16xi1>, vector<16xf32>
        %exp3A_1451 = math.exp %select_n3A_1450 : vector<16xf32>
        %add3A_1452 = arith.addf %add3A_1435, %exp3A_1451 : vector<16xf32>
        %mul3A_1453 = arith.constant 96 : i32
        %mul3A_1454 = arith.muli %mul3A_1453, %rem3A_902 : i32
        %add3A_1455 = arith.constant 64 : i32
        %add3A_1456 = arith.addi %mul3A_1454, %add3A_1455 : i32
        %get3A_1457 = arith.index_cast %add3A_1456 : i32 to index
        %get3A_1458 = tpu.vector_load %arg11[%get3A_1457] {strides = array<i32>} : memref<384xf32, #tpu.memory_space<vmem>>, vector<16xf32>,
        %get3A_1459 = vector.shape_cast %get3A_1458 : vector<16xf32> to vector<16xf32>
        %eq3A_1460 = arith.cmpi eq, %scan3A_816, %add3A_1254 : vector<16xi32>
        %eq3A_1461 = arith.cmpi eq, %scan3A_816, %add3A_1258 : vector<16xi32>
        %eq3A_1462 = arith.cmpi eq, %scan3A_816, %add3A_1262 : vector<16xi32>
        %eq3A_1463 = arith.cmpi eq, %scan3A_816, %add3A_1266 : vector<16xi32>
        %select_n3A_1464 = arith.select %eq3A_1463, %gather3A_1250, %get3A_1459 : vector<16xi1>, vector<16xf32>
        %select_n3A_1465 = arith.select %eq3A_1462, %gather3A_1209, %select_n3A_1464 : vector<16xi1>, vector<16xf32>
        %select_n3A_1466 = arith.select %eq3A_1461, %gather3A_1168, %select_n3A_1465 : vector<16xi1>, vector<16xf32>
        %select_n3A_1467 = arith.select %eq3A_1460, %gather3A_1127, %select_n3A_1466 : vector<16xi1>, vector<16xf32>
        %exp3A_1468 = math.exp %select_n3A_1467 : vector<16xf32>
        %add3A_1469 = arith.addf %add3A_1452, %exp3A_1468 : vector<16xf32>
        %mul3A_1470 = arith.constant 96 : i32
        %mul3A_1471 = arith.muli %mul3A_1470, %rem3A_902 : i32
        %add3A_1472 = arith.constant 80 : i32
        %add3A_1473 = arith.addi %mul3A_1471, %add3A_1472 : i32
        %get3A_1474 = arith.index_cast %add3A_1473 : i32 to index
        %get3A_1475 = tpu.vector_load %arg11[%get3A_1474] {strides = array<i32>} : memref<384xf32, #tpu.memory_space<vmem>>, vector<16xf32>,
        %get3A_1476 = vector.shape_cast %get3A_1475 : vector<16xf32> to vector<16xf32>
        %eq3A_1477 = arith.cmpi eq, %scan3A_817, %add3A_1254 : vector<16xi32>
        %eq3A_1478 = arith.cmpi eq, %scan3A_817, %add3A_1258 : vector<16xi32>
        %eq3A_1479 = arith.cmpi eq, %scan3A_817, %add3A_1262 : vector<16xi32>
        %eq3A_1480 = arith.cmpi eq, %scan3A_817, %add3A_1266 : vector<16xi32>
        %select_n3A_1481 = arith.select %eq3A_1480, %gather3A_1250, %get3A_1476 : vector<16xi1>, vector<16xf32>
        %select_n3A_1482 = arith.select %eq3A_1479, %gather3A_1209, %select_n3A_1481 : vector<16xi1>, vector<16xf32>
        %select_n3A_1483 = arith.select %eq3A_1478, %gather3A_1168, %select_n3A_1482 : vector<16xi1>, vector<16xf32>
        %select_n3A_1484 = arith.select %eq3A_1477, %gather3A_1127, %select_n3A_1483 : vector<16xi1>, vector<16xf32>
        %add3A_1485 = arith.constant 192 : i32
        %add3A_1486 = vector.broadcast %add3A_1485 : i32 to vector<16xi32>
        %add3A_1487 = arith.addi %add3A_1486, %iota3A : vector<16xi32>
        %lt3A_1488 = arith.constant 204 : i32
        %lt3A_1489 = vector.broadcast %lt3A_1488 : i32 to vector<16xi32>
        %lt3A_1490 = arith.cmpi slt, %add3A_1487, %lt3A_1489 : vector<16xi32>
        %exp3A_1491 = math.exp %select_n3A_1484 : vector<16xf32>
        %select_n3A_1492 = arith.select %lt3A_1490, %exp3A_1491, %broadcast_in_dim3A_5 : vector<16xi1>, vector<16xf32>
        %add3A_1493 = arith.addf %add3A_1469, %select_n3A_1492 : vector<16xf32>
        %add3A_1494 = arith.constant 1.000000e+00 : f32
        %add3A_1495 = vector.broadcast %add3A_1494 : f32 to vector<16xf32>
        %add3A_1496 = arith.addf %broadcast_in_dim3A_5, %add3A_1495 : vector<16xf32>
        %add3A_1497 = arith.constant 8 : i32
        %add3A_1498 = vector.broadcast %add3A_1497 : i32 to vector<16xi32>
        %add3A_1499 = arith.addi %iota3A, %add3A_1498 : vector<16xi32>
        %rem3A_1500 = arith.constant 16 : i32
        %rem3A_1501 = vector.broadcast %rem3A_1500 : i32 to vector<16xi32>
        %rem3A_1502 = arith.remsi %add3A_1499, %rem3A_1501 : vector<16xi32>
        %broadcast_in_dim3A_1503 = vector.shape_cast %rem3A_1502 : vector<16xi32> to vector<16x1xi32>
        %gather3A_1504 = vector.shape_cast %broadcast_in_dim3A_1503 : vector<16x1xi32> to vector<16xi32>
        %gather3A_1505 = tpu.dynamic_gather %add3A_1493[%gather3A_1504] in [0] : vector<16xf32>, vector<16xi32> -> vector<16xf32>
        %add3A_1506 = arith.addf %add3A_1493, %gather3A_1505 : vector<16xf32>
        %add3A_1507 = arith.constant 4 : i32
        %add3A_1508 = vector.broadcast %add3A_1507 : i32 to vector<16xi32>
        %add3A_1509 = arith.addi %iota3A, %add3A_1508 : vector<16xi32>
        %rem3A_1510 = arith.constant 16 : i32
        %rem3A_1511 = vector.broadcast %rem3A_1510 : i32 to vector<16xi32>
        %rem3A_1512 = arith.remsi %add3A_1509, %rem3A_1511 : vector<16xi32>
        %broadcast_in_dim3A_1513 = vector.shape_cast %rem3A_1512 : vector<16xi32> to vector<16x1xi32>
        %gather3A_1514 = vector.shape_cast %broadcast_in_dim3A_1513 : vector<16x1xi32> to vector<16xi32>
        %gather3A_1515 = tpu.dynamic_gather %add3A_1506[%gather3A_1514] in [0] : vector<16xf32>, vector<16xi32> -> vector<16xf32>
        %add3A_1516 = arith.addf %add3A_1506, %gather3A_1515 : vector<16xf32>
        %add3A_1517 = arith.constant 2 : i32
        %add3A_1518 = vector.broadcast %add3A_1517 : i32 to vector<16xi32>
        %add3A_1519 = arith.addi %iota3A, %add3A_1518 : vector<16xi32>
        %rem3A_1520 = arith.constant 16 : i32
        %rem3A_1521 = vector.broadcast %rem3A_1520 : i32 to vector<16xi32>
        %rem3A_1522 = arith.remsi %add3A_1519, %rem3A_1521 : vector<16xi32>
        %broadcast_in_dim3A_1523 = vector.shape_cast %rem3A_1522 : vector<16xi32> to vector<16x1xi32>
        %gather3A_1524 = vector.shape_cast %broadcast_in_dim3A_1523 : vector<16x1xi32> to vector<16xi32>
        %gather3A_1525 = tpu.dynamic_gather %add3A_1516[%gather3A_1524] in [0] : vector<16xf32>, vector<16xi32> -> vector<16xf32>
        %add3A_1526 = arith.addf %add3A_1516, %gather3A_1525 : vector<16xf32>
        %add3A_1527 = arith.constant 1 : i32
        %add3A_1528 = vector.broadcast %add3A_1527 : i32 to vector<16xi32>
        %add3A_1529 = arith.addi %iota3A, %add3A_1528 : vector<16xi32>
        %rem3A_1530 = arith.constant 16 : i32
        %rem3A_1531 = vector.broadcast %rem3A_1530 : i32 to vector<16xi32>
        %rem3A_1532 = arith.remsi %add3A_1529, %rem3A_1531 : vector<16xi32>
        %broadcast_in_dim3A_1533 = vector.shape_cast %rem3A_1532 : vector<16xi32> to vector<16x1xi32>
        %gather3A_1534 = vector.shape_cast %broadcast_in_dim3A_1533 : vector<16x1xi32> to vector<16xi32>
        %gather3A_1535 = tpu.dynamic_gather %add3A_1526[%gather3A_1534] in [0] : vector<16xf32>, vector<16xi32> -> vector<16xf32>
        %add3A_1536 = arith.addf %add3A_1526, %gather3A_1535 : vector<16xf32>
        %div3A_1537 = arith.divf %add3A_1496, %add3A_1536 : vector<16xf32>
        %add3A_1538 = arith.constant 0 : i32
        %add3A_1539 = arith.addi %sub3A_918, %add3A_1538 : i32
        %get3A_1540 = arith.index_cast %add3A_1539 : i32 to index
        %get3A_1541 = tpu.vector_load %arg6[%get3A_1540] {strides = array<i32>} : memref<2064xf32, #tpu.memory_space<vmem>>, vector<16xf32>,
        %get3A_1542 = vector.shape_cast %get3A_1541 : vector<16xf32> to vector<16xf32>
        %mul3A_1543 = arith.constant 9.900000e-01 : f32
        %mul3A_1544 = vector.broadcast %mul3A_1543 : f32 to vector<16xf32>
        %mul3A_1545 = arith.mulf %mul3A_1544, %get3A_1542 : vector<16xf32>
        %mul3A_1546 = arith.mulf %exp3A, %div3A_1537 : vector<16xf32>
        %add3A_1547 = arith.addf %mul3A_1545, %mul3A_1546 : vector<16xf32>
        %swap3A_1548 = arith.index_cast %add3A_1539 : i32 to index
        %swap3A_1549 = tpu.vector_load %arg6[%swap3A_1548] {strides = array<i32>} : memref<2064xf32, #tpu.memory_space<vmem>>, vector<16xf32>,
        %swap3A_1550 = vector.shape_cast %swap3A_1549 : vector<16xf32> to vector<16xf32>
        %swap3A_1551 = vector.shape_cast %add3A_1547 : vector<16xf32> to vector<16xf32>
        tpu.vector_store %arg6[%swap3A_1548], %swap3A_1551 {strides = array<i32>} : memref<2064xf32, #tpu.memory_space<vmem>>, vector<16xf32>,
        %add3A_1552 = arith.constant 16 : i32
        %add3A_1553 = arith.addi %sub3A_918, %add3A_1552 : i32
        %get3A_1554 = arith.index_cast %add3A_1553 : i32 to index
        %get3A_1555 = tpu.vector_load %arg6[%get3A_1554] {strides = array<i32>} : memref<2064xf32, #tpu.memory_space<vmem>>, vector<16xf32>,
        %get3A_1556 = vector.shape_cast %get3A_1555 : vector<16xf32> to vector<16xf32>
        %mul3A_1557 = arith.constant 9.900000e-01 : f32
        %mul3A_1558 = vector.broadcast %mul3A_1557 : f32 to vector<16xf32>
        %mul3A_1559 = arith.mulf %mul3A_1558, %get3A_1556 : vector<16xf32>
        %mul3A_1560 = arith.mulf %exp3A_969, %div3A_1537 : vector<16xf32>
        %add3A_1561 = arith.addf %mul3A_1559, %mul3A_1560 : vector<16xf32>
        %swap3A_1562 = arith.index_cast %add3A_1553 : i32 to index
        %swap3A_1563 = tpu.vector_load %arg6[%swap3A_1562] {strides = array<i32>} : memref<2064xf32, #tpu.memory_space<vmem>>, vector<16xf32>,
        %swap3A_1564 = vector.shape_cast %swap3A_1563 : vector<16xf32> to vector<16xf32>
        %swap3A_1565 = vector.shape_cast %add3A_1561 : vector<16xf32> to vector<16xf32>
        tpu.vector_store %arg6[%swap3A_1562], %swap3A_1565 {strides = array<i32>} : memref<2064xf32, #tpu.memory_space<vmem>>, vector<16xf32>,
        %add3A_1566 = arith.constant 32 : i32
        %add3A_1567 = arith.addi %sub3A_918, %add3A_1566 : i32
        %get3A_1568 = arith.index_cast %add3A_1567 : i32 to index
        %get3A_1569 = tpu.vector_load %arg6[%get3A_1568] {strides = array<i32>} : memref<2064xf32, #tpu.memory_space<vmem>>, vector<16xf32>,
        %get3A_1570 = vector.shape_cast %get3A_1569 : vector<16xf32> to vector<16xf32>
        %mul3A_1571 = arith.constant 9.900000e-01 : f32
        %mul3A_1572 = vector.broadcast %mul3A_1571 : f32 to vector<16xf32>
        %mul3A_1573 = arith.mulf %mul3A_1572, %get3A_1570 : vector<16xf32>
        %mul3A_1574 = arith.mulf %exp3A_979, %div3A_1537 : vector<16xf32>
        %add3A_1575 = arith.addf %mul3A_1573, %mul3A_1574 : vector<16xf32>
        %swap3A_1576 = arith.index_cast %add3A_1567 : i32 to index
        %swap3A_1577 = tpu.vector_load %arg6[%swap3A_1576] {strides = array<i32>} : memref<2064xf32, #tpu.memory_space<vmem>>, vector<16xf32>,
        %swap3A_1578 = vector.shape_cast %swap3A_1577 : vector<16xf32> to vector<16xf32>
        %swap3A_1579 = vector.shape_cast %add3A_1575 : vector<16xf32> to vector<16xf32>
        tpu.vector_store %arg6[%swap3A_1576], %swap3A_1579 {strides = array<i32>} : memref<2064xf32, #tpu.memory_space<vmem>>, vector<16xf32>,
        %add3A_1580 = arith.constant 48 : i32
        %add3A_1581 = arith.addi %sub3A_918, %add3A_1580 : i32
        %get3A_1582 = arith.index_cast %add3A_1581 : i32 to index
        %get3A_1583 = tpu.vector_load %arg6[%get3A_1582] {strides = array<i32>} : memref<2064xf32, #tpu.memory_space<vmem>>, vector<16xf32>,
        %get3A_1584 = vector.shape_cast %get3A_1583 : vector<16xf32> to vector<16xf32>
        %mul3A_1585 = arith.constant 9.900000e-01 : f32
        %mul3A_1586 = vector.broadcast %mul3A_1585 : f32 to vector<16xf32>
        %mul3A_1587 = arith.mulf %mul3A_1586, %get3A_1584 : vector<16xf32>
        %mul3A_1588 = arith.mulf %exp3A_989, %div3A_1537 : vector<16xf32>
        %add3A_1589 = arith.addf %mul3A_1587, %mul3A_1588 : vector<16xf32>
        %swap3A_1590 = arith.index_cast %add3A_1581 : i32 to index
        %swap3A_1591 = tpu.vector_load %arg6[%swap3A_1590] {strides = array<i32>} : memref<2064xf32, #tpu.memory_space<vmem>>, vector<16xf32>,
        %swap3A_1592 = vector.shape_cast %swap3A_1591 : vector<16xf32> to vector<16xf32>
        %swap3A_1593 = vector.shape_cast %add3A_1589 : vector<16xf32> to vector<16xf32>
        tpu.vector_store %arg6[%swap3A_1590], %swap3A_1593 {strides = array<i32>} : memref<2064xf32, #tpu.memory_space<vmem>>, vector<16xf32>,
        %add3A_1594 = arith.constant 64 : i32
        %add3A_1595 = arith.addi %sub3A_918, %add3A_1594 : i32
        %get3A_1596 = arith.index_cast %add3A_1595 : i32 to index
        %get3A_1597 = tpu.vector_load %arg6[%get3A_1596] {strides = array<i32>} : memref<2064xf32, #tpu.memory_space<vmem>>, vector<16xf32>,
        %get3A_1598 = vector.shape_cast %get3A_1597 : vector<16xf32> to vector<16xf32>
        %mul3A_1599 = arith.constant 9.900000e-01 : f32
        %mul3A_1600 = vector.broadcast %mul3A_1599 : f32 to vector<16xf32>
        %mul3A_1601 = arith.mulf %mul3A_1600, %get3A_1598 : vector<16xf32>
        %mul3A_1602 = arith.mulf %exp3A_999, %div3A_1537 : vector<16xf32>
        %add3A_1603 = arith.addf %mul3A_1601, %mul3A_1602 : vector<16xf32>
        %swap3A_1604 = arith.index_cast %add3A_1595 : i32 to index
        %swap3A_1605 = tpu.vector_load %arg6[%swap3A_1604] {strides = array<i32>} : memref<2064xf32, #tpu.memory_space<vmem>>, vector<16xf32>,
        %swap3A_1606 = vector.shape_cast %swap3A_1605 : vector<16xf32> to vector<16xf32>
        %swap3A_1607 = vector.shape_cast %add3A_1603 : vector<16xf32> to vector<16xf32>
        tpu.vector_store %arg6[%swap3A_1604], %swap3A_1607 {strides = array<i32>} : memref<2064xf32, #tpu.memory_space<vmem>>, vector<16xf32>,
        %add3A_1608 = arith.constant 80 : i32
        %add3A_1609 = arith.addi %sub3A_918, %add3A_1608 : i32
        %get3A_1610 = arith.index_cast %add3A_1609 : i32 to index
        %get3A_1611 = tpu.vector_load %arg6[%get3A_1610] {strides = array<i32>} : memref<2064xf32, #tpu.memory_space<vmem>>, vector<16xf32>,
        %get3A_1612 = vector.shape_cast %get3A_1611 : vector<16xf32> to vector<16xf32>
        %mul3A_1613 = arith.constant 9.900000e-01 : f32
        %mul3A_1614 = vector.broadcast %mul3A_1613 : f32 to vector<16xf32>
        %mul3A_1615 = arith.mulf %mul3A_1614, %get3A_1612 : vector<16xf32>
        %mul3A_1616 = arith.mulf %exp3A_1009, %div3A_1537 : vector<16xf32>
        %add3A_1617 = arith.addf %mul3A_1615, %mul3A_1616 : vector<16xf32>
        %swap3A_1618 = arith.index_cast %add3A_1609 : i32 to index
        %swap3A_1619 = tpu.vector_load %arg6[%swap3A_1618] {strides = array<i32>} : memref<2064xf32, #tpu.memory_space<vmem>>, vector<16xf32>,
        %swap3A_1620 = vector.shape_cast %swap3A_1619 : vector<16xf32> to vector<16xf32>
        %swap3A_1621 = vector.shape_cast %add3A_1617 : vector<16xf32> to vector<16xf32>
        tpu.vector_store %arg6[%swap3A_1618], %swap3A_1621 {strides = array<i32>} : memref<2064xf32, #tpu.memory_space<vmem>>, vector<16xf32>,
        %add3A_1622 = arith.constant 96 : i32
        %add3A_1623 = arith.addi %sub3A_918, %add3A_1622 : i32
        %get3A_1624 = arith.index_cast %add3A_1623 : i32 to index
        %get3A_1625 = tpu.vector_load %arg6[%get3A_1624] {strides = array<i32>} : memref<2064xf32, #tpu.memory_space<vmem>>, vector<16xf32>,
        %get3A_1626 = vector.shape_cast %get3A_1625 : vector<16xf32> to vector<16xf32>
        %mul3A_1627 = arith.constant 9.900000e-01 : f32
        %mul3A_1628 = vector.broadcast %mul3A_1627 : f32 to vector<16xf32>
        %mul3A_1629 = arith.mulf %mul3A_1628, %get3A_1626 : vector<16xf32>
        %mul3A_1630 = arith.mulf %exp3A_1019, %div3A_1537 : vector<16xf32>
        %add3A_1631 = arith.addf %mul3A_1629, %mul3A_1630 : vector<16xf32>
        %swap3A_1632 = arith.index_cast %add3A_1623 : i32 to index
        %swap3A_1633 = tpu.vector_load %arg6[%swap3A_1632] {strides = array<i32>} : memref<2064xf32, #tpu.memory_space<vmem>>, vector<16xf32>,
        %swap3A_1634 = vector.shape_cast %swap3A_1633 : vector<16xf32> to vector<16xf32>
        %swap3A_1635 = vector.shape_cast %add3A_1631 : vector<16xf32> to vector<16xf32>
        tpu.vector_store %arg6[%swap3A_1632], %swap3A_1635 {strides = array<i32>} : memref<2064xf32, #tpu.memory_space<vmem>>, vector<16xf32>,
        %add3A_1636 = arith.constant 112 : i32
        %add3A_1637 = arith.addi %sub3A_918, %add3A_1636 : i32
        %get3A_1638 = arith.index_cast %add3A_1637 : i32 to index
        %get3A_1639 = tpu.vector_load %arg6[%get3A_1638] {strides = array<i32>} : memref<2064xf32, #tpu.memory_space<vmem>>, vector<16xf32>,
        %get3A_1640 = vector.shape_cast %get3A_1639 : vector<16xf32> to vector<16xf32>
        %mul3A_1641 = arith.constant 9.900000e-01 : f32
        %mul3A_1642 = vector.broadcast %mul3A_1641 : f32 to vector<16xf32>
        %mul3A_1643 = arith.mulf %mul3A_1642, %get3A_1640 : vector<16xf32>
        %mul3A_1644 = arith.mulf %exp3A_1029, %div3A_1537 : vector<16xf32>
        %add3A_1645 = arith.addf %mul3A_1643, %mul3A_1644 : vector<16xf32>
        %swap3A_1646 = arith.index_cast %add3A_1637 : i32 to index
        %swap3A_1647 = tpu.vector_load %arg6[%swap3A_1646] {strides = array<i32>} : memref<2064xf32, #tpu.memory_space<vmem>>, vector<16xf32>,
        %swap3A_1648 = vector.shape_cast %swap3A_1647 : vector<16xf32> to vector<16xf32>
        %swap3A_1649 = vector.shape_cast %add3A_1645 : vector<16xf32> to vector<16xf32>
        tpu.vector_store %arg6[%swap3A_1646], %swap3A_1649 {strides = array<i32>} : memref<2064xf32, #tpu.memory_space<vmem>>, vector<16xf32>,
        %add3A_1650 = arith.constant 128 : i32
        %add3A_1651 = arith.addi %sub3A_918, %add3A_1650 : i32
        %get3A_1652 = arith.index_cast %add3A_1651 : i32 to index
        %get3A_1653 = tpu.vector_load %arg6[%get3A_1652] {strides = array<i32>} : memref<2064xf32, #tpu.memory_space<vmem>>, vector<16xf32>,
        %get3A_1654 = vector.shape_cast %get3A_1653 : vector<16xf32> to vector<16xf32>
        %mul3A_1655 = arith.constant 9.900000e-01 : f32
        %mul3A_1656 = vector.broadcast %mul3A_1655 : f32 to vector<16xf32>
        %mul3A_1657 = arith.mulf %mul3A_1656, %get3A_1654 : vector<16xf32>
        %mul3A_1658 = arith.mulf %exp3A_1039, %div3A_1537 : vector<16xf32>
        %add3A_1659 = arith.addf %mul3A_1657, %mul3A_1658 : vector<16xf32>
        %swap3A_1660 = arith.index_cast %add3A_1651 : i32 to index
        %swap3A_1661 = tpu.vector_load %arg6[%swap3A_1660] {strides = array<i32>} : memref<2064xf32, #tpu.memory_space<vmem>>, vector<16xf32>,
        %swap3A_1662 = vector.shape_cast %swap3A_1661 : vector<16xf32> to vector<16xf32>
        %swap3A_1663 = vector.shape_cast %add3A_1659 : vector<16xf32> to vector<16xf32>
        tpu.vector_store %arg6[%swap3A_1660], %swap3A_1663 {strides = array<i32>} : memref<2064xf32, #tpu.memory_space<vmem>>, vector<16xf32>,
        %add3A_1664 = arith.constant 144 : i32
        %add3A_1665 = arith.addi %sub3A_918, %add3A_1664 : i32
        %get3A_1666 = arith.index_cast %add3A_1665 : i32 to index
        %get3A_1667 = tpu.vector_load %arg6[%get3A_1666] {strides = array<i32>} : memref<2064xf32, #tpu.memory_space<vmem>>, vector<16xf32>,
        %get3A_1668 = vector.shape_cast %get3A_1667 : vector<16xf32> to vector<16xf32>
        %mul3A_1669 = arith.constant 9.900000e-01 : f32
        %mul3A_1670 = vector.broadcast %mul3A_1669 : f32 to vector<16xf32>
        %mul3A_1671 = arith.mulf %mul3A_1670, %get3A_1668 : vector<16xf32>
        %mul3A_1672 = arith.mulf %exp3A_1049, %div3A_1537 : vector<16xf32>
        %add3A_1673 = arith.addf %mul3A_1671, %mul3A_1672 : vector<16xf32>
        %swap3A_1674 = arith.index_cast %add3A_1665 : i32 to index
        %swap3A_1675 = tpu.vector_load %arg6[%swap3A_1674] {strides = array<i32>} : memref<2064xf32, #tpu.memory_space<vmem>>, vector<16xf32>,
        %swap3A_1676 = vector.shape_cast %swap3A_1675 : vector<16xf32> to vector<16xf32>
        %swap3A_1677 = vector.shape_cast %add3A_1673 : vector<16xf32> to vector<16xf32>
        tpu.vector_store %arg6[%swap3A_1674], %swap3A_1677 {strides = array<i32>} : memref<2064xf32, #tpu.memory_space<vmem>>, vector<16xf32>,
        %add3A_1678 = arith.constant 160 : i32
        %add3A_1679 = arith.addi %sub3A_918, %add3A_1678 : i32
        %get3A_1680 = arith.index_cast %add3A_1679 : i32 to index
        %get3A_1681 = tpu.vector_load %arg6[%get3A_1680] {strides = array<i32>} : memref<2064xf32, #tpu.memory_space<vmem>>, vector<16xf32>,
        %get3A_1682 = vector.shape_cast %get3A_1681 : vector<16xf32> to vector<16xf32>
        %mul3A_1683 = arith.constant 9.900000e-01 : f32
        %mul3A_1684 = vector.broadcast %mul3A_1683 : f32 to vector<16xf32>
        %mul3A_1685 = arith.mulf %mul3A_1684, %get3A_1682 : vector<16xf32>
        %mul3A_1686 = arith.mulf %exp3A_1059, %div3A_1537 : vector<16xf32>
        %add3A_1687 = arith.addf %mul3A_1685, %mul3A_1686 : vector<16xf32>
        %swap3A_1688 = arith.index_cast %add3A_1679 : i32 to index
        %swap3A_1689 = tpu.vector_load %arg6[%swap3A_1688] {strides = array<i32>} : memref<2064xf32, #tpu.memory_space<vmem>>, vector<16xf32>,
        %swap3A_1690 = vector.shape_cast %swap3A_1689 : vector<16xf32> to vector<16xf32>
        %swap3A_1691 = vector.shape_cast %add3A_1687 : vector<16xf32> to vector<16xf32>
        tpu.vector_store %arg6[%swap3A_1688], %swap3A_1691 {strides = array<i32>} : memref<2064xf32, #tpu.memory_space<vmem>>, vector<16xf32>,
        %add3A_1692 = arith.constant 176 : i32
        %add3A_1693 = arith.addi %sub3A_918, %add3A_1692 : i32
        %get3A_1694 = arith.index_cast %add3A_1693 : i32 to index
        %get3A_1695 = tpu.vector_load %arg6[%get3A_1694] {strides = array<i32>} : memref<2064xf32, #tpu.memory_space<vmem>>, vector<16xf32>,
        %get3A_1696 = vector.shape_cast %get3A_1695 : vector<16xf32> to vector<16xf32>
        %mul3A_1697 = arith.constant 9.900000e-01 : f32
        %mul3A_1698 = vector.broadcast %mul3A_1697 : f32 to vector<16xf32>
        %mul3A_1699 = arith.mulf %mul3A_1698, %get3A_1696 : vector<16xf32>
        %mul3A_1700 = arith.mulf %exp3A_1069, %div3A_1537 : vector<16xf32>
        %add3A_1701 = arith.addf %mul3A_1699, %mul3A_1700 : vector<16xf32>
        %swap3A_1702 = arith.index_cast %add3A_1693 : i32 to index
        %swap3A_1703 = tpu.vector_load %arg6[%swap3A_1702] {strides = array<i32>} : memref<2064xf32, #tpu.memory_space<vmem>>, vector<16xf32>,
        %swap3A_1704 = vector.shape_cast %swap3A_1703 : vector<16xf32> to vector<16xf32>
        %swap3A_1705 = vector.shape_cast %add3A_1701 : vector<16xf32> to vector<16xf32>
        tpu.vector_store %arg6[%swap3A_1702], %swap3A_1705 {strides = array<i32>} : memref<2064xf32, #tpu.memory_space<vmem>>, vector<16xf32>,
        %add3A_1706 = arith.constant 192 : i32
        %add3A_1707 = arith.addi %sub3A_918, %add3A_1706 : i32
        %get3A_1708 = arith.index_cast %add3A_1707 : i32 to index
        %get3A_1709 = tpu.vector_load %arg6[%get3A_1708] {strides = array<i32>} : memref<2064xf32, #tpu.memory_space<vmem>>, vector<16xf32>,
        %get3A_1710 = vector.shape_cast %get3A_1709 : vector<16xf32> to vector<16xf32>
        %add3A_1711 = arith.constant 192 : i32
        %add3A_1712 = vector.broadcast %add3A_1711 : i32 to vector<16xi32>
        %add3A_1713 = arith.addi %add3A_1712, %iota3A : vector<16xi32>
        %lt3A_1714 = arith.constant 205 : i32
        %lt3A_1715 = vector.broadcast %lt3A_1714 : i32 to vector<16xi32>
        %lt3A_1716 = arith.cmpi slt, %add3A_1713, %lt3A_1715 : vector<16xi32>
        %mul3A_1717 = arith.constant 9.900000e-01 : f32
        %mul3A_1718 = vector.broadcast %mul3A_1717 : f32 to vector<16xf32>
        %mul3A_1719 = arith.mulf %mul3A_1718, %get3A_1710 : vector<16xf32>
        %mul3A_1720 = arith.mulf %select_n3A_1086, %div3A_1537 : vector<16xf32>
        %add3A_1721 = arith.addf %mul3A_1719, %mul3A_1720 : vector<16xf32>
        %select_n3A_1722 = arith.select %lt3A_1716, %add3A_1721, %get3A_1710 : vector<16xi1>, vector<16xf32>
        %swap3A_1723 = arith.index_cast %add3A_1707 : i32 to index
        %swap3A_1724 = tpu.vector_load %arg6[%swap3A_1723] {strides = array<i32>} : memref<2064xf32, #tpu.memory_space<vmem>>, vector<16xf32>,
        %swap3A_1725 = vector.shape_cast %swap3A_1724 : vector<16xf32> to vector<16xf32>
        %swap3A_1726 = vector.shape_cast %select_n3A_1722 : vector<16xf32> to vector<16xf32>
        tpu.vector_store %arg6[%swap3A_1723], %swap3A_1726 {strides = array<i32>} : memref<2064xf32, #tpu.memory_space<vmem>>, vector<16xf32>,
        %mul3A_1727 = arith.constant 9.900000e-01 : f32
        %mul3A_1728 = vector.broadcast %mul3A_1727 : f32 to vector<16xf32>
        %mul3A_1729 = arith.mulf %mul3A_1728, %scan3A_818 : vector<16xf32>
        %mul3A_1730 = arith.mulf %exp3A_1281, %div3A_1537 : vector<16xf32>
        %add3A_1731 = arith.addf %mul3A_1729, %mul3A_1730 : vector<16xf32>
        %mul3A_1732 = arith.constant 9.900000e-01 : f32
        %mul3A_1733 = vector.broadcast %mul3A_1732 : f32 to vector<16xf32>
        %mul3A_1734 = arith.mulf %mul3A_1733, %scan3A_819 : vector<16xf32>
        %mul3A_1735 = arith.mulf %exp3A_1298, %div3A_1537 : vector<16xf32>
        %add3A_1736 = arith.addf %mul3A_1734, %mul3A_1735 : vector<16xf32>
        %mul3A_1737 = arith.constant 9.900000e-01 : f32
        %mul3A_1738 = vector.broadcast %mul3A_1737 : f32 to vector<16xf32>
        %mul3A_1739 = arith.mulf %mul3A_1738, %scan3A_820 : vector<16xf32>
        %mul3A_1740 = arith.mulf %exp3A_1315, %div3A_1537 : vector<16xf32>
        %add3A_1741 = arith.addf %mul3A_1739, %mul3A_1740 : vector<16xf32>
        %mul3A_1742 = arith.constant 9.900000e-01 : f32
        %mul3A_1743 = vector.broadcast %mul3A_1742 : f32 to vector<16xf32>
        %mul3A_1744 = arith.mulf %mul3A_1743, %scan3A_821 : vector<16xf32>
        %mul3A_1745 = arith.mulf %exp3A_1332, %div3A_1537 : vector<16xf32>
        %add3A_1746 = arith.addf %mul3A_1744, %mul3A_1745 : vector<16xf32>
        %mul3A_1747 = arith.constant 9.900000e-01 : f32
        %mul3A_1748 = vector.broadcast %mul3A_1747 : f32 to vector<16xf32>
        %mul3A_1749 = arith.mulf %mul3A_1748, %scan3A_822 : vector<16xf32>
        %mul3A_1750 = arith.mulf %exp3A_1349, %div3A_1537 : vector<16xf32>
        %add3A_1751 = arith.addf %mul3A_1749, %mul3A_1750 : vector<16xf32>
        %mul3A_1752 = arith.constant 9.900000e-01 : f32
        %mul3A_1753 = vector.broadcast %mul3A_1752 : f32 to vector<16xf32>
        %mul3A_1754 = arith.mulf %mul3A_1753, %scan3A_823 : vector<16xf32>
        %mul3A_1755 = arith.mulf %exp3A_1366, %div3A_1537 : vector<16xf32>
        %add3A_1756 = arith.addf %mul3A_1754, %mul3A_1755 : vector<16xf32>
        %mul3A_1757 = arith.constant 9.900000e-01 : f32
        %mul3A_1758 = vector.broadcast %mul3A_1757 : f32 to vector<16xf32>
        %mul3A_1759 = arith.mulf %mul3A_1758, %scan3A_824 : vector<16xf32>
        %mul3A_1760 = arith.mulf %exp3A_1383, %div3A_1537 : vector<16xf32>
        %add3A_1761 = arith.addf %mul3A_1759, %mul3A_1760 : vector<16xf32>
        %mul3A_1762 = arith.constant 9.900000e-01 : f32
        %mul3A_1763 = vector.broadcast %mul3A_1762 : f32 to vector<16xf32>
        %mul3A_1764 = arith.mulf %mul3A_1763, %scan3A_825 : vector<16xf32>
        %mul3A_1765 = arith.mulf %exp3A_1400, %div3A_1537 : vector<16xf32>
        %add3A_1766 = arith.addf %mul3A_1764, %mul3A_1765 : vector<16xf32>
        %mul3A_1767 = arith.constant 9.900000e-01 : f32
        %mul3A_1768 = vector.broadcast %mul3A_1767 : f32 to vector<16xf32>
        %mul3A_1769 = arith.mulf %mul3A_1768, %scan3A_826 : vector<16xf32>
        %mul3A_1770 = arith.mulf %exp3A_1417, %div3A_1537 : vector<16xf32>
        %add3A_1771 = arith.addf %mul3A_1769, %mul3A_1770 : vector<16xf32>
        %mul3A_1772 = arith.constant 9.900000e-01 : f32
        %mul3A_1773 = vector.broadcast %mul3A_1772 : f32 to vector<16xf32>
        %mul3A_1774 = arith.mulf %mul3A_1773, %scan3A_827 : vector<16xf32>
        %mul3A_1775 = arith.mulf %exp3A_1434, %div3A_1537 : vector<16xf32>
        %add3A_1776 = arith.addf %mul3A_1774, %mul3A_1775 : vector<16xf32>
        %mul3A_1777 = arith.constant 9.900000e-01 : f32
        %mul3A_1778 = vector.broadcast %mul3A_1777 : f32 to vector<16xf32>
        %mul3A_1779 = arith.mulf %mul3A_1778, %scan3A_828 : vector<16xf32>
        %mul3A_1780 = arith.mulf %exp3A_1451, %div3A_1537 : vector<16xf32>
        %add3A_1781 = arith.addf %mul3A_1779, %mul3A_1780 : vector<16xf32>
        %mul3A_1782 = arith.constant 9.900000e-01 : f32
        %mul3A_1783 = vector.broadcast %mul3A_1782 : f32 to vector<16xf32>
        %mul3A_1784 = arith.mulf %mul3A_1783, %scan3A_829 : vector<16xf32>
        %mul3A_1785 = arith.mulf %exp3A_1468, %div3A_1537 : vector<16xf32>
        %add3A_1786 = arith.addf %mul3A_1784, %mul3A_1785 : vector<16xf32>
        %mul3A_1787 = arith.constant 9.900000e-01 : f32
        %mul3A_1788 = vector.broadcast %mul3A_1787 : f32 to vector<16xf32>
        %mul3A_1789 = arith.mulf %mul3A_1788, %scan3A_830 : vector<16xf32>
        %mul3A_1790 = arith.mulf %select_n3A_1492, %div3A_1537 : vector<16xf32>
        %add3A_1791 = arith.addf %mul3A_1789, %mul3A_1790 : vector<16xf32>
        %eq3A_1792 = arith.constant 0 : i32
        %eq3A_1793 = vector.broadcast %eq3A_1792 : i32 to vector<16xi32>
        %eq3A_1794 = arith.cmpi eq, %iota3A, %eq3A_1793 : vector<16xi32>
        %select_n3A_1795 = arith.select %eq3A_1794, %add3A_1547, %broadcast_in_dim3A_7 : vector<16xi1>, vector<16xf32>
        %min3A_1796 = arith.minimumf %select_n3A_1795, %add3A_1731 : vector<16xf32>
        %min3A_1797 = arith.minimumf %min3A_1796, %add3A_1736 : vector<16xf32>
        %min3A_1798 = arith.minimumf %min3A_1797, %add3A_1741 : vector<16xf32>
        %min3A_1799 = arith.minimumf %min3A_1798, %add3A_1746 : vector<16xf32>
        %min3A_1800 = arith.minimumf %min3A_1799, %add3A_1751 : vector<16xf32>
        %min3A_1801 = arith.minimumf %min3A_1800, %add3A_1756 : vector<16xf32>
        %min3A_1802 = arith.minimumf %min3A_1801, %add3A_1761 : vector<16xf32>
        %min3A_1803 = arith.minimumf %min3A_1802, %add3A_1766 : vector<16xf32>
        %min3A_1804 = arith.minimumf %min3A_1803, %add3A_1771 : vector<16xf32>
        %min3A_1805 = arith.minimumf %min3A_1804, %add3A_1776 : vector<16xf32>
        %min3A_1806 = arith.minimumf %min3A_1805, %add3A_1781 : vector<16xf32>
        %min3A_1807 = arith.minimumf %min3A_1806, %add3A_1786 : vector<16xf32>
        %add3A_1808 = arith.constant 192 : i32
        %add3A_1809 = vector.broadcast %add3A_1808 : i32 to vector<16xi32>
        %add3A_1810 = arith.addi %add3A_1809, %iota3A : vector<16xi32>
        %lt3A_1811 = arith.constant 204 : i32
        %lt3A_1812 = vector.broadcast %lt3A_1811 : i32 to vector<16xi32>
        %lt3A_1813 = arith.cmpi slt, %add3A_1810, %lt3A_1812 : vector<16xi32>
        %select_n3A_1814 = arith.select %lt3A_1813, %add3A_1791, %broadcast_in_dim3A_7 : vector<16xi1>, vector<16xf32>
        %min3A_1815 = arith.minimumf %min3A_1807, %select_n3A_1814 : vector<16xf32>
        %add3A_1816 = arith.constant 8 : i32
        %add3A_1817 = vector.broadcast %add3A_1816 : i32 to vector<16xi32>
        %add3A_1818 = arith.addi %iota3A, %add3A_1817 : vector<16xi32>
        %rem3A_1819 = arith.constant 16 : i32
        %rem3A_1820 = vector.broadcast %rem3A_1819 : i32 to vector<16xi32>
        %rem3A_1821 = arith.remsi %add3A_1818, %rem3A_1820 : vector<16xi32>
        %broadcast_in_dim3A_1822 = vector.shape_cast %rem3A_1821 : vector<16xi32> to vector<16x1xi32>
        %gather3A_1823 = vector.shape_cast %broadcast_in_dim3A_1822 : vector<16x1xi32> to vector<16xi32>
        %gather3A_1824 = tpu.dynamic_gather %min3A_1815[%gather3A_1823] in [0] : vector<16xf32>, vector<16xi32> -> vector<16xf32>
        %min3A_1825 = arith.minimumf %min3A_1815, %gather3A_1824 : vector<16xf32>
        %add3A_1826 = arith.constant 4 : i32
        %add3A_1827 = vector.broadcast %add3A_1826 : i32 to vector<16xi32>
        %add3A_1828 = arith.addi %iota3A, %add3A_1827 : vector<16xi32>
        %rem3A_1829 = arith.constant 16 : i32
        %rem3A_1830 = vector.broadcast %rem3A_1829 : i32 to vector<16xi32>
        %rem3A_1831 = arith.remsi %add3A_1828, %rem3A_1830 : vector<16xi32>
        %broadcast_in_dim3A_1832 = vector.shape_cast %rem3A_1831 : vector<16xi32> to vector<16x1xi32>
        %gather3A_1833 = vector.shape_cast %broadcast_in_dim3A_1832 : vector<16x1xi32> to vector<16xi32>
        %gather3A_1834 = tpu.dynamic_gather %min3A_1825[%gather3A_1833] in [0] : vector<16xf32>, vector<16xi32> -> vector<16xf32>
        %min3A_1835 = arith.minimumf %min3A_1825, %gather3A_1834 : vector<16xf32>
        %add3A_1836 = arith.constant 2 : i32
        %add3A_1837 = vector.broadcast %add3A_1836 : i32 to vector<16xi32>
        %add3A_1838 = arith.addi %iota3A, %add3A_1837 : vector<16xi32>
        %rem3A_1839 = arith.constant 16 : i32
        %rem3A_1840 = vector.broadcast %rem3A_1839 : i32 to vector<16xi32>
        %rem3A_1841 = arith.remsi %add3A_1838, %rem3A_1840 : vector<16xi32>
        %broadcast_in_dim3A_1842 = vector.shape_cast %rem3A_1841 : vector<16xi32> to vector<16x1xi32>
        %gather3A_1843 = vector.shape_cast %broadcast_in_dim3A_1842 : vector<16x1xi32> to vector<16xi32>
        %gather3A_1844 = tpu.dynamic_gather %min3A_1835[%gather3A_1843] in [0] : vector<16xf32>, vector<16xi32> -> vector<16xf32>
        %min3A_1845 = arith.minimumf %min3A_1835, %gather3A_1844 : vector<16xf32>
        %add3A_1846 = arith.constant 1 : i32
        %add3A_1847 = vector.broadcast %add3A_1846 : i32 to vector<16xi32>
        %add3A_1848 = arith.addi %iota3A, %add3A_1847 : vector<16xi32>
        %rem3A_1849 = arith.constant 16 : i32
        %rem3A_1850 = vector.broadcast %rem3A_1849 : i32 to vector<16xi32>
        %rem3A_1851 = arith.remsi %add3A_1848, %rem3A_1850 : vector<16xi32>
        %broadcast_in_dim3A_1852 = vector.shape_cast %rem3A_1851 : vector<16xi32> to vector<16x1xi32>
        %gather3A_1853 = vector.shape_cast %broadcast_in_dim3A_1852 : vector<16x1xi32> to vector<16xi32>
        %gather3A_1854 = tpu.dynamic_gather %min3A_1845[%gather3A_1853] in [0] : vector<16xf32>, vector<16xi32> -> vector<16xf32>
        %min3A_1855 = arith.minimumf %min3A_1845, %gather3A_1854 : vector<16xf32>
        %eq3A_1856 = arith.constant 0 : i32
        %eq3A_1857 = vector.broadcast %eq3A_1856 : i32 to vector<16xi32>
        %eq3A_1858 = arith.cmpi eq, %iota3A, %eq3A_1857 : vector<16xi32>
        %eq3A_1859 = arith.cmpf oeq, %select_n3A_1795, %min3A_1855 : vector<16xf32>
        %and3A_1860 = arith.andi %eq3A_1858, %eq3A_1859 : vector<16xi1>
        %add3A_1861 = vector.broadcast %sub3A_918 : i32 to vector<16xi32>
        %add3A_1862 = arith.addi %broadcast_in_dim3A_3, %add3A_1861 : vector<16xi32>
        %select_n3A_1863 = arith.select %and3A_1860, %add3A_1862, %broadcast_in_dim3A_9 : vector<16xi1>, vector<16xi32>
        %eq3A_1864 = arith.cmpf oeq, %add3A_1731, %min3A_1855 : vector<16xf32>
        %select_n3A_1865 = arith.select %eq3A_1864, %scan3A_805, %broadcast_in_dim3A_9 : vector<16xi1>, vector<16xi32>
        %max3A = arith.maxsi %select_n3A_1863, %select_n3A_1865 : vector<16xi32>
        %eq3A_1866 = arith.cmpf oeq, %add3A_1736, %min3A_1855 : vector<16xf32>
        %select_n3A_1867 = arith.select %eq3A_1866, %scan3A_806, %broadcast_in_dim3A_9 : vector<16xi1>, vector<16xi32>
        %max3A_1868 = arith.maxsi %max3A, %select_n3A_1867 : vector<16xi32>
        %eq3A_1869 = arith.cmpf oeq, %add3A_1741, %min3A_1855 : vector<16xf32>
        %select_n3A_1870 = arith.select %eq3A_1869, %scan3A_807, %broadcast_in_dim3A_9 : vector<16xi1>, vector<16xi32>
        %max3A_1871 = arith.maxsi %max3A_1868, %select_n3A_1870 : vector<16xi32>
        %eq3A_1872 = arith.cmpf oeq, %add3A_1746, %min3A_1855 : vector<16xf32>
        %select_n3A_1873 = arith.select %eq3A_1872, %scan3A_808, %broadcast_in_dim3A_9 : vector<16xi1>, vector<16xi32>
        %max3A_1874 = arith.maxsi %max3A_1871, %select_n3A_1873 : vector<16xi32>
        %eq3A_1875 = arith.cmpf oeq, %add3A_1751, %min3A_1855 : vector<16xf32>
        %select_n3A_1876 = arith.select %eq3A_1875, %scan3A_809, %broadcast_in_dim3A_9 : vector<16xi1>, vector<16xi32>
        %max3A_1877 = arith.maxsi %max3A_1874, %select_n3A_1876 : vector<16xi32>
        %eq3A_1878 = arith.cmpf oeq, %add3A_1756, %min3A_1855 : vector<16xf32>
        %select_n3A_1879 = arith.select %eq3A_1878, %scan3A_810, %broadcast_in_dim3A_9 : vector<16xi1>, vector<16xi32>
        %max3A_1880 = arith.maxsi %max3A_1877, %select_n3A_1879 : vector<16xi32>
        %eq3A_1881 = arith.cmpf oeq, %add3A_1761, %min3A_1855 : vector<16xf32>
        %select_n3A_1882 = arith.select %eq3A_1881, %scan3A_811, %broadcast_in_dim3A_9 : vector<16xi1>, vector<16xi32>
        %max3A_1883 = arith.maxsi %max3A_1880, %select_n3A_1882 : vector<16xi32>
        %eq3A_1884 = arith.cmpf oeq, %add3A_1766, %min3A_1855 : vector<16xf32>
        %select_n3A_1885 = arith.select %eq3A_1884, %scan3A_812, %broadcast_in_dim3A_9 : vector<16xi1>, vector<16xi32>
        %max3A_1886 = arith.maxsi %max3A_1883, %select_n3A_1885 : vector<16xi32>
        %eq3A_1887 = arith.cmpf oeq, %add3A_1771, %min3A_1855 : vector<16xf32>
        %select_n3A_1888 = arith.select %eq3A_1887, %scan3A_813, %broadcast_in_dim3A_9 : vector<16xi1>, vector<16xi32>
        %max3A_1889 = arith.maxsi %max3A_1886, %select_n3A_1888 : vector<16xi32>
        %eq3A_1890 = arith.cmpf oeq, %add3A_1776, %min3A_1855 : vector<16xf32>
        %select_n3A_1891 = arith.select %eq3A_1890, %scan3A_814, %broadcast_in_dim3A_9 : vector<16xi1>, vector<16xi32>
        %max3A_1892 = arith.maxsi %max3A_1889, %select_n3A_1891 : vector<16xi32>
        %eq3A_1893 = arith.cmpf oeq, %add3A_1781, %min3A_1855 : vector<16xf32>
        %select_n3A_1894 = arith.select %eq3A_1893, %scan3A_815, %broadcast_in_dim3A_9 : vector<16xi1>, vector<16xi32>
        %max3A_1895 = arith.maxsi %max3A_1892, %select_n3A_1894 : vector<16xi32>
        %eq3A_1896 = arith.cmpf oeq, %add3A_1786, %min3A_1855 : vector<16xf32>
        %select_n3A_1897 = arith.select %eq3A_1896, %scan3A_816, %broadcast_in_dim3A_9 : vector<16xi1>, vector<16xi32>
        %max3A_1898 = arith.maxsi %max3A_1895, %select_n3A_1897 : vector<16xi32>
        %add3A_1899 = arith.constant 192 : i32
        %add3A_1900 = vector.broadcast %add3A_1899 : i32 to vector<16xi32>
        %add3A_1901 = arith.addi %add3A_1900, %iota3A : vector<16xi32>
        %lt3A_1902 = arith.constant 204 : i32
        %lt3A_1903 = vector.broadcast %lt3A_1902 : i32 to vector<16xi32>
        %lt3A_1904 = arith.cmpi slt, %add3A_1901, %lt3A_1903 : vector<16xi32>
        %eq3A_1905 = arith.cmpf oeq, %add3A_1791, %min3A_1855 : vector<16xf32>
        %and3A_1906 = arith.andi %lt3A_1904, %eq3A_1905 : vector<16xi1>
        %select_n3A_1907 = arith.select %and3A_1906, %scan3A_817, %broadcast_in_dim3A_9 : vector<16xi1>, vector<16xi32>
        %max3A_1908 = arith.maxsi %max3A_1898, %select_n3A_1907 : vector<16xi32>
        %add3A_1909 = arith.constant 8 : i32
        %add3A_1910 = vector.broadcast %add3A_1909 : i32 to vector<16xi32>
        %add3A_1911 = arith.addi %iota3A, %add3A_1910 : vector<16xi32>
        %rem3A_1912 = arith.constant 16 : i32
        %rem3A_1913 = vector.broadcast %rem3A_1912 : i32 to vector<16xi32>
        %rem3A_1914 = arith.remsi %add3A_1911, %rem3A_1913 : vector<16xi32>
        %broadcast_in_dim3A_1915 = vector.shape_cast %rem3A_1914 : vector<16xi32> to vector<16x1xi32>
        %gather3A_1916 = vector.shape_cast %broadcast_in_dim3A_1915 : vector<16x1xi32> to vector<16xi32>
        %gather3A_1917 = tpu.dynamic_gather %max3A_1908[%gather3A_1916] in [0] : vector<16xi32>, vector<16xi32> -> vector<16xi32>
        %max3A_1918 = arith.maxsi %max3A_1908, %gather3A_1917 : vector<16xi32>
        %add3A_1919 = arith.constant 4 : i32
        %add3A_1920 = vector.broadcast %add3A_1919 : i32 to vector<16xi32>
        %add3A_1921 = arith.addi %iota3A, %add3A_1920 : vector<16xi32>
        %rem3A_1922 = arith.constant 16 : i32
        %rem3A_1923 = vector.broadcast %rem3A_1922 : i32 to vector<16xi32>
        %rem3A_1924 = arith.remsi %add3A_1921, %rem3A_1923 : vector<16xi32>
        %broadcast_in_dim3A_1925 = vector.shape_cast %rem3A_1924 : vector<16xi32> to vector<16x1xi32>
        %gather3A_1926 = vector.shape_cast %broadcast_in_dim3A_1925 : vector<16x1xi32> to vector<16xi32>
        %gather3A_1927 = tpu.dynamic_gather %max3A_1918[%gather3A_1926] in [0] : vector<16xi32>, vector<16xi32> -> vector<16xi32>
        %max3A_1928 = arith.maxsi %max3A_1918, %gather3A_1927 : vector<16xi32>
        %add3A_1929 = arith.constant 2 : i32
        %add3A_1930 = vector.broadcast %add3A_1929 : i32 to vector<16xi32>
        %add3A_1931 = arith.addi %iota3A, %add3A_1930 : vector<16xi32>
        %rem3A_1932 = arith.constant 16 : i32
        %rem3A_1933 = vector.broadcast %rem3A_1932 : i32 to vector<16xi32>
        %rem3A_1934 = arith.remsi %add3A_1931, %rem3A_1933 : vector<16xi32>
        %broadcast_in_dim3A_1935 = vector.shape_cast %rem3A_1934 : vector<16xi32> to vector<16x1xi32>
        %gather3A_1936 = vector.shape_cast %broadcast_in_dim3A_1935 : vector<16x1xi32> to vector<16xi32>
        %gather3A_1937 = tpu.dynamic_gather %max3A_1928[%gather3A_1936] in [0] : vector<16xi32>, vector<16xi32> -> vector<16xi32>
        %max3A_1938 = arith.maxsi %max3A_1928, %gather3A_1937 : vector<16xi32>
        %add3A_1939 = arith.constant 1 : i32
        %add3A_1940 = vector.broadcast %add3A_1939 : i32 to vector<16xi32>
        %add3A_1941 = arith.addi %iota3A, %add3A_1940 : vector<16xi32>
        %rem3A_1942 = arith.constant 16 : i32
        %rem3A_1943 = vector.broadcast %rem3A_1942 : i32 to vector<16xi32>
        %rem3A_1944 = arith.remsi %add3A_1941, %rem3A_1943 : vector<16xi32>
        %broadcast_in_dim3A_1945 = vector.shape_cast %rem3A_1944 : vector<16xi32> to vector<16x1xi32>
        %gather3A_1946 = vector.shape_cast %broadcast_in_dim3A_1945 : vector<16x1xi32> to vector<16xi32>
        %gather3A_1947 = tpu.dynamic_gather %max3A_1938[%gather3A_1946] in [0] : vector<16xi32>, vector<16xi32> -> vector<16xi32>
        %max3A_1948 = arith.maxsi %max3A_1938, %gather3A_1947 : vector<16xi32>
        %mul3A_1949 = arith.constant 0 : i32
        %mul3A_1950 = vector.broadcast %mul3A_1949 : i32 to vector<16xi32>
        %mul3A_1951 = arith.muli %iota3A, %mul3A_1950 : vector<16xi32>
        %broadcast_in_dim3A_1952 = vector.shape_cast %mul3A_1951 : vector<16xi32> to vector<16x1xi32>
        %gather3A_1953 = vector.shape_cast %broadcast_in_dim3A_1952 : vector<16x1xi32> to vector<16xi32>
        %gather3A_1954 = tpu.dynamic_gather %add3A_1547[%gather3A_1953] in [0] : vector<16xf32>, vector<16xi32> -> vector<16xf32>
        %eq3A_1955 = arith.cmpi eq, %scan3A_805, %max3A_1948 : vector<16xi32>
        %add3A_1956 = vector.broadcast %sub3A_918 : i32 to vector<16xi32>
        %add3A_1957 = arith.addi %broadcast_in_dim3A_3, %add3A_1956 : vector<16xi32>
        %select_n3A_1958 = arith.select %eq3A_1955, %add3A_1957, %scan3A_805 : vector<16xi1>, vector<16xi32>
        %eq3A_1959 = arith.cmpi eq, %scan3A_806, %max3A_1948 : vector<16xi32>
        %add3A_1960 = vector.broadcast %sub3A_918 : i32 to vector<16xi32>
        %add3A_1961 = arith.addi %broadcast_in_dim3A_3, %add3A_1960 : vector<16xi32>
        %select_n3A_1962 = arith.select %eq3A_1959, %add3A_1961, %scan3A_806 : vector<16xi1>, vector<16xi32>
        %eq3A_1963 = arith.cmpi eq, %scan3A_807, %max3A_1948 : vector<16xi32>
        %add3A_1964 = vector.broadcast %sub3A_918 : i32 to vector<16xi32>
        %add3A_1965 = arith.addi %broadcast_in_dim3A_3, %add3A_1964 : vector<16xi32>
        %select_n3A_1966 = arith.select %eq3A_1963, %add3A_1965, %scan3A_807 : vector<16xi1>, vector<16xi32>
        %eq3A_1967 = arith.cmpi eq, %scan3A_808, %max3A_1948 : vector<16xi32>
        %add3A_1968 = vector.broadcast %sub3A_918 : i32 to vector<16xi32>
        %add3A_1969 = arith.addi %broadcast_in_dim3A_3, %add3A_1968 : vector<16xi32>
        %select_n3A_1970 = arith.select %eq3A_1967, %add3A_1969, %scan3A_808 : vector<16xi1>, vector<16xi32>
        %eq3A_1971 = arith.cmpi eq, %scan3A_809, %max3A_1948 : vector<16xi32>
        %add3A_1972 = vector.broadcast %sub3A_918 : i32 to vector<16xi32>
        %add3A_1973 = arith.addi %broadcast_in_dim3A_3, %add3A_1972 : vector<16xi32>
        %select_n3A_1974 = arith.select %eq3A_1971, %add3A_1973, %scan3A_809 : vector<16xi1>, vector<16xi32>
        %eq3A_1975 = arith.cmpi eq, %scan3A_810, %max3A_1948 : vector<16xi32>
        %add3A_1976 = vector.broadcast %sub3A_918 : i32 to vector<16xi32>
        %add3A_1977 = arith.addi %broadcast_in_dim3A_3, %add3A_1976 : vector<16xi32>
        %select_n3A_1978 = arith.select %eq3A_1975, %add3A_1977, %scan3A_810 : vector<16xi1>, vector<16xi32>
        %eq3A_1979 = arith.cmpi eq, %scan3A_811, %max3A_1948 : vector<16xi32>
        %add3A_1980 = vector.broadcast %sub3A_918 : i32 to vector<16xi32>
        %add3A_1981 = arith.addi %broadcast_in_dim3A_3, %add3A_1980 : vector<16xi32>
        %select_n3A_1982 = arith.select %eq3A_1979, %add3A_1981, %scan3A_811 : vector<16xi1>, vector<16xi32>
        %eq3A_1983 = arith.cmpi eq, %scan3A_812, %max3A_1948 : vector<16xi32>
        %add3A_1984 = vector.broadcast %sub3A_918 : i32 to vector<16xi32>
        %add3A_1985 = arith.addi %broadcast_in_dim3A_3, %add3A_1984 : vector<16xi32>
        %select_n3A_1986 = arith.select %eq3A_1983, %add3A_1985, %scan3A_812 : vector<16xi1>, vector<16xi32>
        %eq3A_1987 = arith.cmpi eq, %scan3A_813, %max3A_1948 : vector<16xi32>
        %add3A_1988 = vector.broadcast %sub3A_918 : i32 to vector<16xi32>
        %add3A_1989 = arith.addi %broadcast_in_dim3A_3, %add3A_1988 : vector<16xi32>
        %select_n3A_1990 = arith.select %eq3A_1987, %add3A_1989, %scan3A_813 : vector<16xi1>, vector<16xi32>
        %eq3A_1991 = arith.cmpi eq, %scan3A_814, %max3A_1948 : vector<16xi32>
        %add3A_1992 = vector.broadcast %sub3A_918 : i32 to vector<16xi32>
        %add3A_1993 = arith.addi %broadcast_in_dim3A_3, %add3A_1992 : vector<16xi32>
        %select_n3A_1994 = arith.select %eq3A_1991, %add3A_1993, %scan3A_814 : vector<16xi1>, vector<16xi32>
        %eq3A_1995 = arith.cmpi eq, %scan3A_815, %max3A_1948 : vector<16xi32>
        %add3A_1996 = vector.broadcast %sub3A_918 : i32 to vector<16xi32>
        %add3A_1997 = arith.addi %broadcast_in_dim3A_3, %add3A_1996 : vector<16xi32>
        %select_n3A_1998 = arith.select %eq3A_1995, %add3A_1997, %scan3A_815 : vector<16xi1>, vector<16xi32>
        %eq3A_1999 = arith.cmpi eq, %scan3A_816, %max3A_1948 : vector<16xi32>
        %add3A_2000 = vector.broadcast %sub3A_918 : i32 to vector<16xi32>
        %add3A_2001 = arith.addi %broadcast_in_dim3A_3, %add3A_2000 : vector<16xi32>
        %select_n3A_2002 = arith.select %eq3A_1999, %add3A_2001, %scan3A_816 : vector<16xi1>, vector<16xi32>
        %eq3A_2003 = arith.cmpi eq, %scan3A_817, %max3A_1948 : vector<16xi32>
        %add3A_2004 = vector.broadcast %sub3A_918 : i32 to vector<16xi32>
        %add3A_2005 = arith.addi %broadcast_in_dim3A_3, %add3A_2004 : vector<16xi32>
        %select_n3A_2006 = arith.select %eq3A_2003, %add3A_2005, %scan3A_817 : vector<16xi1>, vector<16xi32>
        %eq3A_2007 = arith.cmpi eq, %scan3A_805, %max3A_1948 : vector<16xi32>
        %select_n3A_2008 = arith.select %eq3A_2007, %gather3A_1954, %add3A_1731 : vector<16xi1>, vector<16xf32>
        %eq3A_2009 = arith.cmpi eq, %scan3A_806, %max3A_1948 : vector<16xi32>
        %select_n3A_2010 = arith.select %eq3A_2009, %gather3A_1954, %add3A_1736 : vector<16xi1>, vector<16xf32>
        %eq3A_2011 = arith.cmpi eq, %scan3A_807, %max3A_1948 : vector<16xi32>
        %select_n3A_2012 = arith.select %eq3A_2011, %gather3A_1954, %add3A_1741 : vector<16xi1>, vector<16xf32>
        %eq3A_2013 = arith.cmpi eq, %scan3A_808, %max3A_1948 : vector<16xi32>
        %select_n3A_2014 = arith.select %eq3A_2013, %gather3A_1954, %add3A_1746 : vector<16xi1>, vector<16xf32>
        %eq3A_2015 = arith.cmpi eq, %scan3A_809, %max3A_1948 : vector<16xi32>
        %select_n3A_2016 = arith.select %eq3A_2015, %gather3A_1954, %add3A_1751 : vector<16xi1>, vector<16xf32>
        %eq3A_2017 = arith.cmpi eq, %scan3A_810, %max3A_1948 : vector<16xi32>
        %select_n3A_2018 = arith.select %eq3A_2017, %gather3A_1954, %add3A_1756 : vector<16xi1>, vector<16xf32>
        %eq3A_2019 = arith.cmpi eq, %scan3A_811, %max3A_1948 : vector<16xi32>
        %select_n3A_2020 = arith.select %eq3A_2019, %gather3A_1954, %add3A_1761 : vector<16xi1>, vector<16xf32>
        %eq3A_2021 = arith.cmpi eq, %scan3A_812, %max3A_1948 : vector<16xi32>
        %select_n3A_2022 = arith.select %eq3A_2021, %gather3A_1954, %add3A_1766 : vector<16xi1>, vector<16xf32>
        %eq3A_2023 = arith.cmpi eq, %scan3A_813, %max3A_1948 : vector<16xi32>
        %select_n3A_2024 = arith.select %eq3A_2023, %gather3A_1954, %add3A_1771 : vector<16xi1>, vector<16xf32>
        %eq3A_2025 = arith.cmpi eq, %scan3A_814, %max3A_1948 : vector<16xi32>
        %select_n3A_2026 = arith.select %eq3A_2025, %gather3A_1954, %add3A_1776 : vector<16xi1>, vector<16xf32>
        %eq3A_2027 = arith.cmpi eq, %scan3A_815, %max3A_1948 : vector<16xi32>
        %select_n3A_2028 = arith.select %eq3A_2027, %gather3A_1954, %add3A_1781 : vector<16xi1>, vector<16xf32>
        %eq3A_2029 = arith.cmpi eq, %scan3A_816, %max3A_1948 : vector<16xi32>
        %select_n3A_2030 = arith.select %eq3A_2029, %gather3A_1954, %add3A_1786 : vector<16xi1>, vector<16xf32>
        %eq3A_2031 = arith.cmpi eq, %scan3A_817, %max3A_1948 : vector<16xi32>
        %select_n3A_2032 = arith.select %eq3A_2031, %gather3A_1954, %add3A_1791 : vector<16xi1>, vector<16xf32>
        %slice3A = vector.extract_strided_slice %max3A_1948 {offsets = [0], sizes = [1], strides = [1]} : vector<16xi32> to vector<1xi32>
        %squeeze3A = vector.extract %slice3A[0] : i32 from vector<1xi32>
        %jit3A_2033 = arith.constant 16 : i32
        %div3A_2034 = arith.divsi %squeeze3A, %jit3A_2033 : i32
        %sign3A_2035 = arith.constant 0 : i32
        %sign3A_2036 = arith.cmpi sgt, %squeeze3A, %sign3A_2035 : i32
        %sign3A_2037 = arith.extui %sign3A_2036 : i1 to i32
        %sign3A_2038 = arith.constant 0 : i32
        %sign3A_2039 = arith.cmpi slt, %squeeze3A, %sign3A_2038 : i32
        %sign3A_2040 = arith.extui %sign3A_2039 : i1 to i32
        %sign3A_2041 = arith.subi %sign3A_2037, %sign3A_2040 : i32
        %sign3A_2042 = arith.constant 0 : i32
        %sign3A_2043 = arith.cmpi sgt, %jit3A_2033, %sign3A_2042 : i32
        %sign3A_2044 = arith.extui %sign3A_2043 : i1 to i32
        %sign3A_2045 = arith.constant 0 : i32
        %sign3A_2046 = arith.cmpi slt, %jit3A_2033, %sign3A_2045 : i32
        %sign3A_2047 = arith.extui %sign3A_2046 : i1 to i32
        %sign3A_2048 = arith.subi %sign3A_2044, %sign3A_2047 : i32
        %ne3A_2049 = arith.cmpi ne, %sign3A_2041, %sign3A_2048 : i32
        %rem3A_2050 = arith.remsi %squeeze3A, %jit3A_2033 : i32
        %ne3A_2051 = arith.constant 0 : i32
        %ne3A_2052 = arith.cmpi ne, %rem3A_2050, %ne3A_2051 : i32
        %and3A_2053 = arith.andi %ne3A_2049, %ne3A_2052 : i1
        %sub3A_2054 = arith.constant 1 : i32
        %sub3A_2055 = arith.subi %div3A_2034, %sub3A_2054 : i32
        %select_n3A_2056 = arith.select %and3A_2053, %sub3A_2055, %div3A_2034 : i32
        %mul3A_2057 = arith.constant 16 : i32
        %mul3A_2058 = arith.muli %select_n3A_2056, %mul3A_2057 : i32
        %add3A_2059 = vector.broadcast %mul3A_2058 : i32 to vector<16xi32>
        %add3A_2060 = arith.addi %add3A_2059, %iota3A : vector<16xi32>
        %eq3A_2061 = vector.broadcast %squeeze3A : i32 to vector<16xi32>
        %eq3A_2062 = arith.cmpi eq, %add3A_2060, %eq3A_2061 : vector<16xi32>
        %add3A_2063 = arith.constant 1 : i32
        %add3A_2064 = arith.addi %scan3A_804, %add3A_2063 : i32
        %add3A_2065 = vector.broadcast %add3A_2064 : i32 to vector<16xi32>
        %add3A_2066 = arith.addi %broadcast_in_dim3A_3, %add3A_2065 : vector<16xi32>
        %get3A_2067 = arith.index_cast %mul3A_2058 : i32 to index
        %get3A_2068 = tpu.vector_load %arg7[%get3A_2067] {strides = array<i32>} : memref<2048xi32, #tpu.memory_space<vmem>>, vector<16xi32>,
        %get3A_2069 = vector.shape_cast %get3A_2068 : vector<16xi32> to vector<16xi32>
        %select_n3A_2070 = arith.select %eq3A_2062, %add3A_2066, %get3A_2069 : vector<16xi1>, vector<16xi32>
        %swap3A_2071 = arith.index_cast %mul3A_2058 : i32 to index
        %swap3A_2072 = tpu.vector_load %arg7[%swap3A_2071] {strides = array<i32>} : memref<2048xi32, #tpu.memory_space<vmem>>, vector<16xi32>,
        %swap3A_2073 = vector.shape_cast %swap3A_2072 : vector<16xi32> to vector<16xi32>
        %swap3A_2074 = vector.shape_cast %select_n3A_2070 : vector<16xi32> to vector<16xi32>
        tpu.vector_store %arg7[%swap3A_2071], %swap3A_2074 {strides = array<i32>} : memref<2048xi32, #tpu.memory_space<vmem>>, vector<16xi32>,
        scf.yield %select_n3A_1958, %select_n3A_1962, %select_n3A_1966, %select_n3A_1970, %select_n3A_1974, %select_n3A_1978, %select_n3A_1982, %select_n3A_1986, %select_n3A_1990, %select_n3A_1994, %select_n3A_1998, %select_n3A_2002, %select_n3A_2006, %select_n3A_2008, %select_n3A_2010, %select_n3A_2012, %select_n3A_2014, %select_n3A_2016, %select_n3A_2018, %select_n3A_2020, %select_n3A_2022, %select_n3A_2024, %select_n3A_2026, %select_n3A_2028, %select_n3A_2030, %select_n3A_2032 : vector<16xi32>, vector<16xi32>, vector<16xi32>, vector<16xi32>, vector<16xi32>, vector<16xi32>, vector<16xi32>, vector<16xi32>, vector<16xi32>, vector<16xi32>, vector<16xi32>, vector<16xi32>, vector<16xi32>, vector<16xf32>, vector<16xf32>, vector<16xf32>, vector<16xf32>, vector<16xf32>, vector<16xf32>, vector<16xf32>, vector<16xf32>, vector<16xf32>, vector<16xf32>, vector<16xf32>, vector<16xf32>, vector<16xf32>
      }
      %scan3A_803 = arith.constant 1639 : i32
      "tpu.region"() ({
        %run_scoped3A = tpu.sem_alloc : memref<!tpu.dma_semaphore, #tpu.memory_space<semaphore_mem>>
        %dma_start3A_804 = arith.constant 0 : i32
        %dma_start3A_805 = tpu.memref_slice %arg4[%add3A, %dma_start3A_804] : memref<12x2048xi32, #tpu.memory_space<hbm>> -> memref<1x2048xi32, #tpu.memory_space<hbm>>
        %dma_start3A_806 = tpu.memref_squeeze %dma_start3A_805 : memref<1x2048xi32, #tpu.memory_space<hbm>> -> memref<2048xi32, #tpu.memory_space<hbm>>
        %dma_start3A_807 = arith.constant 0 : i32
        %dma_start3A_808 = tpu.memref_slice %arg4[%add3A, %dma_start3A_807] : memref<12x2048xi32, #tpu.memory_space<hbm>> -> memref<1x2048xi32, #tpu.memory_space<hbm>>
        %dma_start3A_809 = tpu.memref_squeeze %dma_start3A_808 : memref<1x2048xi32, #tpu.memory_space<hbm>> -> memref<2048xi32, #tpu.memory_space<hbm>>
        tpu.enqueue_dma source(%arg7 : memref<2048xi32, #tpu.memory_space<vmem>>) target(%dma_start3A_809 : memref<2048xi32, #tpu.memory_space<hbm>>) target_semaphore(%run_scoped3A : memref<!tpu.dma_semaphore, #tpu.memory_space<semaphore_mem>>)
        %dma_wait3A = arith.constant 0 : i32
        %dma_wait3A_810 = tpu.memref_slice %arg4[%add3A, %dma_wait3A] : memref<12x2048xi32, #tpu.memory_space<hbm>> -> memref<1x2048xi32, #tpu.memory_space<hbm>>
        %dma_wait3A_811 = tpu.memref_squeeze %dma_wait3A_810 : memref<1x2048xi32, #tpu.memory_space<hbm>> -> memref<2048xi32, #tpu.memory_space<hbm>>
        %dma_wait3A_812 = arith.constant 0 : i32
        %dma_wait3A_813 = tpu.memref_slice %arg4[%add3A, %dma_wait3A_812] : memref<12x2048xi32, #tpu.memory_space<hbm>> -> memref<1x2048xi32, #tpu.memory_space<hbm>>
        %dma_wait3A_814 = tpu.memref_squeeze %dma_wait3A_813 : memref<1x2048xi32, #tpu.memory_space<hbm>> -> memref<2048xi32, #tpu.memory_space<hbm>>
        tpu.wait_dma2 semaphore(%run_scoped3A : memref<!tpu.dma_semaphore, #tpu.memory_space<semaphore_mem>>) src(%arg7 : memref<2048xi32, #tpu.memory_space<vmem>>) dst(%dma_wait3A_814 : memref<2048xi32, #tpu.memory_space<hbm>>)
        tpu.yield
      }) : () -> ()
    } else {
    }
    return
  }
}

module attributes {stable_mosaic.version = 14 : i64} {
  func.func @_proj_body(%arg0: i32, %arg1: i32, %arg2: memref<256x768xf32, #tpu.memory_space<vmem>>, %arg3: memref<1x64x768xf32, #tpu.memory_space<vmem>>, %arg4: memref<1x64x768xf32, #tpu.memory_space<vmem>>, %arg5: memref<1x64x768xf32, #tpu.memory_space<vmem>>, %arg6: memref<1x256x64xf32, #tpu.memory_space<vmem>>, %arg7: memref<1x256x64xf32, #tpu.memory_space<vmem>>, %arg8: memref<1x256x64xf32, #tpu.memory_space<vmem>>) attributes {dimension_semantics = [#tpu.dimension_semantics<arbitrary>, #tpu.dimension_semantics<arbitrary>], iteration_bounds = array<i64: 12, 8>, scalar_prefetch = 0 : i64, scratch_operands = 0 : i64, tpu.core_type = #tpu.core_type<tc>, window_params = [{transform_indices = @transform_0, window_bounds = array<i64: 256, 768>}, {transform_indices = @transform_1, window_bounds = array<i64: 1, 64, 768>}, {transform_indices = @transform_2, window_bounds = array<i64: 1, 64, 768>}, {transform_indices = @transform_3, window_bounds = array<i64: 1, 64, 768>}, {transform_indices = @transform_4, window_bounds = array<i64: 1, 256, 64>}, {transform_indices = @transform_5, window_bounds = array<i64: 1, 256, 64>}, {transform_indices = @transform_6, window_bounds = array<i64: 1, 256, 64>}]} {
    %get3A = arith.constant 0 : index
    %get3A_0 = arith.constant 0 : index
    %get3A_1 = vector.load %arg2[%get3A, %get3A_0] : memref<256x768xf32, #tpu.memory_space<vmem>>, vector<256x768xf32>
    %get3A_2 = arith.constant 0 : index
    %get3A_3 = arith.constant 0 : index
    %get3A_4 = arith.constant 0 : index
    %get3A_5 = vector.load %arg3[%get3A_2, %get3A_3, %get3A_4] : memref<1x64x768xf32, #tpu.memory_space<vmem>>, vector<1x64x768xf32>
    %get3A_6 = vector.shape_cast %get3A_5 : vector<1x64x768xf32> to vector<64x768xf32>
    %dot_general3A = arith.constant dense<0.000000e+00> : vector<256x64xf32>
    %dot_general3A_7 = tpu.matmul %get3A_1, %get3A_6, %dot_general3A {dimension_numbers = #tpu.dot_dimension_numbers<[1], [1], [0], [0], [0, 0, 1, 0], [], []>, transpose_lhs_hint = false} : vector<256x768xf32>, vector<64x768xf32>, vector<256x64xf32> -> vector<256x64xf32>
    %swap3A = arith.constant 0 : index
    %swap3A_8 = arith.constant 0 : index
    %swap3A_9 = arith.constant 0 : index
    %swap3A_10 = vector.load %arg6[%swap3A, %swap3A_8, %swap3A_9] : memref<1x256x64xf32, #tpu.memory_space<vmem>>, vector<1x256x64xf32>
    %swap3A_11 = vector.shape_cast %swap3A_10 : vector<1x256x64xf32> to vector<256x64xf32>
    %swap3A_12 = vector.shape_cast %dot_general3A_7 : vector<256x64xf32> to vector<1x256x64xf32>
    tpu.vector_store %arg6[%swap3A, %swap3A_8, %swap3A_9], %swap3A_12 {strides = array<i32>} : memref<1x256x64xf32, #tpu.memory_space<vmem>>, vector<1x256x64xf32>,
    %get3A_13 = arith.constant 0 : index
    %get3A_14 = arith.constant 0 : index
    %get3A_15 = arith.constant 0 : index
    %get3A_16 = vector.load %arg4[%get3A_13, %get3A_14, %get3A_15] : memref<1x64x768xf32, #tpu.memory_space<vmem>>, vector<1x64x768xf32>
    %get3A_17 = vector.shape_cast %get3A_16 : vector<1x64x768xf32> to vector<64x768xf32>
    %dot_general3A_18 = arith.constant dense<0.000000e+00> : vector<256x64xf32>
    %dot_general3A_19 = tpu.matmul %get3A_1, %get3A_17, %dot_general3A_18 {dimension_numbers = #tpu.dot_dimension_numbers<[1], [1], [0], [0], [0, 0, 1, 0], [], []>, transpose_lhs_hint = false} : vector<256x768xf32>, vector<64x768xf32>, vector<256x64xf32> -> vector<256x64xf32>
    %swap3A_20 = arith.constant 0 : index
    %swap3A_21 = arith.constant 0 : index
    %swap3A_22 = arith.constant 0 : index
    %swap3A_23 = vector.load %arg7[%swap3A_20, %swap3A_21, %swap3A_22] : memref<1x256x64xf32, #tpu.memory_space<vmem>>, vector<1x256x64xf32>
    %swap3A_24 = vector.shape_cast %swap3A_23 : vector<1x256x64xf32> to vector<256x64xf32>
    %swap3A_25 = vector.shape_cast %dot_general3A_19 : vector<256x64xf32> to vector<1x256x64xf32>
    tpu.vector_store %arg7[%swap3A_20, %swap3A_21, %swap3A_22], %swap3A_25 {strides = array<i32>} : memref<1x256x64xf32, #tpu.memory_space<vmem>>, vector<1x256x64xf32>,
    %get3A_26 = arith.constant 0 : index
    %get3A_27 = arith.constant 0 : index
    %get3A_28 = arith.constant 0 : index
    %get3A_29 = vector.load %arg5[%get3A_26, %get3A_27, %get3A_28] : memref<1x64x768xf32, #tpu.memory_space<vmem>>, vector<1x64x768xf32>
    %get3A_30 = vector.shape_cast %get3A_29 : vector<1x64x768xf32> to vector<64x768xf32>
    %dot_general3A_31 = arith.constant dense<0.000000e+00> : vector<256x64xf32>
    %dot_general3A_32 = tpu.matmul %get3A_1, %get3A_30, %dot_general3A_31 {dimension_numbers = #tpu.dot_dimension_numbers<[1], [1], [0], [0], [0, 0, 1, 0], [], []>, transpose_lhs_hint = false} : vector<256x768xf32>, vector<64x768xf32>, vector<256x64xf32> -> vector<256x64xf32>
    %swap3A_33 = arith.constant 0 : index
    %swap3A_34 = arith.constant 0 : index
    %swap3A_35 = arith.constant 0 : index
    %swap3A_36 = vector.load %arg8[%swap3A_33, %swap3A_34, %swap3A_35] : memref<1x256x64xf32, #tpu.memory_space<vmem>>, vector<1x256x64xf32>
    %swap3A_37 = vector.shape_cast %swap3A_36 : vector<1x256x64xf32> to vector<256x64xf32>
    %swap3A_38 = vector.shape_cast %dot_general3A_32 : vector<256x64xf32> to vector<1x256x64xf32>
    tpu.vector_store %arg8[%swap3A_33, %swap3A_34, %swap3A_35], %swap3A_38 {strides = array<i32>} : memref<1x256x64xf32, #tpu.memory_space<vmem>>, vector<1x256x64xf32>,
    return
  }
  func.func @transform_0(%arg0: i32, %arg1: i32) -> (i32, i32) {
    %c0_i32 = arith.constant 0 : i32
    %c0_i32_0 = arith.constant 0 : i32
    return %arg1, %c0_i32 : i32, i32
  }
  func.func @transform_1(%arg0: i32, %arg1: i32) -> (i32, i32, i32) {
    %c0_i32 = arith.constant 0 : i32
    %c0_i32_0 = arith.constant 0 : i32
    %c0_i32_1 = arith.constant 0 : i32
    return %arg0, %c0_i32, %c0_i32_0 : i32, i32, i32
  }
  func.func @transform_2(%arg0: i32, %arg1: i32) -> (i32, i32, i32) {
    %c0_i32 = arith.constant 0 : i32
    %c0_i32_0 = arith.constant 0 : i32
    %c0_i32_1 = arith.constant 0 : i32
    return %arg0, %c0_i32, %c0_i32_0 : i32, i32, i32
  }
  func.func @transform_3(%arg0: i32, %arg1: i32) -> (i32, i32, i32) {
    %c0_i32 = arith.constant 0 : i32
    %c0_i32_0 = arith.constant 0 : i32
    %c0_i32_1 = arith.constant 0 : i32
    return %arg0, %c0_i32, %c0_i32_0 : i32, i32, i32
  }
  func.func @transform_4(%arg0: i32, %arg1: i32) -> (i32, i32, i32) {
    %c0_i32 = arith.constant 0 : i32
    %c0_i32_0 = arith.constant 0 : i32
    return %arg0, %arg1, %c0_i32 : i32, i32, i32
  }
  func.func @transform_5(%arg0: i32, %arg1: i32) -> (i32, i32, i32) {
    %c0_i32 = arith.constant 0 : i32
    %c0_i32_0 = arith.constant 0 : i32
    return %arg0, %arg1, %c0_i32 : i32, i32, i32
  }
  func.func @transform_6(%arg0: i32, %arg1: i32) -> (i32, i32, i32) {
    %c0_i32 = arith.constant 0 : i32
    %c0_i32_0 = arith.constant 0 : i32
    return %arg0, %arg1, %c0_i32 : i32, i32, i32
  }
}

module attributes {stable_mosaic.version = 14 : i64} {
  func.func @_scores_body(%arg0: i32, %arg1: i32, %arg2: memref<1x256x64xf32, #tpu.memory_space<vmem>>, %arg3: memref<1x2048x64xf32, #tpu.memory_space<vmem>>, %arg4: memref<256x64xf32, #tpu.memory_space<vmem>>, %arg5: memref<256x64xf32, #tpu.memory_space<vmem>>, %arg6: memref<2048x64xf32, #tpu.memory_space<vmem>>, %arg7: memref<2048x64xf32, #tpu.memory_space<vmem>>, %arg8: memref<1x256x2048xf32, #tpu.memory_space<vmem>>) attributes {dimension_semantics = [#tpu.dimension_semantics<arbitrary>, #tpu.dimension_semantics<arbitrary>], iteration_bounds = array<i64: 12, 8>, scalar_prefetch = 0 : i64, scratch_operands = 0 : i64, tpu.core_type = #tpu.core_type<tc>, window_params = [{transform_indices = @transform_0, window_bounds = array<i64: 1, 256, 64>}, {transform_indices = @transform_1, window_bounds = array<i64: 1, 2048, 64>}, {transform_indices = @transform_2, window_bounds = array<i64: 256, 64>}, {transform_indices = @transform_3, window_bounds = array<i64: 256, 64>}, {pipeline_mode = #tpu.pipeline_mode<synchronous>, transform_indices = @transform_4, window_bounds = array<i64: 2048, 64>}, {pipeline_mode = #tpu.pipeline_mode<synchronous>, transform_indices = @transform_5, window_bounds = array<i64: 2048, 64>}, {transform_indices = @transform_6, window_bounds = array<i64: 1, 256, 2048>}]} {
    %get3A = arith.constant 0 : index
    %get3A_0 = arith.constant 0 : index
    %get3A_1 = arith.constant 0 : index
    %get3A_2 = vector.load %arg2[%get3A, %get3A_0, %get3A_1] : memref<1x256x64xf32, #tpu.memory_space<vmem>>, vector<1x256x64xf32>
    %get3A_3 = vector.shape_cast %get3A_2 : vector<1x256x64xf32> to vector<256x64xf32>
    %get3A_4 = arith.constant 0 : index
    %get3A_5 = arith.constant 0 : index
    %get3A_6 = arith.constant 0 : index
    %get3A_7 = vector.load %arg3[%get3A_4, %get3A_5, %get3A_6] : memref<1x2048x64xf32, #tpu.memory_space<vmem>>, vector<1x2048x64xf32>
    %get3A_8 = vector.shape_cast %get3A_7 : vector<1x2048x64xf32> to vector<2048x64xf32>
    %get3A_9 = arith.constant 0 : index
    %get3A_10 = arith.constant 0 : index
    %get3A_11 = vector.load %arg4[%get3A_9, %get3A_10] : memref<256x64xf32, #tpu.memory_space<vmem>>, vector<256x64xf32>
    %mul3A = arith.mulf %get3A_3, %get3A_11 : vector<256x64xf32>
    %slice3A = vector.extract_strided_slice %get3A_3 {offsets = [0, 32], sizes = [256, 32], strides = [1, 1]} : vector<256x64xf32> to vector<256x32xf32>
    %neg3A = arith.constant 0.000000e+00 : f32
    %neg3A_12 = vector.broadcast %neg3A : f32 to vector<256x32xf32>
    %neg3A_13 = arith.subf %neg3A_12, %slice3A : vector<256x32xf32>
    %slice3A_14 = vector.extract_strided_slice %get3A_3 {offsets = [0, 0], sizes = [256, 32], strides = [1, 1]} : vector<256x64xf32> to vector<256x32xf32>
    %concatenate3A = tpu.concatenate %neg3A_13, %slice3A_14 in 1 : vector<256x32xf32>, vector<256x32xf32> -> vector<256x64xf32>
    %get3A_15 = arith.constant 0 : index
    %get3A_16 = arith.constant 0 : index
    %get3A_17 = vector.load %arg5[%get3A_15, %get3A_16] : memref<256x64xf32, #tpu.memory_space<vmem>>, vector<256x64xf32>
    %mul3A_18 = arith.mulf %concatenate3A, %get3A_17 : vector<256x64xf32>
    %add3A = arith.addf %mul3A, %mul3A_18 : vector<256x64xf32>
    %get3A_19 = arith.constant 0 : index
    %get3A_20 = arith.constant 0 : index
    %get3A_21 = vector.load %arg6[%get3A_19, %get3A_20] : memref<2048x64xf32, #tpu.memory_space<vmem>>, vector<2048x64xf32>
    %mul3A_22 = arith.mulf %get3A_8, %get3A_21 : vector<2048x64xf32>
    %slice3A_23 = vector.extract_strided_slice %get3A_8 {offsets = [0, 32], sizes = [2048, 32], strides = [1, 1]} : vector<2048x64xf32> to vector<2048x32xf32>
    %neg3A_24 = arith.constant 0.000000e+00 : f32
    %neg3A_25 = vector.broadcast %neg3A_24 : f32 to vector<2048x32xf32>
    %neg3A_26 = arith.subf %neg3A_25, %slice3A_23 : vector<2048x32xf32>
    %slice3A_27 = vector.extract_strided_slice %get3A_8 {offsets = [0, 0], sizes = [2048, 32], strides = [1, 1]} : vector<2048x64xf32> to vector<2048x32xf32>
    %concatenate3A_28 = tpu.concatenate %neg3A_26, %slice3A_27 in 1 : vector<2048x32xf32>, vector<2048x32xf32> -> vector<2048x64xf32>
    %get3A_29 = arith.constant 0 : index
    %get3A_30 = arith.constant 0 : index
    %get3A_31 = vector.load %arg7[%get3A_29, %get3A_30] : memref<2048x64xf32, #tpu.memory_space<vmem>>, vector<2048x64xf32>
    %mul3A_32 = arith.mulf %concatenate3A_28, %get3A_31 : vector<2048x64xf32>
    %add3A_33 = arith.addf %mul3A_22, %mul3A_32 : vector<2048x64xf32>
    %dot_general3A = arith.constant dense<0.000000e+00> : vector<256x2048xf32>
    %dot_general3A_34 = tpu.matmul %add3A, %add3A_33, %dot_general3A {dimension_numbers = #tpu.dot_dimension_numbers<[1], [1], [0], [0], [0, 0, 1, 0], [], []>, transpose_lhs_hint = false} : vector<256x64xf32>, vector<2048x64xf32>, vector<256x2048xf32> -> vector<256x2048xf32>
    %mul3A_35 = arith.constant 1.250000e-01 : f32
    %mul3A_36 = vector.broadcast %mul3A_35 : f32 to vector<256x2048xf32>
    %mul3A_37 = arith.mulf %dot_general3A_34, %mul3A_36 : vector<256x2048xf32>
    %swap3A = arith.constant 0 : index
    %swap3A_38 = arith.constant 0 : index
    %swap3A_39 = arith.constant 0 : index
    %swap3A_40 = vector.load %arg8[%swap3A, %swap3A_38, %swap3A_39] : memref<1x256x2048xf32, #tpu.memory_space<vmem>>, vector<1x256x2048xf32>
    %swap3A_41 = vector.shape_cast %swap3A_40 : vector<1x256x2048xf32> to vector<256x2048xf32>
    %swap3A_42 = vector.shape_cast %mul3A_37 : vector<256x2048xf32> to vector<1x256x2048xf32>
    tpu.vector_store %arg8[%swap3A, %swap3A_38, %swap3A_39], %swap3A_42 {strides = array<i32>} : memref<1x256x2048xf32, #tpu.memory_space<vmem>>, vector<1x256x2048xf32>,
    return
  }
  func.func @transform_0(%arg0: i32, %arg1: i32) -> (i32, i32, i32) {
    %c0_i32 = arith.constant 0 : i32
    %c0_i32_0 = arith.constant 0 : i32
    return %arg0, %arg1, %c0_i32 : i32, i32, i32
  }
  func.func @transform_1(%arg0: i32, %arg1: i32) -> (i32, i32, i32) {
    %c0_i32 = arith.constant 0 : i32
    %c0_i32_0 = arith.constant 0 : i32
    %c0_i32_1 = arith.constant 0 : i32
    return %arg0, %c0_i32, %c0_i32_0 : i32, i32, i32
  }
  func.func @transform_2(%arg0: i32, %arg1: i32) -> (i32, i32) {
    %c0_i32 = arith.constant 0 : i32
    %c0_i32_0 = arith.constant 0 : i32
    return %arg1, %c0_i32 : i32, i32
  }
  func.func @transform_3(%arg0: i32, %arg1: i32) -> (i32, i32) {
    %c0_i32 = arith.constant 0 : i32
    %c0_i32_0 = arith.constant 0 : i32
    return %arg1, %c0_i32 : i32, i32
  }
  func.func @transform_4(%arg0: i32, %arg1: i32) -> (i32, i32) {
    %c0_i32 = arith.constant 0 : i32
    %c0_i32_0 = arith.constant 0 : i32
    %c0_i32_1 = arith.constant 0 : i32
    return %c0_i32, %c0_i32_0 : i32, i32
  }
  func.func @transform_5(%arg0: i32, %arg1: i32) -> (i32, i32) {
    %c0_i32 = arith.constant 0 : i32
    %c0_i32_0 = arith.constant 0 : i32
    %c0_i32_1 = arith.constant 0 : i32
    return %c0_i32, %c0_i32_0 : i32, i32
  }
  func.func @transform_6(%arg0: i32, %arg1: i32) -> (i32, i32, i32) {
    %c0_i32 = arith.constant 0 : i32
    %c0_i32_0 = arith.constant 0 : i32
    return %arg0, %arg1, %c0_i32 : i32, i32, i32
  }
}

module attributes {stable_mosaic.version = 14 : i64} {
  func.func @_evict_body(%arg0: i32, %arg1: memref<12x8x512xf32, #tpu.memory_space<vmem>>, %arg2: memref<12x512xf32, #tpu.memory_space<vmem>>, %arg3: memref<12x512xi32, #tpu.memory_space<vmem>>, %arg4: memref<12x512xi32, #tpu.memory_space<vmem>>, %arg5: memref<12x512xf32, #tpu.memory_space<vmem>>) attributes {dimension_semantics = [#tpu.dimension_semantics<arbitrary>], iteration_bounds = array<i64: 51>, scalar_prefetch = 0 : i64, scratch_operands = 0 : i64, tpu.core_type = #tpu.core_type<tc>, window_params = [{transform_indices = @transform_0, window_bounds = array<i64: 12, 8, 512>}, {transform_indices = @transform_1, window_bounds = array<i64: 12, 512>}, {transform_indices = @transform_2, window_bounds = array<i64: 12, 512>}, {transform_indices = @transform_3, window_bounds = array<i64: 12, 512>}, {transform_indices = @transform_4, window_bounds = array<i64: 12, 512>}]} {
    %iota3A = tpu.iota {dimensions = array<i32: 1>} : vector<12x512xi32>
    %eq3A = arith.constant 0 : i32
    %eq3A_0 = arith.cmpi eq, %arg0, %eq3A : i32
    %convert_element_type3A = arith.extui %eq3A_0 : i1 to i32
    %cond3A = arith.constant 0 : i32
    %cond3A_1 = arith.cmpi ne, %convert_element_type3A, %cond3A : i32
    scf.if %cond3A_1 {
      %ge3A = arith.constant 0 : i32
      %ge3A_317 = vector.broadcast %ge3A : i32 to vector<12x512xi32>
      %ge3A_318 = arith.cmpi sge, %iota3A, %ge3A_317 : vector<12x512xi32>
      %get3A_319 = arith.constant 0 : index
      %get3A_320 = arith.constant 0 : index
      %get3A_321 = vector.load %arg2[%get3A_319, %get3A_320] : memref<12x512xf32, #tpu.memory_space<vmem>>, vector<12x512xf32>
      %jit3A_322 = arith.constant 0.000000e+00 : f32
      %broadcast_in_dim3A_323 = vector.broadcast %jit3A_322 : f32 to vector<12x512xf32>
      %select_n3A_324 = arith.select %ge3A_318, %broadcast_in_dim3A_323, %get3A_321 : vector<12x512xi1>, vector<12x512xf32>
      %swap3A_325 = arith.constant 0 : index
      %swap3A_326 = arith.constant 0 : index
      %swap3A_327 = vector.load %arg5[%swap3A_325, %swap3A_326] : memref<12x512xf32, #tpu.memory_space<vmem>>, vector<12x512xf32>
      tpu.vector_store %arg5[%swap3A_325, %swap3A_326], %select_n3A_324 {strides = array<i32>} : memref<12x512xf32, #tpu.memory_space<vmem>>, vector<12x512xf32>,
      %ge3A_328 = arith.constant 0 : i32
      %ge3A_329 = vector.broadcast %ge3A_328 : i32 to vector<12x512xi32>
      %ge3A_330 = arith.cmpi sge, %iota3A, %ge3A_329 : vector<12x512xi32>
      %get3A_331 = arith.constant 0 : index
      %get3A_332 = arith.constant 0 : index
      %get3A_333 = vector.load %arg3[%get3A_331, %get3A_332] : memref<12x512xi32, #tpu.memory_space<vmem>>, vector<12x512xi32>
      %jit3A_334 = arith.constant 2049 : i32
      %broadcast_in_dim3A_335 = vector.broadcast %jit3A_334 : i32 to vector<12x512xi32>
      %select_n3A_336 = arith.select %ge3A_330, %broadcast_in_dim3A_335, %get3A_333 : vector<12x512xi1>, vector<12x512xi32>
      %swap3A_337 = arith.constant 0 : index
      %swap3A_338 = arith.constant 0 : index
      %swap3A_339 = vector.load %arg4[%swap3A_337, %swap3A_338] : memref<12x512xi32, #tpu.memory_space<vmem>>, vector<12x512xi32>
      tpu.vector_store %arg4[%swap3A_337, %swap3A_338], %select_n3A_336 {strides = array<i32>} : memref<12x512xi32, #tpu.memory_space<vmem>>, vector<12x512xi32>,
    } else {
    }
    %mul3A = arith.constant 8 : i32
    %mul3A_2 = arith.muli %arg0, %mul3A : i32
    %add3A = arith.constant 0 : i32
    %add3A_3 = arith.addi %add3A, %mul3A_2 : i32
    %add3A_4 = arith.constant 0 : i32
    %add3A_5 = arith.addi %add3A_3, %add3A_4 : i32
    %get3A = arith.constant 0 : index
    %get3A_6 = arith.constant 0 : index
    %get3A_7 = vector.load %arg4[%get3A, %get3A_6] : memref<12x512xi32, #tpu.memory_space<vmem>>, vector<12x512xi32>
    %get3A_8 = arith.constant 0 : index
    %get3A_9 = arith.constant 0 : index
    %get3A_10 = vector.load %arg5[%get3A_8, %get3A_9] : memref<12x512xf32, #tpu.memory_space<vmem>>, vector<12x512xf32>
    %le3A = vector.broadcast %add3A_5 : i32 to vector<12x512xi32>
    %le3A_11 = arith.cmpi sle, %iota3A, %le3A : vector<12x512xi32>
    %gt3A = vector.broadcast %add3A_5 : i32 to vector<12x512xi32>
    %gt3A_12 = arith.cmpi sgt, %get3A_7, %gt3A : vector<12x512xi32>
    %and3A = arith.andi %le3A_11, %gt3A_12 : vector<12x512xi1>
    %get3A_13 = arith.constant 0 : index
    %get3A_14 = arith.constant 0 : index
    %get3A_15 = arith.constant 0 : index
    %get3A_16 = vector.load %arg1[%get3A_13, %get3A_14, %get3A_15] : memref<12x8x512xf32, #tpu.memory_space<vmem>>, vector<12x1x512xf32>
    %get3A_17 = vector.shape_cast %get3A_16 : vector<12x1x512xf32> to vector<12x512xf32>
    %jit3A = arith.constant -3.40282347E+38 : f32
    %broadcast_in_dim3A = vector.broadcast %jit3A : f32 to vector<12x512xf32>
    %select_n3A = arith.select %and3A, %get3A_17, %broadcast_in_dim3A : vector<12x512xi1>, vector<12x512xf32>
    %exp3A = math.exp %select_n3A : vector<12x512xf32>
    %reduce_sum3A = arith.constant dense<0.000000e+00> : vector<12xf32>
    %reduce_sum3A_18 = vector.multi_reduction <add>, %exp3A, %reduce_sum3A [1] : vector<12x512xf32> to vector<12xf32>
    %broadcast_in_dim3A_19 = vector.shape_cast %reduce_sum3A_18 : vector<12xf32> to vector<12x1xf32>
    %mul3A_20 = arith.constant 9.900000e-01 : f32
    %mul3A_21 = vector.broadcast %mul3A_20 : f32 to vector<12x512xf32>
    %mul3A_22 = arith.mulf %mul3A_21, %get3A_10 : vector<12x512xf32>
    %div3A = vector.broadcast %broadcast_in_dim3A_19 : vector<12x1xf32> to vector<12x512xf32>
    %div3A_23 = arith.divf %exp3A, %div3A : vector<12x512xf32>
    %add3A_24 = arith.addf %mul3A_22, %div3A_23 : vector<12x512xf32>
    %jit3A_25 = arith.constant 0.000000e+00 : f32
    %broadcast_in_dim3A_26 = vector.broadcast %jit3A_25 : f32 to vector<12x512xf32>
    %select_n3A_27 = arith.select %and3A, %add3A_24, %broadcast_in_dim3A_26 : vector<12x512xi1>, vector<12x512xf32>
    %swap3A = arith.constant 0 : index
    %swap3A_28 = arith.constant 0 : index
    %swap3A_29 = vector.load %arg5[%swap3A, %swap3A_28] : memref<12x512xf32, #tpu.memory_space<vmem>>, vector<12x512xf32>
    tpu.vector_store %arg5[%swap3A, %swap3A_28], %select_n3A_27 {strides = array<i32>} : memref<12x512xf32, #tpu.memory_space<vmem>>, vector<12x512xf32>,
    %mul3A_30 = arith.constant 8 : i32
    %mul3A_31 = arith.muli %arg0, %mul3A_30 : i32
    %add3A_32 = arith.constant 0 : i32
    %add3A_33 = arith.addi %add3A_32, %mul3A_31 : i32
    %add3A_34 = arith.constant 1 : i32
    %add3A_35 = arith.addi %add3A_33, %add3A_34 : i32
    %get3A_36 = arith.constant 0 : index
    %get3A_37 = arith.constant 0 : index
    %get3A_38 = vector.load %arg4[%get3A_36, %get3A_37] : memref<12x512xi32, #tpu.memory_space<vmem>>, vector<12x512xi32>
    %get3A_39 = arith.constant 0 : index
    %get3A_40 = arith.constant 0 : index
    %get3A_41 = vector.load %arg5[%get3A_39, %get3A_40] : memref<12x512xf32, #tpu.memory_space<vmem>>, vector<12x512xf32>
    %le3A_42 = vector.broadcast %add3A_35 : i32 to vector<12x512xi32>
    %le3A_43 = arith.cmpi sle, %iota3A, %le3A_42 : vector<12x512xi32>
    %gt3A_44 = vector.broadcast %add3A_35 : i32 to vector<12x512xi32>
    %gt3A_45 = arith.cmpi sgt, %get3A_38, %gt3A_44 : vector<12x512xi32>
    %and3A_46 = arith.andi %le3A_43, %gt3A_45 : vector<12x512xi1>
    %get3A_47 = arith.constant 0 : index
    %get3A_48 = arith.constant 1 : index
    %get3A_49 = arith.constant 0 : index
    %get3A_50 = vector.load %arg1[%get3A_47, %get3A_48, %get3A_49] : memref<12x8x512xf32, #tpu.memory_space<vmem>>, vector<12x1x512xf32>
    %get3A_51 = vector.shape_cast %get3A_50 : vector<12x1x512xf32> to vector<12x512xf32>
    %jit3A_52 = arith.constant -3.40282347E+38 : f32
    %broadcast_in_dim3A_53 = vector.broadcast %jit3A_52 : f32 to vector<12x512xf32>
    %select_n3A_54 = arith.select %and3A_46, %get3A_51, %broadcast_in_dim3A_53 : vector<12x512xi1>, vector<12x512xf32>
    %exp3A_55 = math.exp %select_n3A_54 : vector<12x512xf32>
    %reduce_sum3A_56 = arith.constant dense<0.000000e+00> : vector<12xf32>
    %reduce_sum3A_57 = vector.multi_reduction <add>, %exp3A_55, %reduce_sum3A_56 [1] : vector<12x512xf32> to vector<12xf32>
    %broadcast_in_dim3A_58 = vector.shape_cast %reduce_sum3A_57 : vector<12xf32> to vector<12x1xf32>
    %mul3A_59 = arith.constant 9.900000e-01 : f32
    %mul3A_60 = vector.broadcast %mul3A_59 : f32 to vector<12x512xf32>
    %mul3A_61 = arith.mulf %mul3A_60, %get3A_41 : vector<12x512xf32>
    %div3A_62 = vector.broadcast %broadcast_in_dim3A_58 : vector<12x1xf32> to vector<12x512xf32>
    %div3A_63 = arith.divf %exp3A_55, %div3A_62 : vector<12x512xf32>
    %add3A_64 = arith.addf %mul3A_61, %div3A_63 : vector<12x512xf32>
    %jit3A_65 = arith.constant 0.000000e+00 : f32
    %broadcast_in_dim3A_66 = vector.broadcast %jit3A_65 : f32 to vector<12x512xf32>
    %select_n3A_67 = arith.select %and3A_46, %add3A_64, %broadcast_in_dim3A_66 : vector<12x512xi1>, vector<12x512xf32>
    %swap3A_68 = arith.constant 0 : index
    %swap3A_69 = arith.constant 0 : index
    %swap3A_70 = vector.load %arg5[%swap3A_68, %swap3A_69] : memref<12x512xf32, #tpu.memory_space<vmem>>, vector<12x512xf32>
    tpu.vector_store %arg5[%swap3A_68, %swap3A_69], %select_n3A_67 {strides = array<i32>} : memref<12x512xf32, #tpu.memory_space<vmem>>, vector<12x512xf32>,
    %mul3A_71 = arith.constant 8 : i32
    %mul3A_72 = arith.muli %arg0, %mul3A_71 : i32
    %add3A_73 = arith.constant 0 : i32
    %add3A_74 = arith.addi %add3A_73, %mul3A_72 : i32
    %add3A_75 = arith.constant 2 : i32
    %add3A_76 = arith.addi %add3A_74, %add3A_75 : i32
    %get3A_77 = arith.constant 0 : index
    %get3A_78 = arith.constant 0 : index
    %get3A_79 = vector.load %arg4[%get3A_77, %get3A_78] : memref<12x512xi32, #tpu.memory_space<vmem>>, vector<12x512xi32>
    %get3A_80 = arith.constant 0 : index
    %get3A_81 = arith.constant 0 : index
    %get3A_82 = vector.load %arg5[%get3A_80, %get3A_81] : memref<12x512xf32, #tpu.memory_space<vmem>>, vector<12x512xf32>
    %le3A_83 = vector.broadcast %add3A_76 : i32 to vector<12x512xi32>
    %le3A_84 = arith.cmpi sle, %iota3A, %le3A_83 : vector<12x512xi32>
    %gt3A_85 = vector.broadcast %add3A_76 : i32 to vector<12x512xi32>
    %gt3A_86 = arith.cmpi sgt, %get3A_79, %gt3A_85 : vector<12x512xi32>
    %and3A_87 = arith.andi %le3A_84, %gt3A_86 : vector<12x512xi1>
    %get3A_88 = arith.constant 0 : index
    %get3A_89 = arith.constant 2 : index
    %get3A_90 = arith.constant 0 : index
    %get3A_91 = vector.load %arg1[%get3A_88, %get3A_89, %get3A_90] : memref<12x8x512xf32, #tpu.memory_space<vmem>>, vector<12x1x512xf32>
    %get3A_92 = vector.shape_cast %get3A_91 : vector<12x1x512xf32> to vector<12x512xf32>
    %jit3A_93 = arith.constant -3.40282347E+38 : f32
    %broadcast_in_dim3A_94 = vector.broadcast %jit3A_93 : f32 to vector<12x512xf32>
    %select_n3A_95 = arith.select %and3A_87, %get3A_92, %broadcast_in_dim3A_94 : vector<12x512xi1>, vector<12x512xf32>
    %exp3A_96 = math.exp %select_n3A_95 : vector<12x512xf32>
    %reduce_sum3A_97 = arith.constant dense<0.000000e+00> : vector<12xf32>
    %reduce_sum3A_98 = vector.multi_reduction <add>, %exp3A_96, %reduce_sum3A_97 [1] : vector<12x512xf32> to vector<12xf32>
    %broadcast_in_dim3A_99 = vector.shape_cast %reduce_sum3A_98 : vector<12xf32> to vector<12x1xf32>
    %mul3A_100 = arith.constant 9.900000e-01 : f32
    %mul3A_101 = vector.broadcast %mul3A_100 : f32 to vector<12x512xf32>
    %mul3A_102 = arith.mulf %mul3A_101, %get3A_82 : vector<12x512xf32>
    %div3A_103 = vector.broadcast %broadcast_in_dim3A_99 : vector<12x1xf32> to vector<12x512xf32>
    %div3A_104 = arith.divf %exp3A_96, %div3A_103 : vector<12x512xf32>
    %add3A_105 = arith.addf %mul3A_102, %div3A_104 : vector<12x512xf32>
    %jit3A_106 = arith.constant 0.000000e+00 : f32
    %broadcast_in_dim3A_107 = vector.broadcast %jit3A_106 : f32 to vector<12x512xf32>
    %select_n3A_108 = arith.select %and3A_87, %add3A_105, %broadcast_in_dim3A_107 : vector<12x512xi1>, vector<12x512xf32>
    %swap3A_109 = arith.constant 0 : index
    %swap3A_110 = arith.constant 0 : index
    %swap3A_111 = vector.load %arg5[%swap3A_109, %swap3A_110] : memref<12x512xf32, #tpu.memory_space<vmem>>, vector<12x512xf32>
    tpu.vector_store %arg5[%swap3A_109, %swap3A_110], %select_n3A_108 {strides = array<i32>} : memref<12x512xf32, #tpu.memory_space<vmem>>, vector<12x512xf32>,
    %mul3A_112 = arith.constant 8 : i32
    %mul3A_113 = arith.muli %arg0, %mul3A_112 : i32
    %add3A_114 = arith.constant 0 : i32
    %add3A_115 = arith.addi %add3A_114, %mul3A_113 : i32
    %add3A_116 = arith.constant 3 : i32
    %add3A_117 = arith.addi %add3A_115, %add3A_116 : i32
    %get3A_118 = arith.constant 0 : index
    %get3A_119 = arith.constant 0 : index
    %get3A_120 = vector.load %arg4[%get3A_118, %get3A_119] : memref<12x512xi32, #tpu.memory_space<vmem>>, vector<12x512xi32>
    %get3A_121 = arith.constant 0 : index
    %get3A_122 = arith.constant 0 : index
    %get3A_123 = vector.load %arg5[%get3A_121, %get3A_122] : memref<12x512xf32, #tpu.memory_space<vmem>>, vector<12x512xf32>
    %le3A_124 = vector.broadcast %add3A_117 : i32 to vector<12x512xi32>
    %le3A_125 = arith.cmpi sle, %iota3A, %le3A_124 : vector<12x512xi32>
    %gt3A_126 = vector.broadcast %add3A_117 : i32 to vector<12x512xi32>
    %gt3A_127 = arith.cmpi sgt, %get3A_120, %gt3A_126 : vector<12x512xi32>
    %and3A_128 = arith.andi %le3A_125, %gt3A_127 : vector<12x512xi1>
    %get3A_129 = arith.constant 0 : index
    %get3A_130 = arith.constant 3 : index
    %get3A_131 = arith.constant 0 : index
    %get3A_132 = vector.load %arg1[%get3A_129, %get3A_130, %get3A_131] : memref<12x8x512xf32, #tpu.memory_space<vmem>>, vector<12x1x512xf32>
    %get3A_133 = vector.shape_cast %get3A_132 : vector<12x1x512xf32> to vector<12x512xf32>
    %jit3A_134 = arith.constant -3.40282347E+38 : f32
    %broadcast_in_dim3A_135 = vector.broadcast %jit3A_134 : f32 to vector<12x512xf32>
    %select_n3A_136 = arith.select %and3A_128, %get3A_133, %broadcast_in_dim3A_135 : vector<12x512xi1>, vector<12x512xf32>
    %exp3A_137 = math.exp %select_n3A_136 : vector<12x512xf32>
    %reduce_sum3A_138 = arith.constant dense<0.000000e+00> : vector<12xf32>
    %reduce_sum3A_139 = vector.multi_reduction <add>, %exp3A_137, %reduce_sum3A_138 [1] : vector<12x512xf32> to vector<12xf32>
    %broadcast_in_dim3A_140 = vector.shape_cast %reduce_sum3A_139 : vector<12xf32> to vector<12x1xf32>
    %mul3A_141 = arith.constant 9.900000e-01 : f32
    %mul3A_142 = vector.broadcast %mul3A_141 : f32 to vector<12x512xf32>
    %mul3A_143 = arith.mulf %mul3A_142, %get3A_123 : vector<12x512xf32>
    %div3A_144 = vector.broadcast %broadcast_in_dim3A_140 : vector<12x1xf32> to vector<12x512xf32>
    %div3A_145 = arith.divf %exp3A_137, %div3A_144 : vector<12x512xf32>
    %add3A_146 = arith.addf %mul3A_143, %div3A_145 : vector<12x512xf32>
    %jit3A_147 = arith.constant 0.000000e+00 : f32
    %broadcast_in_dim3A_148 = vector.broadcast %jit3A_147 : f32 to vector<12x512xf32>
    %select_n3A_149 = arith.select %and3A_128, %add3A_146, %broadcast_in_dim3A_148 : vector<12x512xi1>, vector<12x512xf32>
    %swap3A_150 = arith.constant 0 : index
    %swap3A_151 = arith.constant 0 : index
    %swap3A_152 = vector.load %arg5[%swap3A_150, %swap3A_151] : memref<12x512xf32, #tpu.memory_space<vmem>>, vector<12x512xf32>
    tpu.vector_store %arg5[%swap3A_150, %swap3A_151], %select_n3A_149 {strides = array<i32>} : memref<12x512xf32, #tpu.memory_space<vmem>>, vector<12x512xf32>,
    %mul3A_153 = arith.constant 8 : i32
    %mul3A_154 = arith.muli %arg0, %mul3A_153 : i32
    %add3A_155 = arith.constant 0 : i32
    %add3A_156 = arith.addi %add3A_155, %mul3A_154 : i32
    %add3A_157 = arith.constant 4 : i32
    %add3A_158 = arith.addi %add3A_156, %add3A_157 : i32
    %get3A_159 = arith.constant 0 : index
    %get3A_160 = arith.constant 0 : index
    %get3A_161 = vector.load %arg4[%get3A_159, %get3A_160] : memref<12x512xi32, #tpu.memory_space<vmem>>, vector<12x512xi32>
    %get3A_162 = arith.constant 0 : index
    %get3A_163 = arith.constant 0 : index
    %get3A_164 = vector.load %arg5[%get3A_162, %get3A_163] : memref<12x512xf32, #tpu.memory_space<vmem>>, vector<12x512xf32>
    %le3A_165 = vector.broadcast %add3A_158 : i32 to vector<12x512xi32>
    %le3A_166 = arith.cmpi sle, %iota3A, %le3A_165 : vector<12x512xi32>
    %gt3A_167 = vector.broadcast %add3A_158 : i32 to vector<12x512xi32>
    %gt3A_168 = arith.cmpi sgt, %get3A_161, %gt3A_167 : vector<12x512xi32>
    %and3A_169 = arith.andi %le3A_166, %gt3A_168 : vector<12x512xi1>
    %get3A_170 = arith.constant 0 : index
    %get3A_171 = arith.constant 4 : index
    %get3A_172 = arith.constant 0 : index
    %get3A_173 = vector.load %arg1[%get3A_170, %get3A_171, %get3A_172] : memref<12x8x512xf32, #tpu.memory_space<vmem>>, vector<12x1x512xf32>
    %get3A_174 = vector.shape_cast %get3A_173 : vector<12x1x512xf32> to vector<12x512xf32>
    %jit3A_175 = arith.constant -3.40282347E+38 : f32
    %broadcast_in_dim3A_176 = vector.broadcast %jit3A_175 : f32 to vector<12x512xf32>
    %select_n3A_177 = arith.select %and3A_169, %get3A_174, %broadcast_in_dim3A_176 : vector<12x512xi1>, vector<12x512xf32>
    %exp3A_178 = math.exp %select_n3A_177 : vector<12x512xf32>
    %reduce_sum3A_179 = arith.constant dense<0.000000e+00> : vector<12xf32>
    %reduce_sum3A_180 = vector.multi_reduction <add>, %exp3A_178, %reduce_sum3A_179 [1] : vector<12x512xf32> to vector<12xf32>
    %broadcast_in_dim3A_181 = vector.shape_cast %reduce_sum3A_180 : vector<12xf32> to vector<12x1xf32>
    %mul3A_182 = arith.constant 9.900000e-01 : f32
    %mul3A_183 = vector.broadcast %mul3A_182 : f32 to vector<12x512xf32>
    %mul3A_184 = arith.mulf %mul3A_183, %get3A_164 : vector<12x512xf32>
    %div3A_185 = vector.broadcast %broadcast_in_dim3A_181 : vector<12x1xf32> to vector<12x512xf32>
    %div3A_186 = arith.divf %exp3A_178, %div3A_185 : vector<12x512xf32>
    %add3A_187 = arith.addf %mul3A_184, %div3A_186 : vector<12x512xf32>
    %jit3A_188 = arith.constant 0.000000e+00 : f32
    %broadcast_in_dim3A_189 = vector.broadcast %jit3A_188 : f32 to vector<12x512xf32>
    %select_n3A_190 = arith.select %and3A_169, %add3A_187, %broadcast_in_dim3A_189 : vector<12x512xi1>, vector<12x512xf32>
    %swap3A_191 = arith.constant 0 : index
    %swap3A_192 = arith.constant 0 : index
    %swap3A_193 = vector.load %arg5[%swap3A_191, %swap3A_192] : memref<12x512xf32, #tpu.memory_space<vmem>>, vector<12x512xf32>
    tpu.vector_store %arg5[%swap3A_191, %swap3A_192], %select_n3A_190 {strides = array<i32>} : memref<12x512xf32, #tpu.memory_space<vmem>>, vector<12x512xf32>,
    %mul3A_194 = arith.constant 8 : i32
    %mul3A_195 = arith.muli %arg0, %mul3A_194 : i32
    %add3A_196 = arith.constant 0 : i32
    %add3A_197 = arith.addi %add3A_196, %mul3A_195 : i32
    %add3A_198 = arith.constant 5 : i32
    %add3A_199 = arith.addi %add3A_197, %add3A_198 : i32
    %get3A_200 = arith.constant 0 : index
    %get3A_201 = arith.constant 0 : index
    %get3A_202 = vector.load %arg4[%get3A_200, %get3A_201] : memref<12x512xi32, #tpu.memory_space<vmem>>, vector<12x512xi32>
    %get3A_203 = arith.constant 0 : index
    %get3A_204 = arith.constant 0 : index
    %get3A_205 = vector.load %arg5[%get3A_203, %get3A_204] : memref<12x512xf32, #tpu.memory_space<vmem>>, vector<12x512xf32>
    %le3A_206 = vector.broadcast %add3A_199 : i32 to vector<12x512xi32>
    %le3A_207 = arith.cmpi sle, %iota3A, %le3A_206 : vector<12x512xi32>
    %gt3A_208 = vector.broadcast %add3A_199 : i32 to vector<12x512xi32>
    %gt3A_209 = arith.cmpi sgt, %get3A_202, %gt3A_208 : vector<12x512xi32>
    %and3A_210 = arith.andi %le3A_207, %gt3A_209 : vector<12x512xi1>
    %get3A_211 = arith.constant 0 : index
    %get3A_212 = arith.constant 5 : index
    %get3A_213 = arith.constant 0 : index
    %get3A_214 = vector.load %arg1[%get3A_211, %get3A_212, %get3A_213] : memref<12x8x512xf32, #tpu.memory_space<vmem>>, vector<12x1x512xf32>
    %get3A_215 = vector.shape_cast %get3A_214 : vector<12x1x512xf32> to vector<12x512xf32>
    %jit3A_216 = arith.constant -3.40282347E+38 : f32
    %broadcast_in_dim3A_217 = vector.broadcast %jit3A_216 : f32 to vector<12x512xf32>
    %select_n3A_218 = arith.select %and3A_210, %get3A_215, %broadcast_in_dim3A_217 : vector<12x512xi1>, vector<12x512xf32>
    %exp3A_219 = math.exp %select_n3A_218 : vector<12x512xf32>
    %reduce_sum3A_220 = arith.constant dense<0.000000e+00> : vector<12xf32>
    %reduce_sum3A_221 = vector.multi_reduction <add>, %exp3A_219, %reduce_sum3A_220 [1] : vector<12x512xf32> to vector<12xf32>
    %broadcast_in_dim3A_222 = vector.shape_cast %reduce_sum3A_221 : vector<12xf32> to vector<12x1xf32>
    %mul3A_223 = arith.constant 9.900000e-01 : f32
    %mul3A_224 = vector.broadcast %mul3A_223 : f32 to vector<12x512xf32>
    %mul3A_225 = arith.mulf %mul3A_224, %get3A_205 : vector<12x512xf32>
    %div3A_226 = vector.broadcast %broadcast_in_dim3A_222 : vector<12x1xf32> to vector<12x512xf32>
    %div3A_227 = arith.divf %exp3A_219, %div3A_226 : vector<12x512xf32>
    %add3A_228 = arith.addf %mul3A_225, %div3A_227 : vector<12x512xf32>
    %jit3A_229 = arith.constant 0.000000e+00 : f32
    %broadcast_in_dim3A_230 = vector.broadcast %jit3A_229 : f32 to vector<12x512xf32>
    %select_n3A_231 = arith.select %and3A_210, %add3A_228, %broadcast_in_dim3A_230 : vector<12x512xi1>, vector<12x512xf32>
    %swap3A_232 = arith.constant 0 : index
    %swap3A_233 = arith.constant 0 : index
    %swap3A_234 = vector.load %arg5[%swap3A_232, %swap3A_233] : memref<12x512xf32, #tpu.memory_space<vmem>>, vector<12x512xf32>
    tpu.vector_store %arg5[%swap3A_232, %swap3A_233], %select_n3A_231 {strides = array<i32>} : memref<12x512xf32, #tpu.memory_space<vmem>>, vector<12x512xf32>,
    %mul3A_235 = arith.constant 8 : i32
    %mul3A_236 = arith.muli %arg0, %mul3A_235 : i32
    %add3A_237 = arith.constant 0 : i32
    %add3A_238 = arith.addi %add3A_237, %mul3A_236 : i32
    %add3A_239 = arith.constant 6 : i32
    %add3A_240 = arith.addi %add3A_238, %add3A_239 : i32
    %get3A_241 = arith.constant 0 : index
    %get3A_242 = arith.constant 0 : index
    %get3A_243 = vector.load %arg4[%get3A_241, %get3A_242] : memref<12x512xi32, #tpu.memory_space<vmem>>, vector<12x512xi32>
    %get3A_244 = arith.constant 0 : index
    %get3A_245 = arith.constant 0 : index
    %get3A_246 = vector.load %arg5[%get3A_244, %get3A_245] : memref<12x512xf32, #tpu.memory_space<vmem>>, vector<12x512xf32>
    %le3A_247 = vector.broadcast %add3A_240 : i32 to vector<12x512xi32>
    %le3A_248 = arith.cmpi sle, %iota3A, %le3A_247 : vector<12x512xi32>
    %gt3A_249 = vector.broadcast %add3A_240 : i32 to vector<12x512xi32>
    %gt3A_250 = arith.cmpi sgt, %get3A_243, %gt3A_249 : vector<12x512xi32>
    %and3A_251 = arith.andi %le3A_248, %gt3A_250 : vector<12x512xi1>
    %get3A_252 = arith.constant 0 : index
    %get3A_253 = arith.constant 6 : index
    %get3A_254 = arith.constant 0 : index
    %get3A_255 = vector.load %arg1[%get3A_252, %get3A_253, %get3A_254] : memref<12x8x512xf32, #tpu.memory_space<vmem>>, vector<12x1x512xf32>
    %get3A_256 = vector.shape_cast %get3A_255 : vector<12x1x512xf32> to vector<12x512xf32>
    %jit3A_257 = arith.constant -3.40282347E+38 : f32
    %broadcast_in_dim3A_258 = vector.broadcast %jit3A_257 : f32 to vector<12x512xf32>
    %select_n3A_259 = arith.select %and3A_251, %get3A_256, %broadcast_in_dim3A_258 : vector<12x512xi1>, vector<12x512xf32>
    %exp3A_260 = math.exp %select_n3A_259 : vector<12x512xf32>
    %reduce_sum3A_261 = arith.constant dense<0.000000e+00> : vector<12xf32>
    %reduce_sum3A_262 = vector.multi_reduction <add>, %exp3A_260, %reduce_sum3A_261 [1] : vector<12x512xf32> to vector<12xf32>
    %broadcast_in_dim3A_263 = vector.shape_cast %reduce_sum3A_262 : vector<12xf32> to vector<12x1xf32>
    %mul3A_264 = arith.constant 9.900000e-01 : f32
    %mul3A_265 = vector.broadcast %mul3A_264 : f32 to vector<12x512xf32>
    %mul3A_266 = arith.mulf %mul3A_265, %get3A_246 : vector<12x512xf32>
    %div3A_267 = vector.broadcast %broadcast_in_dim3A_263 : vector<12x1xf32> to vector<12x512xf32>
    %div3A_268 = arith.divf %exp3A_260, %div3A_267 : vector<12x512xf32>
    %add3A_269 = arith.addf %mul3A_266, %div3A_268 : vector<12x512xf32>
    %jit3A_270 = arith.constant 0.000000e+00 : f32
    %broadcast_in_dim3A_271 = vector.broadcast %jit3A_270 : f32 to vector<12x512xf32>
    %select_n3A_272 = arith.select %and3A_251, %add3A_269, %broadcast_in_dim3A_271 : vector<12x512xi1>, vector<12x512xf32>
    %swap3A_273 = arith.constant 0 : index
    %swap3A_274 = arith.constant 0 : index
    %swap3A_275 = vector.load %arg5[%swap3A_273, %swap3A_274] : memref<12x512xf32, #tpu.memory_space<vmem>>, vector<12x512xf32>
    tpu.vector_store %arg5[%swap3A_273, %swap3A_274], %select_n3A_272 {strides = array<i32>} : memref<12x512xf32, #tpu.memory_space<vmem>>, vector<12x512xf32>,
    %mul3A_276 = arith.constant 8 : i32
    %mul3A_277 = arith.muli %arg0, %mul3A_276 : i32
    %add3A_278 = arith.constant 0 : i32
    %add3A_279 = arith.addi %add3A_278, %mul3A_277 : i32
    %add3A_280 = arith.constant 7 : i32
    %add3A_281 = arith.addi %add3A_279, %add3A_280 : i32
    %get3A_282 = arith.constant 0 : index
    %get3A_283 = arith.constant 0 : index
    %get3A_284 = vector.load %arg4[%get3A_282, %get3A_283] : memref<12x512xi32, #tpu.memory_space<vmem>>, vector<12x512xi32>
    %get3A_285 = arith.constant 0 : index
    %get3A_286 = arith.constant 0 : index
    %get3A_287 = vector.load %arg5[%get3A_285, %get3A_286] : memref<12x512xf32, #tpu.memory_space<vmem>>, vector<12x512xf32>
    %le3A_288 = vector.broadcast %add3A_281 : i32 to vector<12x512xi32>
    %le3A_289 = arith.cmpi sle, %iota3A, %le3A_288 : vector<12x512xi32>
    %gt3A_290 = vector.broadcast %add3A_281 : i32 to vector<12x512xi32>
    %gt3A_291 = arith.cmpi sgt, %get3A_284, %gt3A_290 : vector<12x512xi32>
    %and3A_292 = arith.andi %le3A_289, %gt3A_291 : vector<12x512xi1>
    %get3A_293 = arith.constant 0 : index
    %get3A_294 = arith.constant 7 : index
    %get3A_295 = arith.constant 0 : index
    %get3A_296 = vector.load %arg1[%get3A_293, %get3A_294, %get3A_295] : memref<12x8x512xf32, #tpu.memory_space<vmem>>, vector<12x1x512xf32>
    %get3A_297 = vector.shape_cast %get3A_296 : vector<12x1x512xf32> to vector<12x512xf32>
    %jit3A_298 = arith.constant -3.40282347E+38 : f32
    %broadcast_in_dim3A_299 = vector.broadcast %jit3A_298 : f32 to vector<12x512xf32>
    %select_n3A_300 = arith.select %and3A_292, %get3A_297, %broadcast_in_dim3A_299 : vector<12x512xi1>, vector<12x512xf32>
    %exp3A_301 = math.exp %select_n3A_300 : vector<12x512xf32>
    %reduce_sum3A_302 = arith.constant dense<0.000000e+00> : vector<12xf32>
    %reduce_sum3A_303 = vector.multi_reduction <add>, %exp3A_301, %reduce_sum3A_302 [1] : vector<12x512xf32> to vector<12xf32>
    %broadcast_in_dim3A_304 = vector.shape_cast %reduce_sum3A_303 : vector<12xf32> to vector<12x1xf32>
    %mul3A_305 = arith.constant 9.900000e-01 : f32
    %mul3A_306 = vector.broadcast %mul3A_305 : f32 to vector<12x512xf32>
    %mul3A_307 = arith.mulf %mul3A_306, %get3A_287 : vector<12x512xf32>
    %div3A_308 = vector.broadcast %broadcast_in_dim3A_304 : vector<12x1xf32> to vector<12x512xf32>
    %div3A_309 = arith.divf %exp3A_301, %div3A_308 : vector<12x512xf32>
    %add3A_310 = arith.addf %mul3A_307, %div3A_309 : vector<12x512xf32>
    %jit3A_311 = arith.constant 0.000000e+00 : f32
    %broadcast_in_dim3A_312 = vector.broadcast %jit3A_311 : f32 to vector<12x512xf32>
    %select_n3A_313 = arith.select %and3A_292, %add3A_310, %broadcast_in_dim3A_312 : vector<12x512xi1>, vector<12x512xf32>
    %swap3A_314 = arith.constant 0 : index
    %swap3A_315 = arith.constant 0 : index
    %swap3A_316 = vector.load %arg5[%swap3A_314, %swap3A_315] : memref<12x512xf32, #tpu.memory_space<vmem>>, vector<12x512xf32>
    tpu.vector_store %arg5[%swap3A_314, %swap3A_315], %select_n3A_313 {strides = array<i32>} : memref<12x512xf32, #tpu.memory_space<vmem>>, vector<12x512xf32>,
    return
  }
  func.func @transform_0(%arg0: i32) -> (i32, i32, i32) {
    %c0_i32 = arith.constant 0 : i32
    %c0_i32_0 = arith.constant 0 : i32
    %c0_i32_1 = arith.constant 0 : i32
    return %c0_i32, %arg0, %c0_i32_0 : i32, i32, i32
  }
  func.func @transform_1(%arg0: i32) -> (i32, i32) {
    %c0_i32 = arith.constant 0 : i32
    %c0_i32_0 = arith.constant 0 : i32
    %c0_i32_1 = arith.constant 0 : i32
    return %c0_i32, %c0_i32_0 : i32, i32
  }
  func.func @transform_2(%arg0: i32) -> (i32, i32) {
    %c0_i32 = arith.constant 0 : i32
    %c0_i32_0 = arith.constant 0 : i32
    %c0_i32_1 = arith.constant 0 : i32
    return %c0_i32, %c0_i32_0 : i32, i32
  }
  func.func @transform_3(%arg0: i32) -> (i32, i32) {
    %c0_i32 = arith.constant 0 : i32
    %c0_i32_0 = arith.constant 0 : i32
    %c0_i32_1 = arith.constant 0 : i32
    return %c0_i32, %c0_i32_0 : i32, i32
  }
  func.func @transform_4(%arg0: i32) -> (i32, i32) {
    %c0_i32 = arith.constant 0 : i32
    %c0_i32_0 = arith.constant 0 : i32
    %c0_i32_1 = arith.constant 0 : i32
    return %c0_i32, %c0_i32_0 : i32, i32
  }
}

module attributes {stable_mosaic.version = 14 : i64} {
  func.func @_outproj_body(%arg0: i32, %arg1: i32, %arg2: memref<1x256x64xf32, #tpu.memory_space<vmem>>, %arg3: memref<1x64x768xf32, #tpu.memory_space<vmem>>, %arg4: memref<256x768xf32, #tpu.memory_space<vmem>>) attributes {dimension_semantics = [#tpu.dimension_semantics<arbitrary>, #tpu.dimension_semantics<arbitrary>], iteration_bounds = array<i64: 8, 12>, scalar_prefetch = 0 : i64, scratch_operands = 0 : i64, tpu.core_type = #tpu.core_type<tc>, window_params = [{transform_indices = @transform_0, window_bounds = array<i64: 1, 256, 64>}, {transform_indices = @transform_1, window_bounds = array<i64: 1, 64, 768>}, {transform_indices = @transform_2, window_bounds = array<i64: 256, 768>}]} {
    %eq3A = arith.constant 0 : i32
    %eq3A_0 = arith.cmpi eq, %arg1, %eq3A : i32
    %convert_element_type3A = arith.extui %eq3A_0 : i1 to i32
    %cond3A = arith.constant 0 : i32
    %cond3A_1 = arith.cmpi ne, %convert_element_type3A, %cond3A : i32
    scf.if %cond3A_1 {
      %broadcast_in_dim3A = arith.constant 0.000000e+00 : f32
      %broadcast_in_dim3A_17 = vector.broadcast %broadcast_in_dim3A : f32 to vector<256x768xf32>
      %swap3A_18 = arith.constant 0 : index
      %swap3A_19 = arith.constant 0 : index
      %swap3A_20 = vector.load %arg4[%swap3A_18, %swap3A_19] : memref<256x768xf32, #tpu.memory_space<vmem>>, vector<256x768xf32>
      tpu.vector_store %arg4[%swap3A_18, %swap3A_19], %broadcast_in_dim3A_17 {strides = array<i32>} : memref<256x768xf32, #tpu.memory_space<vmem>>, vector<256x768xf32>,
    } else {
    }
    %get3A = arith.constant 0 : index
    %get3A_2 = arith.constant 0 : index
    %get3A_3 = vector.load %arg4[%get3A, %get3A_2] : memref<256x768xf32, #tpu.memory_space<vmem>>, vector<256x768xf32>
    %get3A_4 = arith.constant 0 : index
    %get3A_5 = arith.constant 0 : index
    %get3A_6 = arith.constant 0 : index
    %get3A_7 = vector.load %arg2[%get3A_4, %get3A_5, %get3A_6] : memref<1x256x64xf32, #tpu.memory_space<vmem>>, vector<1x256x64xf32>
    %get3A_8 = vector.shape_cast %get3A_7 : vector<1x256x64xf32> to vector<256x64xf32>
    %get3A_9 = arith.constant 0 : index
    %get3A_10 = arith.constant 0 : index
    %get3A_11 = arith.constant 0 : index
    %get3A_12 = vector.load %arg3[%get3A_9, %get3A_10, %get3A_11] : memref<1x64x768xf32, #tpu.memory_space<vmem>>, vector<1x64x768xf32>
    %get3A_13 = vector.shape_cast %get3A_12 : vector<1x64x768xf32> to vector<64x768xf32>
    %dot_general3A = arith.constant dense<0.000000e+00> : vector<256x768xf32>
    %dot_general3A_14 = tpu.matmul %get3A_8, %get3A_13, %dot_general3A {dimension_numbers = #tpu.dot_dimension_numbers<[1], [0], [0], [1], [0, 0, 1, 1], [], []>, transpose_lhs_hint = false} : vector<256x64xf32>, vector<64x768xf32>, vector<256x768xf32> -> vector<256x768xf32>
    %add3A = arith.addf %get3A_3, %dot_general3A_14 : vector<256x768xf32>
    %swap3A = arith.constant 0 : index
    %swap3A_15 = arith.constant 0 : index
    %swap3A_16 = vector.load %arg4[%swap3A, %swap3A_15] : memref<256x768xf32, #tpu.memory_space<vmem>>, vector<256x768xf32>
    tpu.vector_store %arg4[%swap3A, %swap3A_15], %add3A {strides = array<i32>} : memref<256x768xf32, #tpu.memory_space<vmem>>, vector<256x768xf32>,
    return
  }
  func.func @transform_0(%arg0: i32, %arg1: i32) -> (i32, i32, i32) {
    %c0_i32 = arith.constant 0 : i32
    %c0_i32_0 = arith.constant 0 : i32
    return %arg1, %arg0, %c0_i32 : i32, i32, i32
  }
  func.func @transform_1(%arg0: i32, %arg1: i32) -> (i32, i32, i32) {
    %c0_i32 = arith.constant 0 : i32
    %c0_i32_0 = arith.constant 0 : i32
    %c0_i32_1 = arith.constant 0 : i32
    return %arg1, %c0_i32, %c0_i32_0 : i32, i32, i32
  }
  func.func @transform_2(%arg0: i32, %arg1: i32) -> (i32, i32) {
    %c0_i32 = arith.constant 0 : i32
    %c0_i32_0 = arith.constant 0 : i32
    return %arg0, %c0_i32 : i32, i32
  }
}

module attributes {stable_mosaic.version = 14 : i64} {
  func.func @_attnv_body(%arg0: i32, %arg1: i32, %arg2: memref<1x256x2048xf32, #tpu.memory_space<vmem>>, %arg3: memref<12x2048xi32, #tpu.memory_space<vmem>>, %arg4: memref<1x2048x64xf32, #tpu.memory_space<vmem>>, %arg5: memref<1x256x64xf32, #tpu.memory_space<vmem>>) attributes {dimension_semantics = [#tpu.dimension_semantics<arbitrary>, #tpu.dimension_semantics<arbitrary>], iteration_bounds = array<i64: 12, 8>, scalar_prefetch = 0 : i64, scratch_operands = 0 : i64, tpu.core_type = #tpu.core_type<tc>, window_params = [{transform_indices = @transform_0, window_bounds = array<i64: 1, 256, 2048>}, {pipeline_mode = #tpu.pipeline_mode<synchronous>, transform_indices = @transform_1, window_bounds = array<i64: 12, 2048>}, {transform_indices = @transform_2, window_bounds = array<i64: 1, 2048, 64>}, {transform_indices = @transform_3, window_bounds = array<i64: 1, 256, 64>}]} {
    %get3A = arith.constant 0 : index
    %get3A_0 = arith.constant 0 : index
    %get3A_1 = arith.constant 0 : index
    %get3A_2 = vector.load %arg2[%get3A, %get3A_0, %get3A_1] : memref<1x256x2048xf32, #tpu.memory_space<vmem>>, vector<1x256x2048xf32>
    %get3A_3 = vector.shape_cast %get3A_2 : vector<1x256x2048xf32> to vector<256x2048xf32>
    %get3A_4 = arith.constant 0 : index
    %get3A_5 = arith.constant 0 : index
    %get3A_6 = vector.load %arg3[%get3A_4, %get3A_5] : memref<12x2048xi32, #tpu.memory_space<vmem>>, vector<12x2048xi32>
    %iota3A = tpu.iota {dimensions = array<i32: 0>} : vector<12x2048xi32>
    %eq3A = vector.broadcast %arg0 : i32 to vector<12x2048xi32>
    %eq3A_7 = arith.cmpi eq, %iota3A, %eq3A : vector<12x2048xi32>
    %jit3A = arith.constant 0 : i32
    %broadcast_in_dim3A = vector.broadcast %jit3A : i32 to vector<12x2048xi32>
    %select_n3A = arith.select %eq3A_7, %get3A_6, %broadcast_in_dim3A : vector<12x2048xi1>, vector<12x2048xi32>
    %reduce_max3A = arith.constant dense<-2147483648> : vector<2048xi32>
    %reduce_max3A_8 = vector.multi_reduction <maxsi>, %select_n3A, %reduce_max3A [0] : vector<12x2048xi32> to vector<2048xi32>
    %broadcast_in_dim3A_9 = vector.shape_cast %reduce_max3A_8 : vector<2048xi32> to vector<1x2048xi32>
    %mul3A = arith.constant 256 : i32
    %mul3A_10 = arith.muli %arg1, %mul3A : i32
    %iota3A_11 = tpu.iota {dimensions = array<i32: 0>} : vector<256x2048xi32>
    %add3A = vector.broadcast %mul3A_10 : i32 to vector<256x2048xi32>
    %add3A_12 = arith.addi %add3A, %iota3A_11 : vector<256x2048xi32>
    %iota3A_13 = tpu.iota {dimensions = array<i32: 1>} : vector<256x2048xi32>
    %le3A = arith.cmpi sle, %iota3A_13, %add3A_12 : vector<256x2048xi32>
    %lt3A = vector.broadcast %broadcast_in_dim3A_9 : vector<1x2048xi32> to vector<256x2048xi32>
    %lt3A_14 = arith.cmpi slt, %add3A_12, %lt3A : vector<256x2048xi32>
    %and3A = arith.andi %le3A, %lt3A_14 : vector<256x2048xi1>
    %jit3A_15 = arith.constant -3.40282347E+38 : f32
    %broadcast_in_dim3A_16 = vector.broadcast %jit3A_15 : f32 to vector<256x2048xf32>
    %select_n3A_17 = arith.select %and3A, %get3A_3, %broadcast_in_dim3A_16 : vector<256x2048xi1>, vector<256x2048xf32>
    %reduce_max3A_18 = arith.constant dense<0xFF800000> : vector<256xf32>
    %reduce_max3A_19 = vector.multi_reduction <maximumf>, %select_n3A_17, %reduce_max3A_18 [1] : vector<256x2048xf32> to vector<256xf32>
    %broadcast_in_dim3A_20 = vector.shape_cast %reduce_max3A_19 : vector<256xf32> to vector<256x1xf32>
    %sub3A = vector.broadcast %broadcast_in_dim3A_20 : vector<256x1xf32> to vector<256x2048xf32>
    %sub3A_21 = arith.subf %select_n3A_17, %sub3A : vector<256x2048xf32>
    %exp3A = math.exp %sub3A_21 : vector<256x2048xf32>
    %reduce_sum3A = arith.constant dense<0.000000e+00> : vector<256xf32>
    %reduce_sum3A_22 = vector.multi_reduction <add>, %exp3A, %reduce_sum3A [1] : vector<256x2048xf32> to vector<256xf32>
    %broadcast_in_dim3A_23 = vector.shape_cast %reduce_sum3A_22 : vector<256xf32> to vector<256x1xf32>
    %div3A = vector.broadcast %broadcast_in_dim3A_23 : vector<256x1xf32> to vector<256x2048xf32>
    %div3A_24 = arith.divf %exp3A, %div3A : vector<256x2048xf32>
    %get3A_25 = arith.constant 0 : index
    %get3A_26 = arith.constant 0 : index
    %get3A_27 = arith.constant 0 : index
    %get3A_28 = vector.load %arg4[%get3A_25, %get3A_26, %get3A_27] : memref<1x2048x64xf32, #tpu.memory_space<vmem>>, vector<1x2048x64xf32>
    %get3A_29 = vector.shape_cast %get3A_28 : vector<1x2048x64xf32> to vector<2048x64xf32>
    %dot_general3A = arith.constant dense<0.000000e+00> : vector<256x64xf32>
    %dot_general3A_30 = tpu.matmul %div3A_24, %get3A_29, %dot_general3A {dimension_numbers = #tpu.dot_dimension_numbers<[1], [0], [0], [1], [0, 0, 1, 1], [], []>, transpose_lhs_hint = false} : vector<256x2048xf32>, vector<2048x64xf32>, vector<256x64xf32> -> vector<256x64xf32>
    %swap3A = arith.constant 0 : index
    %swap3A_31 = arith.constant 0 : index
    %swap3A_32 = arith.constant 0 : index
    %swap3A_33 = vector.load %arg5[%swap3A, %swap3A_31, %swap3A_32] : memref<1x256x64xf32, #tpu.memory_space<vmem>>, vector<1x256x64xf32>
    %swap3A_34 = vector.shape_cast %swap3A_33 : vector<1x256x64xf32> to vector<256x64xf32>
    %swap3A_35 = vector.shape_cast %dot_general3A_30 : vector<256x64xf32> to vector<1x256x64xf32>
    tpu.vector_store %arg5[%swap3A, %swap3A_31, %swap3A_32], %swap3A_35 {strides = array<i32>} : memref<1x256x64xf32, #tpu.memory_space<vmem>>, vector<1x256x64xf32>,
    return
  }
  func.func @transform_0(%arg0: i32, %arg1: i32) -> (i32, i32, i32) {
    %c0_i32 = arith.constant 0 : i32
    %c0_i32_0 = arith.constant 0 : i32
    return %arg0, %arg1, %c0_i32 : i32, i32, i32
  }
  func.func @transform_1(%arg0: i32, %arg1: i32) -> (i32, i32) {
    %c0_i32 = arith.constant 0 : i32
    %c0_i32_0 = arith.constant 0 : i32
    %c0_i32_1 = arith.constant 0 : i32
    return %c0_i32, %c0_i32_0 : i32, i32
  }
  func.func @transform_2(%arg0: i32, %arg1: i32) -> (i32, i32, i32) {
    %c0_i32 = arith.constant 0 : i32
    %c0_i32_0 = arith.constant 0 : i32
    %c0_i32_1 = arith.constant 0 : i32
    return %arg0, %c0_i32, %c0_i32_0 : i32, i32, i32
  }
  func.func @transform_3(%arg0: i32, %arg1: i32) -> (i32, i32, i32) {
    %c0_i32 = arith.constant 0 : i32
    %c0_i32_0 = arith.constant 0 : i32
    return %arg0, %arg1, %c0_i32 : i32, i32, i32
  }
}

</mosaic_0001>

<sc_bundles>
// kernel: kernel.8.cloned.1.call-start
scs
__scs_entry_jumppad:
0x0: {  	(pc) =	sbr.rel $0x88, $3  }
0x1: {  	(tag) =	ssettag $0x0;
	lr =	simm.s32 $0x1  }
0x2: {  	[smem:$0x3F9C] =	sst lr;
	_ =	strace $0xD0000000  }
0x3: {  	_ = 	snop  }
0x4: {  	_ = 	snop  }
0x5: {  	_ = 	snop  }
0x6: {  	_ = 	snop  }
0x7: {  	_ = 	snop  }
__scs_overlays_trampoline_lowered:
0x8: {  	[smem:$0x3FAB] =	sst s0  }
0x9: {  	[smem:$0x3FAC] =	sst s1  }
0xa: {  	[smem:$0x3FAD] =	sst s2  }
0xb: {  	[smem:$0x3FAE] =	sst s3  }
0xc: {  	[smem:$0x3FAF] =	sst s4  }
0xd: {  	[smem:$0x3FB0] =	sst s5  }
0xe: {  	[smem:$0x3FB1] =	sst s6  }
0xf: {  	[smem:$0x3FB2] =	sst s7  }
0x10: {  	[smem:$0x3FB3] =	sst s8  }
0x11: {  	[smem:$0x3FB4] =	sst s9;
	s0 =	simm.s32 @!p0 $0x0  }
0x12: {  	s1 =	sld [smem:$0x3F9A];
	s0 =	simm.s32 @p0 $0x1  }
0x13: {  	[smem:$0x3FB5] =	sst s0;
	s0 =	simm.s32 @!p1 $0x0  }
0x14: {  	s2 =	sld [smem:$0x3F99];
	s0 =	simm.s32 @p1 $0x1  }
0x15: {  	[smem:$0x3FB6] =	sst s0;
	s0 =	simm.s32 @!p2 $0x0  }
0x16: {  	s3 =	sld [smem:$0x3FDB];
	s0 =	simm.s32 @p2 $0x1  }
0x17: {  	s4 =	simm.s32 $0x1BF5;
	[smem:$0x3FB8] =	sst s0  }
0x18: {  	s0 =	sld [smem:$0x3F9B];
	_ =	swait.ge [sflag:s4], $0x0  }
0x19: {  	s7 =	sld [smem:$0x3F9C]  }
0x1a: {  	s8 =	sadd.s32 $0xFFFFE003, lr  }
0x1b: {  	s9 =	sadd.s32 $0xFFFFFEF7, lr;
	s5 =	simm.s32 $0xFFFFFFFF;
	p2 =	slt.u32 s8, $0xFFFFF086  }
0x1c: {  	p1 =	slt.u32 s9, $0xF7A;
	s5 =	simm.s32 @!p2 $0x0  }
0x1d: {  	s5 =	simm.s32 @p1 $0x1;
	p0 =	seq.s32 s7, s2  }
0x1e: {  	s7 =	smul.u32 @!p0 $0xF7A, s2;
	p2 =	seq.s32 @!p0 s5, $0x0  }
0x1f: {  	s9 =	smul.u32 $0xF7A, s1;
	s8 =	simm.s32 @!p0 $0x1BF5;
	p2 =	por !p2, p0  }
0x20: {  	[sflag:s8] =	ssyncset.s32 @!p0 $0xFFFFF086;
	s6 =	sadd.s32 @!p0 s3, s7;
	s7 =	simm.s32 @!p0 $0x108  }
0x21: {  	s3 =	sadd.s32 s3, s9;
	s6 =	sadd.s32 @!p0 $0x88, s6;
	s7 =	simm.s32 @p2 $0x1082  }
0x22: {  	[simem:s7], [sflag:s8] =	dma.local @!p0 [hbm:s6], $0xF7A  }
0x23: {  	s9 =	sor.u32 $0xD0000000, s2;
	s6 =	simm.s32 $0x108;
	_ =	swait.ge @!p0 [sflag:s8], $0x0  }
0x24: {  	s3 =	sadd.s32 $0x88, s3;
	s6 =	simm.s32 @!p1 $0x1082;
	[sflag:s4] =	ssyncset.s32 $0xFFFFF086  }
0x25: {  	[simem:s6], [sflag:s4] =	dma.local [hbm:s3], $0xF7A  }
0x26: {  	[smem:$0x3F9C] =	sst s1;
	(tag) =	ssettag s2;
	_ =	strace s9  }
0x27: {  	s1 =	sld [smem:$0x3FAC]  }
0x28: {  	s2 =	sld [smem:$0x3FAD]  }
0x29: {  	s4 =	sld [smem:$0x3FAF]  }
0x2a: {  	p0 =	seq.s32 s5, $0x0;
	s5 =	sld [smem:$0x3FB0]  }
0x2b: {  	s6 =	sld [smem:$0x3FB1]  }
0x2c: {  	s7 =	sld [smem:$0x3FB2]  }
0x2d: {  	s3 =	simm.s32 $0x108;
	s8 =	sld [smem:$0x3FB3]  }
0x2e: {  	s3 =	simm.s32 @!p0 $0x1082;
	s9 =	sld [smem:$0x3FB4]  }
0x2f: {  	lr =	sadd.s32 s0, s3;
	s0 =	sld [smem:$0x3FAB]  }
0x30: {  	s3 =	sld [smem:$0x3FAE]  }
0x31: {  	[smem:$0x3FB7] =	sst s10  }
0x32: {  	s10 =	sld [smem:$0x3FB5];
	_ =	sdelay $0x3  }
0x33: {  	p0 =	seq.s32 s10, $0x1;
	s10 =	sld [smem:$0x3FB7];
	_ =	sdelay $0x3  }
0x34: {  	[smem:$0x3FB7] =	sst s10  }
0x35: {  	s10 =	sld [smem:$0x3FB6];
	_ =	sdelay $0x3  }
0x36: {  	p1 =	seq.s32 s10, $0x1;
	s10 =	sld [smem:$0x3FB7];
	_ =	sdelay $0x3  }
0x37: {  	[smem:$0x3FB7] =	sst s10  }
0x38: {  	s10 =	sld [smem:$0x3FB8]  }
0x39: {  	_ = 	snop;
	(pc) =	sbr.ind lr, $3  }
0x3a: {  	_ = 	snop  }
0x3b: {  	_ = 	snop  }
0x3c: {  	p2 =	seq.s32 s10, $0x1;
	s10 =	sld [smem:$0x3FB7]  }
0x3d: {  	_ =	shalt  }
0x3e: {  	_ =	shalt  }
0x3f: {  	_ =	shalt  }
0x40: {  	_ =	shalt  }
0x41: {  	_ =	shalt  }
0x42: {  	_ =	shalt  }
0x43: {  	_ =	shalt  }
0x44: {  	_ =	shalt  }
0x45: {  	_ =	shalt  }
0x46: {  	_ =	shalt  }
0x47: {  	_ =	shalt  }
0x48: {  	_ =	shalt  }
0x49: {  	_ =	shalt  }
0x4a: {  	_ =	shalt  }
0x4b: {  	_ =	shalt  }
0x4c: {  	_ =	shalt  }
0x4d: {  	_ =	shalt  }
0x4e: {  	_ =	shalt  }
0x4f: {  	_ =	shalt  }
0x50: {  	_ =	shalt  }
0x51: {  	_ =	shalt  }
0x52: {  	_ =	shalt  }
0x53: {  	_ =	shalt  }
0x54: {  	_ =	shalt  }
0x55: {  	_ =	shalt  }
0x56: {  	_ =	shalt  }
0x57: {  	_ =	shalt  }
0x58: {  	_ =	shalt  }
0x59: {  	_ =	shalt  }
0x5a: {  	_ =	shalt  }
0x5b: {  	_ =	shalt  }
0x5c: {  	_ =	shalt  }
0x5d: {  	_ =	shalt  }
0x5e: {  	_ =	shalt  }
0x5f: {  	_ =	shalt  }
0x60: {  	_ =	shalt  }
0x61: {  	_ =	shalt  }
0x62: {  	_ =	shalt  }
0x63: {  	_ =	shalt  }
0x64: {  	_ =	shalt  }
0x65: {  	_ =	shalt  }
0x66: {  	_ =	shalt  }
0x67: {  	_ =	shalt  }
0x68: {  	_ =	shalt  }
0x69: {  	_ =	shalt  }
0x6a: {  	_ =	shalt  }
0x6b: {  	_ =	shalt  }
0x6c: {  	_ =	shalt  }
0x6d: {  	_ =	shalt  }
0x6e: {  	_ =	shalt  }
0x6f: {  	_ =	shalt  }
0x70: {  	_ =	shalt  }
0x71: {  	_ =	shalt  }
0x72: {  	_ =	shalt  }
0x73: {  	_ =	shalt  }
0x74: {  	_ =	shalt  }
0x75: {  	_ =	shalt  }
0x76: {  	_ =	shalt  }
0x77: {  	_ =	shalt  }
0x78: {  	_ =	shalt  }
0x79: {  	_ =	shalt  }
0x7a: {  	_ =	shalt  }
0x7b: {  	_ =	shalt  }
0x7c: {  	_ =	shalt  }
0x7d: {  	_ =	shalt  }
0x7e: {  	_ =	shalt  }
0x7f: {  	_ =	shalt  }
0x80: {  	_ =	shalt  }
0x81: {  	_ =	shalt  }
0x82: {  	_ =	shalt  }
0x83: {  	_ =	shalt  }
0x84: {  	_ =	shalt  }
0x85: {  	_ =	shalt  }
0x86: {  	_ =	shalt  }
0x87: {  	_ =	shalt  }
.Lfunc_end0:
.L_simem_size_0:
called_computation.1_lowered:
.L_overlay_start_0:
0x88: {  	s2 =	sld [smem:$0x3FD9]  }
0x89: {  	s3 =	sld [smem:$0x3FFE];
	_ =	sdelay $0x1  }
0x8a: {  	s1 =	srdreg.scid  }
0x8b: {  	s0 =	sand.u32 $0x1, s1  }
0x8c: {  	s17 =	sshll.u32 s0, $0xA;
	s2 =	sadd.s32 s3, s2  }
0x8d: {  	s2 =	sadd.s32 s2, s17  }
0x8e: {  	[smem:$0x3FC3] =	sst s2  }
0x8f: {  	_ = 	snop  }
0x90: {  	s2 =	sld [smem:$0x3FD0];
	(tm) =	ssettm $0x1  }
0x91: {  	s18 =	sld [smem:$0x3FFB];
	_ =	sdelay $0x3  }
0x92: {  	_ =	strace s18  }
0x93: {  	s3 =	sld [smem:$0x3FFC];
	_ =	sdelay $0x3  }
0x94: {  	_ =	strace s3  }
0x95: {  	s3 =	sld [smem:$0x3FFD];
	_ =	sdelay $0x3  }
0x96: {  	_ =	strace s3  }
0x97: {  	_ =	strace $0x8FFFFFFF  }
0x98: {  	s19 =	sld [smem:$0x3FDB];
	_ =	sdelay $0x1  }
0x99: {  	s4 =	simm.s32 $_scs_section_size  }
0x9a: {  	s5 =	simm.s32 $_size__tile_overlayer_lowered;
	s6 =	simm.s32 $_tile_overlayer_lowered  }
0x9b: {  	s22 =	simm.s32 $0x1BFF;
	s21 =	sshll.u32 s6, $0x1;
	s3 =	sadd.s32 s4, s19  }
0x9c: {  	s7 =	simm.s32 $0x0;
	s20 =	sshll.u32 s5, $0x1;
	s5 =	sadd.s32 s21, s3  }
0x9d: {  	[timem:s7], [sflag:s22] =	dma.local [hbm:s5], s20  }
0x9e: {  	_ =	swait.ge [sflag:s22], s20  }
0x9f: {  	s4 =	ssub.s32 $0x0, s20;
	[sflag:s22] =	ssyncset.done $0x0  }
0xa0: {  	[sflag:s22] =	ssyncadd.s32 s4;
	_ =	sdelay $0x1  }
0xa1: {  	s23 =	simm.s32 $0x1B8B  }
0xa2: {  	_ =	swait.ge [sflag:s23], $0x1  }
0xa3: {  	[sflag:s23] =	ssyncset.done $0x0  }
0xa4: {  	s25 =	simm.s32 $0x1B8E;
	s24 =	sld [smem:$0x3FFE];
	[sflag:s23] =	ssyncadd.s32 $0xFFFFFFFF  }
0xa5: {  	s26 =	simm.s32 $execute0_lowered;
	[smem:$0x3FD2] =	sst s25  }
0xa6: {  	s5 =	sshll.u32 s26, $0x1;
	_ =	strace $0x80000049;
	[dreg:$0x1] =	wrdreg $0xFFFFFFFF  }
0xa7: {  	s28 =	simm.s32 $_size_execute0_lowered;
	s3 =	sadd.s32 s3, s5;
	[dreg:$0x0] =	wrdreg $0x0  }
0xa8: {  	s5 =	sshll.u32 s28, $0x1;
	[dreg:$0x2] =	wrdreg s3  }
0xa9: {  	[dreg:$0x3] =	wrdreg s5  }
0xaa: {  	[dreg:$0x4] =	wrdreg $0xC0  }
0xab: {  	_ =	task [dreg:s7], $0x5FFFF  }
0xac: {  	[dreg:$0x1] =	wrdreg $0xFFFFFFFF  }
0xad: {  	[dreg:$0x0] =	wrdreg $0x60  }
0xae: {  	[dreg:$0x2] =	wrdreg s24  }
0xaf: {  	[dreg:$0x3] =	wrdreg s2  }
0xb0: {  	[dreg:$0x4] =	wrdreg $0x9  }
0xb1: {  	_ =	task.clear_ibuf [dreg:s7], $0x5FFFF;
	_ =	strace $0x90000049  }
0xb2: {  	s29 =	simm.s32 $0x9;
	_ =	strace $0x8000004B  }
0xb3: {  	_ =	swait.ge [sflag:s29], $0x1  }
0xb4: {  	[sflag:s29] =	ssyncadd.s32 $0xFFFFFFFF  }
0xb5: {  	_ =	strace $0x9000004B  }
0xb6: {  	_ =	sfence  }
0xb7: {  	s30 =	sld [smem:$0x0];
	_ =	sdelay $0x2  }
0xb8: {  	s31 =	sshll.u32 s1, $0xD;
	s1 =	sshrl.u32 s1, $0x2  }
0xb9: {  	s3 =	sand.u32 $0x4000, s31;
	s1 =	sadd.s32 s1, s30  }
0xba: {  	s0 =	sor.u32 s3, s0;
	s1 =	sshll.u32 s1, $0x11  }
0xbb: {  	s0 =	sor.u32 s1, s0  }
0xbc: {  	s0 =	sadd.s32 $0x8F2B, s0  }
0xbd: {  	[sflag:s0] =	ssyncadd.remote.s32 $0x1  }
0xbe: {  	_ =	sfence.sel $0xFFFF  }
0xbf: {  	[dreg:$0x0] =	wrdreg $0xFFFFFFFF;
	(pc) =	sbr.abs _section_cstart, $3  }
0xc0: {  	[dreg:$0x1] =	wrdreg $0xFFFFFFFF  }
0xc1: {  	_ =	task.clear_ibuf [dreg:s7], $0x2FFFF;
	_ =	strace $0x9FFFFFFF  }
0xc2: {  	(tm) =	ssettm $0x7FFFFFFF  }
0xc3: {  	_ =	shalt  }
tec
execute0_lowered:
.L_overlay_start_1:
0x0: {  	(tag) =	ssettag $0x1  }
0x1: {  	s1 =	stileid.u32  }
0x2: {  	p0 =	sgt.u32 s1, $0x5  }
.Ltmp0:
0x3: {  	_ = 	snop;
	(pc) =	sbr.rel @p0 .LBB2_9-.Ltmp0, $4  }
0x4: {  	_ = 	snop  }
0x5: {  	s4 =	rddreg [dreg:$0x0];
	s2 =	simm.s32 $0x0  }
0x6: {  	[smem:$0x7FF] =	sst s2  }
0x7: {  	s0 =	rddreg [dreg:$0x1];
	_ =	strace $0x8000004A  }
0x8: {  	s1 =	srdreg.scid;
	s10 =	stileid.u32  }
0x9: {  	s7 =	sand.u32 $0x1, s1;
	s19 =	sshll.u32 s10, $0x1  }
0xa: {  	s1 =	sor.u32 s7, s19  }
0xb: {  	s3 =	sshll.u32 s1, $0x16  }
0xc: {  	v0 =	vlaneseq.u32;
	s5 =	sor.u32 $0xCC000, s3  }
0xd: {  	v22 =	vor.u32 $0x40, v0;
	v1 =	vor.u32 s5, v0  }
0xe: {  	v5 =	vor.u32 $0x50, v0;
	v6 =	vor.u32 s5, v22;
	[tilespmem:$0x1FCD0] =	vst v1  }
0xf: {  	v24 =	vor.u32 $0x60, v0;
	v23 =	vor.u32 s5, v5;
	[tilespmem:$0x1FD10] =	vst v6  }
0x10: {  	v25 =	vor.u32 $0x70, v0;
	v7 =	vor.u32 s5, v24;
	[tilespmem:$0x1FD20] =	vst v23  }
0x11: {  	v8 =	vor.u32 $0x80, v0;
	v9 =	vor.u32 s5, v25;
	[tilespmem:$0x1FD30] =	vst v7  }
0x12: {  	v27 =	vor.u32 $0x90, v0;
	v26 =	vor.u32 s5, v8;
	[tilespmem:$0x1FD40] =	vst v9  }
0x13: {  	v28 =	vor.u32 $0xA0, v0;
	v10 =	vor.u32 s5, v27;
	[tilespmem:$0x1FD50] =	vst v26  }
0x14: {  	v11 =	vor.u32 $0xB0, v0;
	v12 =	vor.u32 s5, v28;
	[tilespmem:$0x1FD60] =	vst v10  }
0x15: {  	v30 =	vor.u32 $0xC0, v0;
	v29 =	vor.u32 s5, v11;
	[tilespmem:$0x1FD70] =	vst v12  }
0x16: {  	s6 =	sor.u32 $0xCC800, s3;
	v13 =	vor.u32 s5, v30;
	[tilespmem:$0x1FD80] =	vst v29  }
0x17: {  	v2 =	vor.u32 $0x20, v0;
	v31 =	vor.u32 s6, v0;
	[tilespmem:$0x1FD90] =	vst v13  }
0x18: {  	v33 =	vor.u32 s6, v2;
	[tilespmem:$0x1FDA0] =	vst v31  }
0x19: {  	v35 =	vor.u32 s6, v22;
	[tilespmem:$0x1FDC0] =	vst v33  }
0x1a: {  	v36 =	vor.u32 s6, v5;
	[tilespmem:$0x1FDE0] =	vst v35  }
0x1b: {  	v37 =	vor.u32 s6, v24;
	[tilespmem:$0x1FDF0] =	vst v36  }
0x1c: {  	v38 =	vor.u32 s6, v25;
	[tilespmem:$0x1FE00] =	vst v37  }
0x1d: {  	v39 =	vor.u32 s6, v8;
	[tilespmem:$0x1FE10] =	vst v38  }
0x1e: {  	v40 =	vor.u32 s6, v27;
	[tilespmem:$0x1FE20] =	vst v39  }
0x1f: {  	v41 =	vor.u32 s6, v28;
	[tilespmem:$0x1FE30] =	vst v40  }
0x20: {  	v42 =	vor.u32 s6, v11;
	[tilespmem:$0x1FE40] =	vst v41  }
0x21: {  	s20 =	sor.u32 $0xCD000, s3;
	v43 =	vor.u32 s6, v30;
	[tilespmem:$0x1FE50] =	vst v42  }
0x22: {  	v44 =	vor.u32 s20, v0;
	[tilespmem:$0x1FE60] =	vst v43  }
0x23: {  	v46 =	vor.u32 s20, v2;
	[tilespmem:$0x1FE70] =	vst v44  }
0x24: {  	v48 =	vor.u32 s20, v22;
	[tilespmem:$0x1FE90] =	vst v46  }
0x25: {  	v49 =	vor.u32 s20, v5;
	[tilespmem:$0x1FEB0] =	vst v48  }
0x26: {  	v50 =	vor.u32 s20, v24;
	[tilespmem:$0x1FEC0] =	vst v49  }
0x27: {  	v51 =	vor.u32 s20, v25;
	[tilespmem:$0x1FED0] =	vst v50  }
0x28: {  	v52 =	vor.u32 s20, v8;
	[tilespmem:$0x1FEE0] =	vst v51  }
0x29: {  	v53 =	vor.u32 s20, v27;
	[tilespmem:$0x1FEF0] =	vst v52  }
0x2a: {  	v54 =	vor.u32 s20, v28;
	[tilespmem:$0x1FF00] =	vst v53  }
0x2b: {  	v55 =	vor.u32 s20, v11;
	[tilespmem:$0x1FF10] =	vst v54  }
0x2c: {  	v56 =	vor.u32 s20, v30;
	v1 =	vor.u32 $0x10, v0;
	[tilespmem:$0x1FF20] =	vst v55  }
0x2d: {  	v58 =	vimm.s32 $0x10FEDCBA;
	s21 =	sor.u32 $0xCD800, s3;
	[tilespmem:$0x1FF30] =	vst v56;
	v3 =	vor.u32 s5, v1  }
0x2e: {  	v32 =	vor.u32 s6, v1;
	v45 =	vor.u32 s20, v1;
	v1 =	vor.u32 s21, v1;
	[tilespmem:$0x1FCE0] =	vst v3  }
0x2f: {  	v59 =	vimm.s32 $0x98765432;
	v60 =	vimm.s32 $0xFEDCBA9;
	v3 =	vor.u32 s5, v2;
	[tilespmem:$0x1FF50] =	vst v1  }
0x30: {  	v61 =	vimm.s32 $0x87654321;
	v1 =	vor.u32 s21, v2;
	[tilespmem:$0x1FCF0] =	vst v3;
	v3 =	vor.u32 $0x30, v0  }
0x31: {  	v62 =	vimm.s32 $0xFEDCBA98;
	vm0 =	vmmov $0x1fff;
	[tilespmem:$0x1FF60] =	vst v1;
	v1 =	vor.u32 s21, v3  }
0x32: {  	vm1 =	vmmov $0xfff;
	vm2 =	vmmov $0x1;
	[tilespmem:$0x1FF70] =	vst v1;
	v1 =	vor.u32 s21, v22  }
0x33: {  	v57 =	vor.u32 s21, v0;
	v2 =	vimm.s32 $0xBA987654;
	[tilespmem:$0x1FF80] =	vst v1;
	v1 =	vor.u32 s21, v5  }
0x34: {  	v52 =	vor.u32 s21, v30;
	v2 =	vunpack.c.l.s4.s8 v2;
	[tilespmem:$0x1FF90] =	vst v1;
	v1 =	vor.u32 s21, v24  }
0x35: {  	v4 =	vor.u32 s5, v3;
	v34 =	vor.u32 s6, v3;
	[tilespmem:$0x1FFA0] =	vst v1;
	v1 =	vimm.s32 $0x3210FEDC  }
0x36: {  	s24 =	sadd.s32 $0x1C00, s4;
	s12 =	simm.s32 $0xD;
	s14 =	simm.s32 $0x70;
	v47 =	vor.u32 s20, v3;
	v3 =	vor.u32 s21, v25;
	[tilespmem:$0x1FD00] =	vst v4;
	v1 =	vunpack.c.l.s4.s8 v1  }
0x37: {  	s22 =	sshll.u32 s10, $0xC;
	s29 =	sshll.u32 s10, $0x17;
	s25 =	ssub.s32 $0x2, s7;
	v6 =	vunpack.c.l.s4.s8 v61;
	v7 =	vunpack.c.l.s4.s8 v62;
	[tilespmem:$0x1FFB0] =	vst v3;
	v3 =	vor.u32 s21, v8  }
0x38: {  	s28 =	sshll.u32 s7, $0x16;
	s8 =	sshll.u32 s1, $0x7;
	s9 =	sshll.u32 s1, $0x13;
	v2 =	vunpack.c.0.s8.s32 v2;
	[tilespmem:$0x1FFC0] =	vst v3;
	v3 =	vor.u32 s21, v27;
	v1 =	vunpack.c.0.s8.s32 v1  }
0x39: {  	s1 =	sshll.u32 s1, $0x8;
	s30 =	sor.u32 s28, s29;
	s3 =	sadd.s32 $0x721C00, s4;
	v4 =	vunpack.c.l.s4.s8 v59;
	v5 =	vunpack.c.l.s4.s8 v60;
	[tilespmem:$0x1FFD0] =	vst v3;
	v3 =	vor.u32 s21, v28  }
0x3a: {  	s1 =	sadd.s32 s24, s1;
	s31 =	sor.u32 $0xCE000, s30;
	s6 =	sor.u32 s8, s22;
	[tilespmem:$0x1FFE0] =	vst v3;
	v3 =	vor.u32 s21, v11;
	v1 =	vcombine.low v2, v1;
	v2 =	vunpack.c.l.s4.s8 v58  }
0x3b: {  	s23 =	sadd.s32 s9, s3;
	[dreg:$0x6] =	wrdreg s1;
	v6 =	vunpack.c.0.s8.s32 v6;
	s6 =	sand.u32 $0x4380, s6;
	v5 =	vunpack.c.0.s8.s32 v5;
	[tilespmem:$0x1FFF0] =	vst v3;
	v3 =	vimm.s32 $0x76543210  }
0x3c: {  	[dreg:$0x8] =	wrdreg s31;
	[tilespmem:$0x1FF40] =	vst v57;
	s9 =	sadd.s32 $0x19818, s23;
	s6 =	sshrl.u32 s6, $0x3;
	v4 =	vunpack.c.0.s8.s32 v4;
	v3 =	vunpack.c.l.s4.s8 v3;
	v2 =	vunpack.c.0.s8.s32 v2  }
0x3d: {  	s26 =	sshrl.u32 s25, $0x1;
	v53 =	vimm.f32 $0.0e+00;
	[dreg:$0x3] =	wrdreg s9;
	[tilespmem:$0x1FDB0] =	vst v32;
	v63 =	vunpack.c.0.s8.s32 v7;
	s0 =	sadd.s32 s0, s6;
	v5 =	vcombine.low v6, v5  }
0x3e: {  	v54 =	vimm.s32 $0x801;
	[tilespmem:$0x1FE80] =	vst v45;
	s8 =	sadd.s32 $0x19918, s23;
	[dreg:$0x5] =	wrdreg s0;
	s0 =	ssub.s32 s25, s26;
	v3 =	vunpack.c.0.s8.s32 v3;
	v2 =	vcombine.low v4, v2  }
0x3f: {  	s17 =	simm.s32 $0x60;
	[tilespmem:$0x1FDD0] =	vst v34;
	[dreg:$0x4] =	wrdreg s8;
	v59 =	vimm.s32 $0x0;
	s0 =	smax.u32 s0, $0x1;
	v58 =	vand.u32 $0xF, v5;
	v4 =	vand.u32 $0xF, v63  }
0x40: {  	s4 =	simm.s32 $0x400;
	[tilespmem:$0x1FEA0] =	vst v47;
	s21 =	sor.u32 $0xCD000, s30;
	[dreg:$0x7] =	wrdreg s0;
	v56 =	vand.u32 $0xF, v1;
	v55 =	vcombine.low v4, v3;
	v57 =	vand.u32 $0xF, v2  }
.LBB2_2:
0x41: {  	s1 =	simm.s32 $0x0;
	s0 =	rddreg [dreg:$0x6]  }
0x42: {  	[tilespmem:s4], [sflag:$0xD] =	stream.linear.gather [hbm4b:s0+s1], $0x200, $0x38;
	[tilespmem:$0x1B80] =	vst v63  }
0x43: {  	_ =	swait.ge [sflag:s12], $0x200  }
0x44: {  	[sflag:s12] =	ssyncset.done $0x0  }
0x45: {  	s0 =	simm.s32 $0x10;
	s1 =	sand.u32 $0x7F0, s1;
	[sflag:s12] =	ssyncadd.s32 $0xFFFFFE00  }
.LBB2_3:
0x46: {  	p0 =	sne.s32 s0, $0x600;
	[tilespmem:s1+$0x600] =	vst v53;
	s1 =	smov.u32 s0;
	s0 =	sadd.s32 $0x10, s0  }
.Ltmp1:
0x47: {  	(pc) =	sbr.rel @p0 .LBB2_3-.Ltmp1, $2  }
0x48: {  	_ =	sdelay $0x2  }
0x49: {  	s1 =	sand.u32 $0x7F0, s1  }
0x4a: {  	[tilespmem:s1+$0x600] =	vst v53;
	s0 =	simm.s32 $0x40;
	s1 =	simm.s32 $0x0  }
.LBB2_5:
0x4b: {  	p0 =	sne.s32 s0, $0x1FC0;
	[tilespmem:s1+$0xC80] =	vst v54;
	s1 =	smov.u32 s0;
	s0 =	sadd.s32 $0x40, s0  }
.Ltmp2:
0x4c: {  	(pc) =	sbr.rel @p0 .LBB2_5-.Ltmp2, $2  }
0x4d: {  	_ =	sdelay $0x2  }
0x4e: {  	s1 =	sshra.s32 s1, $0x2  }
0x4f: {  	[tilespmem:s1+$0xC80] =	vst v54;
	v1 =	vld [tilespmem:$0x1FCD0]  }
0x50: {  	v22 =	vld [tilespmem:$0x400]  }
0x51: {  	v21 =	vld [tilespmem:$0x410]  }
0x52: {  	v20 =	vld [tilespmem:$0x420]  }
0x53: {  	v19 =	vld [tilespmem:$0x430]  }
0x54: {  	v18 =	vld [tilespmem:$0x440]  }
0x55: {  	v17 =	vld [tilespmem:$0x450]  }
0x56: {  	v15 =	vld [tilespmem:$0x460]  }
0x57: {  	v13 =	vld [tilespmem:$0x470]  }
0x58: {  	v16 =	vld [tilespmem:$0x480]  }
0x59: {  	v14 =	vld [tilespmem:$0x490]  }
0x5a: {  	v12 =	vld [tilespmem:$0x4A0]  }
0x5b: {  	s15 =	simm.s32 $0x0;
	s0 =	rddreg [dreg:$0x3];
	v11 =	vld [tilespmem:$0x4B0]  }
0x5c: {  	v10 =	vld [tilespmem:$0x4C0];
	[tilespmem:s15], [sflag:$0x1] =	stream.linear.gather [hbm4b:s0+s15], $0xE0, $0x38  }
0x5d: {  	s8 =	rddreg [dreg:$0x4];
	s9 =	simm.s32 $0x100  }
0x5e: {  	[tilespmem:s9], [sflag:$0x2] =	stream.linear.gather [hbm4b:s8+s15], $0xE0, $0x38;
	[tilespmem:$0x1B80] =	vst v63  }
0x5f: {  	[tilespmem:$0x1480] =	vst v1;
	v1 =	vld [tilespmem:$0x1FCE0];
	_ =	sdelay $0x4  }
0x60: {  	[tilespmem:$0x1490] =	vst v1;
	v1 =	vld [tilespmem:$0x1FCF0];
	_ =	sdelay $0x4  }
0x61: {  	[tilespmem:$0x14A0] =	vst v1;
	v1 =	vld [tilespmem:$0x1FD00];
	_ =	sdelay $0x4  }
0x62: {  	[tilespmem:$0x14B0] =	vst v1;
	v1 =	vld [tilespmem:$0x1FD10];
	_ =	sdelay $0x4  }
0x63: {  	[tilespmem:$0x14C0] =	vst v1;
	v1 =	vld [tilespmem:$0x1FD20];
	_ =	sdelay $0x4  }
0x64: {  	[tilespmem:$0x14D0] =	vst v1;
	v1 =	vld [tilespmem:$0x1FD30];
	_ =	sdelay $0x4  }
0x65: {  	[tilespmem:$0x14E0] =	vst v1;
	v1 =	vld [tilespmem:$0x1FD40];
	_ =	sdelay $0x4  }
0x66: {  	[tilespmem:$0x1680] =	vst v1;
	v1 =	vld [tilespmem:$0x1FD50];
	_ =	sdelay $0x4  }
0x67: {  	[tilespmem:$0x1690] =	vst v1;
	v1 =	vld [tilespmem:$0x1FD60];
	_ =	sdelay $0x4  }
0x68: {  	[tilespmem:$0x16A0] =	vst v1;
	v1 =	vld [tilespmem:$0x1FD70];
	_ =	sdelay $0x4  }
0x69: {  	[tilespmem:$0x16B0] =	vst v1;
	v1 =	vld [tilespmem:$0x1FD80];
	_ =	sdelay $0x4  }
0x6a: {  	[tilespmem:$0x16C0] =	vst v1;
	v1 =	vld [tilespmem:$0x1FD90];
	_ =	sdelay $0x4  }
0x6b: {  	[tilespmem:$0x16D0] =	vst v1;
	v1 =	vld [tilespmem:$0x1FDA0]  }
0x6c: {  	s10 =	simm.s32 $0x1480;
	s11 =	simm.s32 $0x1800  }
0x6d: {  	[tilespmem:s11], [sflag:$0x5] =	stream.indirect.gather [hbm4b:s3+s14], $0x1, s10, s14, $0xb8;
	[tilespmem:$0x1B80] =	vst v63  }
0x6e: {  	s13 =	simm.s32 $0x1680;
	s16 =	simm.s32 $0x1A00  }
0x6f: {  	[tilespmem:s16], [sflag:$0x6] =	stream.indirect.gather [hbm4b:s3+s17], $0x1, s13, s17, $0xb8;
	[tilespmem:$0x1B80] =	vst v63  }
0x70: {  	[tilespmem:$0x14F0] =	vst v1;
	v1 =	vld [tilespmem:$0x1FDB0];
	_ =	sdelay $0x4  }
0x71: {  	[tilespmem:$0x1500] =	vst v1;
	v1 =	vld [tilespmem:$0x1FDC0];
	_ =	sdelay $0x4  }
0x72: {  	[tilespmem:$0x1510] =	vst v1;
	v1 =	vld [tilespmem:$0x1FDD0];
	_ =	sdelay $0x4  }
0x73: {  	[tilespmem:$0x1520] =	vst v1;
	v1 =	vld [tilespmem:$0x1FDE0];
	_ =	sdelay $0x4  }
0x74: {  	[tilespmem:$0x1530] =	vst v1;
	v1 =	vld [tilespmem:$0x1FDF0];
	_ =	sdelay $0x4  }
0x75: {  	[tilespmem:$0x1540] =	vst v1;
	v1 =	vld [tilespmem:$0x1FE00];
	_ =	sdelay $0x4  }
0x76: {  	[tilespmem:$0x1550] =	vst v1;
	v1 =	vld [tilespmem:$0x1FE10];
	_ =	sdelay $0x4  }
0x77: {  	[tilespmem:$0x16E0] =	vst v1;
	v1 =	vld [tilespmem:$0x1FE20];
	_ =	sdelay $0x4  }
0x78: {  	[tilespmem:$0x16F0] =	vst v1;
	v1 =	vld [tilespmem:$0x1FE30];
	_ =	sdelay $0x4  }
0x79: {  	[tilespmem:$0x1700] =	vst v1;
	v1 =	vld [tilespmem:$0x1FE40];
	_ =	sdelay $0x4  }
0x7a: {  	[tilespmem:$0x1710] =	vst v1;
	v1 =	vld [tilespmem:$0x1FE50];
	_ =	sdelay $0x4  }
0x7b: {  	[tilespmem:$0x1720] =	vst v1;
	v1 =	vld [tilespmem:$0x1FE60];
	_ =	sdelay $0x4  }
0x7c: {  	[tilespmem:$0x1730] =	vst v1;
	v1 =	vld [tilespmem:$0x1FE70]  }
0x7d: {  	s18 =	simm.s32 $0x14F0;
	s19 =	simm.s32 $0x1870  }
0x7e: {  	[tilespmem:s19], [sflag:$0x7] =	stream.indirect.gather [hbm4b:s3+s14], $0x1, s18, s14, $0xb8;
	[tilespmem:$0x1B80] =	vst v63  }
0x7f: {  	s20 =	simm.s32 $0x16E0;
	s22 =	simm.s32 $0x1A60  }
0x80: {  	[tilespmem:s22], [sflag:$0x8] =	stream.indirect.gather [hbm4b:s3+s17], $0x1, s20, s17, $0xb8;
	[tilespmem:$0x1B80] =	vst v63  }
0x81: {  	[tilespmem:$0x1560] =	vst v1;
	v1 =	vld [tilespmem:$0x1FE80];
	_ =	sdelay $0x4  }
0x82: {  	[tilespmem:$0x1570] =	vst v1;
	v1 =	vld [tilespmem:$0x1FE90];
	_ =	sdelay $0x4  }
0x83: {  	[tilespmem:$0x1580] =	vst v1;
	v1 =	vld [tilespmem:$0x1FEA0];
	_ =	sdelay $0x4  }
0x84: {  	[tilespmem:$0x1590] =	vst v1;
	v1 =	vld [tilespmem:$0x1FEB0];
	_ =	sdelay $0x4  }
0x85: {  	[tilespmem:$0x15A0] =	vst v1;
	v1 =	vld [tilespmem:$0x1FEC0];
	_ =	sdelay $0x4  }
0x86: {  	[tilespmem:$0x15B0] =	vst v1;
	v1 =	vld [tilespmem:$0x1FED0];
	_ =	sdelay $0x4  }
0x87: {  	[tilespmem:$0x15C0] =	vst v1;
	v1 =	vld [tilespmem:$0x1FEE0];
	_ =	sdelay $0x4  }
0x88: {  	[tilespmem:$0x1740] =	vst v1;
	v1 =	vld [tilespmem:$0x1FEF0];
	_ =	sdelay $0x4  }
0x89: {  	[tilespmem:$0x1750] =	vst v1;
	v1 =	vld [tilespmem:$0x1FF00];
	_ =	sdelay $0x4  }
0x8a: {  	[tilespmem:$0x1760] =	vst v1;
	v1 =	vld [tilespmem:$0x1FF10];
	_ =	sdelay $0x4  }
0x8b: {  	[tilespmem:$0x1770] =	vst v1;
	v1 =	vld [tilespmem:$0x1FF20];
	_ =	sdelay $0x4  }
0x8c: {  	[tilespmem:$0x1780] =	vst v1;
	v1 =	vld [tilespmem:$0x1FF30];
	_ =	sdelay $0x4  }
0x8d: {  	[tilespmem:$0x1790] =	vst v1;
	v1 =	vld [tilespmem:$0x1FF40]  }
0x8e: {  	s23 =	simm.s32 $0x1560;
	s24 =	simm.s32 $0x18E0  }
0x8f: {  	[tilespmem:s24], [sflag:$0x9] =	stream.indirect.gather [hbm4b:s3+s14], $0x1, s23, s14, $0xb8;
	[tilespmem:$0x1B80] =	vst v63  }
0x90: {  	s25 =	simm.s32 $0x1740;
	s26 =	simm.s32 $0x1AC0  }
0x91: {  	[tilespmem:s26], [sflag:$0xA] =	stream.indirect.gather [hbm4b:s3+s17], $0x1, s25, s17, $0xb8;
	[tilespmem:$0x1B80] =	vst v63  }
0x92: {  	[tilespmem:$0x15D0] =	vst v1;
	v1 =	vld [tilespmem:$0x1FF50];
	_ =	sdelay $0x4  }
0x93: {  	[tilespmem:$0x15E0] =	vst v1;
	v1 =	vld [tilespmem:$0x1FF60];
	_ =	sdelay $0x4  }
0x94: {  	[tilespmem:$0x15F0] =	vst v1;
	v1 =	vld [tilespmem:$0x1FF70];
	_ =	sdelay $0x4  }
0x95: {  	[tilespmem:$0x1600] =	vst v1;
	v1 =	vld [tilespmem:$0x1FF80];
	_ =	sdelay $0x4  }
0x96: {  	[tilespmem:$0x1610] =	vst v1;
	v1 =	vld [tilespmem:$0x1FF90];
	_ =	sdelay $0x4  }
0x97: {  	[tilespmem:$0x1620] =	vst v1;
	v1 =	vld [tilespmem:$0x1FFA0];
	_ =	sdelay $0x4  }
0x98: {  	[tilespmem:$0x1630] =	vst v1;
	v1 =	vld [tilespmem:$0x1FFB0];
	_ =	sdelay $0x4  }
0x99: {  	[tilespmem:$0x17A0] =	vst v1;
	v1 =	vld [tilespmem:$0x1FFC0];
	_ =	sdelay $0x4  }
0x9a: {  	[tilespmem:$0x17B0] =	vst v1;
	v1 =	vld [tilespmem:$0x1FFD0];
	_ =	sdelay $0x4  }
0x9b: {  	[tilespmem:$0x17C0] =	vst v1;
	v1 =	vld [tilespmem:$0x1FFE0];
	_ =	sdelay $0x4  }
0x9c: {  	[tilespmem:$0x17D0] =	vst v1;
	v1 =	vld [tilespmem:$0x1FFF0];
	_ =	sdelay $0x2  }
0x9d: {  	s28 =	simm.s32 $0x15D0  }
0x9e: {  	s29 =	simm.s32 $0x1950;
	v60 =	vlaneseq.u32;
	s30 =	simm.s32 $0x17A0;
	s31 =	simm.s32 $0x1B20;
	[tilespmem:$0x17F0] =	vst v52  }
0x9f: {  	v61 =	vor.u32 $0x10, v60;
	v62 =	vor.u32 $0x20, v60;
	v63 =	vor.u32 $0x30, v60;
	s9 =	rddreg [dreg:$0x8];
	s10 =	smov.u32 s21;
	s16 =	simm.s32 $0x19A;
	[tilespmem:$0x17E0] =	vst v1  }
0xa0: {  	v2 =	vor.u32 $0x50, v60;
	v3 =	vor.u32 $0x60, v60;
	v4 =	vor.u32 $0x70, v60;
	[tilespmem:s29], [sflag:$0xB] =	stream.indirect.gather [hbm4b:s3+s14], $0x1, s28, s14, $0xb8;
	[tilespmem:$0x1B80] =	vst v63  }
0xa1: {  	v5 =	vor.u32 $0x80, v60;
	v6 =	vor.u32 $0x90, v60;
	v7 =	vor.u32 $0xA0, v60;
	s18 =	simm.s32 $0xC6;
	s19 =	simm.s32 $0xC4;
	s20 =	simm.s32 $0x58C  }
0xa2: {  	v8 =	vor.u32 $0xB0, v60;
	v9 =	vor.u32 $0xC0, v60;
	v1 =	vor.u32 $0x40, v60;
	[tilespmem:s31], [sflag:$0xC] =	stream.indirect.gather [hbm4b:s3+s17], $0x1, s30, s17, $0xb8;
	[tilespmem:$0x1B80] =	vst v63  }
.LBB2_7:
0xa3: {  	s5 =	sadd.s32 $0xFFFFFFFE, s16  }
0xa4: {  	s1 =	sand.u32 $0x3, s5  }
0xa5: {  	s0 =	sadd.s32 $0x1, s1  }
0xa6: {  	_ =	swait.ge [sflag:s0], $0xE0  }
0xa7: {  	s6 =	sand.u32 $0xFFFFFFF8, s18;
	s4 =	sshll.u32 s1, $0x1;
	[sflag:s0] =	ssyncset.done $0x0  }
0xa8: {  	s6 =	smin.u32 s6, $0x720;
	[sflag:s0] =	ssyncadd.s32 $0xFFFFFF20;
	s0 =	sadd.s32 $0x5, s4  }
0xa9: {  	p1 =	sgt.u32 s5, $0x7FC;
	s6 =	sadd.s32 s10, s6;
	_ =	swait.ge [sflag:s0], $0x70  }
0xaa: {  	s13 =	sand.u32 @!p1 $0x3, s16;
	s26 =	smul.u32 $0x70, s1;
	[sflag:s0] =	ssyncset.done $0x0  }
0xab: {  	p0 =	sgt.u32 @!p1 s5, $0x7FA;
	s4 =	sadd.s32 $0x6, s4;
	[sflag:s0] =	ssyncadd.s32 $0xFFFFFF90  }
0xac: {  	s23 =	sshll.u32 @!p1 s13, $0x8;
	s13 =	sadd.s32 @!p1 $0x1, s13;
	_ =	swait.ge [sflag:s4], $0x60  }
0xad: {  	s6 =	sshrl.u32 @!p1 s6, $0x3;
	p0 =	por p0, p1;
	[sflag:s4] =	ssyncset.done $0x0  }
0xae: {  	s5 =	sadd.s32 @!p1 s3, s6;
	s6 =	simm.s32 @!p1 $0x0;
	[sflag:s4] =	ssyncadd.s32 $0xFFFFFFA0  }
0xaf: {  	v23 =	vadd.s32 @!p0 s9, v60;
	[tilespmem:s23], [sflag:s13] =	stream.linear.gather @!p1 [hbm4b:s5+s6], $0xE0, $0x38;
	[tilespmem:$0x1B80] =	vst v63  }
0xb0: {  	[tilespmem:s26+$0x1480] =	vst @!p0 v23;
	v23 =	vadd.s32 @!p0 s9, v61  }
0xb1: {  	[tilespmem:s26+$0x1490] =	vst @!p0 v23;
	v23 =	vadd.s32 @!p0 s9, v62  }
0xb2: {  	[tilespmem:s26+$0x14A0] =	vst @!p0 v23;
	v23 =	vadd.s32 @!p0 s9, v63  }
0xb3: {  	s30 =	sadd.s32 $0xFFFFFF2A, s16;
	[tilespmem:s26+$0x14B0] =	vst @!p0 v23;
	v23 =	vadd.s32 @!p0 s9, v1  }
0xb4: {  	s31 =	sshll.u32 s30, $0x10;
	[tilespmem:s26+$0x14C0] =	vst @!p0 v23;
	v23 =	vadd.s32 @!p0 s9, v2  }
0xb5: {  	s6 =	sshra.s32 s31, $0x1F;
	s23 =	smul.u32 $0x60, s1;
	[tilespmem:s26+$0x14D0] =	vst @!p0 v23;
	v23 =	vadd.s32 @!p0 s9, v3  }
0xb6: {  	s6 =	sand.u32 $0x7, s6;
	[tilespmem:s26+$0x14E0] =	vst @!p0 v23;
	v23 =	vadd.s32 @!p0 s9, v4  }
0xb7: {  	s7 =	sand.u32 $0x3, s15;
	s5 =	sadd.s32 s6, s30;
	[tilespmem:s23+$0x1680] =	vst @!p0 v23;
	v23 =	vadd.s32 @!p0 s9, v5  }
0xb8: {  	s8 =	sand.u32 $0xFFFFFFF8, s19;
	s24 =	sadd.s32 @!p0 $0x1480, s26;
	s5 =	sshll.u32 s5, $0x10;
	[tilespmem:s23+$0x1690] =	vst @!p0 v23;
	v23 =	vadd.s32 @!p0 s9, v6  }
0xb9: {  	s25 =	sor.u32 @!p0 $0x1800, s26;
	s28 =	simm.s32 @!p0 $0x70;
	s5 =	sshra.s32 s5, $0x10;
	[tilespmem:s23+$0x16A0] =	vst @!p0 v23;
	v23 =	vadd.s32 @!p0 s9, v7  }
0xba: {  	s13 =	smin.u32 s8, $0x720;
	s1 =	sshll.u32 s1, $0x8;
	s5 =	sand.u32 $0xFFFFFFF8, s5;
	[tilespmem:s23+$0x16B0] =	vst @!p0 v23;
	v23 =	vadd.s32 @!p0 s9, v8  }
0xbb: {  	s31 =	ssub.s32 $0xC8, s13;
	s6 =	sshll.u32 s7, $0x8;
	p1 =	slt.s32 s5, $0x720;
	[tilespmem:s23+$0x16C0] =	vst @!p0 v23;
	v23 =	vadd.s32 @!p0 s9, v9  }
0xbc: {  	s30 =	ssub.s32 $0xCC, s13;
	s6 =	ssub.s32 s6, s13;
	s5 =	simm.s32 @!p1 $0x720;
	[tilespmem:s23+$0x16D0] =	vst @!p0 v23  }
0xbd: {  	[tilespmem:s25], [sflag:s0] =	stream.indirect.gather @!p0 [hbm4b:s3+s28], $0x1, s24, s28, $0xb8;
	[tilespmem:$0x1B80] =	vst v63  }
0xbe: {  	s0 =	sadd.s32 @!p0 $0x1680, s23;
	s24 =	sor.u32 @!p0 $0x1A00, s23;
	s25 =	simm.s32 @!p0 $0x60  }
0xbf: {  	[tilespmem:s24], [sflag:s4] =	stream.indirect.gather @!p0 [hbm4b:s3+s25], $0x1, s0, s25, $0xb8;
	[tilespmem:$0x1B80] =	vst v63  }
0xc0: {  	s4 =	sadd.s32 s30, s16;
	s24 =	sadd.s32 $0xFFFFFF31, s16;
	s0 =	simm.s32 $0x1  }
0xc1: {  	s25 =	sadd.s32 $0xFFFFFF30, s16;
	s11 =	sadd.s32 $0xFFFFFE65, s4;
	p0 =	sne.s32 s24, s5  }
0xc2: {  	p1 =	sne.s32 s25, s5;
	s13 =	sadd.s32 $0xFFFFFE63, s4;
	s22 =	sshra.s32 s11, $0x1F  }
0xc3: {  	s0 =	simm.s32 @!p0 $0x0;
	s29 =	sshll.u32 s11, $0x10;
	s7 =	sand.u32 $0xF, s11  }
0xc4: {  	s0 =	sor.u32 s0, s22;
	s28 =	sshra.s32 s29, $0x1F;
	p5 =	sne.s32 s7, $0x0  }
0xc5: {  	s7 =	sadd.s32 $0xFFFFFE64, s4;
	s22 =	simm.s32 $0x1;
	s4 =	sadd.s32 $0xFFFFFE66, s4  }
0xc6: {  	p4 =	sne.s32 s0, $0x1;
	s0 =	sadd.s32 s6, s16;
	s8 =	sand.u32 $0xF, s28  }
0xc7: {  	s6 =	simm.s32 $0x1;
	s29 =	sshra.s32 s7, $0x1F;
	s28 =	sadd.s32 $0xFFFFFF2F, s16  }
0xc8: {  	s4 =	sand.u32 $0x7F, s4;
	p0 =	por !p5, !p4;
	s11 =	sadd.s32 s8, s11  }
0xc9: {  	s6 =	simm.s32 @!p1 $0x0;
	p1 =	sne.s32 s28, s5;
	s8 =	simm.s32 $0x1  }
0xca: {  	s6 =	sor.u32 s6, s29;
	s29 =	sshra.s32 s13, $0x1F;
	s8 =	simm.s32 @!p1 $0x0  }
0xcb: {  	v23 =	vld [tilespmem:s0+$0xFFFFFF32];
	p0 =	por !p0, !p0;
	s11 =	sshll.u32 s11, $0x10;
	s8 =	sor.u32 s8, s29  }
0xcc: {  	s29 =	sand.u32 $0xF, s7;
	p2 =	sne.s32 s6, $0x1;
	s6 =	sadd.s32 s31, s16  }
0xcd: {  	v24 =	vld [tilespmem:s0+$0xFFFFFF42];
	s22 =	simm.s32 @!p0 $0x0;
	s11 =	sshra.s32 s11, $0x14;
	p3 =	sne.s32 s29, $0x0  }
0xce: {  	p1 =	sne.s32 s8, $0x1;
	s8 =	sand.u32 $0xF, s13;
	s29 =	sadd.s32 $0xFFFFFF2E, s16  }
0xcf: {  	v25 =	vld [tilespmem:s0+$0xFFFFFF52];
	s6 =	sadd.s32 $0xFFFFFE66, s6;
	s11 =	ssub.s32 s11, s22;
	p4 =	sne.s32 s29, s5  }
0xd0: {  	s5 =	simm.s32 $0x1;
	p6 =	sne.s32 s8, $0x0;
	p2 =	por !p3, !p2;
	v23 =	vmul.f32 $1.442695020e+00, v23  }
0xd1: {  	v26 =	vld [tilespmem:s0+$0xFFFFFF62];
	s8 =	sshra.s32 s6, $0x1F;
	s5 =	simm.s32 @!p4 $0x0;
	p0 =	por !p2, !p2  }
0xd2: {  	p6 =	por !p6, !p1;
	s5 =	sor.u32 s5, s8;
	s8 =	sshll.u32 s7, $0x10;
	(erf) = vpow2.f32 v23;
	v23 =	vmul.f32 $1.442695020e+00, v24  }
0xd3: {  	v42 =	vld [tilespmem:s0+$0xFFFFFF72];
	p3 =	sne.s32 s5, $0x1;
	s5 =	sand.u32 $0xF, s6;
	s8 =	sshra.s32 s8, $0x1F  }
0xd4: {  	p5 =	sne.s32 s5, $0x0;
	s5 =	simm.s32 $0x1;
	s8 =	sand.u32 $0xF, s8;
	(erf) = vpow2.f32 v23;
	v23 =	vmul.f32 $1.442695020e+00, v25  }
0xd5: {  	v43 =	vld [tilespmem:s0+$0xFFFFFF82];
	s5 =	simm.s32 @!p0 $0x0;
	s7 =	sadd.s32 s8, s7;
	s8 =	sadd.s32 $0xFFFFFF32, s0  }
0xd6: {  	p4 =	por !p5, !p3;
	p0 =	por !p6, !p6;
	s8 =	sand.u32 $0xFFFFFF80, s8;
	(erf) = vpow2.f32 v23;
	v23 =	vmul.f32 $1.442695020e+00, v26  }
0xd7: {  	v44 =	vld [tilespmem:s0+$0xFFFFFF92];
	s7 =	sshll.u32 s7, $0x10;
	p1 =	por !p4, !p4;
	s8 =	sor.u32 s4, s8  }
0xd8: {  	s4 =	sshll.u32 s11, $0x4;
	s7 =	sshra.s32 s7, $0x14;
	s11 =	sshll.u32 s6, $0x10;
	(erf) = vpow2.f32 v23;
	v23 =	vmul.f32 $1.442695020e+00, v42  }
0xd9: {  	s5 =	ssub.s32 s7, s5;
	s7 =	sshll.u32 s13, $0x10;
	s11 =	sshra.s32 s11, $0x1F  }
0xda: {  	s22 =	sadd.s32 s1, s4;
	s7 =	sshra.s32 s7, $0x1F;
	s11 =	sand.u32 $0xF, s11;
	(erf) = vpow2.f32 v23;
	v23 =	vmul.f32 $1.442695020e+00, v43  }
0xdb: {  	s5 =	sshll.u32 s5, $0x4;
	s7 =	sand.u32 $0xF, s7;
	s6 =	sadd.s32 s11, s6  }
0xdc: {  	s11 =	simm.s32 $0x1;
	s7 =	sadd.s32 s7, s13;
	s6 =	sshll.u32 s6, $0x10;
	v31 =	vpop (erf);
	(erf) = vpow2.f32 v23;
	v23 =	vmul.f32 $1.442695020e+00, v44  }
0xdd: {  	s13 =	sadd.s32 s1, s5;
	s11 =	simm.s32 @!p1 $0x0;
	s6 =	sshra.s32 s6, $0x14  }
0xde: {  	s7 =	sshll.u32 s7, $0x10;
	s6 =	ssub.s32 s6, s11;
	s11 =	simm.s32 $0x1;
	v32 =	vpop (erf);
	(erf) = vpow2.f32 v23;
	v23 =	vld [tilespmem:s0+$0xFFFFFFA2]  }
0xdf: {  	s13 =	sand.u32 $0xFFFFFF80, s13;
	s7 =	sshra.s32 s7, $0x14;
	s11 =	simm.s32 @!p0 $0x0  }
0xe0: {  	v46 =	vld [tilespmem:s8+$0x80];
	s6 =	sshll.u32 s6, $0x4;
	s7 =	ssub.s32 s7, s11;
	s11 =	sand.u32 $0x70, s5  }
0xe1: {  	v47 =	vld [tilespmem:s0+$0xFFFFFFC2];
	s8 =	sor.u32 s11, s13;
	s7 =	sshll.u32 s7, $0x4;
	s13 =	sadd.s32 s1, s6  }
0xe2: {  	v30 =	vld [tilespmem:s0+$0xFFFFFFD2];
	v45 =	vadd.f32 $0.0e+00, v31;
	s1 =	sadd.s32 s1, s7;
	s11 =	sand.u32 $0xFFFFFF80, s13;
	s13 =	sand.u32 $0x70, s6  }
0xe3: {  	v27 =	vld [tilespmem:s8+$0x0];
	s1 =	sand.u32 $0xFFFFFF80, s1;
	s8 =	sor.u32 s13, s11;
	s13 =	sand.u32 $0x70, s7;
	v23 =	vmul.f32 $1.442695020e+00, v23  }
0xe4: {  	vm10 =	veq.s32 v60, s24;
	vm11 =	veq.s32 v61, s24;
	v24 =	vadd.f32 v32, v45;
	v33 =	vpop (erf);
	s1 =	sor.u32 s13, s1;
	s13 =	sand.u32 $0xFFFFFF80, s22;
	v36 =	vld [tilespmem:s8+$0x0];
	s22 =	sand.u32 $0x70, s4  }
0xe5: {  	vm13 =	veq.s32 v62, s25;
	v34 =	vpop (erf);
	s11 =	ssub.s32 s16, s6;
	s4 =	ssub.s32 s16, s4;
	s8 =	sor.u32 s22, s13;
	v37 =	vld [tilespmem:s1+$0x0];
	(erf) = vpow2.f32 v23;
	v23 =	vmul.f32 $1.442695020e+00, v46  }
0xe6: {  	v49 =	vld [tilespmem:s26+$0x1800];
	vm15 =	veq.s32 v63, s24;
	vm4 =	veq.s32 v60, s28;
	v24 =	vadd.f32 v33, v24;
	s1 =	sadd.s32 s31, s4;
	s13 =	ssub.s32 s16, s7;
	s4 =	sadd.s32 s30, s11  }
0xe7: {  	vm5 =	veq.s32 v61, s28;
	vm3 =	veq.s32 v60, s29;
	s5 =	ssub.s32 s16, s5;
	v35 =	vpop (erf);
	s6 =	sadd.s32 s31, s13;
	s4 =	sadd.s32 $0xFFFFFE62, s4;
	(erf) = vpow2.f32 v23;
	v23 =	vld [tilespmem:s8+$0x0]  }
0xe8: {  	v51 =	vld [tilespmem:s0+$0xFFFFFFE2];
	v48 =	vmul.f32 $1.442695020e+00, v47;
	s5 =	sadd.s32 s31, s5;
	v24 =	vadd.f32 v34, v24;
	s6 =	sadd.s32 $0xFFFFFE67, s6;
	v38 =	vmov s4  }
0xe9: {  	v40 =	vld [tilespmem:s0+$0xFFFFFFF2];
	v50 =	vmul.f32 $1.442695020e+00, v30;
	s22 =	sadd.s32 $0xFFFFFE68, s5;
	v42 =	vmov s6;
	v39 =	vperm.xlane v36, v38  }
0xea: {  	v24 =	vadd.f32 v35, v24;
	s1 =	sadd.s32 $0xFFFFFE69, s1;
	v45 =	vmov s22;
	v38 =	vperm.xlane v37, v42  }
0xeb: {  	v41 =	vmov s1;
	v37 =	vperm.xlane v27, v45;
	v26 =	vsel vm3, v39, v49  }
0xec: {  	v47 =	vld [tilespmem:s26+$0x1810];
	vm3 =	veq.s32 v60, s25;
	v36 =	vperm.xlane v23, v41;
	v23 =	vsel vm4, v38, v26  }
0xed: {  	v29 =	vpop (erf);
	v46 =	vmul.f32 $1.442695020e+00, v51;
	(erf) = vpow2.f32 v48;
	v49 =	vld [tilespmem:s26+$0x1820];
	v23 =	vsel vm3, v37, v23  }
0xee: {  	v28 =	vpop (erf);
	v48 =	vmul.f32 $1.442695020e+00, v40;
	(erf) = vpow2.f32 v50;
	v23 =	vsel vm10, v36, v23  }
0xef: {  	v24 =	vadd.f32 v29, v24;
	v30 =	vpop (erf);
	(erf) = vpow2.f32 v46;
	v23 =	vmul.f32 $1.442695020e+00, v23  }
0xf0: {  	vm12 =	veq.s32 v62, s29;
	vm3 =	veq.s32 v61, s29;
	(erf) = vpow2.f32 v48  }
0xf1: {  	v24 =	vadd.f32 v28, v24;
	v27 =	vpop (erf);
	(erf) = vpow2.f32 v23;
	v23 =	vsel vm3, v39, v47  }
0xf2: {  	v50 =	vsel vm12, v39, v49;
	vm3 =	veq.s32 v61, s25;
	v23 =	vsel vm5, v38, v23  }
0xf3: {  	v24 =	vadd.f32 v30, v24;
	v23 =	vsel vm3, v37, v23;
	vm3 =	veq.s32 v62, s28  }
0xf4: {  	vm9 =	veq.s32 v1, s24;
	vm14 =	veq.s32 v63, s28;
	v25 =	vsel vm3, v38, v50  }
0xf5: {  	vm8 =	veq.s32 v1, s28;
	v51 =	vld [tilespmem:s26+$0x1830];
	v24 =	vadd.f32 v27, v24;
	v25 =	vsel vm13, v37, v25  }
0xf6: {  	vm6 =	veq.s32 v8, s28;
	vm10 =	veq.s32 v2, s24;
	vm12 =	veq.s32 v3, s29;
	v26 =	vpop (erf)  }
0xf7: {  	v24 =	vadd.f32 v26, v24;
	v23 =	vsel vm11, v36, v23;
	vm3 =	veq.s32 v62, s24  }
0xf8: {  	v45 =	vld [tilespmem:s26+$0x1840];
	vm11 =	veq.s32 v2, s28;
	v23 =	vmul.f32 $1.442695020e+00, v23;
	v44 =	vsel vm3, v36, v25;
	v25 =	vpop (erf)  }
0xf9: {  	vm13 =	veq.s32 v3, s25;
	vm3 =	veq.s32 v63, s29;
	v24 =	vadd.f32 v25, v24  }
0xfa: {  	v41 =	vmul.f32 $1.442695020e+00, v44;
	v40 =	vsel vm3, v39, v51;
	vm3 =	veq.s32 v63, s25  }
0xfb: {  	(erf) = vpow2.f32 v23;
	v40 =	vsel vm14, v38, v40;
	vm14 =	veq.s32 v4, s24  }
0xfc: {  	v23 =	vpop (erf);
	(erf) = vpow2.f32 v41;
	v40 =	vsel vm3, v37, v40;
	vm3 =	veq.s32 v1, s29  }
0xfd: {  	v49 =	vld [tilespmem:s26+$0x1850];
	v47 =	vsel vm15, v36, v40;
	v42 =	vsel vm3, v39, v45;
	v46 =	vadd.f32 v23, v24;
	v24 =	vpop (erf)  }
0xfe: {  	vm3 =	veq.s32 v1, s25;
	vm15 =	veq.s32 v4, s28;
	v43 =	vnsel vm0, $0x0, v24  }
0xff: {  	v48 =	vsel vm8, v38, v42;
	v41 =	vadd.f32 v43, v46;
	v43 =	vmul.f32 $1.442695020e+00, v47;
	v46 =	vld [tilespmem:s26+$0x1860]  }
0x100: {  	vm8 =	veq.s32 v5, s29;
	v42 =	vsel vm3, v37, v48;
	vm3 =	veq.s32 v2, s29  }
0x101: {  	v42 =	vsel vm9, v36, v42;
	vm9 =	veq.s32 v5, s25;
	v40 =	vpop (erf);
	(erf) = vpow2.f32 v43  }
0x102: {  	v45 =	vmul.f32 $1.442695020e+00, v42;
	v44 =	vadd.f32 v40, v41;
	v43 =	vsel vm3, v39, v49  }
0x103: {  	vm3 =	veq.s32 v2, s25;
	v43 =	vsel vm11, v38, v43;
	vm11 =	veq.s32 v6, s28  }
0x104: {  	v41 =	vpop (erf);
	v43 =	vsel vm3, v37, v43;
	vm3 =	veq.s32 v3, s28;
	v50 =	vsel vm12, v39, v46;
	v46 =	vld [tilespmem:s23+$0x1A00]  }
0x105: {  	v44 =	vadd.f32 v41, v44;
	v42 =	vpop (erf);
	(erf) = vpow2.f32 v45;
	v47 =	vsel vm10, v36, v43  }
0x106: {  	v48 =	vld [tilespmem:s23+$0x1A10];
	vm10 =	veq.s32 v6, s24;
	vm12 =	veq.s32 v7, s29;
	v45 =	vsel vm3, v38, v50  }
0x107: {  	v47 =	vmul.f32 $1.442695020e+00, v47;
	vm3 =	veq.s32 v3, s24;
	v45 =	vsel vm13, v37, v45  }
0x108: {  	v44 =	vadd.f32 v42, v44;
	v45 =	vsel vm3, v36, v45;
	vm3 =	veq.s32 v4, s29  }
0x109: {  	vm13 =	veq.s32 v7, s25;
	v45 =	vmul.f32 $1.442695020e+00, v45;
	v46 =	vsel vm3, v39, v46  }
0x10a: {  	vm3 =	veq.s32 v4, s25;
	v43 =	vpop (erf);
	(erf) = vpow2.f32 v47;
	v46 =	vsel vm15, v38, v46  }
0x10b: {  	v47 =	vsel vm8, v39, v48;
	v48 =	vld [tilespmem:s23+$0x1A20];
	vm15 =	veq.s32 v8, s29;
	v44 =	vadd.f32 v43, v44  }
0x10c: {  	v46 =	vsel vm3, v37, v46;
	vm3 =	veq.s32 v5, s28;
	(erf) = vpow2.f32 v45  }
0x10d: {  	v50 =	vld [tilespmem:s23+$0x1A30];
	v46 =	vsel vm14, v36, v46;
	v47 =	vsel vm3, v38, v47;
	vm3 =	veq.s32 v5, s24  }
0x10e: {  	vm14 =	veq.s32 v8, s25;
	v46 =	vmul.f32 $1.442695020e+00, v46;
	v47 =	vsel vm9, v37, v47  }
0x10f: {  	v49 =	vpop (erf);
	vm9 =	veq.s32 v9, s29;
	v51 =	vsel vm3, v36, v47;
	vm3 =	veq.s32 v6, s29  }
0x110: {  	v44 =	vadd.f32 v49, v44;
	(erf) = vpow2.f32 v46;
	v48 =	vsel vm3, v39, v48  }
0x111: {  	v45 =	vmul.f32 $1.442695020e+00, v51;
	vm3 =	veq.s32 v6, s25;
	v46 =	vsel vm11, v38, v48;
	v48 =	vld [tilespmem:s23+$0x1A40]  }
0x112: {  	v51 =	vsel vm12, v39, v50;
	v50 =	vld [tilespmem:s23+$0x1A50];
	v46 =	vsel vm3, v37, v46;
	vm3 =	veq.s32 v7, s28  }
0x113: {  	vm11 =	veq.s32 v9, s25;
	(erf) = vpow2.f32 v45;
	v47 =	vsel vm3, v38, v51  }
0x114: {  	v46 =	vsel vm10, v36, v46;
	vm3 =	veq.s32 v7, s24;
	v47 =	vsel vm13, v37, v47  }
0x115: {  	vm10 =	veq.s32 v9, s28;
	v46 =	vmul.f32 $1.442695020e+00, v46;
	v51 =	vpop (erf);
	v45 =	vsel vm3, v36, v47  }
0x116: {  	v44 =	vadd.f32 v51, v44;
	vm3 =	veq.s32 v8, s24;
	v48 =	vsel vm15, v39, v48  }
0x117: {  	(erf) = vpow2.f32 v46;
	v39 =	vsel vm9, v39, v50;
	v46 =	vsel vm6, v38, v48  }
0x118: {  	v45 =	vmul.f32 $1.442695020e+00, v45;
	v38 =	vsel vm10, v38, v39;
	v46 =	vsel vm14, v37, v46  }
0x119: {  	v37 =	vsel vm11, v37, v38;
	v46 =	vsel vm3, v36, v46;
	vm3 =	veq.s32 v9, s24  }
0x11a: {  	(erf) = vpow2.f32 v45;
	v47 =	vmul.f32 $1.442695020e+00, v46;
	v36 =	vsel vm3, v36, v37  }
0x11b: {  	v39 =	vpop (erf);
	v36 =	vmul.f32 $1.442695020e+00, v36  }
0x11c: {  	v48 =	vadd.f32 v39, v44;
	(erf) = vpow2.f32 v47  }
0x11d: {  	v38 =	vpop (erf);
	(erf) = vpow2.f32 v36  }
0x11e: {  	v50 =	vadd.f32 v38, v48  }
0x11f: {  	v44 =	vpop (erf)  }
0x120: {  	v36 =	vadd.f32 v44, v50  }
0x121: {  	v45 =	vpop (erf)  }
0x122: {  	v36 =	vadd.f32 v45, v36  }
0x123: {  	v46 =	vpop (erf)  }
0x124: {  	v36 =	vadd.f32 v46, v36  }
0x125: {  	v47 =	vpop (erf)  }
0x126: {  	v36 =	vadd.f32 v47, v36;
	v48 =	vpop (erf)  }
0x127: {  	v48 =	vnsel vm1, $0x0, v48  }
0x128: {  	v36 =	vadd.f32 v48, v36;
	_ =	sdelay $0x1  }
0x129: {  	v50 =	vperm.xlane v36, v55;
	_ =	sdelay $0x1  }
0x12a: {  	v36 =	vadd.f32 v36, v50;
	_ =	sdelay $0x1  }
0x12b: {  	v37 =	vperm.xlane v36, v56;
	_ =	sdelay $0x1  }
0x12c: {  	v36 =	vadd.f32 v36, v37;
	_ =	sdelay $0x1  }
0x12d: {  	v37 =	vperm.xlane v36, v57;
	_ =	sdelay $0x1  }
0x12e: {  	v36 =	vadd.f32 v36, v37;
	_ =	sdelay $0x1  }
0x12f: {  	v37 =	vperm.xlane v36, v58;
	_ =	sdelay $0x1  }
0x130: {  	v36 =	vadd.f32 v36, v37;
	_ =	sdelay $0x1  }
0x131: {  	(erf) = vrcp.f32 v36;
	_ =	sdelay $0x1  }
0x132: {  	v50 =	vld [tilespmem:s20+$0xFFFFFF40];
	_ =	sdelay $0x4  }
0x133: {  	v37 =	vmul.f32 $9.900000090e-01, v50;
	v50 =	vld [tilespmem:s20+$0xFFFFFF50];
	_ =	sdelay $0x1  }
0x134: {  	v36 =	vpop (erf)  }
0x135: {  	v31 =	vmul.f32 v36, v31;
	_ =	sdelay $0x1  }
0x136: {  	v37 =	vadd.f32 v31, v37;
	v31 =	vmul.f32 $9.900000090e-01, v50;
	v50 =	vld [tilespmem:s20+$0xFFFFFF60]  }
0x137: {  	v32 =	vmul.f32 v36, v32;
	_ =	sdelay $0x1  }
0x138: {  	v31 =	vadd.f32 v32, v31;
	_ =	sdelay $0x1  }
0x139: {  	[tilespmem:s20+$0xFFFFFF50] =	vst v31;
	v31 =	vmul.f32 $9.900000090e-01, v50;
	v50 =	vmul.f32 v36, v33;
	v33 =	vld [tilespmem:s20+$0xFFFFFF70];
	_ =	sdelay $0x2  }
0x13a: {  	v31 =	vadd.f32 v50, v31  }
0x13b: {  	v50 =	vmul.f32 v36, v34;
	v34 =	vld [tilespmem:s20+$0xFFFFFF80]  }
0x13c: {  	[tilespmem:s20+$0xFFFFFF60] =	vst v31;
	v31 =	vmul.f32 $9.900000090e-01, v33  }
0x13d: {  	v22 =	vmul.f32 $9.900000090e-01, v22  }
0x13e: {  	v21 =	vmul.f32 $9.900000090e-01, v21;
	v20 =	vmul.f32 $9.900000090e-01, v20;
	v31 =	vadd.f32 v50, v31  }
0x13f: {  	v15 =	vmul.f32 $9.900000090e-01, v15;
	v12 =	vmul.f32 $9.900000090e-01, v12  }
0x140: {  	v50 =	vmul.f32 v36, v35;
	[tilespmem:s20+$0xFFFFFF70] =	vst v31;
	v31 =	vmul.f32 $9.900000090e-01, v34  }
0x141: {  	v11 =	vmul.f32 $9.900000090e-01, v11;
	v51 =	vmul.f32 v36, v51  }
0x142: {  	v35 =	vmul.f32 $9.900000090e-01, v19;
	v31 =	vadd.f32 v50, v31;
	v50 =	vmul.f32 v36, v40  }
0x143: {  	v33 =	vld [tilespmem:s20+$0xFFFFFF90];
	v34 =	vmul.f32 v36, v42;
	v40 =	vmul.f32 v36, v43  }
0x144: {  	[tilespmem:s20+$0xFFFFFF80] =	vst v31;
	v31 =	vmul.f32 v36, v41;
	v19 =	vadd.f32 v50, v22;
	v22 =	vmul.f32 $9.900000090e-01, v18  }
0x145: {  	v50 =	vmul.f32 v36, v49;
	v49 =	vmul.f32 v36, v44  }
0x146: {  	v18 =	vadd.f32 v31, v21;
	v21 =	vmul.f32 $9.900000090e-01, v17;
	v17 =	vadd.f32 v34, v20  }
0x147: {  	v31 =	vadd.f32 v40, v35;
	v32 =	vadd.f32 v50, v22;
	v22 =	vnsel vm2, $0x7F800000, v37  }
0x148: {  	v20 =	vmul.f32 $9.900000090e-01, v33;
	v34 =	vmul.f32 $9.900000090e-01, v13;
	v13 =	vmin.f32 v22, v19  }
0x149: {  	v33 =	vadd.f32 v51, v21;
	v21 =	vmul.f32 v36, v39;
	v13 =	vmin.f32 v13, v18  }
0x14a: {  	v35 =	vmul.f32 v36, v38;
	v50 =	vmul.f32 $9.900000090e-01, v14;
	v14 =	vmin.f32 v13, v17  }
0x14b: {  	v38 =	vmul.f32 $9.900000090e-01, v16;
	v13 =	vadd.f32 v21, v15;
	v15 =	vmin.f32 v14, v31  }
0x14c: {  	v51 =	vmul.f32 v36, v45;
	v16 =	vadd.f32 v35, v34;
	v15 =	vmin.f32 v15, v32  }
0x14d: {  	v45 =	vmul.f32 v36, v47;
	v47 =	vmul.f32 v36, v48;
	v15 =	vmin.f32 v15, v33  }
0x14e: {  	v14 =	vadd.f32 v49, v38;
	v21 =	vmul.f32 v36, v46;
	v15 =	vmin.f32 v15, v13  }
0x14f: {  	v44 =	vadd.f32 v51, v50;
	v46 =	vmul.f32 $9.900000090e-01, v10;
	v15 =	vmin.f32 v15, v16  }
0x150: {  	v48 =	vmul.f32 v36, v29;
	v10 =	vadd.f32 v21, v12;
	v12 =	vmin.f32 v15, v14  }
0x151: {  	v11 =	vadd.f32 v45, v11;
	v49 =	vadd.f32 v47, v46;
	v12 =	vmin.f32 v12, v44  }
0x152: {  	v12 =	vmin.f32 v12, v10  }
0x153: {  	v15 =	vadd.f32 v20, v48;
	v20 =	vnsel vm1, $0x7F800000, v49;
	v12 =	vmin.f32 v12, v11  }
0x154: {  	v12 =	vmin.f32 v12, v20  }
0x155: {  	[tilespmem:s20+$0xFFFFFF90] =	vst v15;
	v15 =	vld [tilespmem:s20+$0xFFFFFFA0];
	v20 =	vperm.xlane v12, v55;
	_ =	sdelay $0x1  }
0x156: {  	v12 =	vmin.f32 v12, v20  }
0x157: {  	v20 =	vperm.xlane v12, v56;
	_ =	sdelay $0x1  }
0x158: {  	v21 =	vmul.f32 v36, v28;
	v15 =	vmul.f32 $9.900000090e-01, v15;
	v12 =	vmin.f32 v12, v20  }
0x159: {  	v20 =	vperm.xlane v12, v57  }
0x15a: {  	v15 =	vadd.f32 v15, v21  }
0x15b: {  	v12 =	vmin.f32 v12, v20  }
0x15c: {  	[tilespmem:s20+$0xFFFFFFA0] =	vst v15;
	v15 =	vperm.xlane v12, v58;
	_ =	sdelay $0x1  }
0x15d: {  	v20 =	vld [tilespmem:s20+$0xFFFFFFB0];
	v12 =	vmin.f32 v12, v15  }
0x15e: {  	s25 =	sadd.s32 $0xFFFFFF32, s16;
	vm3 =	veq.f32 v22, v12  }
0x15f: {  	v15 =	vmov s25;
	vm12 =	veq.f32 v19, v12;
	vm3 =	vmand vm3, vm2  }
0x160: {  	v21 =	vnsel vm12, $0xFFFFFFFF, v60;
	v15 =	vnsel vm3, $0xFFFFFFFF, v15  }
0x161: {  	vm13 =	veq.f32 v18, v12;
	v22 =	vmul.f32 v36, v30;
	vm3 =	vgt.s32 v15, v21  }
0x162: {  	v20 =	vmul.f32 $9.900000090e-01, v20;
	v15 =	vsel vm3, v15, v21;
	v21 =	vnsel vm13, $0xFFFFFFFF, v61  }
0x163: {  	vm14 =	veq.f32 v17, v12;
	vm3 =	vgt.s32 v15, v21  }
0x164: {  	v20 =	vadd.f32 v20, v22;
	v15 =	vsel vm3, v15, v21;
	v21 =	vnsel vm14, $0xFFFFFFFF, v62  }
0x165: {  	vm15 =	veq.f32 v31, v12;
	vm3 =	vgt.s32 v15, v21  }
0x166: {  	[tilespmem:s20+$0xFFFFFFB0] =	vst v20;
	v20 =	vnsel vm15, $0xFFFFFFFF, v63;
	v15 =	vsel vm3, v15, v21  }
0x167: {  	vm8 =	veq.f32 v32, v12;
	vm3 =	vgt.s32 v15, v20  }
0x168: {  	v15 =	vsel vm3, v15, v20;
	v20 =	vnsel vm8, $0xFFFFFFFF, v1  }
0x169: {  	vm9 =	veq.f32 v33, v12;
	vm3 =	vgt.s32 v15, v20  }
0x16a: {  	v15 =	vsel vm3, v15, v20;
	v20 =	vnsel vm9, $0xFFFFFFFF, v2  }
0x16b: {  	vm10 =	veq.f32 v13, v12;
	v21 =	vld [tilespmem:s20+$0xFFFFFFC0];
	vm3 =	vgt.s32 v15, v20  }
0x16c: {  	v15 =	vsel vm3, v15, v20;
	v20 =	vnsel vm10, $0xFFFFFFFF, v3  }
0x16d: {  	vm11 =	veq.f32 v16, v12;
	vm3 =	vgt.s32 v15, v20  }
0x16e: {  	v15 =	vsel vm3, v15, v20;
	v20 =	vnsel vm11, $0xFFFFFFFF, v4  }
0x16f: {  	vm12 =	veq.f32 v14, v12;
	v22 =	vmul.f32 v36, v27;
	vm3 =	vgt.s32 v15, v20  }
0x170: {  	v21 =	vmul.f32 $9.900000090e-01, v21;
	v15 =	vsel vm3, v15, v20;
	v20 =	vnsel vm12, $0xFFFFFFFF, v5  }
0x171: {  	vm13 =	veq.f32 v44, v12;
	vm3 =	vgt.s32 v15, v20  }
0x172: {  	v21 =	vadd.f32 v21, v22;
	v15 =	vsel vm3, v15, v20;
	v20 =	vnsel vm13, $0xFFFFFFFF, v6  }
0x173: {  	vm14 =	veq.f32 v10, v12;
	vm3 =	vgt.s32 v15, v20  }
0x174: {  	[tilespmem:s20+$0xFFFFFFC0] =	vst v21;
	v21 =	vld [tilespmem:s20+$0xFFFFFFD0];
	v15 =	vsel vm3, v15, v20;
	v20 =	vnsel vm14, $0xFFFFFFFF, v7  }
0x175: {  	vm15 =	veq.f32 v11, v12;
	vm3 =	vgt.s32 v15, v20  }
0x176: {  	v15 =	vsel vm3, v15, v20;
	v20 =	vnsel vm15, $0xFFFFFFFF, v8;
	vm3 =	veq.f32 v49, v12  }
0x177: {  	vm4 =	vgt.s32 v15, v20;
	vm3 =	vmand vm3, vm1  }
0x178: {  	v15 =	vsel vm4, v15, v20;
	v20 =	vnsel vm3, $0xFFFFFFFF, v9  }
0x179: {  	v12 =	vmul.f32 $9.900000090e-01, v21;
	v21 =	vmul.f32 v36, v26;
	vm3 =	vgt.s32 v15, v20  }
0x17a: {  	v15 =	vsel vm3, v15, v20  }
0x17b: {  	v12 =	vadd.f32 v12, v21;
	v20 =	vperm.xlane v15, v55;
	_ =	sdelay $0x1  }
0x17c: {  	[tilespmem:s20+$0xFFFFFFD0] =	vst v12;
	v12 =	vld [tilespmem:s20+$0xFFFFFFE0];
	vm3 =	vgt.s32 v15, v20  }
0x17d: {  	v15 =	vsel vm3, v15, v20  }
0x17e: {  	v20 =	vperm.xlane v15, v56;
	_ =	sdelay $0x1  }
0x17f: {  	vm3 =	vgt.s32 v15, v20  }
0x180: {  	v21 =	vmul.f32 v36, v25;
	v12 =	vmul.f32 $9.900000090e-01, v12;
	v15 =	vsel vm3, v15, v20  }
0x181: {  	v20 =	vperm.xlane v15, v57  }
0x182: {  	v12 =	vadd.f32 v12, v21  }
0x183: {  	vm3 =	vgt.s32 v15, v20  }
0x184: {  	[tilespmem:s20+$0xFFFFFFE0] =	vst v12;
	v12 =	vsel vm3, v15, v20  }
0x185: {  	v20 =	vperm.xlane v12, v58;
	_ =	sdelay $0x1  }
0x186: {  	vm3 =	vgt.s32 v12, v20  }
0x187: {  	v12 =	vsel vm3, v12, v20  }
0x188: {  	(v2sf) =	vpush v12, $0x0;
	_ =	sdelay $0x2  }
0x189: {  	v15 =	vld [tilespmem:s20+$0xFFFFFFF0];
	_ =	sdelay $0x4  }
0x18a: {  	v20 =	vmul.f32 v36, v23;
	v15 =	vmul.f32 $9.900000090e-01, v15;
	_ =	sdelay $0x1  }
0x18b: {  	v15 =	vadd.f32 v15, v20;
	_ =	sdelay $0x1  }
0x18c: {  	[tilespmem:s20+$0xFFFFFFF0] =	vst v15;
	v15 =	vld [tilespmem:s20+$0x0];
	_ =	sdelay $0x1  }
0x18d: {  	v21 =	vmul.f32 v36, v24;
	v23 =	vperm.xlane v37, v59;
	vm3 =	veq.s32 v60, v12  }
0x18e: {  	vm4 =	veq.s32 v61, v12;
	vm5 =	veq.s32 v62, v12;
	vm6 =	veq.s32 v63, v12;
	s26 =	spop (v2sf)  }
0x18f: {  	vm7 =	veq.s32 v1, v12;
	vm8 =	veq.s32 v2, v12;
	vm9 =	veq.s32 v3, v12;
	s28 =	sand.u32 $0xF, s26  }
0x190: {  	vm10 =	veq.s32 v4, v12;
	vm11 =	veq.s32 v5, v12;
	v20 =	vmul.f32 $9.900000090e-01, v15;
	s29 =	sshra.s32 s26, $0x1F;
	p5 =	slt.s32 s26, $0x1;
	p6 =	sne.s32 s28, $0x0  }
0x191: {  	vm12 =	veq.s32 v6, v12;
	vm13 =	veq.s32 v7, v12;
	vm14 =	veq.s32 v8, v12;
	s30 =	sshrl.u32 s29, $0x1C;
	p0 =	por !p5, !p6  }
0x192: {  	s4 =	simm.s32 $0x1;
	vm15 =	veq.s32 v9, v12;
	v12 =	vbroadcast v12, $0x0;
	v20 =	vadd.f32 v20, v21;
	s1 =	sadd.s32 s30, s26;
	p0 =	por !p0, !p0  }
0x193: {  	v60 =	vsel vm3, s25, v60;
	v61 =	vsel vm4, s25, v61;
	v62 =	vsel vm5, s25, v62;
	s1 =	sshrl.u32 s1, $0x4;
	s4 =	simm.s32 @!p0 $0x0  }
0x194: {  	[tilespmem:s20+$0xFFFFFF40] =	vst v37;
	v63 =	vsel vm6, s25, v63;
	v1 =	vsel vm7, s25, v1;
	v15 =	vsel vm0, v20, v15;
	s1 =	ssub.s32 s1, s4  }
0x195: {  	v2 =	vsel vm8, s25, v2;
	v3 =	vsel vm9, s25, v3;
	v4 =	vsel vm10, s25, v4;
	[tilespmem:s20+$0x0] =	vst v15;
	s1 =	sshll.u32 s1, $0x4  }
0x196: {  	s31 =	sadd.s32 $0xFFFFFFFF, s16;
	s16 =	sadd.s32 $0x1, s16;
	v5 =	vsel vm11, s25, v5;
	v6 =	vsel vm12, s25, v6;
	v7 =	vsel vm13, s25, v7;
	v50 =	vld [tilespmem:s1+$0xC80]  }
0x197: {  	v8 =	vsel vm14, s25, v8;
	v9 =	vsel vm15, s25, v9;
	v22 =	vsel vm3, v23, v19;
	p0 =	sne.s32 s16, $0x801  }
.Ltmp3:
0x198: {  	v19 =	vsel vm6, v23, v31;
	v11 =	vsel vm14, v23, v11;
	v21 =	vsel vm4, v23, v18;
	(pc) =	sbr.rel @p0 .LBB2_7-.Ltmp3, $4  }
0x199: {  	v18 =	vsel vm7, v23, v32;
	v20 =	vsel vm5, v23, v17;
	v51 =	vor.u32 s1, v0  }
0x19a: {  	v17 =	vsel vm8, v23, v33;
	v15 =	vsel vm9, v23, v13;
	vm3 =	veq.s32 v51, v12  }
0x19b: {  	s18 =	sadd.s32 $0x1, s18;
	s15 =	sadd.s32 $0x1, s15;
	s19 =	sadd.s32 $0x1, s19;
	v13 =	vsel vm10, v23, v16;
	v16 =	vsel vm11, v23, v14;
	v24 =	vsel vm3, s31, v50  }
0x19c: {  	s10 =	sadd.s32 $0x800, s10;
	s9 =	sadd.s32 $0x800, s9;
	v14 =	vsel vm12, v23, v44;
	s20 =	sadd.s32 $0x1, s20;
	v12 =	vsel vm13, v23, v10;
	v10 =	vsel vm15, v23, v49;
	[tilespmem:s1+$0xC80] =	vst v24  }
0x19d: {  	s0 =	rddreg [dreg:$0x5]  }
0x19e: {  	s4 =	simm.s32 $0x400;
	s1 =	simm.s32 $0x80;
	s5 =	simm.s32 $0xC80  }
0x19f: {  	[hbm4b:s0+s1] =	stream.strided.scatter [tilespmem:s5], [sflag:$0xD], $0x800, s4, s1, $0x38;
	[tilespmem:$0x1B80] =	vst v63  }
0x1a0: {  	_ =	swait.ge [sflag:s12], $0x800  }
0x1a1: {  	s2 =	sadd.s32 $0x1, s2;
	s31 =	rddreg [dreg:$0x7]  }
0x1a2: {  	p0 =	sne.s32 s2, s31  }
.Ltmp4:
0x1a3: {  	_ = 	snop;
	(pc) =	sbr.rel @p0 .LBB2_2-.Ltmp4, $3  }
0x1a4: {  	_ =	sdelay $0x1  }
0x1a5: {  	[sflag:s12] =	ssyncset.done $0x0  }
0x1a6: {  	[sflag:s12] =	ssyncadd.s32 $0xFFFFF800  }
.LBB2_9:
0x1a7: {  	_ =	sfence.sel $0x180000  }
0x1a8: {  	[bflag:$0x0] =	sbarrier.arrive $0xFFFF  }
0x1a9: {  	_ =	strace $0x9000004A  }
0x1aa: {  	s0 =	stileid.u32;
	[bflag:$0x2] =	sbarrier.arrive $0xFFFF  }
0x1ab: {  	p0 =	sne.s32 s0, $0x0;
	s0 =	rddreg [dreg:$0x2]  }
0x1ac: {  	s0 =	sadd.s32 @!p0 $0x100000, s0  }
0x1ad: {  	[sflag:s0] =	ssyncadd.tile.s32 @!p0 $0x1;
	_ =	shalt  }
.Lfunc_end2:
_tile_overlayer_lowered:
.L_overlay_start_2:
0x1ae: {  	(tag) =	ssettag $0x2  }
0x1af: {  	s0 =	rddreg [dreg:$0x0];
	s2 =	stileid.u32  }
0x1b0: {  	s1 =	rddreg [dreg:$0x1];
	p0 =	sne.s32 s2, $0x0  }
0x1b1: {  	s3 =	rddreg [dreg:$0x2];
	[bflag:$0x3] =	sbarrier.arrive $0xFFFF;
	s2 =	simm.s32 @!p0 $0x1C0D  }
0x1b2: {  	[timem:s3], [sflag:s2] =	dma.local @!p0 [hbm:s0], s1  }
0x1b3: {  	s0 =	simm.s32 @!p0 $0xD  }
0x1b4: {  	_ =	swait.ge @!p0 [sflag:s0], s1  }
0x1b5: {  	s1 =	ssub.s32 @!p0 $0x0, s1;
	[sflag:s0] =	ssyncset.done @!p0 $0x0  }
0x1b6: {  	[sflag:s0] =	ssyncadd.s32 @!p0 s1  }
0x1b7: {  	[bflag:$0x3] =	sbarrier.arrive $0xFFFF  }
0x1b8: {  	_ =	shalt  }

// kernel: sparse-core-data-format-call.cloned.1.call-start
scs
called_computation_lowered:
.L_overlay_start_0:
0x0: {  	s1 =	sld [smem:$0x3FD9]  }
0x1: {  	s2 =	sld [smem:$0x3FFE];
	_ =	sdelay $0x1  }
0x2: {  	s3 =	srdreg.scid  }
0x3: {  	s0 =	sand.u32 $0x1, s3  }
0x4: {  	s17 =	sshll.u32 s0, $0xA;
	s1 =	sadd.s32 s2, s1  }
0x5: {  	s1 =	sadd.s32 s1, s17  }
0x6: {  	[smem:$0x3FC3] =	sst s1  }
0x7: {  	_ = 	snop  }
0x8: {  	(tm) =	ssettm $0x1  }
0x9: {  	s18 =	sld [smem:$0x3FFB];
	_ =	sdelay $0x3  }
0xa: {  	_ =	strace s18  }
0xb: {  	s1 =	sld [smem:$0x3FFC];
	_ =	sdelay $0x3  }
0xc: {  	_ =	strace s1  }
0xd: {  	s1 =	sld [smem:$0x3FFD];
	_ =	sdelay $0x3  }
0xe: {  	_ =	strace s1  }
0xf: {  	_ =	strace $0x8FFFFFFF  }
0x10: {  	s19 =	sld [smem:$0x3FDB];
	_ =	sdelay $0x1  }
0x11: {  	s20 =	simm.s32 $_scs_section_size  }
0x12: {  	s4 =	simm.s32 $_size__tile_overlayer_lowered;
	s5 =	simm.s32 $_tile_overlayer_lowered  }
0x13: {  	s23 =	simm.s32 $0x1BFF;
	s22 =	sshll.u32 s5, $0x1;
	s1 =	sadd.s32 s20, s19  }
0x14: {  	s6 =	simm.s32 $0x0;
	s21 =	sshll.u32 s4, $0x1;
	s4 =	sadd.s32 s22, s1  }
0x15: {  	[timem:s6], [sflag:s23] =	dma.local [hbm:s4], s21  }
0x16: {  	_ =	swait.ge [sflag:s23], s21  }
0x17: {  	s2 =	ssub.s32 $0x0, s21;
	[sflag:s23] =	ssyncset.done $0x0  }
0x18: {  	[sflag:s23] =	ssyncadd.s32 s2;
	_ =	sdelay $0x1  }
0x19: {  	s24 =	simm.s32 $0x1B8B  }
0x1a: {  	_ =	swait.ge [sflag:s24], $0x1  }
0x1b: {  	[sflag:s24] =	ssyncset.done $0x0  }
0x1c: {  	s26 =	simm.s32 $0x1B8E;
	s25 =	sld [smem:$0x3FFE];
	[sflag:s24] =	ssyncadd.s32 $0xFFFFFFFF  }
0x1d: {  	s27 =	simm.s32 $execute0_lowered;
	[smem:$0x3FD2] =	sst s26  }
0x1e: {  	s4 =	sshll.u32 s27, $0x1;
	_ =	strace $0x80000046;
	[dreg:$0x1] =	wrdreg $0xFFFFFFFF  }
0x1f: {  	s28 =	simm.s32 $_size_execute0_lowered;
	s1 =	sadd.s32 s1, s4;
	[dreg:$0x0] =	wrdreg $0x0  }
0x20: {  	s4 =	sshll.u32 s28, $0x1;
	[dreg:$0x2] =	wrdreg s1  }
0x21: {  	[dreg:$0x3] =	wrdreg s4  }
0x22: {  	[dreg:$0x4] =	wrdreg $0xC0  }
0x23: {  	_ =	task [dreg:s6], $0x5FFFF  }
0x24: {  	[dreg:$0x1] =	wrdreg $0xFFFFFFFF  }
0x25: {  	[dreg:$0x0] =	wrdreg $0x60  }
0x26: {  	[dreg:$0x2] =	wrdreg s25  }
0x27: {  	[dreg:$0x3] =	wrdreg $0x9  }
0x28: {  	_ =	task.clear_ibuf [dreg:s6], $0x4FFFF;
	_ =	strace $0x90000046  }
0x29: {  	s29 =	simm.s32 $0x9;
	_ =	strace $0x80000048  }
0x2a: {  	_ =	swait.ge [sflag:s29], $0x1  }
0x2b: {  	[sflag:s29] =	ssyncadd.s32 $0xFFFFFFFF  }
0x2c: {  	_ =	strace $0x90000048  }
0x2d: {  	_ =	sfence  }
0x2e: {  	s30 =	sld [smem:$0x0];
	_ =	sdelay $0x2  }
0x2f: {  	s31 =	sshll.u32 s3, $0xD;
	s3 =	sshrl.u32 s3, $0x2  }
0x30: {  	s2 =	sand.u32 $0x4000, s31;
	s1 =	sadd.s32 s3, s30  }
0x31: {  	s0 =	sor.u32 s2, s0;
	s1 =	sshll.u32 s1, $0x11  }
0x32: {  	s0 =	sor.u32 s1, s0  }
0x33: {  	s0 =	sadd.s32 $0x8F2B, s0  }
0x34: {  	[sflag:s0] =	ssyncadd.remote.s32 $0x1  }
0x35: {  	_ =	sfence.sel $0xFFFF  }
0x36: {  	[dreg:$0x0] =	wrdreg $0xFFFFFFFF;
	(pc) =	sbr.abs _section_cstart, $3  }
0x37: {  	[dreg:$0x1] =	wrdreg $0xFFFFFFFF  }
0x38: {  	_ =	task.clear_ibuf [dreg:s6], $0x2FFFF;
	_ =	strace $0x9FFFFFFF  }
0x39: {  	(tm) =	ssettm $0x7FFFFFFF  }
tec
execute0_lowered:
.L_overlay_start_1:
0x0: {  	(tag) =	ssettag $0x1  }
0x1: {  	s1 =	rddreg [dreg:$0x0]  }
0x2: {  	s0 =	rddreg [dreg:$0x1]  }
0x3: {  	_ =	strace $0x80000047;
	s4 =	srdreg.scid;
	s6 =	simm.s32 $0x2  }
.Ltmp0:
0x4: {  	p0 =	por $0x0, $0x0;
	s9 =	simm.s32 $0x0;
	(pc) =	sbr.rel .LBB1_1-.Ltmp0, $4  }
0x5: {  	s2 =	sadd.s32 $0x121C00, s1;
	s3 =	sadd.s32 $0x721C00, s1;
	s5 =	sshll.u32 s4, $0x4  }
0x6: {  	s1 =	stileid.u32;
	s4 =	simm.s32 $0x1;
	s5 =	sand.u32 $0x10, s5  }
0x7: {  	s7 =	simm.s32 $0x0;
	[sflag:s4] =	ssyncpa.u1 $0x0;
	s5 =	sor.u32 s1, s5  }
0x8: {  	[sflag:s6] =	ssyncpa.u1 $0x0;
	s6 =	simm.s32 $0x0;
	s8 =	smov.u32 s5  }
.LBB1_7:
0x9: {  	s11 =	sadd.s32 $0x20, s8  }
0xa: {  	p1 =	slt.u32 s7, $0x2;
	s7 =	sadd.s32 $0x1, s7;
	p2 =	sgt.s32 s11, $0xBFF  }
0xb: {  	s11 =	smov.u32 @p2 s5;
	p2 =	sne.s32 s7, $0x62  }
.Ltmp1:
0xc: {  	_ = 	snop;
	(pc) =	sbr.rel @!p2 .LBB1_8-.Ltmp1, $4  }
0xd: {  	s10 =	simm.s32 @!p1 $0x2  }
0xe: {  	_ =	swait.ge @!p1 [sflag:s10], $0x4000  }
0xf: {  	s9 =	smov.u32 s8;
	[sflag:s10] =	ssyncset.done @!p1 $0x0  }
0x10: {  	p0 =	por !p0, !p0;
	s8 =	smov.u32 s11;
	[sflag:s10] =	ssyncadd.s32 @!p1 $0xFFFFC000  }
.LBB1_1:
0x11: {  	p1 =	sgt.u32 s7, $0x5F  }
0x12: {  	s10 =	sxor.u32 @!p1 $0xFFFFFFFF, s7  }
0x13: {  	s11 =	sshll.u32 @!p1 s8, $0xB;
	s10 =	sshll.u32 @!p1 s10, $0xE  }
0x14: {  	s12 =	simm.s32 @!p1 $0x0;
	s11 =	sadd.s32 @!p1 s2, s11;
	s10 =	sand.u32 @!p1 $0x4000, s10  }
0x15: {  	[tilespmem:s10], [sflag:$0x1] =	stream.linear.gather @!p1 [hbm4b:s11+s12], $0x4000, $0x38;
	[tilespmem:$0x10000] =	vst v63  }
0x16: {  	p1 =	seq.s32 s7, $0x0  }
0x17: {  	p2 =	seq.s32 @!p1 s7, $0x61  }
0x18: {  	p1 =	por p1, p2  }
.Ltmp2:
0x19: {  	_ = 	snop;
	(pc) =	sbr.rel @p1 .LBB1_7-.Ltmp2, $1  }
0x1a: {  	_ =	sdelay $0x3  }
0x1b: {  	s10 =	simm.s32 $0x1;
	_ =	swait.ge [sflag:s4], $0x4000;
	s12 =	sshll.u32 s7, $0xE  }
0x1c: {  	s13 =	simm.s32 $0x0;
	s10 =	simm.s32 @!p0 $0x0;
	[sflag:s4] =	ssyncset.done $0x0  }
0x1d: {  	s12 =	sand.u32 $0x4000, s12;
	s11 =	sshll.u32 s10, $0xE;
	[sflag:s4] =	ssyncadd.s32 $0xFFFFC000  }
0x1e: {  	s12 =	sor.u32 $0x8000, s12;
	s10 =	sor.u32 $0x8040, s11;
	s11 =	sor.u32 $0x40, s11  }
.LBB1_3:
0x1f: {  	v0 =	vmov s11;
	_ =	sdelay $0x3  }
0x20: {  	s15 =	simm.s32 $0x0  }
0x21: {  	v6 =	vld.idx.msk [tilespmem:v0+s15+$0x30 ss:$0x1], $0xffff  }
0x22: {  	v7 =	vld.idx.msk [tilespmem:v0+s15+$0xFFFFFFC0 ss:$0x1], $0xffff  }
0x23: {  	v5 =	vld.idx.msk [tilespmem:v0+s15+$0xFFFFFFD0 ss:$0x1], $0xffff  }
0x24: {  	v4 =	vld.idx.msk [tilespmem:v0+s15+$0xFFFFFFE0 ss:$0x1], $0xffff  }
0x25: {  	v3 =	vld.idx.msk [tilespmem:v0+s15+$0xFFFFFFF0 ss:$0x1], $0xffff  }
0x26: {  	v1 =	vld.idx.msk [tilespmem:v0+s15+$0x0 ss:$0x1], $0xffff  }
0x27: {  	v2 =	vld.idx.msk [tilespmem:v0+s15+$0x10 ss:$0x1], $0xffff;
	[tilespmem:s10+$0x30] =	vst v6  }
0x28: {  	s14 =	simm.s32 $0x80;
	s16 =	simm.s32 $0x400;
	[tilespmem:s10+$0xFFFFFFC0] =	vst v7;
	v6 =	vld.idx.msk [tilespmem:v0+s15+$0x20 ss:$0x1], $0xffff;
	s15 =	smov.u32 s10  }
.LBB1_4:
0x29: {  	p1 =	sne.s32 s16, $0xE00;
	v7 =	vld.idx.msk [tilespmem:v0+s14+$0x30 ss:$0x1], $0xffff;
	[tilespmem:s15+$0xFFFFFFD0] =	vst v5  }
0x2a: {  	v8 =	vld.idx.msk [tilespmem:v0+s14+$0xFFFFFFC0 ss:$0x1], $0xffff;
	[tilespmem:s15+$0xFFFFFFE0] =	vst v4  }
0x2b: {  	v5 =	vld.idx.msk [tilespmem:v0+s14+$0xFFFFFFD0 ss:$0x1], $0xffff;
	[tilespmem:s15+$0xFFFFFFF0] =	vst v3  }
.Ltmp3:
0x2c: {  	v4 =	vld.idx.msk [tilespmem:v0+s14+$0xFFFFFFE0 ss:$0x1], $0xffff;
	[tilespmem:s15+$0x0] =	vst v1;
	(pc) =	sbr.rel @p1 .LBB1_4-.Ltmp3, $4  }
0x2d: {  	v3 =	vld.idx.msk [tilespmem:v0+s14+$0xFFFFFFF0 ss:$0x1], $0xffff;
	[tilespmem:s15+$0x10] =	vst v2  }
0x2e: {  	v1 =	vld.idx.msk [tilespmem:v0+s14+$0x0 ss:$0x1], $0xffff;
	[tilespmem:s15+$0x20] =	vst v6;
	s15 =	sadd.s32 $0x800, s15  }
0x2f: {  	v2 =	vld.idx.msk [tilespmem:v0+s14+$0x10 ss:$0x1], $0xffff;
	[tilespmem:s15+$0x30] =	vst v7  }
0x30: {  	[tilespmem:s15+$0xFFFFFFC0] =	vst v8;
	v6 =	vld.idx.msk [tilespmem:v0+s14+$0x20 ss:$0x1], $0xffff;
	s14 =	sshra.s32 s16, $0x2;
	s16 =	sadd.s32 $0x200, s16  }
0x31: {  	_ =	sdelay $0x2  }
0x32: {  	[tilespmem:s15+$0xFFFFFFD0] =	vst v5  }
0x33: {  	v56 =	vld.idx.msk [tilespmem:v0+s14+$0x30 ss:$0x1], $0xffff;
	[tilespmem:s15+$0xFFFFFFE0] =	vst v4  }
0x34: {  	v57 =	vld.idx.msk [tilespmem:v0+s14+$0xFFFFFFC0 ss:$0x1], $0xffff;
	[tilespmem:s15+$0xFFFFFFF0] =	vst v3  }
0x35: {  	v58 =	vld.idx.msk [tilespmem:v0+s14+$0xFFFFFFD0 ss:$0x1], $0xffff;
	[tilespmem:s15+$0x0] =	vst v1  }
0x36: {  	v59 =	vld.idx.msk [tilespmem:v0+s14+$0xFFFFFFE0 ss:$0x1], $0xffff;
	[tilespmem:s15+$0x10] =	vst v2  }
0x37: {  	v60 =	vld.idx.msk [tilespmem:v0+s14+$0xFFFFFFF0 ss:$0x1], $0xffff;
	s31 =	sadd.s32 $0x800, s15;
	[tilespmem:s15+$0x20] =	vst v6  }
0x38: {  	v61 =	vld.idx.msk [tilespmem:v0+s14+$0x0 ss:$0x1], $0xffff;
	[tilespmem:s31+$0x30] =	vst v56  }
0x39: {  	v62 =	vld.idx.msk [tilespmem:v0+s14+$0x10 ss:$0x1], $0xffff;
	s13 =	sadd.s32 $0x1, s13;
	[tilespmem:s31+$0xFFFFFFC0] =	vst v57  }
0x3a: {  	v63 =	vld.idx.msk [tilespmem:v0+s14+$0x20 ss:$0x1], $0xffff;
	p1 =	sne.s32 s13, $0x10;
	[tilespmem:s31+$0xFFFFFFD0] =	vst v58  }
.Ltmp4:
0x3b: {  	[tilespmem:s31+$0xFFFFFFE0] =	vst v59;
	(pc) =	sbr.rel @p1 .LBB1_3-.Ltmp4, $4  }
0x3c: {  	[tilespmem:s31+$0xFFFFFFF0] =	vst v60  }
0x3d: {  	[tilespmem:s31+$0x0] =	vst v61  }
0x3e: {  	[tilespmem:s31+$0x10] =	vst v62  }
0x3f: {  	s10 =	sadd.s32 $0x80, s10;
	s11 =	sadd.s32 $0x400, s11;
	[tilespmem:s31+$0x20] =	vst v63  }
.Ltmp5:
0x40: {  	(pc) =	sbr.rel .LBB1_7-.Ltmp5, $4  }
0x41: {  	_ = 	snop  }
0x42: {  	s9 =	sshll.u32 s9, $0xB  }
0x43: {  	s9 =	sadd.s32 s3, s9  }
0x44: {  	[hbm4b:s9+s6] =	stream.linear.scatter [tilespmem:s12], [sflag:$0x2], $0x4000, $0x38;
	[tilespmem:$0x10000] =	vst v63  }
.LBB1_8:
0x45: {  	_ =	sfence.sel $0x180000  }
0x46: {  	s2 =	simm.s32 $0x1;
	[bflag:$0x0] =	sbarrier.arrive $0xFFFF  }
0x47: {  	s31 =	simm.s32 $0x2;
	[sflag:s2] =	ssyncpa.u1 $0x1  }
0x48: {  	[sflag:s31] =	ssyncpa.u1 $0x1  }
0x49: {  	p0 =	sne.s32 s1, $0x0;
	_ =	strace $0x90000047  }
0x4a: {  	s0 =	sadd.s32 @!p0 $0x100000, s0;
	[bflag:$0x2] =	sbarrier.arrive $0xFFFF  }
0x4b: {  	[sflag:s0] =	ssyncadd.tile.s32 @!p0 $0x1;
	_ =	shalt  }
.Lfunc_end1:
_tile_overlayer_lowered:
.L_overlay_start_2:
0x4c: {  	(tag) =	ssettag $0x2  }
0x4d: {  	s0 =	rddreg [dreg:$0x0];
	s2 =	stileid.u32  }
0x4e: {  	s1 =	rddreg [dreg:$0x1];
	p0 =	sne.s32 s2, $0x0  }
0x4f: {  	s3 =	rddreg [dreg:$0x2];
	[bflag:$0x3] =	sbarrier.arrive $0xFFFF;
	s2 =	simm.s32 @!p0 $0x1C01  }
0x50: {  	[timem:s3], [sflag:s2] =	dma.local @!p0 [hbm:s0], s1  }
0x51: {  	s0 =	simm.s32 @!p0 $0x1  }
0x52: {  	_ =	swait.ge @!p0 [sflag:s0], s1  }
0x53: {  	s1 =	ssub.s32 @!p0 $0x0, s1;
	[sflag:s0] =	ssyncset.done @!p0 $0x0  }
0x54: {  	[sflag:s0] =	ssyncadd.s32 @!p0 s1  }
0x55: {  	[bflag:$0x3] =	sbarrier.arrive $0xFFFF  }
0x56: {  	_ =	shalt  }

</sc_bundles>
